<compile_context>
chip_gen: v7x
topology: tpu7x:2x2x1
jax: 0.10.2.dev20260603
libtpu: 0.0.44.dev20260713+nightly
codegen_flags: <defaults>
</compile_context>

<pallas_src>
import functools

import jax
import jax.numpy as jnp
from jax import lax
from jax.experimental import pallas as pl
from jax.experimental.pallas import tpu as pltpu
from jax.experimental.pallas import tpu_sc as plsc

VOCAB = 1000000
KSPLIT = 512000
DIM = 64
B, L = 4096, 50
NTOK = B * L
NC, NS = 2, 16
NW = NC * NS
TOK_PW = NTOK // NW
CHUNK_T = 200
NCHUNK = TOK_PW // CHUNK_T
STREAMS = ((0, 128), (128, 72))
CONV_BW = 2048
CONV_G = KSPLIT // CONV_BW
CONV_HI_LAST = CONV_G + (VOCAB - KSPLIT) // CONV_BW

_GDN = lax.GatherDimensionNumbers(
    offset_dims=(), collapsed_slice_dims=(0,), start_index_map=(0,))


def _dyn_gather(v, idx):
    return lax.gather(v, idx[:, None], _GDN, slice_sizes=(1,),
                      mode=lax.GatherScatterMode.PROMISE_IN_BOUNDS)


def _lane_bcast(v, lane):
    return _dyn_gather(v, jnp.full((16,), lane, dtype=jnp.int32))


def _rsqrt(w):
    yi = lax.bitcast_convert_type(w, jnp.int32)
    yi = jnp.int32(0x5F3759DF) - (yi >> 1)
    y = lax.bitcast_convert_type(yi, jnp.float32)
    half = w * 0.5
    for _ in range(3):
        y = y * (1.5 - half * y * y)
    return y


def _repack_body(lo_ref, hi_ref, out_ref):
    out_ref[...] = jnp.concatenate(
        [lo_ref[...].T, hi_ref[...].T], axis=1)


def _repack(lut):
    lut_t = lut.T
    return pl.pallas_call(
        _repack_body,
        grid=(CONV_G,),
        in_specs=[
            pl.BlockSpec((DIM, CONV_BW), lambda i: (0, i)),
            pl.BlockSpec((DIM, CONV_BW),
                         lambda i: (0, jnp.minimum(i + CONV_G,
                                                   CONV_HI_LAST))),
        ],
        out_specs=pl.BlockSpec((CONV_BW, 2 * DIM), lambda i: (i, 0)),
        out_shape=jax.ShapeDtypeStruct((KSPLIT, 2 * DIM), jnp.float32),
    )(lut_t, lut_t)


def _body(x_hbm, roles_hbm, turns_hbm, pairs_hbm, gamma_hbm, beta_hbm,
          out_hbm, xidx, parv, cbuf, rows0, rows1, obuf,
          lut16, ctab, gvec, bvec, pbuf, qbuf, semA, semB):
    cid = lax.axis_index("c")
    sid = lax.axis_index("s")
    wid = sid * NC + cid
    tok_w = wid * TOK_PW

    pltpu.sync_copy(pairs_hbm.at[pl.ds(0, 16)], lut16)
    pltpu.sync_copy(gamma_hbm, gvec)
    pltpu.sync_copy(beta_hbm, bvec)
    pltpu.sync_copy(x_hbm.at[pl.ds(tok_w, TOK_PW)], xidx)
    pltpu.sync_copy(roles_hbm.at[pl.ds(tok_w, TOK_PW)],
                    cbuf.at[pl.ds(0, TOK_PW)])
    pltpu.sync_copy(turns_hbm.at[pl.ds(tok_w, TOK_PW)],
                    parv.at[pl.ds(0, TOK_PW)])

    def idx_body(i, carry):
        sl = pl.ds(i * 16, 16)
        cbuf[sl] = cbuf[sl] * 16 + parv[sl]
        v = xidx[sl]
        ge = jnp.where(v >= KSPLIT, jnp.int32(1), jnp.int32(0))
        xidx[sl] = v - ge * KSPLIT
        parv[sl] = ge * DIM
        return carry

    lax.fori_loop(0, TOK_PW // 16, idx_body, 0)

    lrows = [[lut16[t, pl.ds(16 * q, 16)] for q in range(4)]
             for t in range(16)]
    for r in range(2):
        for t in range(16):
            for q in range(4):
                ctab[r * 16 + t, pl.ds(16 * q, 16)] = lrows[r][q] + lrows[t][q]
    gq = [gvec[pl.ds(16 * q, 16)] for q in range(4)]
    bq = [bvec[pl.ds(16 * q, 16)] for q in range(4)]
    colq = [lax.iota(jnp.int32, 16) + 16 * q for q in range(4)]
    row8 = lax.iota(jnp.int32, 16) & 7
    spl = [jnp.full((16,), j, dtype=jnp.int32) for j in range(16)]

    def gather_cps(buf, g):
        return [pltpu.make_async_copy(
            pairs_hbm.at[xidx.at[pl.ds(g * CHUNK_T + off, ln)]],
            buf.at[pl.ds(off, ln)], semA) for off, ln in STREAMS]

    def store_cp(g):
        return pltpu.make_async_copy(
            obuf, out_hbm.at[pl.ds(tok_w + g * CHUNK_T, CHUNK_T)], semB)

    def compute(rows, g):
        def grp_body(gi, carry):
            goff = g * CHUNK_T + gi * 8
            c16 = cbuf[pl.ds(goff, 16)]
            p16 = parv[pl.ds(goff, 16)]
            base = gi * 8
            u = []
            for i in range(8):
                t = base + i
                csp = _lane_bcast(c16, i)
                off = _lane_bcast(p16, i)
                tsp = lax.broadcast(t, (16,))
                ui = [plsc.load_gather(rows, [tsp, off + colq[q]])
                      + plsc.load_gather(ctab, [csp, colq[q]])
                      for q in range(4)]
                u.append(ui)
                ps = (ui[0] + ui[1]) + (ui[2] + ui[3])
                qs = (ui[0] * ui[0] + ui[1] * ui[1]) \
                    + (ui[2] * ui[2] + ui[3] * ui[3])
                pbuf[i, pl.ds(0, 16)] = ps
                qbuf[i, pl.ds(0, 16)] = qs
            tot = plsc.load_gather(pbuf, [row8, spl[0]])
            tot2 = plsc.load_gather(qbuf, [row8, spl[0]])
            for j in range(1, 16):
                tot = tot + plsc.load_gather(pbuf, [row8, spl[j]])
                tot2 = tot2 + plsc.load_gather(qbuf, [row8, spl[j]])
            mean8 = tot * (1.0 / 64.0)
            var8 = tot2 * (1.0 / 64.0) - mean8 * mean8
            ca8 = _rsqrt(var8 * 64.0 + 1e-5) * 8.0
            for i in range(8):
                t = base + i
                cai = _lane_bcast(ca8, i)
                mbi = _lane_bcast(mean8, i)
                for q in range(4):
                    obuf[t, pl.ds(16 * q, 16)] = \
                        ((u[i][q] - mbi) * cai) * gq[q] + bq[q]
            return carry

        lax.fori_loop(0, CHUNK_T // 8, grp_body, 0)

    def step(cur, nxt, g):
        for cp in gather_cps(cur, g):
            cp.wait()

        @pl.when(g >= 1)
        def _():
            store_cp(g - 1).wait()

        @pl.when(g + 1 < NCHUNK)
        def _():
            for cp in gather_cps(nxt, g + 1):
                cp.start()

        compute(cur, g)
        store_cp(g).start()

    for cp in gather_cps(rows0, 0):
        cp.start()

    def pair_body(g2, carry):
        step(rows0, rows1, 2 * g2)
        step(rows1, rows0, 2 * g2 + 1)
        return carry

    lax.fori_loop(0, NCHUNK // 2, pair_body, 0)
    store_cp(NCHUNK - 1).wait()


def kernel(x, roles, turns, lut, gamma, beta):
    x2 = x.reshape(NTOK).astype(jnp.int32)
    r2 = roles.reshape(NTOK).astype(jnp.int32)
    t2 = turns.reshape(NTOK).astype(jnp.int32)
    pairs = _repack(lut)
    run = functools.partial(
        pl.kernel,
        out_type=jax.ShapeDtypeStruct((NTOK, DIM), jnp.float32),
        mesh=plsc.VectorSubcoreMesh(core_axis_name="c", subcore_axis_name="s"),
        compiler_params=pltpu.CompilerParams(needs_layout_passes=False),
        scratch_types=[
            pltpu.VMEM((TOK_PW,), jnp.int32),
            pltpu.VMEM((TOK_PW + 16,), jnp.int32),
            pltpu.VMEM((TOK_PW + 16,), jnp.int32),
            pltpu.VMEM((CHUNK_T, 2 * DIM), jnp.float32),
            pltpu.VMEM((CHUNK_T, 2 * DIM), jnp.float32),
            pltpu.VMEM((CHUNK_T, DIM), jnp.float32),
            pltpu.VMEM((16, 2 * DIM), jnp.float32),
            pltpu.VMEM((32, DIM), jnp.float32),
            pltpu.VMEM((DIM,), jnp.float32),
            pltpu.VMEM((DIM,), jnp.float32),
            pltpu.VMEM((8, 17), jnp.float32),
            pltpu.VMEM((8, 17), jnp.float32),
            pltpu.SemaphoreType.DMA,
            pltpu.SemaphoreType.DMA,
        ],
    )(_body)
    return run(x2, r2, t2, pairs, gamma, beta).reshape(B, L, DIM)

# --- scband reference (transcript-rebuilt; emitter-appended) ---
"""Pipeline reference for scband-embeddings-80711025426527 (READ-ONLY COPY).

The authoritative reference and input builder live on the scoring server;
editing this copy changes nothing except your own understanding.
"""

import jax, jax.numpy as jnp
import numpy as np
import math

VOCAB = 1000000
DIM = 64
B, L = 4096, 50

def setup_inputs(seed: int = 0) -> dict:
    key = jax.random.key(seed)
    k1, k2, k3, k4 = jax.random.split(key, 4)
    x = jax.random.randint(k1, (B, L), 0, VOCAB)
    roles = jax.random.randint(k2, (B, L), 0, 2)
    turns = jax.random.randint(k3, (B, L), 0, 16)
    lut = jax.random.normal(k4, (VOCAB, DIM), dtype=jnp.float32)
    gamma = jnp.ones((DIM,), dtype=jnp.float32)
    beta = jnp.zeros((DIM,), dtype=jnp.float32)
    return {"x": x, "roles": roles, "turns": turns, "lut": lut, "gamma": gamma, "beta": beta}

def reference(x, roles, turns, lut, gamma, beta):
    # NOTE: faithful to the original forward, which (likely a bug, but
    # preserved here) uses self.lut for x, roles AND turns lookups.
    var = jnp.take(lut, x, axis=0)
    var = var + jnp.take(lut, roles, axis=0)
    var = var + jnp.take(lut, turns, axis=0)
    var = var * math.sqrt(DIM)
    mean = jnp.mean(var, axis=-1, keepdims=True)
    v = jnp.mean((var - mean) ** 2, axis=-1, keepdims=True)
    out = (var - mean) / jnp.sqrt(v + 1e-5) * gamma + beta
    return out

if __name__ == "__main__":
    import jax
    _d = setup_inputs()
    print(jax.jit(kernel)(*tuple(_d.values())))

</pallas_src>

<mosaic_0001>
#map = affine_map<(d0, d1) -> (0)>
#map1 = affine_map<(d0, d1) -> (0, 0)>
module attributes {stable_mosaic.version = 14 : i64} {
  func.func @_body(%arg0: i32, %arg1: i32, %arg2: memref<204800xi32, #tpu.memory_space<hbm>>, %arg3: memref<204800xi32, #tpu.memory_space<hbm>>, %arg4: memref<204800xi32, #tpu.memory_space<hbm>>, %arg5: memref<512000x128xf32, #tpu.memory_space<hbm>>, %arg6: memref<64xf32, #tpu.memory_space<hbm>>, %arg7: memref<64xf32, #tpu.memory_space<hbm>>, %arg8: memref<204800x64xf32, #tpu.memory_space<hbm>>, %arg9: memref<6400xi32, #tpu.memory_space<vmem>>, %arg10: memref<6416xi32, #tpu.memory_space<vmem>>, %arg11: memref<6416xi32, #tpu.memory_space<vmem>>, %arg12: memref<200x128xf32, #tpu.memory_space<vmem>>, %arg13: memref<200x128xf32, #tpu.memory_space<vmem>>, %arg14: memref<200x64xf32, #tpu.memory_space<vmem>>, %arg15: memref<16x128xf32, #tpu.memory_space<vmem>>, %arg16: memref<32x64xf32, #tpu.memory_space<vmem>>, %arg17: memref<64xf32, #tpu.memory_space<vmem>>, %arg18: memref<64xf32, #tpu.memory_space<vmem>>, %arg19: memref<8x17xf32, #tpu.memory_space<vmem>>, %arg20: memref<8x17xf32, #tpu.memory_space<vmem>>, %arg21: memref<!tpu.dma_semaphore, #tpu.memory_space<semaphore_mem>>, %arg22: memref<!tpu.dma_semaphore, #tpu.memory_space<semaphore_mem>>) attributes {dimension_semantics = [#tpu.dimension_semantics<core_parallel>, #tpu.dimension_semantics<subcore_parallel>], iteration_bounds = array<i64: 2, 16>, scalar_prefetch = 0 : i64, scratch_operands = 14 : i64, tpu.core_type = #tpu.core_type<sc_vector_subcore>, window_params = [{transform_indices = #map}, {transform_indices = #map}, {transform_indices = #map}, {transform_indices = #map1}, {transform_indices = #map}, {transform_indices = #map}, {transform_indices = #map1}]} {
    %mul3A = arith.constant 2 : i32
    %mul3A_0 = arith.muli %arg1, %mul3A : i32
    %add3A = arith.addi %mul3A_0, %arg0 : i32
    %mul3A_1 = arith.constant 6400 : i32
    %mul3A_2 = arith.muli %add3A, %mul3A_1 : i32
    "tpu.region"() ({
      %run_scoped3A = tpu.sem_alloc : memref<!tpu.dma_semaphore, #tpu.memory_space<semaphore_mem>>
      %dma_start3A_993 = arith.constant 0 : i32
      %dma_start3A_994 = arith.constant 0 : i32
      %dma_start3A_995 = tpu.memref_slice %arg5[%dma_start3A_993, %dma_start3A_994] : memref<512000x128xf32, #tpu.memory_space<hbm>> -> memref<16x128xf32, #tpu.memory_space<hbm>>
      %dma_start3A_996 = arith.constant 0 : i32
      %dma_start3A_997 = arith.constant 0 : i32
      %dma_start3A_998 = tpu.memref_slice %arg5[%dma_start3A_996, %dma_start3A_997] : memref<512000x128xf32, #tpu.memory_space<hbm>> -> memref<16x128xf32, #tpu.memory_space<hbm>>
      tpu.enqueue_dma source(%dma_start3A_998 : memref<16x128xf32, #tpu.memory_space<hbm>>) target(%arg15 : memref<16x128xf32, #tpu.memory_space<vmem>>) target_semaphore(%run_scoped3A : memref<!tpu.dma_semaphore, #tpu.memory_space<semaphore_mem>>)
      %dma_wait3A_999 = arith.constant 0 : i32
      %dma_wait3A_1000 = arith.constant 0 : i32
      %dma_wait3A_1001 = tpu.memref_slice %arg5[%dma_wait3A_999, %dma_wait3A_1000] : memref<512000x128xf32, #tpu.memory_space<hbm>> -> memref<16x128xf32, #tpu.memory_space<hbm>>
      %dma_wait3A_1002 = arith.constant 0 : i32
      %dma_wait3A_1003 = arith.constant 0 : i32
      %dma_wait3A_1004 = tpu.memref_slice %arg5[%dma_wait3A_1002, %dma_wait3A_1003] : memref<512000x128xf32, #tpu.memory_space<hbm>> -> memref<16x128xf32, #tpu.memory_space<hbm>>
      tpu.wait_dma2 semaphore(%run_scoped3A : memref<!tpu.dma_semaphore, #tpu.memory_space<semaphore_mem>>) src(%dma_wait3A_1004 : memref<16x128xf32, #tpu.memory_space<hbm>>) dst(%arg15 : memref<16x128xf32, #tpu.memory_space<vmem>>)
      tpu.yield
    }) : () -> ()
    "tpu.region"() ({
      %run_scoped3A = tpu.sem_alloc : memref<!tpu.dma_semaphore, #tpu.memory_space<semaphore_mem>>
      tpu.enqueue_dma source(%arg6 : memref<64xf32, #tpu.memory_space<hbm>>) target(%arg17 : memref<64xf32, #tpu.memory_space<vmem>>) target_semaphore(%run_scoped3A : memref<!tpu.dma_semaphore, #tpu.memory_space<semaphore_mem>>)
      tpu.wait_dma2 semaphore(%run_scoped3A : memref<!tpu.dma_semaphore, #tpu.memory_space<semaphore_mem>>) src(%arg6 : memref<64xf32, #tpu.memory_space<hbm>>) dst(%arg17 : memref<64xf32, #tpu.memory_space<vmem>>)
      tpu.yield
    }) : () -> ()
    "tpu.region"() ({
      %run_scoped3A = tpu.sem_alloc : memref<!tpu.dma_semaphore, #tpu.memory_space<semaphore_mem>>
      tpu.enqueue_dma source(%arg7 : memref<64xf32, #tpu.memory_space<hbm>>) target(%arg18 : memref<64xf32, #tpu.memory_space<vmem>>) target_semaphore(%run_scoped3A : memref<!tpu.dma_semaphore, #tpu.memory_space<semaphore_mem>>)
      tpu.wait_dma2 semaphore(%run_scoped3A : memref<!tpu.dma_semaphore, #tpu.memory_space<semaphore_mem>>) src(%arg7 : memref<64xf32, #tpu.memory_space<hbm>>) dst(%arg18 : memref<64xf32, #tpu.memory_space<vmem>>)
      tpu.yield
    }) : () -> ()
    "tpu.region"() ({
      %run_scoped3A = tpu.sem_alloc : memref<!tpu.dma_semaphore, #tpu.memory_space<semaphore_mem>>
      %dma_start3A_993 = tpu.memref_slice %arg2[%mul3A_2] : memref<204800xi32, #tpu.memory_space<hbm>> -> memref<6400xi32, #tpu.memory_space<hbm>>
      %dma_start3A_994 = tpu.memref_slice %arg2[%mul3A_2] : memref<204800xi32, #tpu.memory_space<hbm>> -> memref<6400xi32, #tpu.memory_space<hbm>>
      tpu.enqueue_dma source(%dma_start3A_994 : memref<6400xi32, #tpu.memory_space<hbm>>) target(%arg9 : memref<6400xi32, #tpu.memory_space<vmem>>) target_semaphore(%run_scoped3A : memref<!tpu.dma_semaphore, #tpu.memory_space<semaphore_mem>>)
      %dma_wait3A_995 = tpu.memref_slice %arg2[%mul3A_2] : memref<204800xi32, #tpu.memory_space<hbm>> -> memref<6400xi32, #tpu.memory_space<hbm>>
      %dma_wait3A_996 = tpu.memref_slice %arg2[%mul3A_2] : memref<204800xi32, #tpu.memory_space<hbm>> -> memref<6400xi32, #tpu.memory_space<hbm>>
      tpu.wait_dma2 semaphore(%run_scoped3A : memref<!tpu.dma_semaphore, #tpu.memory_space<semaphore_mem>>) src(%dma_wait3A_996 : memref<6400xi32, #tpu.memory_space<hbm>>) dst(%arg9 : memref<6400xi32, #tpu.memory_space<vmem>>)
      tpu.yield
    }) : () -> ()
    "tpu.region"() ({
      %run_scoped3A = tpu.sem_alloc : memref<!tpu.dma_semaphore, #tpu.memory_space<semaphore_mem>>
      %dma_start3A_993 = arith.constant 0 : i32
      %dma_start3A_994 = tpu.memref_slice %arg11[%dma_start3A_993] : memref<6416xi32, #tpu.memory_space<vmem>> -> memref<6400xi32, #tpu.memory_space<vmem>>
      %dma_start3A_995 = tpu.memref_slice %arg3[%mul3A_2] : memref<204800xi32, #tpu.memory_space<hbm>> -> memref<6400xi32, #tpu.memory_space<hbm>>
      %dma_start3A_996 = arith.constant 0 : i32
      %dma_start3A_997 = tpu.memref_slice %arg11[%dma_start3A_996] : memref<6416xi32, #tpu.memory_space<vmem>> -> memref<6400xi32, #tpu.memory_space<vmem>>
      %dma_start3A_998 = tpu.memref_slice %arg3[%mul3A_2] : memref<204800xi32, #tpu.memory_space<hbm>> -> memref<6400xi32, #tpu.memory_space<hbm>>
      tpu.enqueue_dma source(%dma_start3A_998 : memref<6400xi32, #tpu.memory_space<hbm>>) target(%dma_start3A_997 : memref<6400xi32, #tpu.memory_space<vmem>>) target_semaphore(%run_scoped3A : memref<!tpu.dma_semaphore, #tpu.memory_space<semaphore_mem>>)
      %dma_wait3A_999 = arith.constant 0 : i32
      %dma_wait3A_1000 = tpu.memref_slice %arg11[%dma_wait3A_999] : memref<6416xi32, #tpu.memory_space<vmem>> -> memref<6400xi32, #tpu.memory_space<vmem>>
      %dma_wait3A_1001 = tpu.memref_slice %arg3[%mul3A_2] : memref<204800xi32, #tpu.memory_space<hbm>> -> memref<6400xi32, #tpu.memory_space<hbm>>
      %dma_wait3A_1002 = arith.constant 0 : i32
      %dma_wait3A_1003 = tpu.memref_slice %arg11[%dma_wait3A_1002] : memref<6416xi32, #tpu.memory_space<vmem>> -> memref<6400xi32, #tpu.memory_space<vmem>>
      %dma_wait3A_1004 = tpu.memref_slice %arg3[%mul3A_2] : memref<204800xi32, #tpu.memory_space<hbm>> -> memref<6400xi32, #tpu.memory_space<hbm>>
      tpu.wait_dma2 semaphore(%run_scoped3A : memref<!tpu.dma_semaphore, #tpu.memory_space<semaphore_mem>>) src(%dma_wait3A_1004 : memref<6400xi32, #tpu.memory_space<hbm>>) dst(%dma_wait3A_1003 : memref<6400xi32, #tpu.memory_space<vmem>>)
      tpu.yield
    }) : () -> ()
    "tpu.region"() ({
      %run_scoped3A = tpu.sem_alloc : memref<!tpu.dma_semaphore, #tpu.memory_space<semaphore_mem>>
      %dma_start3A_993 = arith.constant 0 : i32
      %dma_start3A_994 = tpu.memref_slice %arg10[%dma_start3A_993] : memref<6416xi32, #tpu.memory_space<vmem>> -> memref<6400xi32, #tpu.memory_space<vmem>>
      %dma_start3A_995 = tpu.memref_slice %arg4[%mul3A_2] : memref<204800xi32, #tpu.memory_space<hbm>> -> memref<6400xi32, #tpu.memory_space<hbm>>
      %dma_start3A_996 = arith.constant 0 : i32
      %dma_start3A_997 = tpu.memref_slice %arg10[%dma_start3A_996] : memref<6416xi32, #tpu.memory_space<vmem>> -> memref<6400xi32, #tpu.memory_space<vmem>>
      %dma_start3A_998 = tpu.memref_slice %arg4[%mul3A_2] : memref<204800xi32, #tpu.memory_space<hbm>> -> memref<6400xi32, #tpu.memory_space<hbm>>
      tpu.enqueue_dma source(%dma_start3A_998 : memref<6400xi32, #tpu.memory_space<hbm>>) target(%dma_start3A_997 : memref<6400xi32, #tpu.memory_space<vmem>>) target_semaphore(%run_scoped3A : memref<!tpu.dma_semaphore, #tpu.memory_space<semaphore_mem>>)
      %dma_wait3A_999 = arith.constant 0 : i32
      %dma_wait3A_1000 = tpu.memref_slice %arg10[%dma_wait3A_999] : memref<6416xi32, #tpu.memory_space<vmem>> -> memref<6400xi32, #tpu.memory_space<vmem>>
      %dma_wait3A_1001 = tpu.memref_slice %arg4[%mul3A_2] : memref<204800xi32, #tpu.memory_space<hbm>> -> memref<6400xi32, #tpu.memory_space<hbm>>
      %dma_wait3A_1002 = arith.constant 0 : i32
      %dma_wait3A_1003 = tpu.memref_slice %arg10[%dma_wait3A_1002] : memref<6416xi32, #tpu.memory_space<vmem>> -> memref<6400xi32, #tpu.memory_space<vmem>>
      %dma_wait3A_1004 = tpu.memref_slice %arg4[%mul3A_2] : memref<204800xi32, #tpu.memory_space<hbm>> -> memref<6400xi32, #tpu.memory_space<hbm>>
      tpu.wait_dma2 semaphore(%run_scoped3A : memref<!tpu.dma_semaphore, #tpu.memory_space<semaphore_mem>>) src(%dma_wait3A_1004 : memref<6400xi32, #tpu.memory_space<hbm>>) dst(%dma_wait3A_1003 : memref<6400xi32, #tpu.memory_space<vmem>>)
      tpu.yield
    }) : () -> ()
    %scan3A = arith.constant 0 : i32
    %scan3A_3 = arith.constant 0 : i32
    %scan3A_4 = arith.constant 400 : i32
    %scan3A_5 = arith.addi %scan3A_3, %scan3A_4 : i32
    %scan3A_6 = arith.constant 1 : i32
    scf.for %scan3A_993 = %scan3A_3 to %scan3A_5 step %scan3A_6  : i32 {
      %mul3A_994 = arith.constant 16 : i32
      %mul3A_995 = arith.muli %scan3A_993, %mul3A_994 : i32
      %get3A_996 = arith.index_cast %mul3A_995 : i32 to index
      %get3A_997 = tpu.vector_load %arg11[%get3A_996] {strides = array<i32>} : memref<6416xi32, #tpu.memory_space<vmem>>, vector<16xi32>,
      %mul3A_998 = arith.constant 16 : i32
      %mul3A_999 = vector.broadcast %mul3A_998 : i32 to vector<16xi32>
      %mul3A_1000 = arith.muli %get3A_997, %mul3A_999 : vector<16xi32>
      %get3A_1001 = arith.index_cast %mul3A_995 : i32 to index
      %get3A_1002 = tpu.vector_load %arg10[%get3A_1001] {strides = array<i32>} : memref<6416xi32, #tpu.memory_space<vmem>>, vector<16xi32>,
      %add3A_1003 = arith.addi %mul3A_1000, %get3A_1002 : vector<16xi32>
      %swap3A_1004 = arith.index_cast %mul3A_995 : i32 to index
      %swap3A_1005 = tpu.vector_load %arg11[%swap3A_1004] {strides = array<i32>} : memref<6416xi32, #tpu.memory_space<vmem>>, vector<16xi32>,
      tpu.vector_store %arg11[%swap3A_1004], %add3A_1003 {strides = array<i32>} : memref<6416xi32, #tpu.memory_space<vmem>>, vector<16xi32>,
      %get3A_1006 = arith.index_cast %mul3A_995 : i32 to index
      %get3A_1007 = tpu.vector_load %arg9[%get3A_1006] {strides = array<i32>} : memref<6400xi32, #tpu.memory_space<vmem>>, vector<16xi32>,
      %ge3A = arith.constant 512000 : i32
      %ge3A_1008 = vector.broadcast %ge3A : i32 to vector<16xi32>
      %ge3A_1009 = arith.cmpi sge, %get3A_1007, %ge3A_1008 : vector<16xi32>
      %jit3A = arith.constant 1 : i32
      %jit3A_1010 = arith.constant 0 : i32
      %broadcast_in_dim3A_1011 = vector.broadcast %jit3A : i32 to vector<16xi32>
      %broadcast_in_dim3A_1012 = vector.broadcast %jit3A_1010 : i32 to vector<16xi32>
      %select_n3A = arith.select %ge3A_1009, %broadcast_in_dim3A_1011, %broadcast_in_dim3A_1012 : vector<16xi1>, vector<16xi32>
      %mul3A_1013 = arith.constant 512000 : i32
      %mul3A_1014 = vector.broadcast %mul3A_1013 : i32 to vector<16xi32>
      %mul3A_1015 = arith.muli %select_n3A, %mul3A_1014 : vector<16xi32>
      %sub3A = arith.subi %get3A_1007, %mul3A_1015 : vector<16xi32>
      %swap3A_1016 = arith.index_cast %mul3A_995 : i32 to index
      %swap3A_1017 = tpu.vector_load %arg9[%swap3A_1016] {strides = array<i32>} : memref<6400xi32, #tpu.memory_space<vmem>>, vector<16xi32>,
      tpu.vector_store %arg9[%swap3A_1016], %sub3A {strides = array<i32>} : memref<6400xi32, #tpu.memory_space<vmem>>, vector<16xi32>,
      %mul3A_1018 = arith.constant 64 : i32
      %mul3A_1019 = vector.broadcast %mul3A_1018 : i32 to vector<16xi32>
      %mul3A_1020 = arith.muli %select_n3A, %mul3A_1019 : vector<16xi32>
      %swap3A_1021 = arith.index_cast %mul3A_995 : i32 to index
      %swap3A_1022 = tpu.vector_load %arg10[%swap3A_1021] {strides = array<i32>} : memref<6416xi32, #tpu.memory_space<vmem>>, vector<16xi32>,
      tpu.vector_store %arg10[%swap3A_1021], %mul3A_1020 {strides = array<i32>} : memref<6416xi32, #tpu.memory_space<vmem>>, vector<16xi32>,
    }
    %scan3A_7 = arith.constant 400 : i32
    %get3A = arith.constant 0 : i32
    %get3A_8 = arith.index_cast %get3A : i32 to index
    %get3A_9 = arith.constant 0 : index
    %get3A_10 = tpu.vector_load %arg15[%get3A_8, %get3A_9] {strides = array<i32>} : memref<16x128xf32, #tpu.memory_space<vmem>>, vector<16xf32>,
    %get3A_11 = arith.constant 0 : i32
    %get3A_12 = arith.index_cast %get3A_11 : i32 to index
    %get3A_13 = arith.constant 16 : index
    %get3A_14 = tpu.vector_load %arg15[%get3A_12, %get3A_13] {strides = array<i32>} : memref<16x128xf32, #tpu.memory_space<vmem>>, vector<16xf32>,
    %get3A_15 = arith.constant 0 : i32
    %get3A_16 = arith.index_cast %get3A_15 : i32 to index
    %get3A_17 = arith.constant 32 : index
    %get3A_18 = tpu.vector_load %arg15[%get3A_16, %get3A_17] {strides = array<i32>} : memref<16x128xf32, #tpu.memory_space<vmem>>, vector<16xf32>,
    %get3A_19 = arith.constant 0 : i32
    %get3A_20 = arith.index_cast %get3A_19 : i32 to index
    %get3A_21 = arith.constant 48 : index
    %get3A_22 = tpu.vector_load %arg15[%get3A_20, %get3A_21] {strides = array<i32>} : memref<16x128xf32, #tpu.memory_space<vmem>>, vector<16xf32>,
    %get3A_23 = arith.constant 1 : i32
    %get3A_24 = arith.index_cast %get3A_23 : i32 to index
    %get3A_25 = arith.constant 0 : index
    %get3A_26 = tpu.vector_load %arg15[%get3A_24, %get3A_25] {strides = array<i32>} : memref<16x128xf32, #tpu.memory_space<vmem>>, vector<16xf32>,
    %get3A_27 = arith.constant 1 : i32
    %get3A_28 = arith.index_cast %get3A_27 : i32 to index
    %get3A_29 = arith.constant 16 : index
    %get3A_30 = tpu.vector_load %arg15[%get3A_28, %get3A_29] {strides = array<i32>} : memref<16x128xf32, #tpu.memory_space<vmem>>, vector<16xf32>,
    %get3A_31 = arith.constant 1 : i32
    %get3A_32 = arith.index_cast %get3A_31 : i32 to index
    %get3A_33 = arith.constant 32 : index
    %get3A_34 = tpu.vector_load %arg15[%get3A_32, %get3A_33] {strides = array<i32>} : memref<16x128xf32, #tpu.memory_space<vmem>>, vector<16xf32>,
    %get3A_35 = arith.constant 1 : i32
    %get3A_36 = arith.index_cast %get3A_35 : i32 to index
    %get3A_37 = arith.constant 48 : index
    %get3A_38 = tpu.vector_load %arg15[%get3A_36, %get3A_37] {strides = array<i32>} : memref<16x128xf32, #tpu.memory_space<vmem>>, vector<16xf32>,
    %get3A_39 = arith.constant 2 : i32
    %get3A_40 = arith.index_cast %get3A_39 : i32 to index
    %get3A_41 = arith.constant 0 : index
    %get3A_42 = tpu.vector_load %arg15[%get3A_40, %get3A_41] {strides = array<i32>} : memref<16x128xf32, #tpu.memory_space<vmem>>, vector<16xf32>,
    %get3A_43 = arith.constant 2 : i32
    %get3A_44 = arith.index_cast %get3A_43 : i32 to index
    %get3A_45 = arith.constant 16 : index
    %get3A_46 = tpu.vector_load %arg15[%get3A_44, %get3A_45] {strides = array<i32>} : memref<16x128xf32, #tpu.memory_space<vmem>>, vector<16xf32>,
    %get3A_47 = arith.constant 2 : i32
    %get3A_48 = arith.index_cast %get3A_47 : i32 to index
    %get3A_49 = arith.constant 32 : index
    %get3A_50 = tpu.vector_load %arg15[%get3A_48, %get3A_49] {strides = array<i32>} : memref<16x128xf32, #tpu.memory_space<vmem>>, vector<16xf32>,
    %get3A_51 = arith.constant 2 : i32
    %get3A_52 = arith.index_cast %get3A_51 : i32 to index
    %get3A_53 = arith.constant 48 : index
    %get3A_54 = tpu.vector_load %arg15[%get3A_52, %get3A_53] {strides = array<i32>} : memref<16x128xf32, #tpu.memory_space<vmem>>, vector<16xf32>,
    %get3A_55 = arith.constant 3 : i32
    %get3A_56 = arith.index_cast %get3A_55 : i32 to index
    %get3A_57 = arith.constant 0 : index
    %get3A_58 = tpu.vector_load %arg15[%get3A_56, %get3A_57] {strides = array<i32>} : memref<16x128xf32, #tpu.memory_space<vmem>>, vector<16xf32>,
    %get3A_59 = arith.constant 3 : i32
    %get3A_60 = arith.index_cast %get3A_59 : i32 to index
    %get3A_61 = arith.constant 16 : index
    %get3A_62 = tpu.vector_load %arg15[%get3A_60, %get3A_61] {strides = array<i32>} : memref<16x128xf32, #tpu.memory_space<vmem>>, vector<16xf32>,
    %get3A_63 = arith.constant 3 : i32
    %get3A_64 = arith.index_cast %get3A_63 : i32 to index
    %get3A_65 = arith.constant 32 : index
    %get3A_66 = tpu.vector_load %arg15[%get3A_64, %get3A_65] {strides = array<i32>} : memref<16x128xf32, #tpu.memory_space<vmem>>, vector<16xf32>,
    %get3A_67 = arith.constant 3 : i32
    %get3A_68 = arith.index_cast %get3A_67 : i32 to index
    %get3A_69 = arith.constant 48 : index
    %get3A_70 = tpu.vector_load %arg15[%get3A_68, %get3A_69] {strides = array<i32>} : memref<16x128xf32, #tpu.memory_space<vmem>>, vector<16xf32>,
    %get3A_71 = arith.constant 4 : i32
    %get3A_72 = arith.index_cast %get3A_71 : i32 to index
    %get3A_73 = arith.constant 0 : index
    %get3A_74 = tpu.vector_load %arg15[%get3A_72, %get3A_73] {strides = array<i32>} : memref<16x128xf32, #tpu.memory_space<vmem>>, vector<16xf32>,
    %get3A_75 = arith.constant 4 : i32
    %get3A_76 = arith.index_cast %get3A_75 : i32 to index
    %get3A_77 = arith.constant 16 : index
    %get3A_78 = tpu.vector_load %arg15[%get3A_76, %get3A_77] {strides = array<i32>} : memref<16x128xf32, #tpu.memory_space<vmem>>, vector<16xf32>,
    %get3A_79 = arith.constant 4 : i32
    %get3A_80 = arith.index_cast %get3A_79 : i32 to index
    %get3A_81 = arith.constant 32 : index
    %get3A_82 = tpu.vector_load %arg15[%get3A_80, %get3A_81] {strides = array<i32>} : memref<16x128xf32, #tpu.memory_space<vmem>>, vector<16xf32>,
    %get3A_83 = arith.constant 4 : i32
    %get3A_84 = arith.index_cast %get3A_83 : i32 to index
    %get3A_85 = arith.constant 48 : index
    %get3A_86 = tpu.vector_load %arg15[%get3A_84, %get3A_85] {strides = array<i32>} : memref<16x128xf32, #tpu.memory_space<vmem>>, vector<16xf32>,
    %get3A_87 = arith.constant 5 : i32
    %get3A_88 = arith.index_cast %get3A_87 : i32 to index
    %get3A_89 = arith.constant 0 : index
    %get3A_90 = tpu.vector_load %arg15[%get3A_88, %get3A_89] {strides = array<i32>} : memref<16x128xf32, #tpu.memory_space<vmem>>, vector<16xf32>,
    %get3A_91 = arith.constant 5 : i32
    %get3A_92 = arith.index_cast %get3A_91 : i32 to index
    %get3A_93 = arith.constant 16 : index
    %get3A_94 = tpu.vector_load %arg15[%get3A_92, %get3A_93] {strides = array<i32>} : memref<16x128xf32, #tpu.memory_space<vmem>>, vector<16xf32>,
    %get3A_95 = arith.constant 5 : i32
    %get3A_96 = arith.index_cast %get3A_95 : i32 to index
    %get3A_97 = arith.constant 32 : index
    %get3A_98 = tpu.vector_load %arg15[%get3A_96, %get3A_97] {strides = array<i32>} : memref<16x128xf32, #tpu.memory_space<vmem>>, vector<16xf32>,
    %get3A_99 = arith.constant 5 : i32
    %get3A_100 = arith.index_cast %get3A_99 : i32 to index
    %get3A_101 = arith.constant 48 : index
    %get3A_102 = tpu.vector_load %arg15[%get3A_100, %get3A_101] {strides = array<i32>} : memref<16x128xf32, #tpu.memory_space<vmem>>, vector<16xf32>,
    %get3A_103 = arith.constant 6 : i32
    %get3A_104 = arith.index_cast %get3A_103 : i32 to index
    %get3A_105 = arith.constant 0 : index
    %get3A_106 = tpu.vector_load %arg15[%get3A_104, %get3A_105] {strides = array<i32>} : memref<16x128xf32, #tpu.memory_space<vmem>>, vector<16xf32>,
    %get3A_107 = arith.constant 6 : i32
    %get3A_108 = arith.index_cast %get3A_107 : i32 to index
    %get3A_109 = arith.constant 16 : index
    %get3A_110 = tpu.vector_load %arg15[%get3A_108, %get3A_109] {strides = array<i32>} : memref<16x128xf32, #tpu.memory_space<vmem>>, vector<16xf32>,
    %get3A_111 = arith.constant 6 : i32
    %get3A_112 = arith.index_cast %get3A_111 : i32 to index
    %get3A_113 = arith.constant 32 : index
    %get3A_114 = tpu.vector_load %arg15[%get3A_112, %get3A_113] {strides = array<i32>} : memref<16x128xf32, #tpu.memory_space<vmem>>, vector<16xf32>,
    %get3A_115 = arith.constant 6 : i32
    %get3A_116 = arith.index_cast %get3A_115 : i32 to index
    %get3A_117 = arith.constant 48 : index
    %get3A_118 = tpu.vector_load %arg15[%get3A_116, %get3A_117] {strides = array<i32>} : memref<16x128xf32, #tpu.memory_space<vmem>>, vector<16xf32>,
    %get3A_119 = arith.constant 7 : i32
    %get3A_120 = arith.index_cast %get3A_119 : i32 to index
    %get3A_121 = arith.constant 0 : index
    %get3A_122 = tpu.vector_load %arg15[%get3A_120, %get3A_121] {strides = array<i32>} : memref<16x128xf32, #tpu.memory_space<vmem>>, vector<16xf32>,
    %get3A_123 = arith.constant 7 : i32
    %get3A_124 = arith.index_cast %get3A_123 : i32 to index
    %get3A_125 = arith.constant 16 : index
    %get3A_126 = tpu.vector_load %arg15[%get3A_124, %get3A_125] {strides = array<i32>} : memref<16x128xf32, #tpu.memory_space<vmem>>, vector<16xf32>,
    %get3A_127 = arith.constant 7 : i32
    %get3A_128 = arith.index_cast %get3A_127 : i32 to index
    %get3A_129 = arith.constant 32 : index
    %get3A_130 = tpu.vector_load %arg15[%get3A_128, %get3A_129] {strides = array<i32>} : memref<16x128xf32, #tpu.memory_space<vmem>>, vector<16xf32>,
    %get3A_131 = arith.constant 7 : i32
    %get3A_132 = arith.index_cast %get3A_131 : i32 to index
    %get3A_133 = arith.constant 48 : index
    %get3A_134 = tpu.vector_load %arg15[%get3A_132, %get3A_133] {strides = array<i32>} : memref<16x128xf32, #tpu.memory_space<vmem>>, vector<16xf32>,
    %get3A_135 = arith.constant 8 : i32
    %get3A_136 = arith.index_cast %get3A_135 : i32 to index
    %get3A_137 = arith.constant 0 : index
    %get3A_138 = tpu.vector_load %arg15[%get3A_136, %get3A_137] {strides = array<i32>} : memref<16x128xf32, #tpu.memory_space<vmem>>, vector<16xf32>,
    %get3A_139 = arith.constant 8 : i32
    %get3A_140 = arith.index_cast %get3A_139 : i32 to index
    %get3A_141 = arith.constant 16 : index
    %get3A_142 = tpu.vector_load %arg15[%get3A_140, %get3A_141] {strides = array<i32>} : memref<16x128xf32, #tpu.memory_space<vmem>>, vector<16xf32>,
    %get3A_143 = arith.constant 8 : i32
    %get3A_144 = arith.index_cast %get3A_143 : i32 to index
    %get3A_145 = arith.constant 32 : index
    %get3A_146 = tpu.vector_load %arg15[%get3A_144, %get3A_145] {strides = array<i32>} : memref<16x128xf32, #tpu.memory_space<vmem>>, vector<16xf32>,
    %get3A_147 = arith.constant 8 : i32
    %get3A_148 = arith.index_cast %get3A_147 : i32 to index
    %get3A_149 = arith.constant 48 : index
    %get3A_150 = tpu.vector_load %arg15[%get3A_148, %get3A_149] {strides = array<i32>} : memref<16x128xf32, #tpu.memory_space<vmem>>, vector<16xf32>,
    %get3A_151 = arith.constant 9 : i32
    %get3A_152 = arith.index_cast %get3A_151 : i32 to index
    %get3A_153 = arith.constant 0 : index
    %get3A_154 = tpu.vector_load %arg15[%get3A_152, %get3A_153] {strides = array<i32>} : memref<16x128xf32, #tpu.memory_space<vmem>>, vector<16xf32>,
    %get3A_155 = arith.constant 9 : i32
    %get3A_156 = arith.index_cast %get3A_155 : i32 to index
    %get3A_157 = arith.constant 16 : index
    %get3A_158 = tpu.vector_load %arg15[%get3A_156, %get3A_157] {strides = array<i32>} : memref<16x128xf32, #tpu.memory_space<vmem>>, vector<16xf32>,
    %get3A_159 = arith.constant 9 : i32
    %get3A_160 = arith.index_cast %get3A_159 : i32 to index
    %get3A_161 = arith.constant 32 : index
    %get3A_162 = tpu.vector_load %arg15[%get3A_160, %get3A_161] {strides = array<i32>} : memref<16x128xf32, #tpu.memory_space<vmem>>, vector<16xf32>,
    %get3A_163 = arith.constant 9 : i32
    %get3A_164 = arith.index_cast %get3A_163 : i32 to index
    %get3A_165 = arith.constant 48 : index
    %get3A_166 = tpu.vector_load %arg15[%get3A_164, %get3A_165] {strides = array<i32>} : memref<16x128xf32, #tpu.memory_space<vmem>>, vector<16xf32>,
    %get3A_167 = arith.constant 10 : i32
    %get3A_168 = arith.index_cast %get3A_167 : i32 to index
    %get3A_169 = arith.constant 0 : index
    %get3A_170 = tpu.vector_load %arg15[%get3A_168, %get3A_169] {strides = array<i32>} : memref<16x128xf32, #tpu.memory_space<vmem>>, vector<16xf32>,
    %get3A_171 = arith.constant 10 : i32
    %get3A_172 = arith.index_cast %get3A_171 : i32 to index
    %get3A_173 = arith.constant 16 : index
    %get3A_174 = tpu.vector_load %arg15[%get3A_172, %get3A_173] {strides = array<i32>} : memref<16x128xf32, #tpu.memory_space<vmem>>, vector<16xf32>,
    %get3A_175 = arith.constant 10 : i32
    %get3A_176 = arith.index_cast %get3A_175 : i32 to index
    %get3A_177 = arith.constant 32 : index
    %get3A_178 = tpu.vector_load %arg15[%get3A_176, %get3A_177] {strides = array<i32>} : memref<16x128xf32, #tpu.memory_space<vmem>>, vector<16xf32>,
    %get3A_179 = arith.constant 10 : i32
    %get3A_180 = arith.index_cast %get3A_179 : i32 to index
    %get3A_181 = arith.constant 48 : index
    %get3A_182 = tpu.vector_load %arg15[%get3A_180, %get3A_181] {strides = array<i32>} : memref<16x128xf32, #tpu.memory_space<vmem>>, vector<16xf32>,
    %get3A_183 = arith.constant 11 : i32
    %get3A_184 = arith.index_cast %get3A_183 : i32 to index
    %get3A_185 = arith.constant 0 : index
    %get3A_186 = tpu.vector_load %arg15[%get3A_184, %get3A_185] {strides = array<i32>} : memref<16x128xf32, #tpu.memory_space<vmem>>, vector<16xf32>,
    %get3A_187 = arith.constant 11 : i32
    %get3A_188 = arith.index_cast %get3A_187 : i32 to index
    %get3A_189 = arith.constant 16 : index
    %get3A_190 = tpu.vector_load %arg15[%get3A_188, %get3A_189] {strides = array<i32>} : memref<16x128xf32, #tpu.memory_space<vmem>>, vector<16xf32>,
    %get3A_191 = arith.constant 11 : i32
    %get3A_192 = arith.index_cast %get3A_191 : i32 to index
    %get3A_193 = arith.constant 32 : index
    %get3A_194 = tpu.vector_load %arg15[%get3A_192, %get3A_193] {strides = array<i32>} : memref<16x128xf32, #tpu.memory_space<vmem>>, vector<16xf32>,
    %get3A_195 = arith.constant 11 : i32
    %get3A_196 = arith.index_cast %get3A_195 : i32 to index
    %get3A_197 = arith.constant 48 : index
    %get3A_198 = tpu.vector_load %arg15[%get3A_196, %get3A_197] {strides = array<i32>} : memref<16x128xf32, #tpu.memory_space<vmem>>, vector<16xf32>,
    %get3A_199 = arith.constant 12 : i32
    %get3A_200 = arith.index_cast %get3A_199 : i32 to index
    %get3A_201 = arith.constant 0 : index
    %get3A_202 = tpu.vector_load %arg15[%get3A_200, %get3A_201] {strides = array<i32>} : memref<16x128xf32, #tpu.memory_space<vmem>>, vector<16xf32>,
    %get3A_203 = arith.constant 12 : i32
    %get3A_204 = arith.index_cast %get3A_203 : i32 to index
    %get3A_205 = arith.constant 16 : index
    %get3A_206 = tpu.vector_load %arg15[%get3A_204, %get3A_205] {strides = array<i32>} : memref<16x128xf32, #tpu.memory_space<vmem>>, vector<16xf32>,
    %get3A_207 = arith.constant 12 : i32
    %get3A_208 = arith.index_cast %get3A_207 : i32 to index
    %get3A_209 = arith.constant 32 : index
    %get3A_210 = tpu.vector_load %arg15[%get3A_208, %get3A_209] {strides = array<i32>} : memref<16x128xf32, #tpu.memory_space<vmem>>, vector<16xf32>,
    %get3A_211 = arith.constant 12 : i32
    %get3A_212 = arith.index_cast %get3A_211 : i32 to index
    %get3A_213 = arith.constant 48 : index
    %get3A_214 = tpu.vector_load %arg15[%get3A_212, %get3A_213] {strides = array<i32>} : memref<16x128xf32, #tpu.memory_space<vmem>>, vector<16xf32>,
    %get3A_215 = arith.constant 13 : i32
    %get3A_216 = arith.index_cast %get3A_215 : i32 to index
    %get3A_217 = arith.constant 0 : index
    %get3A_218 = tpu.vector_load %arg15[%get3A_216, %get3A_217] {strides = array<i32>} : memref<16x128xf32, #tpu.memory_space<vmem>>, vector<16xf32>,
    %get3A_219 = arith.constant 13 : i32
    %get3A_220 = arith.index_cast %get3A_219 : i32 to index
    %get3A_221 = arith.constant 16 : index
    %get3A_222 = tpu.vector_load %arg15[%get3A_220, %get3A_221] {strides = array<i32>} : memref<16x128xf32, #tpu.memory_space<vmem>>, vector<16xf32>,
    %get3A_223 = arith.constant 13 : i32
    %get3A_224 = arith.index_cast %get3A_223 : i32 to index
    %get3A_225 = arith.constant 32 : index
    %get3A_226 = tpu.vector_load %arg15[%get3A_224, %get3A_225] {strides = array<i32>} : memref<16x128xf32, #tpu.memory_space<vmem>>, vector<16xf32>,
    %get3A_227 = arith.constant 13 : i32
    %get3A_228 = arith.index_cast %get3A_227 : i32 to index
    %get3A_229 = arith.constant 48 : index
    %get3A_230 = tpu.vector_load %arg15[%get3A_228, %get3A_229] {strides = array<i32>} : memref<16x128xf32, #tpu.memory_space<vmem>>, vector<16xf32>,
    %get3A_231 = arith.constant 14 : i32
    %get3A_232 = arith.index_cast %get3A_231 : i32 to index
    %get3A_233 = arith.constant 0 : index
    %get3A_234 = tpu.vector_load %arg15[%get3A_232, %get3A_233] {strides = array<i32>} : memref<16x128xf32, #tpu.memory_space<vmem>>, vector<16xf32>,
    %get3A_235 = arith.constant 14 : i32
    %get3A_236 = arith.index_cast %get3A_235 : i32 to index
    %get3A_237 = arith.constant 16 : index
    %get3A_238 = tpu.vector_load %arg15[%get3A_236, %get3A_237] {strides = array<i32>} : memref<16x128xf32, #tpu.memory_space<vmem>>, vector<16xf32>,
    %get3A_239 = arith.constant 14 : i32
    %get3A_240 = arith.index_cast %get3A_239 : i32 to index
    %get3A_241 = arith.constant 32 : index
    %get3A_242 = tpu.vector_load %arg15[%get3A_240, %get3A_241] {strides = array<i32>} : memref<16x128xf32, #tpu.memory_space<vmem>>, vector<16xf32>,
    %get3A_243 = arith.constant 14 : i32
    %get3A_244 = arith.index_cast %get3A_243 : i32 to index
    %get3A_245 = arith.constant 48 : index
    %get3A_246 = tpu.vector_load %arg15[%get3A_244, %get3A_245] {strides = array<i32>} : memref<16x128xf32, #tpu.memory_space<vmem>>, vector<16xf32>,
    %get3A_247 = arith.constant 15 : i32
    %get3A_248 = arith.index_cast %get3A_247 : i32 to index
    %get3A_249 = arith.constant 0 : index
    %get3A_250 = tpu.vector_load %arg15[%get3A_248, %get3A_249] {strides = array<i32>} : memref<16x128xf32, #tpu.memory_space<vmem>>, vector<16xf32>,
    %get3A_251 = arith.constant 15 : i32
    %get3A_252 = arith.index_cast %get3A_251 : i32 to index
    %get3A_253 = arith.constant 16 : index
    %get3A_254 = tpu.vector_load %arg15[%get3A_252, %get3A_253] {strides = array<i32>} : memref<16x128xf32, #tpu.memory_space<vmem>>, vector<16xf32>,
    %get3A_255 = arith.constant 15 : i32
    %get3A_256 = arith.index_cast %get3A_255 : i32 to index
    %get3A_257 = arith.constant 32 : index
    %get3A_258 = tpu.vector_load %arg15[%get3A_256, %get3A_257] {strides = array<i32>} : memref<16x128xf32, #tpu.memory_space<vmem>>, vector<16xf32>,
    %get3A_259 = arith.constant 15 : i32
    %get3A_260 = arith.index_cast %get3A_259 : i32 to index
    %get3A_261 = arith.constant 48 : index
    %get3A_262 = tpu.vector_load %arg15[%get3A_260, %get3A_261] {strides = array<i32>} : memref<16x128xf32, #tpu.memory_space<vmem>>, vector<16xf32>,
    %add3A_263 = arith.addf %get3A_10, %get3A_10 : vector<16xf32>
    %swap3A = arith.constant 0 : i32
    %swap3A_264 = arith.index_cast %swap3A : i32 to index
    %swap3A_265 = arith.constant 0 : index
    %swap3A_266 = tpu.vector_load %arg16[%swap3A_264, %swap3A_265] {strides = array<i32>} : memref<32x64xf32, #tpu.memory_space<vmem>>, vector<16xf32>,
    tpu.vector_store %arg16[%swap3A_264, %swap3A_265], %add3A_263 {strides = array<i32>} : memref<32x64xf32, #tpu.memory_space<vmem>>, vector<16xf32>,
    %add3A_267 = arith.addf %get3A_14, %get3A_14 : vector<16xf32>
    %swap3A_268 = arith.constant 0 : i32
    %swap3A_269 = arith.index_cast %swap3A_268 : i32 to index
    %swap3A_270 = arith.constant 16 : index
    %swap3A_271 = tpu.vector_load %arg16[%swap3A_269, %swap3A_270] {strides = array<i32>} : memref<32x64xf32, #tpu.memory_space<vmem>>, vector<16xf32>,
    tpu.vector_store %arg16[%swap3A_269, %swap3A_270], %add3A_267 {strides = array<i32>} : memref<32x64xf32, #tpu.memory_space<vmem>>, vector<16xf32>,
    %add3A_272 = arith.addf %get3A_18, %get3A_18 : vector<16xf32>
    %swap3A_273 = arith.constant 0 : i32
    %swap3A_274 = arith.index_cast %swap3A_273 : i32 to index
    %swap3A_275 = arith.constant 32 : index
    %swap3A_276 = tpu.vector_load %arg16[%swap3A_274, %swap3A_275] {strides = array<i32>} : memref<32x64xf32, #tpu.memory_space<vmem>>, vector<16xf32>,
    tpu.vector_store %arg16[%swap3A_274, %swap3A_275], %add3A_272 {strides = array<i32>} : memref<32x64xf32, #tpu.memory_space<vmem>>, vector<16xf32>,
    %add3A_277 = arith.addf %get3A_22, %get3A_22 : vector<16xf32>
    %swap3A_278 = arith.constant 0 : i32
    %swap3A_279 = arith.index_cast %swap3A_278 : i32 to index
    %swap3A_280 = arith.constant 48 : index
    %swap3A_281 = tpu.vector_load %arg16[%swap3A_279, %swap3A_280] {strides = array<i32>} : memref<32x64xf32, #tpu.memory_space<vmem>>, vector<16xf32>,
    tpu.vector_store %arg16[%swap3A_279, %swap3A_280], %add3A_277 {strides = array<i32>} : memref<32x64xf32, #tpu.memory_space<vmem>>, vector<16xf32>,
    %add3A_282 = arith.addf %get3A_10, %get3A_26 : vector<16xf32>
    %swap3A_283 = arith.constant 1 : i32
    %swap3A_284 = arith.index_cast %swap3A_283 : i32 to index
    %swap3A_285 = arith.constant 0 : index
    %swap3A_286 = tpu.vector_load %arg16[%swap3A_284, %swap3A_285] {strides = array<i32>} : memref<32x64xf32, #tpu.memory_space<vmem>>, vector<16xf32>,
    tpu.vector_store %arg16[%swap3A_284, %swap3A_285], %add3A_282 {strides = array<i32>} : memref<32x64xf32, #tpu.memory_space<vmem>>, vector<16xf32>,
    %add3A_287 = arith.addf %get3A_14, %get3A_30 : vector<16xf32>
    %swap3A_288 = arith.constant 1 : i32
    %swap3A_289 = arith.index_cast %swap3A_288 : i32 to index
    %swap3A_290 = arith.constant 16 : index
    %swap3A_291 = tpu.vector_load %arg16[%swap3A_289, %swap3A_290] {strides = array<i32>} : memref<32x64xf32, #tpu.memory_space<vmem>>, vector<16xf32>,
    tpu.vector_store %arg16[%swap3A_289, %swap3A_290], %add3A_287 {strides = array<i32>} : memref<32x64xf32, #tpu.memory_space<vmem>>, vector<16xf32>,
    %add3A_292 = arith.addf %get3A_18, %get3A_34 : vector<16xf32>
    %swap3A_293 = arith.constant 1 : i32
    %swap3A_294 = arith.index_cast %swap3A_293 : i32 to index
    %swap3A_295 = arith.constant 32 : index
    %swap3A_296 = tpu.vector_load %arg16[%swap3A_294, %swap3A_295] {strides = array<i32>} : memref<32x64xf32, #tpu.memory_space<vmem>>, vector<16xf32>,
    tpu.vector_store %arg16[%swap3A_294, %swap3A_295], %add3A_292 {strides = array<i32>} : memref<32x64xf32, #tpu.memory_space<vmem>>, vector<16xf32>,
    %add3A_297 = arith.addf %get3A_22, %get3A_38 : vector<16xf32>
    %swap3A_298 = arith.constant 1 : i32
    %swap3A_299 = arith.index_cast %swap3A_298 : i32 to index
    %swap3A_300 = arith.constant 48 : index
    %swap3A_301 = tpu.vector_load %arg16[%swap3A_299, %swap3A_300] {strides = array<i32>} : memref<32x64xf32, #tpu.memory_space<vmem>>, vector<16xf32>,
    tpu.vector_store %arg16[%swap3A_299, %swap3A_300], %add3A_297 {strides = array<i32>} : memref<32x64xf32, #tpu.memory_space<vmem>>, vector<16xf32>,
    %add3A_302 = arith.addf %get3A_10, %get3A_42 : vector<16xf32>
    %swap3A_303 = arith.constant 2 : i32
    %swap3A_304 = arith.index_cast %swap3A_303 : i32 to index
    %swap3A_305 = arith.constant 0 : index
    %swap3A_306 = tpu.vector_load %arg16[%swap3A_304, %swap3A_305] {strides = array<i32>} : memref<32x64xf32, #tpu.memory_space<vmem>>, vector<16xf32>,
    tpu.vector_store %arg16[%swap3A_304, %swap3A_305], %add3A_302 {strides = array<i32>} : memref<32x64xf32, #tpu.memory_space<vmem>>, vector<16xf32>,
    %add3A_307 = arith.addf %get3A_14, %get3A_46 : vector<16xf32>
    %swap3A_308 = arith.constant 2 : i32
    %swap3A_309 = arith.index_cast %swap3A_308 : i32 to index
    %swap3A_310 = arith.constant 16 : index
    %swap3A_311 = tpu.vector_load %arg16[%swap3A_309, %swap3A_310] {strides = array<i32>} : memref<32x64xf32, #tpu.memory_space<vmem>>, vector<16xf32>,
    tpu.vector_store %arg16[%swap3A_309, %swap3A_310], %add3A_307 {strides = array<i32>} : memref<32x64xf32, #tpu.memory_space<vmem>>, vector<16xf32>,
    %add3A_312 = arith.addf %get3A_18, %get3A_50 : vector<16xf32>
    %swap3A_313 = arith.constant 2 : i32
    %swap3A_314 = arith.index_cast %swap3A_313 : i32 to index
    %swap3A_315 = arith.constant 32 : index
    %swap3A_316 = tpu.vector_load %arg16[%swap3A_314, %swap3A_315] {strides = array<i32>} : memref<32x64xf32, #tpu.memory_space<vmem>>, vector<16xf32>,
    tpu.vector_store %arg16[%swap3A_314, %swap3A_315], %add3A_312 {strides = array<i32>} : memref<32x64xf32, #tpu.memory_space<vmem>>, vector<16xf32>,
    %add3A_317 = arith.addf %get3A_22, %get3A_54 : vector<16xf32>
    %swap3A_318 = arith.constant 2 : i32
    %swap3A_319 = arith.index_cast %swap3A_318 : i32 to index
    %swap3A_320 = arith.constant 48 : index
    %swap3A_321 = tpu.vector_load %arg16[%swap3A_319, %swap3A_320] {strides = array<i32>} : memref<32x64xf32, #tpu.memory_space<vmem>>, vector<16xf32>,
    tpu.vector_store %arg16[%swap3A_319, %swap3A_320], %add3A_317 {strides = array<i32>} : memref<32x64xf32, #tpu.memory_space<vmem>>, vector<16xf32>,
    %add3A_322 = arith.addf %get3A_10, %get3A_58 : vector<16xf32>
    %swap3A_323 = arith.constant 3 : i32
    %swap3A_324 = arith.index_cast %swap3A_323 : i32 to index
    %swap3A_325 = arith.constant 0 : index
    %swap3A_326 = tpu.vector_load %arg16[%swap3A_324, %swap3A_325] {strides = array<i32>} : memref<32x64xf32, #tpu.memory_space<vmem>>, vector<16xf32>,
    tpu.vector_store %arg16[%swap3A_324, %swap3A_325], %add3A_322 {strides = array<i32>} : memref<32x64xf32, #tpu.memory_space<vmem>>, vector<16xf32>,
    %add3A_327 = arith.addf %get3A_14, %get3A_62 : vector<16xf32>
    %swap3A_328 = arith.constant 3 : i32
    %swap3A_329 = arith.index_cast %swap3A_328 : i32 to index
    %swap3A_330 = arith.constant 16 : index
    %swap3A_331 = tpu.vector_load %arg16[%swap3A_329, %swap3A_330] {strides = array<i32>} : memref<32x64xf32, #tpu.memory_space<vmem>>, vector<16xf32>,
    tpu.vector_store %arg16[%swap3A_329, %swap3A_330], %add3A_327 {strides = array<i32>} : memref<32x64xf32, #tpu.memory_space<vmem>>, vector<16xf32>,
    %add3A_332 = arith.addf %get3A_18, %get3A_66 : vector<16xf32>
    %swap3A_333 = arith.constant 3 : i32
    %swap3A_334 = arith.index_cast %swap3A_333 : i32 to index
    %swap3A_335 = arith.constant 32 : index
    %swap3A_336 = tpu.vector_load %arg16[%swap3A_334, %swap3A_335] {strides = array<i32>} : memref<32x64xf32, #tpu.memory_space<vmem>>, vector<16xf32>,
    tpu.vector_store %arg16[%swap3A_334, %swap3A_335], %add3A_332 {strides = array<i32>} : memref<32x64xf32, #tpu.memory_space<vmem>>, vector<16xf32>,
    %add3A_337 = arith.addf %get3A_22, %get3A_70 : vector<16xf32>
    %swap3A_338 = arith.constant 3 : i32
    %swap3A_339 = arith.index_cast %swap3A_338 : i32 to index
    %swap3A_340 = arith.constant 48 : index
    %swap3A_341 = tpu.vector_load %arg16[%swap3A_339, %swap3A_340] {strides = array<i32>} : memref<32x64xf32, #tpu.memory_space<vmem>>, vector<16xf32>,
    tpu.vector_store %arg16[%swap3A_339, %swap3A_340], %add3A_337 {strides = array<i32>} : memref<32x64xf32, #tpu.memory_space<vmem>>, vector<16xf32>,
    %add3A_342 = arith.addf %get3A_10, %get3A_74 : vector<16xf32>
    %swap3A_343 = arith.constant 4 : i32
    %swap3A_344 = arith.index_cast %swap3A_343 : i32 to index
    %swap3A_345 = arith.constant 0 : index
    %swap3A_346 = tpu.vector_load %arg16[%swap3A_344, %swap3A_345] {strides = array<i32>} : memref<32x64xf32, #tpu.memory_space<vmem>>, vector<16xf32>,
    tpu.vector_store %arg16[%swap3A_344, %swap3A_345], %add3A_342 {strides = array<i32>} : memref<32x64xf32, #tpu.memory_space<vmem>>, vector<16xf32>,
    %add3A_347 = arith.addf %get3A_14, %get3A_78 : vector<16xf32>
    %swap3A_348 = arith.constant 4 : i32
    %swap3A_349 = arith.index_cast %swap3A_348 : i32 to index
    %swap3A_350 = arith.constant 16 : index
    %swap3A_351 = tpu.vector_load %arg16[%swap3A_349, %swap3A_350] {strides = array<i32>} : memref<32x64xf32, #tpu.memory_space<vmem>>, vector<16xf32>,
    tpu.vector_store %arg16[%swap3A_349, %swap3A_350], %add3A_347 {strides = array<i32>} : memref<32x64xf32, #tpu.memory_space<vmem>>, vector<16xf32>,
    %add3A_352 = arith.addf %get3A_18, %get3A_82 : vector<16xf32>
    %swap3A_353 = arith.constant 4 : i32
    %swap3A_354 = arith.index_cast %swap3A_353 : i32 to index
    %swap3A_355 = arith.constant 32 : index
    %swap3A_356 = tpu.vector_load %arg16[%swap3A_354, %swap3A_355] {strides = array<i32>} : memref<32x64xf32, #tpu.memory_space<vmem>>, vector<16xf32>,
    tpu.vector_store %arg16[%swap3A_354, %swap3A_355], %add3A_352 {strides = array<i32>} : memref<32x64xf32, #tpu.memory_space<vmem>>, vector<16xf32>,
    %add3A_357 = arith.addf %get3A_22, %get3A_86 : vector<16xf32>
    %swap3A_358 = arith.constant 4 : i32
    %swap3A_359 = arith.index_cast %swap3A_358 : i32 to index
    %swap3A_360 = arith.constant 48 : index
    %swap3A_361 = tpu.vector_load %arg16[%swap3A_359, %swap3A_360] {strides = array<i32>} : memref<32x64xf32, #tpu.memory_space<vmem>>, vector<16xf32>,
    tpu.vector_store %arg16[%swap3A_359, %swap3A_360], %add3A_357 {strides = array<i32>} : memref<32x64xf32, #tpu.memory_space<vmem>>, vector<16xf32>,
    %add3A_362 = arith.addf %get3A_10, %get3A_90 : vector<16xf32>
    %swap3A_363 = arith.constant 5 : i32
    %swap3A_364 = arith.index_cast %swap3A_363 : i32 to index
    %swap3A_365 = arith.constant 0 : index
    %swap3A_366 = tpu.vector_load %arg16[%swap3A_364, %swap3A_365] {strides = array<i32>} : memref<32x64xf32, #tpu.memory_space<vmem>>, vector<16xf32>,
    tpu.vector_store %arg16[%swap3A_364, %swap3A_365], %add3A_362 {strides = array<i32>} : memref<32x64xf32, #tpu.memory_space<vmem>>, vector<16xf32>,
    %add3A_367 = arith.addf %get3A_14, %get3A_94 : vector<16xf32>
    %swap3A_368 = arith.constant 5 : i32
    %swap3A_369 = arith.index_cast %swap3A_368 : i32 to index
    %swap3A_370 = arith.constant 16 : index
    %swap3A_371 = tpu.vector_load %arg16[%swap3A_369, %swap3A_370] {strides = array<i32>} : memref<32x64xf32, #tpu.memory_space<vmem>>, vector<16xf32>,
    tpu.vector_store %arg16[%swap3A_369, %swap3A_370], %add3A_367 {strides = array<i32>} : memref<32x64xf32, #tpu.memory_space<vmem>>, vector<16xf32>,
    %add3A_372 = arith.addf %get3A_18, %get3A_98 : vector<16xf32>
    %swap3A_373 = arith.constant 5 : i32
    %swap3A_374 = arith.index_cast %swap3A_373 : i32 to index
    %swap3A_375 = arith.constant 32 : index
    %swap3A_376 = tpu.vector_load %arg16[%swap3A_374, %swap3A_375] {strides = array<i32>} : memref<32x64xf32, #tpu.memory_space<vmem>>, vector<16xf32>,
    tpu.vector_store %arg16[%swap3A_374, %swap3A_375], %add3A_372 {strides = array<i32>} : memref<32x64xf32, #tpu.memory_space<vmem>>, vector<16xf32>,
    %add3A_377 = arith.addf %get3A_22, %get3A_102 : vector<16xf32>
    %swap3A_378 = arith.constant 5 : i32
    %swap3A_379 = arith.index_cast %swap3A_378 : i32 to index
    %swap3A_380 = arith.constant 48 : index
    %swap3A_381 = tpu.vector_load %arg16[%swap3A_379, %swap3A_380] {strides = array<i32>} : memref<32x64xf32, #tpu.memory_space<vmem>>, vector<16xf32>,
    tpu.vector_store %arg16[%swap3A_379, %swap3A_380], %add3A_377 {strides = array<i32>} : memref<32x64xf32, #tpu.memory_space<vmem>>, vector<16xf32>,
    %add3A_382 = arith.addf %get3A_10, %get3A_106 : vector<16xf32>
    %swap3A_383 = arith.constant 6 : i32
    %swap3A_384 = arith.index_cast %swap3A_383 : i32 to index
    %swap3A_385 = arith.constant 0 : index
    %swap3A_386 = tpu.vector_load %arg16[%swap3A_384, %swap3A_385] {strides = array<i32>} : memref<32x64xf32, #tpu.memory_space<vmem>>, vector<16xf32>,
    tpu.vector_store %arg16[%swap3A_384, %swap3A_385], %add3A_382 {strides = array<i32>} : memref<32x64xf32, #tpu.memory_space<vmem>>, vector<16xf32>,
    %add3A_387 = arith.addf %get3A_14, %get3A_110 : vector<16xf32>
    %swap3A_388 = arith.constant 6 : i32
    %swap3A_389 = arith.index_cast %swap3A_388 : i32 to index
    %swap3A_390 = arith.constant 16 : index
    %swap3A_391 = tpu.vector_load %arg16[%swap3A_389, %swap3A_390] {strides = array<i32>} : memref<32x64xf32, #tpu.memory_space<vmem>>, vector<16xf32>,
    tpu.vector_store %arg16[%swap3A_389, %swap3A_390], %add3A_387 {strides = array<i32>} : memref<32x64xf32, #tpu.memory_space<vmem>>, vector<16xf32>,
    %add3A_392 = arith.addf %get3A_18, %get3A_114 : vector<16xf32>
    %swap3A_393 = arith.constant 6 : i32
    %swap3A_394 = arith.index_cast %swap3A_393 : i32 to index
    %swap3A_395 = arith.constant 32 : index
    %swap3A_396 = tpu.vector_load %arg16[%swap3A_394, %swap3A_395] {strides = array<i32>} : memref<32x64xf32, #tpu.memory_space<vmem>>, vector<16xf32>,
    tpu.vector_store %arg16[%swap3A_394, %swap3A_395], %add3A_392 {strides = array<i32>} : memref<32x64xf32, #tpu.memory_space<vmem>>, vector<16xf32>,
    %add3A_397 = arith.addf %get3A_22, %get3A_118 : vector<16xf32>
    %swap3A_398 = arith.constant 6 : i32
    %swap3A_399 = arith.index_cast %swap3A_398 : i32 to index
    %swap3A_400 = arith.constant 48 : index
    %swap3A_401 = tpu.vector_load %arg16[%swap3A_399, %swap3A_400] {strides = array<i32>} : memref<32x64xf32, #tpu.memory_space<vmem>>, vector<16xf32>,
    tpu.vector_store %arg16[%swap3A_399, %swap3A_400], %add3A_397 {strides = array<i32>} : memref<32x64xf32, #tpu.memory_space<vmem>>, vector<16xf32>,
    %add3A_402 = arith.addf %get3A_10, %get3A_122 : vector<16xf32>
    %swap3A_403 = arith.constant 7 : i32
    %swap3A_404 = arith.index_cast %swap3A_403 : i32 to index
    %swap3A_405 = arith.constant 0 : index
    %swap3A_406 = tpu.vector_load %arg16[%swap3A_404, %swap3A_405] {strides = array<i32>} : memref<32x64xf32, #tpu.memory_space<vmem>>, vector<16xf32>,
    tpu.vector_store %arg16[%swap3A_404, %swap3A_405], %add3A_402 {strides = array<i32>} : memref<32x64xf32, #tpu.memory_space<vmem>>, vector<16xf32>,
    %add3A_407 = arith.addf %get3A_14, %get3A_126 : vector<16xf32>
    %swap3A_408 = arith.constant 7 : i32
    %swap3A_409 = arith.index_cast %swap3A_408 : i32 to index
    %swap3A_410 = arith.constant 16 : index
    %swap3A_411 = tpu.vector_load %arg16[%swap3A_409, %swap3A_410] {strides = array<i32>} : memref<32x64xf32, #tpu.memory_space<vmem>>, vector<16xf32>,
    tpu.vector_store %arg16[%swap3A_409, %swap3A_410], %add3A_407 {strides = array<i32>} : memref<32x64xf32, #tpu.memory_space<vmem>>, vector<16xf32>,
    %add3A_412 = arith.addf %get3A_18, %get3A_130 : vector<16xf32>
    %swap3A_413 = arith.constant 7 : i32
    %swap3A_414 = arith.index_cast %swap3A_413 : i32 to index
    %swap3A_415 = arith.constant 32 : index
    %swap3A_416 = tpu.vector_load %arg16[%swap3A_414, %swap3A_415] {strides = array<i32>} : memref<32x64xf32, #tpu.memory_space<vmem>>, vector<16xf32>,
    tpu.vector_store %arg16[%swap3A_414, %swap3A_415], %add3A_412 {strides = array<i32>} : memref<32x64xf32, #tpu.memory_space<vmem>>, vector<16xf32>,
    %add3A_417 = arith.addf %get3A_22, %get3A_134 : vector<16xf32>
    %swap3A_418 = arith.constant 7 : i32
    %swap3A_419 = arith.index_cast %swap3A_418 : i32 to index
    %swap3A_420 = arith.constant 48 : index
    %swap3A_421 = tpu.vector_load %arg16[%swap3A_419, %swap3A_420] {strides = array<i32>} : memref<32x64xf32, #tpu.memory_space<vmem>>, vector<16xf32>,
    tpu.vector_store %arg16[%swap3A_419, %swap3A_420], %add3A_417 {strides = array<i32>} : memref<32x64xf32, #tpu.memory_space<vmem>>, vector<16xf32>,
    %add3A_422 = arith.addf %get3A_10, %get3A_138 : vector<16xf32>
    %swap3A_423 = arith.constant 8 : i32
    %swap3A_424 = arith.index_cast %swap3A_423 : i32 to index
    %swap3A_425 = arith.constant 0 : index
    %swap3A_426 = tpu.vector_load %arg16[%swap3A_424, %swap3A_425] {strides = array<i32>} : memref<32x64xf32, #tpu.memory_space<vmem>>, vector<16xf32>,
    tpu.vector_store %arg16[%swap3A_424, %swap3A_425], %add3A_422 {strides = array<i32>} : memref<32x64xf32, #tpu.memory_space<vmem>>, vector<16xf32>,
    %add3A_427 = arith.addf %get3A_14, %get3A_142 : vector<16xf32>
    %swap3A_428 = arith.constant 8 : i32
    %swap3A_429 = arith.index_cast %swap3A_428 : i32 to index
    %swap3A_430 = arith.constant 16 : index
    %swap3A_431 = tpu.vector_load %arg16[%swap3A_429, %swap3A_430] {strides = array<i32>} : memref<32x64xf32, #tpu.memory_space<vmem>>, vector<16xf32>,
    tpu.vector_store %arg16[%swap3A_429, %swap3A_430], %add3A_427 {strides = array<i32>} : memref<32x64xf32, #tpu.memory_space<vmem>>, vector<16xf32>,
    %add3A_432 = arith.addf %get3A_18, %get3A_146 : vector<16xf32>
    %swap3A_433 = arith.constant 8 : i32
    %swap3A_434 = arith.index_cast %swap3A_433 : i32 to index
    %swap3A_435 = arith.constant 32 : index
    %swap3A_436 = tpu.vector_load %arg16[%swap3A_434, %swap3A_435] {strides = array<i32>} : memref<32x64xf32, #tpu.memory_space<vmem>>, vector<16xf32>,
    tpu.vector_store %arg16[%swap3A_434, %swap3A_435], %add3A_432 {strides = array<i32>} : memref<32x64xf32, #tpu.memory_space<vmem>>, vector<16xf32>,
    %add3A_437 = arith.addf %get3A_22, %get3A_150 : vector<16xf32>
    %swap3A_438 = arith.constant 8 : i32
    %swap3A_439 = arith.index_cast %swap3A_438 : i32 to index
    %swap3A_440 = arith.constant 48 : index
    %swap3A_441 = tpu.vector_load %arg16[%swap3A_439, %swap3A_440] {strides = array<i32>} : memref<32x64xf32, #tpu.memory_space<vmem>>, vector<16xf32>,
    tpu.vector_store %arg16[%swap3A_439, %swap3A_440], %add3A_437 {strides = array<i32>} : memref<32x64xf32, #tpu.memory_space<vmem>>, vector<16xf32>,
    %add3A_442 = arith.addf %get3A_10, %get3A_154 : vector<16xf32>
    %swap3A_443 = arith.constant 9 : i32
    %swap3A_444 = arith.index_cast %swap3A_443 : i32 to index
    %swap3A_445 = arith.constant 0 : index
    %swap3A_446 = tpu.vector_load %arg16[%swap3A_444, %swap3A_445] {strides = array<i32>} : memref<32x64xf32, #tpu.memory_space<vmem>>, vector<16xf32>,
    tpu.vector_store %arg16[%swap3A_444, %swap3A_445], %add3A_442 {strides = array<i32>} : memref<32x64xf32, #tpu.memory_space<vmem>>, vector<16xf32>,
    %add3A_447 = arith.addf %get3A_14, %get3A_158 : vector<16xf32>
    %swap3A_448 = arith.constant 9 : i32
    %swap3A_449 = arith.index_cast %swap3A_448 : i32 to index
    %swap3A_450 = arith.constant 16 : index
    %swap3A_451 = tpu.vector_load %arg16[%swap3A_449, %swap3A_450] {strides = array<i32>} : memref<32x64xf32, #tpu.memory_space<vmem>>, vector<16xf32>,
    tpu.vector_store %arg16[%swap3A_449, %swap3A_450], %add3A_447 {strides = array<i32>} : memref<32x64xf32, #tpu.memory_space<vmem>>, vector<16xf32>,
    %add3A_452 = arith.addf %get3A_18, %get3A_162 : vector<16xf32>
    %swap3A_453 = arith.constant 9 : i32
    %swap3A_454 = arith.index_cast %swap3A_453 : i32 to index
    %swap3A_455 = arith.constant 32 : index
    %swap3A_456 = tpu.vector_load %arg16[%swap3A_454, %swap3A_455] {strides = array<i32>} : memref<32x64xf32, #tpu.memory_space<vmem>>, vector<16xf32>,
    tpu.vector_store %arg16[%swap3A_454, %swap3A_455], %add3A_452 {strides = array<i32>} : memref<32x64xf32, #tpu.memory_space<vmem>>, vector<16xf32>,
    %add3A_457 = arith.addf %get3A_22, %get3A_166 : vector<16xf32>
    %swap3A_458 = arith.constant 9 : i32
    %swap3A_459 = arith.index_cast %swap3A_458 : i32 to index
    %swap3A_460 = arith.constant 48 : index
    %swap3A_461 = tpu.vector_load %arg16[%swap3A_459, %swap3A_460] {strides = array<i32>} : memref<32x64xf32, #tpu.memory_space<vmem>>, vector<16xf32>,
    tpu.vector_store %arg16[%swap3A_459, %swap3A_460], %add3A_457 {strides = array<i32>} : memref<32x64xf32, #tpu.memory_space<vmem>>, vector<16xf32>,
    %add3A_462 = arith.addf %get3A_10, %get3A_170 : vector<16xf32>
    %swap3A_463 = arith.constant 10 : i32
    %swap3A_464 = arith.index_cast %swap3A_463 : i32 to index
    %swap3A_465 = arith.constant 0 : index
    %swap3A_466 = tpu.vector_load %arg16[%swap3A_464, %swap3A_465] {strides = array<i32>} : memref<32x64xf32, #tpu.memory_space<vmem>>, vector<16xf32>,
    tpu.vector_store %arg16[%swap3A_464, %swap3A_465], %add3A_462 {strides = array<i32>} : memref<32x64xf32, #tpu.memory_space<vmem>>, vector<16xf32>,
    %add3A_467 = arith.addf %get3A_14, %get3A_174 : vector<16xf32>
    %swap3A_468 = arith.constant 10 : i32
    %swap3A_469 = arith.index_cast %swap3A_468 : i32 to index
    %swap3A_470 = arith.constant 16 : index
    %swap3A_471 = tpu.vector_load %arg16[%swap3A_469, %swap3A_470] {strides = array<i32>} : memref<32x64xf32, #tpu.memory_space<vmem>>, vector<16xf32>,
    tpu.vector_store %arg16[%swap3A_469, %swap3A_470], %add3A_467 {strides = array<i32>} : memref<32x64xf32, #tpu.memory_space<vmem>>, vector<16xf32>,
    %add3A_472 = arith.addf %get3A_18, %get3A_178 : vector<16xf32>
    %swap3A_473 = arith.constant 10 : i32
    %swap3A_474 = arith.index_cast %swap3A_473 : i32 to index
    %swap3A_475 = arith.constant 32 : index
    %swap3A_476 = tpu.vector_load %arg16[%swap3A_474, %swap3A_475] {strides = array<i32>} : memref<32x64xf32, #tpu.memory_space<vmem>>, vector<16xf32>,
    tpu.vector_store %arg16[%swap3A_474, %swap3A_475], %add3A_472 {strides = array<i32>} : memref<32x64xf32, #tpu.memory_space<vmem>>, vector<16xf32>,
    %add3A_477 = arith.addf %get3A_22, %get3A_182 : vector<16xf32>
    %swap3A_478 = arith.constant 10 : i32
    %swap3A_479 = arith.index_cast %swap3A_478 : i32 to index
    %swap3A_480 = arith.constant 48 : index
    %swap3A_481 = tpu.vector_load %arg16[%swap3A_479, %swap3A_480] {strides = array<i32>} : memref<32x64xf32, #tpu.memory_space<vmem>>, vector<16xf32>,
    tpu.vector_store %arg16[%swap3A_479, %swap3A_480], %add3A_477 {strides = array<i32>} : memref<32x64xf32, #tpu.memory_space<vmem>>, vector<16xf32>,
    %add3A_482 = arith.addf %get3A_10, %get3A_186 : vector<16xf32>
    %swap3A_483 = arith.constant 11 : i32
    %swap3A_484 = arith.index_cast %swap3A_483 : i32 to index
    %swap3A_485 = arith.constant 0 : index
    %swap3A_486 = tpu.vector_load %arg16[%swap3A_484, %swap3A_485] {strides = array<i32>} : memref<32x64xf32, #tpu.memory_space<vmem>>, vector<16xf32>,
    tpu.vector_store %arg16[%swap3A_484, %swap3A_485], %add3A_482 {strides = array<i32>} : memref<32x64xf32, #tpu.memory_space<vmem>>, vector<16xf32>,
    %add3A_487 = arith.addf %get3A_14, %get3A_190 : vector<16xf32>
    %swap3A_488 = arith.constant 11 : i32
    %swap3A_489 = arith.index_cast %swap3A_488 : i32 to index
    %swap3A_490 = arith.constant 16 : index
    %swap3A_491 = tpu.vector_load %arg16[%swap3A_489, %swap3A_490] {strides = array<i32>} : memref<32x64xf32, #tpu.memory_space<vmem>>, vector<16xf32>,
    tpu.vector_store %arg16[%swap3A_489, %swap3A_490], %add3A_487 {strides = array<i32>} : memref<32x64xf32, #tpu.memory_space<vmem>>, vector<16xf32>,
    %add3A_492 = arith.addf %get3A_18, %get3A_194 : vector<16xf32>
    %swap3A_493 = arith.constant 11 : i32
    %swap3A_494 = arith.index_cast %swap3A_493 : i32 to index
    %swap3A_495 = arith.constant 32 : index
    %swap3A_496 = tpu.vector_load %arg16[%swap3A_494, %swap3A_495] {strides = array<i32>} : memref<32x64xf32, #tpu.memory_space<vmem>>, vector<16xf32>,
    tpu.vector_store %arg16[%swap3A_494, %swap3A_495], %add3A_492 {strides = array<i32>} : memref<32x64xf32, #tpu.memory_space<vmem>>, vector<16xf32>,
    %add3A_497 = arith.addf %get3A_22, %get3A_198 : vector<16xf32>
    %swap3A_498 = arith.constant 11 : i32
    %swap3A_499 = arith.index_cast %swap3A_498 : i32 to index
    %swap3A_500 = arith.constant 48 : index
    %swap3A_501 = tpu.vector_load %arg16[%swap3A_499, %swap3A_500] {strides = array<i32>} : memref<32x64xf32, #tpu.memory_space<vmem>>, vector<16xf32>,
    tpu.vector_store %arg16[%swap3A_499, %swap3A_500], %add3A_497 {strides = array<i32>} : memref<32x64xf32, #tpu.memory_space<vmem>>, vector<16xf32>,
    %add3A_502 = arith.addf %get3A_10, %get3A_202 : vector<16xf32>
    %swap3A_503 = arith.constant 12 : i32
    %swap3A_504 = arith.index_cast %swap3A_503 : i32 to index
    %swap3A_505 = arith.constant 0 : index
    %swap3A_506 = tpu.vector_load %arg16[%swap3A_504, %swap3A_505] {strides = array<i32>} : memref<32x64xf32, #tpu.memory_space<vmem>>, vector<16xf32>,
    tpu.vector_store %arg16[%swap3A_504, %swap3A_505], %add3A_502 {strides = array<i32>} : memref<32x64xf32, #tpu.memory_space<vmem>>, vector<16xf32>,
    %add3A_507 = arith.addf %get3A_14, %get3A_206 : vector<16xf32>
    %swap3A_508 = arith.constant 12 : i32
    %swap3A_509 = arith.index_cast %swap3A_508 : i32 to index
    %swap3A_510 = arith.constant 16 : index
    %swap3A_511 = tpu.vector_load %arg16[%swap3A_509, %swap3A_510] {strides = array<i32>} : memref<32x64xf32, #tpu.memory_space<vmem>>, vector<16xf32>,
    tpu.vector_store %arg16[%swap3A_509, %swap3A_510], %add3A_507 {strides = array<i32>} : memref<32x64xf32, #tpu.memory_space<vmem>>, vector<16xf32>,
    %add3A_512 = arith.addf %get3A_18, %get3A_210 : vector<16xf32>
    %swap3A_513 = arith.constant 12 : i32
    %swap3A_514 = arith.index_cast %swap3A_513 : i32 to index
    %swap3A_515 = arith.constant 32 : index
    %swap3A_516 = tpu.vector_load %arg16[%swap3A_514, %swap3A_515] {strides = array<i32>} : memref<32x64xf32, #tpu.memory_space<vmem>>, vector<16xf32>,
    tpu.vector_store %arg16[%swap3A_514, %swap3A_515], %add3A_512 {strides = array<i32>} : memref<32x64xf32, #tpu.memory_space<vmem>>, vector<16xf32>,
    %add3A_517 = arith.addf %get3A_22, %get3A_214 : vector<16xf32>
    %swap3A_518 = arith.constant 12 : i32
    %swap3A_519 = arith.index_cast %swap3A_518 : i32 to index
    %swap3A_520 = arith.constant 48 : index
    %swap3A_521 = tpu.vector_load %arg16[%swap3A_519, %swap3A_520] {strides = array<i32>} : memref<32x64xf32, #tpu.memory_space<vmem>>, vector<16xf32>,
    tpu.vector_store %arg16[%swap3A_519, %swap3A_520], %add3A_517 {strides = array<i32>} : memref<32x64xf32, #tpu.memory_space<vmem>>, vector<16xf32>,
    %add3A_522 = arith.addf %get3A_10, %get3A_218 : vector<16xf32>
    %swap3A_523 = arith.constant 13 : i32
    %swap3A_524 = arith.index_cast %swap3A_523 : i32 to index
    %swap3A_525 = arith.constant 0 : index
    %swap3A_526 = tpu.vector_load %arg16[%swap3A_524, %swap3A_525] {strides = array<i32>} : memref<32x64xf32, #tpu.memory_space<vmem>>, vector<16xf32>,
    tpu.vector_store %arg16[%swap3A_524, %swap3A_525], %add3A_522 {strides = array<i32>} : memref<32x64xf32, #tpu.memory_space<vmem>>, vector<16xf32>,
    %add3A_527 = arith.addf %get3A_14, %get3A_222 : vector<16xf32>
    %swap3A_528 = arith.constant 13 : i32
    %swap3A_529 = arith.index_cast %swap3A_528 : i32 to index
    %swap3A_530 = arith.constant 16 : index
    %swap3A_531 = tpu.vector_load %arg16[%swap3A_529, %swap3A_530] {strides = array<i32>} : memref<32x64xf32, #tpu.memory_space<vmem>>, vector<16xf32>,
    tpu.vector_store %arg16[%swap3A_529, %swap3A_530], %add3A_527 {strides = array<i32>} : memref<32x64xf32, #tpu.memory_space<vmem>>, vector<16xf32>,
    %add3A_532 = arith.addf %get3A_18, %get3A_226 : vector<16xf32>
    %swap3A_533 = arith.constant 13 : i32
    %swap3A_534 = arith.index_cast %swap3A_533 : i32 to index
    %swap3A_535 = arith.constant 32 : index
    %swap3A_536 = tpu.vector_load %arg16[%swap3A_534, %swap3A_535] {strides = array<i32>} : memref<32x64xf32, #tpu.memory_space<vmem>>, vector<16xf32>,
    tpu.vector_store %arg16[%swap3A_534, %swap3A_535], %add3A_532 {strides = array<i32>} : memref<32x64xf32, #tpu.memory_space<vmem>>, vector<16xf32>,
    %add3A_537 = arith.addf %get3A_22, %get3A_230 : vector<16xf32>
    %swap3A_538 = arith.constant 13 : i32
    %swap3A_539 = arith.index_cast %swap3A_538 : i32 to index
    %swap3A_540 = arith.constant 48 : index
    %swap3A_541 = tpu.vector_load %arg16[%swap3A_539, %swap3A_540] {strides = array<i32>} : memref<32x64xf32, #tpu.memory_space<vmem>>, vector<16xf32>,
    tpu.vector_store %arg16[%swap3A_539, %swap3A_540], %add3A_537 {strides = array<i32>} : memref<32x64xf32, #tpu.memory_space<vmem>>, vector<16xf32>,
    %add3A_542 = arith.addf %get3A_10, %get3A_234 : vector<16xf32>
    %swap3A_543 = arith.constant 14 : i32
    %swap3A_544 = arith.index_cast %swap3A_543 : i32 to index
    %swap3A_545 = arith.constant 0 : index
    %swap3A_546 = tpu.vector_load %arg16[%swap3A_544, %swap3A_545] {strides = array<i32>} : memref<32x64xf32, #tpu.memory_space<vmem>>, vector<16xf32>,
    tpu.vector_store %arg16[%swap3A_544, %swap3A_545], %add3A_542 {strides = array<i32>} : memref<32x64xf32, #tpu.memory_space<vmem>>, vector<16xf32>,
    %add3A_547 = arith.addf %get3A_14, %get3A_238 : vector<16xf32>
    %swap3A_548 = arith.constant 14 : i32
    %swap3A_549 = arith.index_cast %swap3A_548 : i32 to index
    %swap3A_550 = arith.constant 16 : index
    %swap3A_551 = tpu.vector_load %arg16[%swap3A_549, %swap3A_550] {strides = array<i32>} : memref<32x64xf32, #tpu.memory_space<vmem>>, vector<16xf32>,
    tpu.vector_store %arg16[%swap3A_549, %swap3A_550], %add3A_547 {strides = array<i32>} : memref<32x64xf32, #tpu.memory_space<vmem>>, vector<16xf32>,
    %add3A_552 = arith.addf %get3A_18, %get3A_242 : vector<16xf32>
    %swap3A_553 = arith.constant 14 : i32
    %swap3A_554 = arith.index_cast %swap3A_553 : i32 to index
    %swap3A_555 = arith.constant 32 : index
    %swap3A_556 = tpu.vector_load %arg16[%swap3A_554, %swap3A_555] {strides = array<i32>} : memref<32x64xf32, #tpu.memory_space<vmem>>, vector<16xf32>,
    tpu.vector_store %arg16[%swap3A_554, %swap3A_555], %add3A_552 {strides = array<i32>} : memref<32x64xf32, #tpu.memory_space<vmem>>, vector<16xf32>,
    %add3A_557 = arith.addf %get3A_22, %get3A_246 : vector<16xf32>
    %swap3A_558 = arith.constant 14 : i32
    %swap3A_559 = arith.index_cast %swap3A_558 : i32 to index
    %swap3A_560 = arith.constant 48 : index
    %swap3A_561 = tpu.vector_load %arg16[%swap3A_559, %swap3A_560] {strides = array<i32>} : memref<32x64xf32, #tpu.memory_space<vmem>>, vector<16xf32>,
    tpu.vector_store %arg16[%swap3A_559, %swap3A_560], %add3A_557 {strides = array<i32>} : memref<32x64xf32, #tpu.memory_space<vmem>>, vector<16xf32>,
    %add3A_562 = arith.addf %get3A_10, %get3A_250 : vector<16xf32>
    %swap3A_563 = arith.constant 15 : i32
    %swap3A_564 = arith.index_cast %swap3A_563 : i32 to index
    %swap3A_565 = arith.constant 0 : index
    %swap3A_566 = tpu.vector_load %arg16[%swap3A_564, %swap3A_565] {strides = array<i32>} : memref<32x64xf32, #tpu.memory_space<vmem>>, vector<16xf32>,
    tpu.vector_store %arg16[%swap3A_564, %swap3A_565], %add3A_562 {strides = array<i32>} : memref<32x64xf32, #tpu.memory_space<vmem>>, vector<16xf32>,
    %add3A_567 = arith.addf %get3A_14, %get3A_254 : vector<16xf32>
    %swap3A_568 = arith.constant 15 : i32
    %swap3A_569 = arith.index_cast %swap3A_568 : i32 to index
    %swap3A_570 = arith.constant 16 : index
    %swap3A_571 = tpu.vector_load %arg16[%swap3A_569, %swap3A_570] {strides = array<i32>} : memref<32x64xf32, #tpu.memory_space<vmem>>, vector<16xf32>,
    tpu.vector_store %arg16[%swap3A_569, %swap3A_570], %add3A_567 {strides = array<i32>} : memref<32x64xf32, #tpu.memory_space<vmem>>, vector<16xf32>,
    %add3A_572 = arith.addf %get3A_18, %get3A_258 : vector<16xf32>
    %swap3A_573 = arith.constant 15 : i32
    %swap3A_574 = arith.index_cast %swap3A_573 : i32 to index
    %swap3A_575 = arith.constant 32 : index
    %swap3A_576 = tpu.vector_load %arg16[%swap3A_574, %swap3A_575] {strides = array<i32>} : memref<32x64xf32, #tpu.memory_space<vmem>>, vector<16xf32>,
    tpu.vector_store %arg16[%swap3A_574, %swap3A_575], %add3A_572 {strides = array<i32>} : memref<32x64xf32, #tpu.memory_space<vmem>>, vector<16xf32>,
    %add3A_577 = arith.addf %get3A_22, %get3A_262 : vector<16xf32>
    %swap3A_578 = arith.constant 15 : i32
    %swap3A_579 = arith.index_cast %swap3A_578 : i32 to index
    %swap3A_580 = arith.constant 48 : index
    %swap3A_581 = tpu.vector_load %arg16[%swap3A_579, %swap3A_580] {strides = array<i32>} : memref<32x64xf32, #tpu.memory_space<vmem>>, vector<16xf32>,
    tpu.vector_store %arg16[%swap3A_579, %swap3A_580], %add3A_577 {strides = array<i32>} : memref<32x64xf32, #tpu.memory_space<vmem>>, vector<16xf32>,
    %add3A_582 = arith.addf %get3A_26, %get3A_10 : vector<16xf32>
    %swap3A_583 = arith.constant 16 : i32
    %swap3A_584 = arith.index_cast %swap3A_583 : i32 to index
    %swap3A_585 = arith.constant 0 : index
    %swap3A_586 = tpu.vector_load %arg16[%swap3A_584, %swap3A_585] {strides = array<i32>} : memref<32x64xf32, #tpu.memory_space<vmem>>, vector<16xf32>,
    tpu.vector_store %arg16[%swap3A_584, %swap3A_585], %add3A_582 {strides = array<i32>} : memref<32x64xf32, #tpu.memory_space<vmem>>, vector<16xf32>,
    %add3A_587 = arith.addf %get3A_30, %get3A_14 : vector<16xf32>
    %swap3A_588 = arith.constant 16 : i32
    %swap3A_589 = arith.index_cast %swap3A_588 : i32 to index
    %swap3A_590 = arith.constant 16 : index
    %swap3A_591 = tpu.vector_load %arg16[%swap3A_589, %swap3A_590] {strides = array<i32>} : memref<32x64xf32, #tpu.memory_space<vmem>>, vector<16xf32>,
    tpu.vector_store %arg16[%swap3A_589, %swap3A_590], %add3A_587 {strides = array<i32>} : memref<32x64xf32, #tpu.memory_space<vmem>>, vector<16xf32>,
    %add3A_592 = arith.addf %get3A_34, %get3A_18 : vector<16xf32>
    %swap3A_593 = arith.constant 16 : i32
    %swap3A_594 = arith.index_cast %swap3A_593 : i32 to index
    %swap3A_595 = arith.constant 32 : index
    %swap3A_596 = tpu.vector_load %arg16[%swap3A_594, %swap3A_595] {strides = array<i32>} : memref<32x64xf32, #tpu.memory_space<vmem>>, vector<16xf32>,
    tpu.vector_store %arg16[%swap3A_594, %swap3A_595], %add3A_592 {strides = array<i32>} : memref<32x64xf32, #tpu.memory_space<vmem>>, vector<16xf32>,
    %add3A_597 = arith.addf %get3A_38, %get3A_22 : vector<16xf32>
    %swap3A_598 = arith.constant 16 : i32
    %swap3A_599 = arith.index_cast %swap3A_598 : i32 to index
    %swap3A_600 = arith.constant 48 : index
    %swap3A_601 = tpu.vector_load %arg16[%swap3A_599, %swap3A_600] {strides = array<i32>} : memref<32x64xf32, #tpu.memory_space<vmem>>, vector<16xf32>,
    tpu.vector_store %arg16[%swap3A_599, %swap3A_600], %add3A_597 {strides = array<i32>} : memref<32x64xf32, #tpu.memory_space<vmem>>, vector<16xf32>,
    %add3A_602 = arith.addf %get3A_26, %get3A_26 : vector<16xf32>
    %swap3A_603 = arith.constant 17 : i32
    %swap3A_604 = arith.index_cast %swap3A_603 : i32 to index
    %swap3A_605 = arith.constant 0 : index
    %swap3A_606 = tpu.vector_load %arg16[%swap3A_604, %swap3A_605] {strides = array<i32>} : memref<32x64xf32, #tpu.memory_space<vmem>>, vector<16xf32>,
    tpu.vector_store %arg16[%swap3A_604, %swap3A_605], %add3A_602 {strides = array<i32>} : memref<32x64xf32, #tpu.memory_space<vmem>>, vector<16xf32>,
    %add3A_607 = arith.addf %get3A_30, %get3A_30 : vector<16xf32>
    %swap3A_608 = arith.constant 17 : i32
    %swap3A_609 = arith.index_cast %swap3A_608 : i32 to index
    %swap3A_610 = arith.constant 16 : index
    %swap3A_611 = tpu.vector_load %arg16[%swap3A_609, %swap3A_610] {strides = array<i32>} : memref<32x64xf32, #tpu.memory_space<vmem>>, vector<16xf32>,
    tpu.vector_store %arg16[%swap3A_609, %swap3A_610], %add3A_607 {strides = array<i32>} : memref<32x64xf32, #tpu.memory_space<vmem>>, vector<16xf32>,
    %add3A_612 = arith.addf %get3A_34, %get3A_34 : vector<16xf32>
    %swap3A_613 = arith.constant 17 : i32
    %swap3A_614 = arith.index_cast %swap3A_613 : i32 to index
    %swap3A_615 = arith.constant 32 : index
    %swap3A_616 = tpu.vector_load %arg16[%swap3A_614, %swap3A_615] {strides = array<i32>} : memref<32x64xf32, #tpu.memory_space<vmem>>, vector<16xf32>,
    tpu.vector_store %arg16[%swap3A_614, %swap3A_615], %add3A_612 {strides = array<i32>} : memref<32x64xf32, #tpu.memory_space<vmem>>, vector<16xf32>,
    %add3A_617 = arith.addf %get3A_38, %get3A_38 : vector<16xf32>
    %swap3A_618 = arith.constant 17 : i32
    %swap3A_619 = arith.index_cast %swap3A_618 : i32 to index
    %swap3A_620 = arith.constant 48 : index
    %swap3A_621 = tpu.vector_load %arg16[%swap3A_619, %swap3A_620] {strides = array<i32>} : memref<32x64xf32, #tpu.memory_space<vmem>>, vector<16xf32>,
    tpu.vector_store %arg16[%swap3A_619, %swap3A_620], %add3A_617 {strides = array<i32>} : memref<32x64xf32, #tpu.memory_space<vmem>>, vector<16xf32>,
    %add3A_622 = arith.addf %get3A_26, %get3A_42 : vector<16xf32>
    %swap3A_623 = arith.constant 18 : i32
    %swap3A_624 = arith.index_cast %swap3A_623 : i32 to index
    %swap3A_625 = arith.constant 0 : index
    %swap3A_626 = tpu.vector_load %arg16[%swap3A_624, %swap3A_625] {strides = array<i32>} : memref<32x64xf32, #tpu.memory_space<vmem>>, vector<16xf32>,
    tpu.vector_store %arg16[%swap3A_624, %swap3A_625], %add3A_622 {strides = array<i32>} : memref<32x64xf32, #tpu.memory_space<vmem>>, vector<16xf32>,
    %add3A_627 = arith.addf %get3A_30, %get3A_46 : vector<16xf32>
    %swap3A_628 = arith.constant 18 : i32
    %swap3A_629 = arith.index_cast %swap3A_628 : i32 to index
    %swap3A_630 = arith.constant 16 : index
    %swap3A_631 = tpu.vector_load %arg16[%swap3A_629, %swap3A_630] {strides = array<i32>} : memref<32x64xf32, #tpu.memory_space<vmem>>, vector<16xf32>,
    tpu.vector_store %arg16[%swap3A_629, %swap3A_630], %add3A_627 {strides = array<i32>} : memref<32x64xf32, #tpu.memory_space<vmem>>, vector<16xf32>,
    %add3A_632 = arith.addf %get3A_34, %get3A_50 : vector<16xf32>
    %swap3A_633 = arith.constant 18 : i32
    %swap3A_634 = arith.index_cast %swap3A_633 : i32 to index
    %swap3A_635 = arith.constant 32 : index
    %swap3A_636 = tpu.vector_load %arg16[%swap3A_634, %swap3A_635] {strides = array<i32>} : memref<32x64xf32, #tpu.memory_space<vmem>>, vector<16xf32>,
    tpu.vector_store %arg16[%swap3A_634, %swap3A_635], %add3A_632 {strides = array<i32>} : memref<32x64xf32, #tpu.memory_space<vmem>>, vector<16xf32>,
    %add3A_637 = arith.addf %get3A_38, %get3A_54 : vector<16xf32>
    %swap3A_638 = arith.constant 18 : i32
    %swap3A_639 = arith.index_cast %swap3A_638 : i32 to index
    %swap3A_640 = arith.constant 48 : index
    %swap3A_641 = tpu.vector_load %arg16[%swap3A_639, %swap3A_640] {strides = array<i32>} : memref<32x64xf32, #tpu.memory_space<vmem>>, vector<16xf32>,
    tpu.vector_store %arg16[%swap3A_639, %swap3A_640], %add3A_637 {strides = array<i32>} : memref<32x64xf32, #tpu.memory_space<vmem>>, vector<16xf32>,
    %add3A_642 = arith.addf %get3A_26, %get3A_58 : vector<16xf32>
    %swap3A_643 = arith.constant 19 : i32
    %swap3A_644 = arith.index_cast %swap3A_643 : i32 to index
    %swap3A_645 = arith.constant 0 : index
    %swap3A_646 = tpu.vector_load %arg16[%swap3A_644, %swap3A_645] {strides = array<i32>} : memref<32x64xf32, #tpu.memory_space<vmem>>, vector<16xf32>,
    tpu.vector_store %arg16[%swap3A_644, %swap3A_645], %add3A_642 {strides = array<i32>} : memref<32x64xf32, #tpu.memory_space<vmem>>, vector<16xf32>,
    %add3A_647 = arith.addf %get3A_30, %get3A_62 : vector<16xf32>
    %swap3A_648 = arith.constant 19 : i32
    %swap3A_649 = arith.index_cast %swap3A_648 : i32 to index
    %swap3A_650 = arith.constant 16 : index
    %swap3A_651 = tpu.vector_load %arg16[%swap3A_649, %swap3A_650] {strides = array<i32>} : memref<32x64xf32, #tpu.memory_space<vmem>>, vector<16xf32>,
    tpu.vector_store %arg16[%swap3A_649, %swap3A_650], %add3A_647 {strides = array<i32>} : memref<32x64xf32, #tpu.memory_space<vmem>>, vector<16xf32>,
    %add3A_652 = arith.addf %get3A_34, %get3A_66 : vector<16xf32>
    %swap3A_653 = arith.constant 19 : i32
    %swap3A_654 = arith.index_cast %swap3A_653 : i32 to index
    %swap3A_655 = arith.constant 32 : index
    %swap3A_656 = tpu.vector_load %arg16[%swap3A_654, %swap3A_655] {strides = array<i32>} : memref<32x64xf32, #tpu.memory_space<vmem>>, vector<16xf32>,
    tpu.vector_store %arg16[%swap3A_654, %swap3A_655], %add3A_652 {strides = array<i32>} : memref<32x64xf32, #tpu.memory_space<vmem>>, vector<16xf32>,
    %add3A_657 = arith.addf %get3A_38, %get3A_70 : vector<16xf32>
    %swap3A_658 = arith.constant 19 : i32
    %swap3A_659 = arith.index_cast %swap3A_658 : i32 to index
    %swap3A_660 = arith.constant 48 : index
    %swap3A_661 = tpu.vector_load %arg16[%swap3A_659, %swap3A_660] {strides = array<i32>} : memref<32x64xf32, #tpu.memory_space<vmem>>, vector<16xf32>,
    tpu.vector_store %arg16[%swap3A_659, %swap3A_660], %add3A_657 {strides = array<i32>} : memref<32x64xf32, #tpu.memory_space<vmem>>, vector<16xf32>,
    %add3A_662 = arith.addf %get3A_26, %get3A_74 : vector<16xf32>
    %swap3A_663 = arith.constant 20 : i32
    %swap3A_664 = arith.index_cast %swap3A_663 : i32 to index
    %swap3A_665 = arith.constant 0 : index
    %swap3A_666 = tpu.vector_load %arg16[%swap3A_664, %swap3A_665] {strides = array<i32>} : memref<32x64xf32, #tpu.memory_space<vmem>>, vector<16xf32>,
    tpu.vector_store %arg16[%swap3A_664, %swap3A_665], %add3A_662 {strides = array<i32>} : memref<32x64xf32, #tpu.memory_space<vmem>>, vector<16xf32>,
    %add3A_667 = arith.addf %get3A_30, %get3A_78 : vector<16xf32>
    %swap3A_668 = arith.constant 20 : i32
    %swap3A_669 = arith.index_cast %swap3A_668 : i32 to index
    %swap3A_670 = arith.constant 16 : index
    %swap3A_671 = tpu.vector_load %arg16[%swap3A_669, %swap3A_670] {strides = array<i32>} : memref<32x64xf32, #tpu.memory_space<vmem>>, vector<16xf32>,
    tpu.vector_store %arg16[%swap3A_669, %swap3A_670], %add3A_667 {strides = array<i32>} : memref<32x64xf32, #tpu.memory_space<vmem>>, vector<16xf32>,
    %add3A_672 = arith.addf %get3A_34, %get3A_82 : vector<16xf32>
    %swap3A_673 = arith.constant 20 : i32
    %swap3A_674 = arith.index_cast %swap3A_673 : i32 to index
    %swap3A_675 = arith.constant 32 : index
    %swap3A_676 = tpu.vector_load %arg16[%swap3A_674, %swap3A_675] {strides = array<i32>} : memref<32x64xf32, #tpu.memory_space<vmem>>, vector<16xf32>,
    tpu.vector_store %arg16[%swap3A_674, %swap3A_675], %add3A_672 {strides = array<i32>} : memref<32x64xf32, #tpu.memory_space<vmem>>, vector<16xf32>,
    %add3A_677 = arith.addf %get3A_38, %get3A_86 : vector<16xf32>
    %swap3A_678 = arith.constant 20 : i32
    %swap3A_679 = arith.index_cast %swap3A_678 : i32 to index
    %swap3A_680 = arith.constant 48 : index
    %swap3A_681 = tpu.vector_load %arg16[%swap3A_679, %swap3A_680] {strides = array<i32>} : memref<32x64xf32, #tpu.memory_space<vmem>>, vector<16xf32>,
    tpu.vector_store %arg16[%swap3A_679, %swap3A_680], %add3A_677 {strides = array<i32>} : memref<32x64xf32, #tpu.memory_space<vmem>>, vector<16xf32>,
    %add3A_682 = arith.addf %get3A_26, %get3A_90 : vector<16xf32>
    %swap3A_683 = arith.constant 21 : i32
    %swap3A_684 = arith.index_cast %swap3A_683 : i32 to index
    %swap3A_685 = arith.constant 0 : index
    %swap3A_686 = tpu.vector_load %arg16[%swap3A_684, %swap3A_685] {strides = array<i32>} : memref<32x64xf32, #tpu.memory_space<vmem>>, vector<16xf32>,
    tpu.vector_store %arg16[%swap3A_684, %swap3A_685], %add3A_682 {strides = array<i32>} : memref<32x64xf32, #tpu.memory_space<vmem>>, vector<16xf32>,
    %add3A_687 = arith.addf %get3A_30, %get3A_94 : vector<16xf32>
    %swap3A_688 = arith.constant 21 : i32
    %swap3A_689 = arith.index_cast %swap3A_688 : i32 to index
    %swap3A_690 = arith.constant 16 : index
    %swap3A_691 = tpu.vector_load %arg16[%swap3A_689, %swap3A_690] {strides = array<i32>} : memref<32x64xf32, #tpu.memory_space<vmem>>, vector<16xf32>,
    tpu.vector_store %arg16[%swap3A_689, %swap3A_690], %add3A_687 {strides = array<i32>} : memref<32x64xf32, #tpu.memory_space<vmem>>, vector<16xf32>,
    %add3A_692 = arith.addf %get3A_34, %get3A_98 : vector<16xf32>
    %swap3A_693 = arith.constant 21 : i32
    %swap3A_694 = arith.index_cast %swap3A_693 : i32 to index
    %swap3A_695 = arith.constant 32 : index
    %swap3A_696 = tpu.vector_load %arg16[%swap3A_694, %swap3A_695] {strides = array<i32>} : memref<32x64xf32, #tpu.memory_space<vmem>>, vector<16xf32>,
    tpu.vector_store %arg16[%swap3A_694, %swap3A_695], %add3A_692 {strides = array<i32>} : memref<32x64xf32, #tpu.memory_space<vmem>>, vector<16xf32>,
    %add3A_697 = arith.addf %get3A_38, %get3A_102 : vector<16xf32>
    %swap3A_698 = arith.constant 21 : i32
    %swap3A_699 = arith.index_cast %swap3A_698 : i32 to index
    %swap3A_700 = arith.constant 48 : index
    %swap3A_701 = tpu.vector_load %arg16[%swap3A_699, %swap3A_700] {strides = array<i32>} : memref<32x64xf32, #tpu.memory_space<vmem>>, vector<16xf32>,
    tpu.vector_store %arg16[%swap3A_699, %swap3A_700], %add3A_697 {strides = array<i32>} : memref<32x64xf32, #tpu.memory_space<vmem>>, vector<16xf32>,
    %add3A_702 = arith.addf %get3A_26, %get3A_106 : vector<16xf32>
    %swap3A_703 = arith.constant 22 : i32
    %swap3A_704 = arith.index_cast %swap3A_703 : i32 to index
    %swap3A_705 = arith.constant 0 : index
    %swap3A_706 = tpu.vector_load %arg16[%swap3A_704, %swap3A_705] {strides = array<i32>} : memref<32x64xf32, #tpu.memory_space<vmem>>, vector<16xf32>,
    tpu.vector_store %arg16[%swap3A_704, %swap3A_705], %add3A_702 {strides = array<i32>} : memref<32x64xf32, #tpu.memory_space<vmem>>, vector<16xf32>,
    %add3A_707 = arith.addf %get3A_30, %get3A_110 : vector<16xf32>
    %swap3A_708 = arith.constant 22 : i32
    %swap3A_709 = arith.index_cast %swap3A_708 : i32 to index
    %swap3A_710 = arith.constant 16 : index
    %swap3A_711 = tpu.vector_load %arg16[%swap3A_709, %swap3A_710] {strides = array<i32>} : memref<32x64xf32, #tpu.memory_space<vmem>>, vector<16xf32>,
    tpu.vector_store %arg16[%swap3A_709, %swap3A_710], %add3A_707 {strides = array<i32>} : memref<32x64xf32, #tpu.memory_space<vmem>>, vector<16xf32>,
    %add3A_712 = arith.addf %get3A_34, %get3A_114 : vector<16xf32>
    %swap3A_713 = arith.constant 22 : i32
    %swap3A_714 = arith.index_cast %swap3A_713 : i32 to index
    %swap3A_715 = arith.constant 32 : index
    %swap3A_716 = tpu.vector_load %arg16[%swap3A_714, %swap3A_715] {strides = array<i32>} : memref<32x64xf32, #tpu.memory_space<vmem>>, vector<16xf32>,
    tpu.vector_store %arg16[%swap3A_714, %swap3A_715], %add3A_712 {strides = array<i32>} : memref<32x64xf32, #tpu.memory_space<vmem>>, vector<16xf32>,
    %add3A_717 = arith.addf %get3A_38, %get3A_118 : vector<16xf32>
    %swap3A_718 = arith.constant 22 : i32
    %swap3A_719 = arith.index_cast %swap3A_718 : i32 to index
    %swap3A_720 = arith.constant 48 : index
    %swap3A_721 = tpu.vector_load %arg16[%swap3A_719, %swap3A_720] {strides = array<i32>} : memref<32x64xf32, #tpu.memory_space<vmem>>, vector<16xf32>,
    tpu.vector_store %arg16[%swap3A_719, %swap3A_720], %add3A_717 {strides = array<i32>} : memref<32x64xf32, #tpu.memory_space<vmem>>, vector<16xf32>,
    %add3A_722 = arith.addf %get3A_26, %get3A_122 : vector<16xf32>
    %swap3A_723 = arith.constant 23 : i32
    %swap3A_724 = arith.index_cast %swap3A_723 : i32 to index
    %swap3A_725 = arith.constant 0 : index
    %swap3A_726 = tpu.vector_load %arg16[%swap3A_724, %swap3A_725] {strides = array<i32>} : memref<32x64xf32, #tpu.memory_space<vmem>>, vector<16xf32>,
    tpu.vector_store %arg16[%swap3A_724, %swap3A_725], %add3A_722 {strides = array<i32>} : memref<32x64xf32, #tpu.memory_space<vmem>>, vector<16xf32>,
    %add3A_727 = arith.addf %get3A_30, %get3A_126 : vector<16xf32>
    %swap3A_728 = arith.constant 23 : i32
    %swap3A_729 = arith.index_cast %swap3A_728 : i32 to index
    %swap3A_730 = arith.constant 16 : index
    %swap3A_731 = tpu.vector_load %arg16[%swap3A_729, %swap3A_730] {strides = array<i32>} : memref<32x64xf32, #tpu.memory_space<vmem>>, vector<16xf32>,
    tpu.vector_store %arg16[%swap3A_729, %swap3A_730], %add3A_727 {strides = array<i32>} : memref<32x64xf32, #tpu.memory_space<vmem>>, vector<16xf32>,
    %add3A_732 = arith.addf %get3A_34, %get3A_130 : vector<16xf32>
    %swap3A_733 = arith.constant 23 : i32
    %swap3A_734 = arith.index_cast %swap3A_733 : i32 to index
    %swap3A_735 = arith.constant 32 : index
    %swap3A_736 = tpu.vector_load %arg16[%swap3A_734, %swap3A_735] {strides = array<i32>} : memref<32x64xf32, #tpu.memory_space<vmem>>, vector<16xf32>,
    tpu.vector_store %arg16[%swap3A_734, %swap3A_735], %add3A_732 {strides = array<i32>} : memref<32x64xf32, #tpu.memory_space<vmem>>, vector<16xf32>,
    %add3A_737 = arith.addf %get3A_38, %get3A_134 : vector<16xf32>
    %swap3A_738 = arith.constant 23 : i32
    %swap3A_739 = arith.index_cast %swap3A_738 : i32 to index
    %swap3A_740 = arith.constant 48 : index
    %swap3A_741 = tpu.vector_load %arg16[%swap3A_739, %swap3A_740] {strides = array<i32>} : memref<32x64xf32, #tpu.memory_space<vmem>>, vector<16xf32>,
    tpu.vector_store %arg16[%swap3A_739, %swap3A_740], %add3A_737 {strides = array<i32>} : memref<32x64xf32, #tpu.memory_space<vmem>>, vector<16xf32>,
    %add3A_742 = arith.addf %get3A_26, %get3A_138 : vector<16xf32>
    %swap3A_743 = arith.constant 24 : i32
    %swap3A_744 = arith.index_cast %swap3A_743 : i32 to index
    %swap3A_745 = arith.constant 0 : index
    %swap3A_746 = tpu.vector_load %arg16[%swap3A_744, %swap3A_745] {strides = array<i32>} : memref<32x64xf32, #tpu.memory_space<vmem>>, vector<16xf32>,
    tpu.vector_store %arg16[%swap3A_744, %swap3A_745], %add3A_742 {strides = array<i32>} : memref<32x64xf32, #tpu.memory_space<vmem>>, vector<16xf32>,
    %add3A_747 = arith.addf %get3A_30, %get3A_142 : vector<16xf32>
    %swap3A_748 = arith.constant 24 : i32
    %swap3A_749 = arith.index_cast %swap3A_748 : i32 to index
    %swap3A_750 = arith.constant 16 : index
    %swap3A_751 = tpu.vector_load %arg16[%swap3A_749, %swap3A_750] {strides = array<i32>} : memref<32x64xf32, #tpu.memory_space<vmem>>, vector<16xf32>,
    tpu.vector_store %arg16[%swap3A_749, %swap3A_750], %add3A_747 {strides = array<i32>} : memref<32x64xf32, #tpu.memory_space<vmem>>, vector<16xf32>,
    %add3A_752 = arith.addf %get3A_34, %get3A_146 : vector<16xf32>
    %swap3A_753 = arith.constant 24 : i32
    %swap3A_754 = arith.index_cast %swap3A_753 : i32 to index
    %swap3A_755 = arith.constant 32 : index
    %swap3A_756 = tpu.vector_load %arg16[%swap3A_754, %swap3A_755] {strides = array<i32>} : memref<32x64xf32, #tpu.memory_space<vmem>>, vector<16xf32>,
    tpu.vector_store %arg16[%swap3A_754, %swap3A_755], %add3A_752 {strides = array<i32>} : memref<32x64xf32, #tpu.memory_space<vmem>>, vector<16xf32>,
    %add3A_757 = arith.addf %get3A_38, %get3A_150 : vector<16xf32>
    %swap3A_758 = arith.constant 24 : i32
    %swap3A_759 = arith.index_cast %swap3A_758 : i32 to index
    %swap3A_760 = arith.constant 48 : index
    %swap3A_761 = tpu.vector_load %arg16[%swap3A_759, %swap3A_760] {strides = array<i32>} : memref<32x64xf32, #tpu.memory_space<vmem>>, vector<16xf32>,
    tpu.vector_store %arg16[%swap3A_759, %swap3A_760], %add3A_757 {strides = array<i32>} : memref<32x64xf32, #tpu.memory_space<vmem>>, vector<16xf32>,
    %add3A_762 = arith.addf %get3A_26, %get3A_154 : vector<16xf32>
    %swap3A_763 = arith.constant 25 : i32
    %swap3A_764 = arith.index_cast %swap3A_763 : i32 to index
    %swap3A_765 = arith.constant 0 : index
    %swap3A_766 = tpu.vector_load %arg16[%swap3A_764, %swap3A_765] {strides = array<i32>} : memref<32x64xf32, #tpu.memory_space<vmem>>, vector<16xf32>,
    tpu.vector_store %arg16[%swap3A_764, %swap3A_765], %add3A_762 {strides = array<i32>} : memref<32x64xf32, #tpu.memory_space<vmem>>, vector<16xf32>,
    %add3A_767 = arith.addf %get3A_30, %get3A_158 : vector<16xf32>
    %swap3A_768 = arith.constant 25 : i32
    %swap3A_769 = arith.index_cast %swap3A_768 : i32 to index
    %swap3A_770 = arith.constant 16 : index
    %swap3A_771 = tpu.vector_load %arg16[%swap3A_769, %swap3A_770] {strides = array<i32>} : memref<32x64xf32, #tpu.memory_space<vmem>>, vector<16xf32>,
    tpu.vector_store %arg16[%swap3A_769, %swap3A_770], %add3A_767 {strides = array<i32>} : memref<32x64xf32, #tpu.memory_space<vmem>>, vector<16xf32>,
    %add3A_772 = arith.addf %get3A_34, %get3A_162 : vector<16xf32>
    %swap3A_773 = arith.constant 25 : i32
    %swap3A_774 = arith.index_cast %swap3A_773 : i32 to index
    %swap3A_775 = arith.constant 32 : index
    %swap3A_776 = tpu.vector_load %arg16[%swap3A_774, %swap3A_775] {strides = array<i32>} : memref<32x64xf32, #tpu.memory_space<vmem>>, vector<16xf32>,
    tpu.vector_store %arg16[%swap3A_774, %swap3A_775], %add3A_772 {strides = array<i32>} : memref<32x64xf32, #tpu.memory_space<vmem>>, vector<16xf32>,
    %add3A_777 = arith.addf %get3A_38, %get3A_166 : vector<16xf32>
    %swap3A_778 = arith.constant 25 : i32
    %swap3A_779 = arith.index_cast %swap3A_778 : i32 to index
    %swap3A_780 = arith.constant 48 : index
    %swap3A_781 = tpu.vector_load %arg16[%swap3A_779, %swap3A_780] {strides = array<i32>} : memref<32x64xf32, #tpu.memory_space<vmem>>, vector<16xf32>,
    tpu.vector_store %arg16[%swap3A_779, %swap3A_780], %add3A_777 {strides = array<i32>} : memref<32x64xf32, #tpu.memory_space<vmem>>, vector<16xf32>,
    %add3A_782 = arith.addf %get3A_26, %get3A_170 : vector<16xf32>
    %swap3A_783 = arith.constant 26 : i32
    %swap3A_784 = arith.index_cast %swap3A_783 : i32 to index
    %swap3A_785 = arith.constant 0 : index
    %swap3A_786 = tpu.vector_load %arg16[%swap3A_784, %swap3A_785] {strides = array<i32>} : memref<32x64xf32, #tpu.memory_space<vmem>>, vector<16xf32>,
    tpu.vector_store %arg16[%swap3A_784, %swap3A_785], %add3A_782 {strides = array<i32>} : memref<32x64xf32, #tpu.memory_space<vmem>>, vector<16xf32>,
    %add3A_787 = arith.addf %get3A_30, %get3A_174 : vector<16xf32>
    %swap3A_788 = arith.constant 26 : i32
    %swap3A_789 = arith.index_cast %swap3A_788 : i32 to index
    %swap3A_790 = arith.constant 16 : index
    %swap3A_791 = tpu.vector_load %arg16[%swap3A_789, %swap3A_790] {strides = array<i32>} : memref<32x64xf32, #tpu.memory_space<vmem>>, vector<16xf32>,
    tpu.vector_store %arg16[%swap3A_789, %swap3A_790], %add3A_787 {strides = array<i32>} : memref<32x64xf32, #tpu.memory_space<vmem>>, vector<16xf32>,
    %add3A_792 = arith.addf %get3A_34, %get3A_178 : vector<16xf32>
    %swap3A_793 = arith.constant 26 : i32
    %swap3A_794 = arith.index_cast %swap3A_793 : i32 to index
    %swap3A_795 = arith.constant 32 : index
    %swap3A_796 = tpu.vector_load %arg16[%swap3A_794, %swap3A_795] {strides = array<i32>} : memref<32x64xf32, #tpu.memory_space<vmem>>, vector<16xf32>,
    tpu.vector_store %arg16[%swap3A_794, %swap3A_795], %add3A_792 {strides = array<i32>} : memref<32x64xf32, #tpu.memory_space<vmem>>, vector<16xf32>,
    %add3A_797 = arith.addf %get3A_38, %get3A_182 : vector<16xf32>
    %swap3A_798 = arith.constant 26 : i32
    %swap3A_799 = arith.index_cast %swap3A_798 : i32 to index
    %swap3A_800 = arith.constant 48 : index
    %swap3A_801 = tpu.vector_load %arg16[%swap3A_799, %swap3A_800] {strides = array<i32>} : memref<32x64xf32, #tpu.memory_space<vmem>>, vector<16xf32>,
    tpu.vector_store %arg16[%swap3A_799, %swap3A_800], %add3A_797 {strides = array<i32>} : memref<32x64xf32, #tpu.memory_space<vmem>>, vector<16xf32>,
    %add3A_802 = arith.addf %get3A_26, %get3A_186 : vector<16xf32>
    %swap3A_803 = arith.constant 27 : i32
    %swap3A_804 = arith.index_cast %swap3A_803 : i32 to index
    %swap3A_805 = arith.constant 0 : index
    %swap3A_806 = tpu.vector_load %arg16[%swap3A_804, %swap3A_805] {strides = array<i32>} : memref<32x64xf32, #tpu.memory_space<vmem>>, vector<16xf32>,
    tpu.vector_store %arg16[%swap3A_804, %swap3A_805], %add3A_802 {strides = array<i32>} : memref<32x64xf32, #tpu.memory_space<vmem>>, vector<16xf32>,
    %add3A_807 = arith.addf %get3A_30, %get3A_190 : vector<16xf32>
    %swap3A_808 = arith.constant 27 : i32
    %swap3A_809 = arith.index_cast %swap3A_808 : i32 to index
    %swap3A_810 = arith.constant 16 : index
    %swap3A_811 = tpu.vector_load %arg16[%swap3A_809, %swap3A_810] {strides = array<i32>} : memref<32x64xf32, #tpu.memory_space<vmem>>, vector<16xf32>,
    tpu.vector_store %arg16[%swap3A_809, %swap3A_810], %add3A_807 {strides = array<i32>} : memref<32x64xf32, #tpu.memory_space<vmem>>, vector<16xf32>,
    %add3A_812 = arith.addf %get3A_34, %get3A_194 : vector<16xf32>
    %swap3A_813 = arith.constant 27 : i32
    %swap3A_814 = arith.index_cast %swap3A_813 : i32 to index
    %swap3A_815 = arith.constant 32 : index
    %swap3A_816 = tpu.vector_load %arg16[%swap3A_814, %swap3A_815] {strides = array<i32>} : memref<32x64xf32, #tpu.memory_space<vmem>>, vector<16xf32>,
    tpu.vector_store %arg16[%swap3A_814, %swap3A_815], %add3A_812 {strides = array<i32>} : memref<32x64xf32, #tpu.memory_space<vmem>>, vector<16xf32>,
    %add3A_817 = arith.addf %get3A_38, %get3A_198 : vector<16xf32>
    %swap3A_818 = arith.constant 27 : i32
    %swap3A_819 = arith.index_cast %swap3A_818 : i32 to index
    %swap3A_820 = arith.constant 48 : index
    %swap3A_821 = tpu.vector_load %arg16[%swap3A_819, %swap3A_820] {strides = array<i32>} : memref<32x64xf32, #tpu.memory_space<vmem>>, vector<16xf32>,
    tpu.vector_store %arg16[%swap3A_819, %swap3A_820], %add3A_817 {strides = array<i32>} : memref<32x64xf32, #tpu.memory_space<vmem>>, vector<16xf32>,
    %add3A_822 = arith.addf %get3A_26, %get3A_202 : vector<16xf32>
    %swap3A_823 = arith.constant 28 : i32
    %swap3A_824 = arith.index_cast %swap3A_823 : i32 to index
    %swap3A_825 = arith.constant 0 : index
    %swap3A_826 = tpu.vector_load %arg16[%swap3A_824, %swap3A_825] {strides = array<i32>} : memref<32x64xf32, #tpu.memory_space<vmem>>, vector<16xf32>,
    tpu.vector_store %arg16[%swap3A_824, %swap3A_825], %add3A_822 {strides = array<i32>} : memref<32x64xf32, #tpu.memory_space<vmem>>, vector<16xf32>,
    %add3A_827 = arith.addf %get3A_30, %get3A_206 : vector<16xf32>
    %swap3A_828 = arith.constant 28 : i32
    %swap3A_829 = arith.index_cast %swap3A_828 : i32 to index
    %swap3A_830 = arith.constant 16 : index
    %swap3A_831 = tpu.vector_load %arg16[%swap3A_829, %swap3A_830] {strides = array<i32>} : memref<32x64xf32, #tpu.memory_space<vmem>>, vector<16xf32>,
    tpu.vector_store %arg16[%swap3A_829, %swap3A_830], %add3A_827 {strides = array<i32>} : memref<32x64xf32, #tpu.memory_space<vmem>>, vector<16xf32>,
    %add3A_832 = arith.addf %get3A_34, %get3A_210 : vector<16xf32>
    %swap3A_833 = arith.constant 28 : i32
    %swap3A_834 = arith.index_cast %swap3A_833 : i32 to index
    %swap3A_835 = arith.constant 32 : index
    %swap3A_836 = tpu.vector_load %arg16[%swap3A_834, %swap3A_835] {strides = array<i32>} : memref<32x64xf32, #tpu.memory_space<vmem>>, vector<16xf32>,
    tpu.vector_store %arg16[%swap3A_834, %swap3A_835], %add3A_832 {strides = array<i32>} : memref<32x64xf32, #tpu.memory_space<vmem>>, vector<16xf32>,
    %add3A_837 = arith.addf %get3A_38, %get3A_214 : vector<16xf32>
    %swap3A_838 = arith.constant 28 : i32
    %swap3A_839 = arith.index_cast %swap3A_838 : i32 to index
    %swap3A_840 = arith.constant 48 : index
    %swap3A_841 = tpu.vector_load %arg16[%swap3A_839, %swap3A_840] {strides = array<i32>} : memref<32x64xf32, #tpu.memory_space<vmem>>, vector<16xf32>,
    tpu.vector_store %arg16[%swap3A_839, %swap3A_840], %add3A_837 {strides = array<i32>} : memref<32x64xf32, #tpu.memory_space<vmem>>, vector<16xf32>,
    %add3A_842 = arith.addf %get3A_26, %get3A_218 : vector<16xf32>
    %swap3A_843 = arith.constant 29 : i32
    %swap3A_844 = arith.index_cast %swap3A_843 : i32 to index
    %swap3A_845 = arith.constant 0 : index
    %swap3A_846 = tpu.vector_load %arg16[%swap3A_844, %swap3A_845] {strides = array<i32>} : memref<32x64xf32, #tpu.memory_space<vmem>>, vector<16xf32>,
    tpu.vector_store %arg16[%swap3A_844, %swap3A_845], %add3A_842 {strides = array<i32>} : memref<32x64xf32, #tpu.memory_space<vmem>>, vector<16xf32>,
    %add3A_847 = arith.addf %get3A_30, %get3A_222 : vector<16xf32>
    %swap3A_848 = arith.constant 29 : i32
    %swap3A_849 = arith.index_cast %swap3A_848 : i32 to index
    %swap3A_850 = arith.constant 16 : index
    %swap3A_851 = tpu.vector_load %arg16[%swap3A_849, %swap3A_850] {strides = array<i32>} : memref<32x64xf32, #tpu.memory_space<vmem>>, vector<16xf32>,
    tpu.vector_store %arg16[%swap3A_849, %swap3A_850], %add3A_847 {strides = array<i32>} : memref<32x64xf32, #tpu.memory_space<vmem>>, vector<16xf32>,
    %add3A_852 = arith.addf %get3A_34, %get3A_226 : vector<16xf32>
    %swap3A_853 = arith.constant 29 : i32
    %swap3A_854 = arith.index_cast %swap3A_853 : i32 to index
    %swap3A_855 = arith.constant 32 : index
    %swap3A_856 = tpu.vector_load %arg16[%swap3A_854, %swap3A_855] {strides = array<i32>} : memref<32x64xf32, #tpu.memory_space<vmem>>, vector<16xf32>,
    tpu.vector_store %arg16[%swap3A_854, %swap3A_855], %add3A_852 {strides = array<i32>} : memref<32x64xf32, #tpu.memory_space<vmem>>, vector<16xf32>,
    %add3A_857 = arith.addf %get3A_38, %get3A_230 : vector<16xf32>
    %swap3A_858 = arith.constant 29 : i32
    %swap3A_859 = arith.index_cast %swap3A_858 : i32 to index
    %swap3A_860 = arith.constant 48 : index
    %swap3A_861 = tpu.vector_load %arg16[%swap3A_859, %swap3A_860] {strides = array<i32>} : memref<32x64xf32, #tpu.memory_space<vmem>>, vector<16xf32>,
    tpu.vector_store %arg16[%swap3A_859, %swap3A_860], %add3A_857 {strides = array<i32>} : memref<32x64xf32, #tpu.memory_space<vmem>>, vector<16xf32>,
    %add3A_862 = arith.addf %get3A_26, %get3A_234 : vector<16xf32>
    %swap3A_863 = arith.constant 30 : i32
    %swap3A_864 = arith.index_cast %swap3A_863 : i32 to index
    %swap3A_865 = arith.constant 0 : index
    %swap3A_866 = tpu.vector_load %arg16[%swap3A_864, %swap3A_865] {strides = array<i32>} : memref<32x64xf32, #tpu.memory_space<vmem>>, vector<16xf32>,
    tpu.vector_store %arg16[%swap3A_864, %swap3A_865], %add3A_862 {strides = array<i32>} : memref<32x64xf32, #tpu.memory_space<vmem>>, vector<16xf32>,
    %add3A_867 = arith.addf %get3A_30, %get3A_238 : vector<16xf32>
    %swap3A_868 = arith.constant 30 : i32
    %swap3A_869 = arith.index_cast %swap3A_868 : i32 to index
    %swap3A_870 = arith.constant 16 : index
    %swap3A_871 = tpu.vector_load %arg16[%swap3A_869, %swap3A_870] {strides = array<i32>} : memref<32x64xf32, #tpu.memory_space<vmem>>, vector<16xf32>,
    tpu.vector_store %arg16[%swap3A_869, %swap3A_870], %add3A_867 {strides = array<i32>} : memref<32x64xf32, #tpu.memory_space<vmem>>, vector<16xf32>,
    %add3A_872 = arith.addf %get3A_34, %get3A_242 : vector<16xf32>
    %swap3A_873 = arith.constant 30 : i32
    %swap3A_874 = arith.index_cast %swap3A_873 : i32 to index
    %swap3A_875 = arith.constant 32 : index
    %swap3A_876 = tpu.vector_load %arg16[%swap3A_874, %swap3A_875] {strides = array<i32>} : memref<32x64xf32, #tpu.memory_space<vmem>>, vector<16xf32>,
    tpu.vector_store %arg16[%swap3A_874, %swap3A_875], %add3A_872 {strides = array<i32>} : memref<32x64xf32, #tpu.memory_space<vmem>>, vector<16xf32>,
    %add3A_877 = arith.addf %get3A_38, %get3A_246 : vector<16xf32>
    %swap3A_878 = arith.constant 30 : i32
    %swap3A_879 = arith.index_cast %swap3A_878 : i32 to index
    %swap3A_880 = arith.constant 48 : index
    %swap3A_881 = tpu.vector_load %arg16[%swap3A_879, %swap3A_880] {strides = array<i32>} : memref<32x64xf32, #tpu.memory_space<vmem>>, vector<16xf32>,
    tpu.vector_store %arg16[%swap3A_879, %swap3A_880], %add3A_877 {strides = array<i32>} : memref<32x64xf32, #tpu.memory_space<vmem>>, vector<16xf32>,
    %add3A_882 = arith.addf %get3A_26, %get3A_250 : vector<16xf32>
    %swap3A_883 = arith.constant 31 : i32
    %swap3A_884 = arith.index_cast %swap3A_883 : i32 to index
    %swap3A_885 = arith.constant 0 : index
    %swap3A_886 = tpu.vector_load %arg16[%swap3A_884, %swap3A_885] {strides = array<i32>} : memref<32x64xf32, #tpu.memory_space<vmem>>, vector<16xf32>,
    tpu.vector_store %arg16[%swap3A_884, %swap3A_885], %add3A_882 {strides = array<i32>} : memref<32x64xf32, #tpu.memory_space<vmem>>, vector<16xf32>,
    %add3A_887 = arith.addf %get3A_30, %get3A_254 : vector<16xf32>
    %swap3A_888 = arith.constant 31 : i32
    %swap3A_889 = arith.index_cast %swap3A_888 : i32 to index
    %swap3A_890 = arith.constant 16 : index
    %swap3A_891 = tpu.vector_load %arg16[%swap3A_889, %swap3A_890] {strides = array<i32>} : memref<32x64xf32, #tpu.memory_space<vmem>>, vector<16xf32>,
    tpu.vector_store %arg16[%swap3A_889, %swap3A_890], %add3A_887 {strides = array<i32>} : memref<32x64xf32, #tpu.memory_space<vmem>>, vector<16xf32>,
    %add3A_892 = arith.addf %get3A_34, %get3A_258 : vector<16xf32>
    %swap3A_893 = arith.constant 31 : i32
    %swap3A_894 = arith.index_cast %swap3A_893 : i32 to index
    %swap3A_895 = arith.constant 32 : index
    %swap3A_896 = tpu.vector_load %arg16[%swap3A_894, %swap3A_895] {strides = array<i32>} : memref<32x64xf32, #tpu.memory_space<vmem>>, vector<16xf32>,
    tpu.vector_store %arg16[%swap3A_894, %swap3A_895], %add3A_892 {strides = array<i32>} : memref<32x64xf32, #tpu.memory_space<vmem>>, vector<16xf32>,
    %add3A_897 = arith.addf %get3A_38, %get3A_262 : vector<16xf32>
    %swap3A_898 = arith.constant 31 : i32
    %swap3A_899 = arith.index_cast %swap3A_898 : i32 to index
    %swap3A_900 = arith.constant 48 : index
    %swap3A_901 = tpu.vector_load %arg16[%swap3A_899, %swap3A_900] {strides = array<i32>} : memref<32x64xf32, #tpu.memory_space<vmem>>, vector<16xf32>,
    tpu.vector_store %arg16[%swap3A_899, %swap3A_900], %add3A_897 {strides = array<i32>} : memref<32x64xf32, #tpu.memory_space<vmem>>, vector<16xf32>,
    %get3A_902 = arith.constant 0 : index
    %get3A_903 = tpu.vector_load %arg17[%get3A_902] {strides = array<i32>} : memref<64xf32, #tpu.memory_space<vmem>>, vector<16xf32>,
    %get3A_904 = arith.constant 16 : index
    %get3A_905 = tpu.vector_load %arg17[%get3A_904] {strides = array<i32>} : memref<64xf32, #tpu.memory_space<vmem>>, vector<16xf32>,
    %get3A_906 = arith.constant 32 : index
    %get3A_907 = tpu.vector_load %arg17[%get3A_906] {strides = array<i32>} : memref<64xf32, #tpu.memory_space<vmem>>, vector<16xf32>,
    %get3A_908 = arith.constant 48 : index
    %get3A_909 = tpu.vector_load %arg17[%get3A_908] {strides = array<i32>} : memref<64xf32, #tpu.memory_space<vmem>>, vector<16xf32>,
    %get3A_910 = arith.constant 0 : index
    %get3A_911 = tpu.vector_load %arg18[%get3A_910] {strides = array<i32>} : memref<64xf32, #tpu.memory_space<vmem>>, vector<16xf32>,
    %get3A_912 = arith.constant 16 : index
    %get3A_913 = tpu.vector_load %arg18[%get3A_912] {strides = array<i32>} : memref<64xf32, #tpu.memory_space<vmem>>, vector<16xf32>,
    %get3A_914 = arith.constant 32 : index
    %get3A_915 = tpu.vector_load %arg18[%get3A_914] {strides = array<i32>} : memref<64xf32, #tpu.memory_space<vmem>>, vector<16xf32>,
    %get3A_916 = arith.constant 48 : index
    %get3A_917 = tpu.vector_load %arg18[%get3A_916] {strides = array<i32>} : memref<64xf32, #tpu.memory_space<vmem>>, vector<16xf32>,
    %iota3A = tpu.iota {dimensions = array<i32: 0>} : vector<16xi32>
    %add3A_918 = arith.constant 0 : i32
    %add3A_919 = vector.broadcast %add3A_918 : i32 to vector<16xi32>
    %add3A_920 = arith.addi %iota3A, %add3A_919 : vector<16xi32>
    %iota3A_921 = tpu.iota {dimensions = array<i32: 0>} : vector<16xi32>
    %add3A_922 = arith.constant 16 : i32
    %add3A_923 = vector.broadcast %add3A_922 : i32 to vector<16xi32>
    %add3A_924 = arith.addi %iota3A_921, %add3A_923 : vector<16xi32>
    %iota3A_925 = tpu.iota {dimensions = array<i32: 0>} : vector<16xi32>
    %add3A_926 = arith.constant 32 : i32
    %add3A_927 = vector.broadcast %add3A_926 : i32 to vector<16xi32>
    %add3A_928 = arith.addi %iota3A_925, %add3A_927 : vector<16xi32>
    %iota3A_929 = tpu.iota {dimensions = array<i32: 0>} : vector<16xi32>
    %add3A_930 = arith.constant 48 : i32
    %add3A_931 = vector.broadcast %add3A_930 : i32 to vector<16xi32>
    %add3A_932 = arith.addi %iota3A_929, %add3A_931 : vector<16xi32>
    %iota3A_933 = tpu.iota {dimensions = array<i32: 0>} : vector<16xi32>
    %and3A = arith.constant 7 : i32
    %and3A_934 = vector.broadcast %and3A : i32 to vector<16xi32>
    %and3A_935 = arith.andi %iota3A_933, %and3A_934 : vector<16xi32>
    %broadcast_in_dim3A = arith.constant 0 : i32
    %broadcast_in_dim3A_936 = vector.broadcast %broadcast_in_dim3A : i32 to vector<16xi32>
    %broadcast_in_dim3A_937 = arith.constant 1 : i32
    %broadcast_in_dim3A_938 = vector.broadcast %broadcast_in_dim3A_937 : i32 to vector<16xi32>
    %broadcast_in_dim3A_939 = arith.constant 2 : i32
    %broadcast_in_dim3A_940 = vector.broadcast %broadcast_in_dim3A_939 : i32 to vector<16xi32>
    %broadcast_in_dim3A_941 = arith.constant 3 : i32
    %broadcast_in_dim3A_942 = vector.broadcast %broadcast_in_dim3A_941 : i32 to vector<16xi32>
    %broadcast_in_dim3A_943 = arith.constant 4 : i32
    %broadcast_in_dim3A_944 = vector.broadcast %broadcast_in_dim3A_943 : i32 to vector<16xi32>
    %broadcast_in_dim3A_945 = arith.constant 5 : i32
    %broadcast_in_dim3A_946 = vector.broadcast %broadcast_in_dim3A_945 : i32 to vector<16xi32>
    %broadcast_in_dim3A_947 = arith.constant 6 : i32
    %broadcast_in_dim3A_948 = vector.broadcast %broadcast_in_dim3A_947 : i32 to vector<16xi32>
    %broadcast_in_dim3A_949 = arith.constant 7 : i32
    %broadcast_in_dim3A_950 = vector.broadcast %broadcast_in_dim3A_949 : i32 to vector<16xi32>
    %broadcast_in_dim3A_951 = arith.constant 8 : i32
    %broadcast_in_dim3A_952 = vector.broadcast %broadcast_in_dim3A_951 : i32 to vector<16xi32>
    %broadcast_in_dim3A_953 = arith.constant 9 : i32
    %broadcast_in_dim3A_954 = vector.broadcast %broadcast_in_dim3A_953 : i32 to vector<16xi32>
    %broadcast_in_dim3A_955 = arith.constant 10 : i32
    %broadcast_in_dim3A_956 = vector.broadcast %broadcast_in_dim3A_955 : i32 to vector<16xi32>
    %broadcast_in_dim3A_957 = arith.constant 11 : i32
    %broadcast_in_dim3A_958 = vector.broadcast %broadcast_in_dim3A_957 : i32 to vector<16xi32>
    %broadcast_in_dim3A_959 = arith.constant 12 : i32
    %broadcast_in_dim3A_960 = vector.broadcast %broadcast_in_dim3A_959 : i32 to vector<16xi32>
    %broadcast_in_dim3A_961 = arith.constant 13 : i32
    %broadcast_in_dim3A_962 = vector.broadcast %broadcast_in_dim3A_961 : i32 to vector<16xi32>
    %broadcast_in_dim3A_963 = arith.constant 14 : i32
    %broadcast_in_dim3A_964 = vector.broadcast %broadcast_in_dim3A_963 : i32 to vector<16xi32>
    %broadcast_in_dim3A_965 = arith.constant 15 : i32
    %broadcast_in_dim3A_966 = vector.broadcast %broadcast_in_dim3A_965 : i32 to vector<16xi32>
    %dma_start3A = arith.constant 0 : i32
    %dma_start3A_967 = arith.constant 0 : i32
    %dma_start3A_968 = tpu.memref_slice %arg12[%dma_start3A, %dma_start3A_967] : memref<200x128xf32, #tpu.memory_space<vmem>> -> memref<128x128xf32, #tpu.memory_space<vmem>>
    %dma_start3A_969 = arith.constant 0 : i32
    %dma_start3A_970 = tpu.memref_slice %arg9[%dma_start3A_969] : memref<6400xi32, #tpu.memory_space<vmem>> -> memref<128xi32, #tpu.memory_space<vmem>>
    %dma_start3A_971 = arith.constant 0 : i32
    %dma_start3A_972 = arith.constant 0 : i32
    %dma_start3A_973 = tpu.memref_slice %arg5[%dma_start3A_971, %dma_start3A_972] : memref<512000x128xf32, #tpu.memory_space<hbm>> -> memref<512000x128xf32, #tpu.memory_space<hbm>>
    tpu.enqueue_indirect_dma source(%dma_start3A_973 : memref<512000x128xf32, #tpu.memory_space<hbm>>) target(%dma_start3A_968 : memref<128x128xf32, #tpu.memory_space<vmem>>) offsets(%dma_start3A_970 : memref<128xi32, #tpu.memory_space<vmem>>) semaphore(%arg21 : memref<!tpu.dma_semaphore, #tpu.memory_space<semaphore_mem>>)
    %dma_start3A_974 = arith.constant 128 : i32
    %dma_start3A_975 = arith.constant 0 : i32
    %dma_start3A_976 = tpu.memref_slice %arg12[%dma_start3A_974, %dma_start3A_975] : memref<200x128xf32, #tpu.memory_space<vmem>> -> memref<72x128xf32, #tpu.memory_space<vmem>>
    %dma_start3A_977 = arith.constant 128 : i32
    %dma_start3A_978 = tpu.memref_slice %arg9[%dma_start3A_977] : memref<6400xi32, #tpu.memory_space<vmem>> -> memref<72xi32, #tpu.memory_space<vmem>>
    %dma_start3A_979 = arith.constant 0 : i32
    %dma_start3A_980 = arith.constant 0 : i32
    %dma_start3A_981 = tpu.memref_slice %arg5[%dma_start3A_979, %dma_start3A_980] : memref<512000x128xf32, #tpu.memory_space<hbm>> -> memref<512000x128xf32, #tpu.memory_space<hbm>>
    tpu.enqueue_indirect_dma source(%dma_start3A_981 : memref<512000x128xf32, #tpu.memory_space<hbm>>) target(%dma_start3A_976 : memref<72x128xf32, #tpu.memory_space<vmem>>) offsets(%dma_start3A_978 : memref<72xi32, #tpu.memory_space<vmem>>) semaphore(%arg21 : memref<!tpu.dma_semaphore, #tpu.memory_space<semaphore_mem>>)
    %scan3A_982 = arith.constant 0 : i32
    %scan3A_983 = arith.constant 0 : i32
    %scan3A_984 = arith.constant 16 : i32
    %scan3A_985 = arith.addi %scan3A_983, %scan3A_984 : i32
    %scan3A_986 = arith.constant 1 : i32
    scf.for %scan3A_993 = %scan3A_983 to %scan3A_985 step %scan3A_986  : i32 {
      %mul3A_994 = arith.constant 2 : i32
      %mul3A_995 = arith.muli %mul3A_994, %scan3A_993 : i32
      %mul3A_996 = arith.constant 200 : i32
      %mul3A_997 = arith.muli %mul3A_995, %mul3A_996 : i32
      %add3A_998 = arith.constant 0 : i32
      %add3A_999 = arith.addi %mul3A_997, %add3A_998 : i32
      %mul3A_1000 = arith.constant 200 : i32
      %mul3A_1001 = arith.muli %mul3A_995, %mul3A_1000 : i32
      %add3A_1002 = arith.constant 128 : i32
      %add3A_1003 = arith.addi %mul3A_1001, %add3A_1002 : i32
      %dma_wait3A_1004 = arith.constant 0 : i32
      %dma_wait3A_1005 = arith.constant 0 : i32
      %dma_wait3A_1006 = tpu.memref_slice %arg12[%dma_wait3A_1004, %dma_wait3A_1005] : memref<200x128xf32, #tpu.memory_space<vmem>> -> memref<128x128xf32, #tpu.memory_space<vmem>>
      %dma_wait3A_1007 = tpu.memref_slice %arg9[%add3A_999] : memref<6400xi32, #tpu.memory_space<vmem>> -> memref<128xi32, #tpu.memory_space<vmem>>
      %dma_wait3A_1008 = arith.constant 0 : i32
      %dma_wait3A_1009 = arith.constant 0 : i32
      %dma_wait3A_1010 = tpu.memref_slice %arg5[%dma_wait3A_1008, %dma_wait3A_1009] : memref<512000x128xf32, #tpu.memory_space<hbm>> -> memref<512000x128xf32, #tpu.memory_space<hbm>>
      tpu.wait_indirect_dma semaphore(%arg21 : memref<!tpu.dma_semaphore, #tpu.memory_space<semaphore_mem>>) src(%dma_wait3A_1010 : memref<512000x128xf32, #tpu.memory_space<hbm>>) dst(%dma_wait3A_1006 : memref<128x128xf32, #tpu.memory_space<vmem>>)
      %dma_wait3A_1011 = arith.constant 128 : i32
      %dma_wait3A_1012 = arith.constant 0 : i32
      %dma_wait3A_1013 = tpu.memref_slice %arg12[%dma_wait3A_1011, %dma_wait3A_1012] : memref<200x128xf32, #tpu.memory_space<vmem>> -> memref<72x128xf32, #tpu.memory_space<vmem>>
      %dma_wait3A_1014 = tpu.memref_slice %arg9[%add3A_1003] : memref<6400xi32, #tpu.memory_space<vmem>> -> memref<72xi32, #tpu.memory_space<vmem>>
      %dma_wait3A_1015 = arith.constant 0 : i32
      %dma_wait3A_1016 = arith.constant 0 : i32
      %dma_wait3A_1017 = tpu.memref_slice %arg5[%dma_wait3A_1015, %dma_wait3A_1016] : memref<512000x128xf32, #tpu.memory_space<hbm>> -> memref<512000x128xf32, #tpu.memory_space<hbm>>
      tpu.wait_indirect_dma semaphore(%arg21 : memref<!tpu.dma_semaphore, #tpu.memory_space<semaphore_mem>>) src(%dma_wait3A_1017 : memref<512000x128xf32, #tpu.memory_space<hbm>>) dst(%dma_wait3A_1013 : memref<72x128xf32, #tpu.memory_space<vmem>>)
      %ge3A = arith.constant 1 : i32
      %ge3A_1018 = arith.cmpi sge, %mul3A_995, %ge3A : i32
      %convert_element_type3A = arith.extui %ge3A_1018 : i1 to i32
      %cond3A = arith.constant 0 : i32
      %cond3A_1019 = arith.cmpi ne, %convert_element_type3A, %cond3A : i32
      scf.if %cond3A_1019 {
        %sub3A = arith.constant 1 : i32
        %sub3A_1090 = arith.subi %mul3A_995, %sub3A : i32
        %mul3A_1091 = arith.constant 200 : i32
        %mul3A_1092 = arith.muli %sub3A_1090, %mul3A_1091 : i32
        %add3A_1093 = arith.addi %mul3A_2, %mul3A_1092 : i32
        %dma_wait3A_1094 = arith.constant 0 : i32
        %dma_wait3A_1095 = tpu.memref_slice %arg8[%add3A_1093, %dma_wait3A_1094] : memref<204800x64xf32, #tpu.memory_space<hbm>> -> memref<200x64xf32, #tpu.memory_space<hbm>>
        %dma_wait3A_1096 = arith.constant 0 : i32
        %dma_wait3A_1097 = tpu.memref_slice %arg8[%add3A_1093, %dma_wait3A_1096] : memref<204800x64xf32, #tpu.memory_space<hbm>> -> memref<200x64xf32, #tpu.memory_space<hbm>>
        tpu.wait_dma2 semaphore(%arg22 : memref<!tpu.dma_semaphore, #tpu.memory_space<semaphore_mem>>) src(%arg14 : memref<200x64xf32, #tpu.memory_space<vmem>>) dst(%dma_wait3A_1097 : memref<200x64xf32, #tpu.memory_space<hbm>>)
      } else {
      }
      %add3A_1020 = arith.constant 1 : i32
      %add3A_1021 = arith.addi %mul3A_995, %add3A_1020 : i32
      %lt3A = arith.constant 32 : i32
      %lt3A_1022 = arith.cmpi slt, %add3A_1021, %lt3A : i32
      %convert_element_type3A_1023 = arith.extui %lt3A_1022 : i1 to i32
      %cond3A_1024 = arith.constant 0 : i32
      %cond3A_1025 = arith.cmpi ne, %convert_element_type3A_1023, %cond3A_1024 : i32
      scf.if %cond3A_1025 {
        %add3A_1090 = arith.constant 1 : i32
        %add3A_1091 = arith.addi %mul3A_995, %add3A_1090 : i32
        %mul3A_1092 = arith.constant 200 : i32
        %mul3A_1093 = arith.muli %add3A_1091, %mul3A_1092 : i32
        %add3A_1094 = arith.constant 0 : i32
        %add3A_1095 = arith.addi %mul3A_1093, %add3A_1094 : i32
        %mul3A_1096 = arith.constant 200 : i32
        %mul3A_1097 = arith.muli %add3A_1091, %mul3A_1096 : i32
        %add3A_1098 = arith.constant 128 : i32
        %add3A_1099 = arith.addi %mul3A_1097, %add3A_1098 : i32
        %dma_start3A_1100 = arith.constant 0 : i32
        %dma_start3A_1101 = arith.constant 0 : i32
        %dma_start3A_1102 = tpu.memref_slice %arg13[%dma_start3A_1100, %dma_start3A_1101] : memref<200x128xf32, #tpu.memory_space<vmem>> -> memref<128x128xf32, #tpu.memory_space<vmem>>
        %dma_start3A_1103 = tpu.memref_slice %arg9[%add3A_1095] : memref<6400xi32, #tpu.memory_space<vmem>> -> memref<128xi32, #tpu.memory_space<vmem>>
        %dma_start3A_1104 = arith.constant 0 : i32
        %dma_start3A_1105 = arith.constant 0 : i32
        %dma_start3A_1106 = tpu.memref_slice %arg5[%dma_start3A_1104, %dma_start3A_1105] : memref<512000x128xf32, #tpu.memory_space<hbm>> -> memref<512000x128xf32, #tpu.memory_space<hbm>>
        tpu.enqueue_indirect_dma source(%dma_start3A_1106 : memref<512000x128xf32, #tpu.memory_space<hbm>>) target(%dma_start3A_1102 : memref<128x128xf32, #tpu.memory_space<vmem>>) offsets(%dma_start3A_1103 : memref<128xi32, #tpu.memory_space<vmem>>) semaphore(%arg21 : memref<!tpu.dma_semaphore, #tpu.memory_space<semaphore_mem>>)
        %dma_start3A_1107 = arith.constant 128 : i32
        %dma_start3A_1108 = arith.constant 0 : i32
        %dma_start3A_1109 = tpu.memref_slice %arg13[%dma_start3A_1107, %dma_start3A_1108] : memref<200x128xf32, #tpu.memory_space<vmem>> -> memref<72x128xf32, #tpu.memory_space<vmem>>
        %dma_start3A_1110 = tpu.memref_slice %arg9[%add3A_1099] : memref<6400xi32, #tpu.memory_space<vmem>> -> memref<72xi32, #tpu.memory_space<vmem>>
        %dma_start3A_1111 = arith.constant 0 : i32
        %dma_start3A_1112 = arith.constant 0 : i32
        %dma_start3A_1113 = tpu.memref_slice %arg5[%dma_start3A_1111, %dma_start3A_1112] : memref<512000x128xf32, #tpu.memory_space<hbm>> -> memref<512000x128xf32, #tpu.memory_space<hbm>>
        tpu.enqueue_indirect_dma source(%dma_start3A_1113 : memref<512000x128xf32, #tpu.memory_space<hbm>>) target(%dma_start3A_1109 : memref<72x128xf32, #tpu.memory_space<vmem>>) offsets(%dma_start3A_1110 : memref<72xi32, #tpu.memory_space<vmem>>) semaphore(%arg21 : memref<!tpu.dma_semaphore, #tpu.memory_space<semaphore_mem>>)
      } else {
      }
      %scan3A_1026 = arith.constant 0 : i32
      %scan3A_1027 = arith.constant 0 : i32
      %scan3A_1028 = arith.constant 25 : i32
      %scan3A_1029 = arith.addi %scan3A_1027, %scan3A_1028 : i32
      %scan3A_1030 = arith.constant 1 : i32
      scf.for %scan3A_1090 = %scan3A_1027 to %scan3A_1029 step %scan3A_1030  : i32 {
        %mul3A_1091 = arith.constant 200 : i32
        %mul3A_1092 = arith.muli %mul3A_995, %mul3A_1091 : i32
        %mul3A_1093 = arith.constant 8 : i32
        %mul3A_1094 = arith.muli %scan3A_1090, %mul3A_1093 : i32
        %add3A_1095 = arith.addi %mul3A_1092, %mul3A_1094 : i32
        %get3A_1096 = arith.index_cast %add3A_1095 : i32 to index
        %get3A_1097 = tpu.vector_load %arg11[%get3A_1096] {strides = array<i32>} : memref<6416xi32, #tpu.memory_space<vmem>>, vector<16xi32>,
        %get3A_1098 = arith.index_cast %add3A_1095 : i32 to index
        %get3A_1099 = tpu.vector_load %arg10[%get3A_1098] {strides = array<i32>} : memref<6416xi32, #tpu.memory_space<vmem>>, vector<16xi32>,
        %mul3A_1100 = arith.constant 8 : i32
        %mul3A_1101 = arith.muli %scan3A_1090, %mul3A_1100 : i32
        %add3A_1102 = arith.constant 0 : i32
        %add3A_1103 = arith.addi %mul3A_1101, %add3A_1102 : i32
        %broadcast_in_dim3A_1104 = arith.constant 0 : i32
        %broadcast_in_dim3A_1105 = vector.broadcast %broadcast_in_dim3A_1104 : i32 to vector<16xi32>
        %broadcast_in_dim3A_1106 = vector.shape_cast %broadcast_in_dim3A_1105 : vector<16xi32> to vector<16x1xi32>
        %gather3A = vector.shape_cast %broadcast_in_dim3A_1106 : vector<16x1xi32> to vector<16xi32>
        %gather3A_1107 = tpu.dynamic_gather %get3A_1097[%gather3A] in [0] : vector<16xi32>, vector<16xi32> -> vector<16xi32>
        %broadcast_in_dim3A_1108 = arith.constant 0 : i32
        %broadcast_in_dim3A_1109 = vector.broadcast %broadcast_in_dim3A_1108 : i32 to vector<16xi32>
        %broadcast_in_dim3A_1110 = vector.shape_cast %broadcast_in_dim3A_1109 : vector<16xi32> to vector<16x1xi32>
        %gather3A_1111 = vector.shape_cast %broadcast_in_dim3A_1110 : vector<16x1xi32> to vector<16xi32>
        %gather3A_1112 = tpu.dynamic_gather %get3A_1099[%gather3A_1111] in [0] : vector<16xi32>, vector<16xi32> -> vector<16xi32>
        %broadcast_in_dim3A_1113 = vector.broadcast %add3A_1103 : i32 to vector<16xi32>
        %add3A_1114 = arith.addi %gather3A_1112, %add3A_920 : vector<16xi32>
        %gather3A_1115 = tpu.vector_load_idx %arg12[%broadcast_in_dim3A_1113, %add3A_1114] : memref<200x128xf32, #tpu.memory_space<vmem>>[vector<16xi32>, vector<16xi32>], vector<16xf32>,
        %gather3A_1116 = tpu.vector_load_idx %arg16[%gather3A_1107, %add3A_920] : memref<32x64xf32, #tpu.memory_space<vmem>>[vector<16xi32>, vector<16xi32>], vector<16xf32>,
        %add3A_1117 = arith.addf %gather3A_1115, %gather3A_1116 : vector<16xf32>
        %add3A_1118 = arith.addi %gather3A_1112, %add3A_924 : vector<16xi32>
        %gather3A_1119 = tpu.vector_load_idx %arg12[%broadcast_in_dim3A_1113, %add3A_1118] : memref<200x128xf32, #tpu.memory_space<vmem>>[vector<16xi32>, vector<16xi32>], vector<16xf32>,
        %gather3A_1120 = tpu.vector_load_idx %arg16[%gather3A_1107, %add3A_924] : memref<32x64xf32, #tpu.memory_space<vmem>>[vector<16xi32>, vector<16xi32>], vector<16xf32>,
        %add3A_1121 = arith.addf %gather3A_1119, %gather3A_1120 : vector<16xf32>
        %add3A_1122 = arith.addi %gather3A_1112, %add3A_928 : vector<16xi32>
        %gather3A_1123 = tpu.vector_load_idx %arg12[%broadcast_in_dim3A_1113, %add3A_1122] : memref<200x128xf32, #tpu.memory_space<vmem>>[vector<16xi32>, vector<16xi32>], vector<16xf32>,
        %gather3A_1124 = tpu.vector_load_idx %arg16[%gather3A_1107, %add3A_928] : memref<32x64xf32, #tpu.memory_space<vmem>>[vector<16xi32>, vector<16xi32>], vector<16xf32>,
        %add3A_1125 = arith.addf %gather3A_1123, %gather3A_1124 : vector<16xf32>
        %add3A_1126 = arith.addi %gather3A_1112, %add3A_932 : vector<16xi32>
        %gather3A_1127 = tpu.vector_load_idx %arg12[%broadcast_in_dim3A_1113, %add3A_1126] : memref<200x128xf32, #tpu.memory_space<vmem>>[vector<16xi32>, vector<16xi32>], vector<16xf32>,
        %gather3A_1128 = tpu.vector_load_idx %arg16[%gather3A_1107, %add3A_932] : memref<32x64xf32, #tpu.memory_space<vmem>>[vector<16xi32>, vector<16xi32>], vector<16xf32>,
        %add3A_1129 = arith.addf %gather3A_1127, %gather3A_1128 : vector<16xf32>
        %add3A_1130 = arith.addf %add3A_1117, %add3A_1121 : vector<16xf32>
        %add3A_1131 = arith.addf %add3A_1125, %add3A_1129 : vector<16xf32>
        %add3A_1132 = arith.addf %add3A_1130, %add3A_1131 : vector<16xf32>
        %mul3A_1133 = arith.mulf %add3A_1117, %add3A_1117 : vector<16xf32>
        %mul3A_1134 = arith.mulf %add3A_1121, %add3A_1121 : vector<16xf32>
        %add3A_1135 = arith.addf %mul3A_1133, %mul3A_1134 : vector<16xf32>
        %mul3A_1136 = arith.mulf %add3A_1125, %add3A_1125 : vector<16xf32>
        %mul3A_1137 = arith.mulf %add3A_1129, %add3A_1129 : vector<16xf32>
        %add3A_1138 = arith.addf %mul3A_1136, %mul3A_1137 : vector<16xf32>
        %add3A_1139 = arith.addf %add3A_1135, %add3A_1138 : vector<16xf32>
        %swap3A_1140 = arith.constant 0 : i32
        %swap3A_1141 = arith.index_cast %swap3A_1140 : i32 to index
        %swap3A_1142 = arith.constant 0 : index
        %swap3A_1143 = tpu.vector_load %arg19[%swap3A_1141, %swap3A_1142] {strides = array<i32>} : memref<8x17xf32, #tpu.memory_space<vmem>>, vector<16xf32>,
        tpu.vector_store %arg19[%swap3A_1141, %swap3A_1142], %add3A_1132 {strides = array<i32>} : memref<8x17xf32, #tpu.memory_space<vmem>>, vector<16xf32>,
        %swap3A_1144 = arith.constant 0 : i32
        %swap3A_1145 = arith.index_cast %swap3A_1144 : i32 to index
        %swap3A_1146 = arith.constant 0 : index
        %swap3A_1147 = tpu.vector_load %arg20[%swap3A_1145, %swap3A_1146] {strides = array<i32>} : memref<8x17xf32, #tpu.memory_space<vmem>>, vector<16xf32>,
        tpu.vector_store %arg20[%swap3A_1145, %swap3A_1146], %add3A_1139 {strides = array<i32>} : memref<8x17xf32, #tpu.memory_space<vmem>>, vector<16xf32>,
        %add3A_1148 = arith.constant 1 : i32
        %add3A_1149 = arith.addi %mul3A_1101, %add3A_1148 : i32
        %broadcast_in_dim3A_1150 = arith.constant 1 : i32
        %broadcast_in_dim3A_1151 = vector.broadcast %broadcast_in_dim3A_1150 : i32 to vector<16xi32>
        %broadcast_in_dim3A_1152 = vector.shape_cast %broadcast_in_dim3A_1151 : vector<16xi32> to vector<16x1xi32>
        %gather3A_1153 = vector.shape_cast %broadcast_in_dim3A_1152 : vector<16x1xi32> to vector<16xi32>
        %gather3A_1154 = tpu.dynamic_gather %get3A_1097[%gather3A_1153] in [0] : vector<16xi32>, vector<16xi32> -> vector<16xi32>
        %broadcast_in_dim3A_1155 = arith.constant 1 : i32
        %broadcast_in_dim3A_1156 = vector.broadcast %broadcast_in_dim3A_1155 : i32 to vector<16xi32>
        %broadcast_in_dim3A_1157 = vector.shape_cast %broadcast_in_dim3A_1156 : vector<16xi32> to vector<16x1xi32>
        %gather3A_1158 = vector.shape_cast %broadcast_in_dim3A_1157 : vector<16x1xi32> to vector<16xi32>
        %gather3A_1159 = tpu.dynamic_gather %get3A_1099[%gather3A_1158] in [0] : vector<16xi32>, vector<16xi32> -> vector<16xi32>
        %broadcast_in_dim3A_1160 = vector.broadcast %add3A_1149 : i32 to vector<16xi32>
        %add3A_1161 = arith.addi %gather3A_1159, %add3A_920 : vector<16xi32>
        %gather3A_1162 = tpu.vector_load_idx %arg12[%broadcast_in_dim3A_1160, %add3A_1161] : memref<200x128xf32, #tpu.memory_space<vmem>>[vector<16xi32>, vector<16xi32>], vector<16xf32>,
        %gather3A_1163 = tpu.vector_load_idx %arg16[%gather3A_1154, %add3A_920] : memref<32x64xf32, #tpu.memory_space<vmem>>[vector<16xi32>, vector<16xi32>], vector<16xf32>,
        %add3A_1164 = arith.addf %gather3A_1162, %gather3A_1163 : vector<16xf32>
        %add3A_1165 = arith.addi %gather3A_1159, %add3A_924 : vector<16xi32>
        %gather3A_1166 = tpu.vector_load_idx %arg12[%broadcast_in_dim3A_1160, %add3A_1165] : memref<200x128xf32, #tpu.memory_space<vmem>>[vector<16xi32>, vector<16xi32>], vector<16xf32>,
        %gather3A_1167 = tpu.vector_load_idx %arg16[%gather3A_1154, %add3A_924] : memref<32x64xf32, #tpu.memory_space<vmem>>[vector<16xi32>, vector<16xi32>], vector<16xf32>,
        %add3A_1168 = arith.addf %gather3A_1166, %gather3A_1167 : vector<16xf32>
        %add3A_1169 = arith.addi %gather3A_1159, %add3A_928 : vector<16xi32>
        %gather3A_1170 = tpu.vector_load_idx %arg12[%broadcast_in_dim3A_1160, %add3A_1169] : memref<200x128xf32, #tpu.memory_space<vmem>>[vector<16xi32>, vector<16xi32>], vector<16xf32>,
        %gather3A_1171 = tpu.vector_load_idx %arg16[%gather3A_1154, %add3A_928] : memref<32x64xf32, #tpu.memory_space<vmem>>[vector<16xi32>, vector<16xi32>], vector<16xf32>,
        %add3A_1172 = arith.addf %gather3A_1170, %gather3A_1171 : vector<16xf32>
        %add3A_1173 = arith.addi %gather3A_1159, %add3A_932 : vector<16xi32>
        %gather3A_1174 = tpu.vector_load_idx %arg12[%broadcast_in_dim3A_1160, %add3A_1173] : memref<200x128xf32, #tpu.memory_space<vmem>>[vector<16xi32>, vector<16xi32>], vector<16xf32>,
        %gather3A_1175 = tpu.vector_load_idx %arg16[%gather3A_1154, %add3A_932] : memref<32x64xf32, #tpu.memory_space<vmem>>[vector<16xi32>, vector<16xi32>], vector<16xf32>,
        %add3A_1176 = arith.addf %gather3A_1174, %gather3A_1175 : vector<16xf32>
        %add3A_1177 = arith.addf %add3A_1164, %add3A_1168 : vector<16xf32>
        %add3A_1178 = arith.addf %add3A_1172, %add3A_1176 : vector<16xf32>
        %add3A_1179 = arith.addf %add3A_1177, %add3A_1178 : vector<16xf32>
        %mul3A_1180 = arith.mulf %add3A_1164, %add3A_1164 : vector<16xf32>
        %mul3A_1181 = arith.mulf %add3A_1168, %add3A_1168 : vector<16xf32>
        %add3A_1182 = arith.addf %mul3A_1180, %mul3A_1181 : vector<16xf32>
        %mul3A_1183 = arith.mulf %add3A_1172, %add3A_1172 : vector<16xf32>
        %mul3A_1184 = arith.mulf %add3A_1176, %add3A_1176 : vector<16xf32>
        %add3A_1185 = arith.addf %mul3A_1183, %mul3A_1184 : vector<16xf32>
        %add3A_1186 = arith.addf %add3A_1182, %add3A_1185 : vector<16xf32>
        %swap3A_1187 = arith.constant 1 : i32
        %swap3A_1188 = arith.index_cast %swap3A_1187 : i32 to index
        %swap3A_1189 = arith.constant 0 : index
        %swap3A_1190 = tpu.vector_load %arg19[%swap3A_1188, %swap3A_1189] {strides = array<i32>} : memref<8x17xf32, #tpu.memory_space<vmem>>, vector<16xf32>,
        tpu.vector_store %arg19[%swap3A_1188, %swap3A_1189], %add3A_1179 {strides = array<i32>} : memref<8x17xf32, #tpu.memory_space<vmem>>, vector<16xf32>,
        %swap3A_1191 = arith.constant 1 : i32
        %swap3A_1192 = arith.index_cast %swap3A_1191 : i32 to index
        %swap3A_1193 = arith.constant 0 : index
        %swap3A_1194 = tpu.vector_load %arg20[%swap3A_1192, %swap3A_1193] {strides = array<i32>} : memref<8x17xf32, #tpu.memory_space<vmem>>, vector<16xf32>,
        tpu.vector_store %arg20[%swap3A_1192, %swap3A_1193], %add3A_1186 {strides = array<i32>} : memref<8x17xf32, #tpu.memory_space<vmem>>, vector<16xf32>,
        %add3A_1195 = arith.constant 2 : i32
        %add3A_1196 = arith.addi %mul3A_1101, %add3A_1195 : i32
        %broadcast_in_dim3A_1197 = arith.constant 2 : i32
        %broadcast_in_dim3A_1198 = vector.broadcast %broadcast_in_dim3A_1197 : i32 to vector<16xi32>
        %broadcast_in_dim3A_1199 = vector.shape_cast %broadcast_in_dim3A_1198 : vector<16xi32> to vector<16x1xi32>
        %gather3A_1200 = vector.shape_cast %broadcast_in_dim3A_1199 : vector<16x1xi32> to vector<16xi32>
        %gather3A_1201 = tpu.dynamic_gather %get3A_1097[%gather3A_1200] in [0] : vector<16xi32>, vector<16xi32> -> vector<16xi32>
        %broadcast_in_dim3A_1202 = arith.constant 2 : i32
        %broadcast_in_dim3A_1203 = vector.broadcast %broadcast_in_dim3A_1202 : i32 to vector<16xi32>
        %broadcast_in_dim3A_1204 = vector.shape_cast %broadcast_in_dim3A_1203 : vector<16xi32> to vector<16x1xi32>
        %gather3A_1205 = vector.shape_cast %broadcast_in_dim3A_1204 : vector<16x1xi32> to vector<16xi32>
        %gather3A_1206 = tpu.dynamic_gather %get3A_1099[%gather3A_1205] in [0] : vector<16xi32>, vector<16xi32> -> vector<16xi32>
        %broadcast_in_dim3A_1207 = vector.broadcast %add3A_1196 : i32 to vector<16xi32>
        %add3A_1208 = arith.addi %gather3A_1206, %add3A_920 : vector<16xi32>
        %gather3A_1209 = tpu.vector_load_idx %arg12[%broadcast_in_dim3A_1207, %add3A_1208] : memref<200x128xf32, #tpu.memory_space<vmem>>[vector<16xi32>, vector<16xi32>], vector<16xf32>,
        %gather3A_1210 = tpu.vector_load_idx %arg16[%gather3A_1201, %add3A_920] : memref<32x64xf32, #tpu.memory_space<vmem>>[vector<16xi32>, vector<16xi32>], vector<16xf32>,
        %add3A_1211 = arith.addf %gather3A_1209, %gather3A_1210 : vector<16xf32>
        %add3A_1212 = arith.addi %gather3A_1206, %add3A_924 : vector<16xi32>
        %gather3A_1213 = tpu.vector_load_idx %arg12[%broadcast_in_dim3A_1207, %add3A_1212] : memref<200x128xf32, #tpu.memory_space<vmem>>[vector<16xi32>, vector<16xi32>], vector<16xf32>,
        %gather3A_1214 = tpu.vector_load_idx %arg16[%gather3A_1201, %add3A_924] : memref<32x64xf32, #tpu.memory_space<vmem>>[vector<16xi32>, vector<16xi32>], vector<16xf32>,
        %add3A_1215 = arith.addf %gather3A_1213, %gather3A_1214 : vector<16xf32>
        %add3A_1216 = arith.addi %gather3A_1206, %add3A_928 : vector<16xi32>
        %gather3A_1217 = tpu.vector_load_idx %arg12[%broadcast_in_dim3A_1207, %add3A_1216] : memref<200x128xf32, #tpu.memory_space<vmem>>[vector<16xi32>, vector<16xi32>], vector<16xf32>,
        %gather3A_1218 = tpu.vector_load_idx %arg16[%gather3A_1201, %add3A_928] : memref<32x64xf32, #tpu.memory_space<vmem>>[vector<16xi32>, vector<16xi32>], vector<16xf32>,
        %add3A_1219 = arith.addf %gather3A_1217, %gather3A_1218 : vector<16xf32>
        %add3A_1220 = arith.addi %gather3A_1206, %add3A_932 : vector<16xi32>
        %gather3A_1221 = tpu.vector_load_idx %arg12[%broadcast_in_dim3A_1207, %add3A_1220] : memref<200x128xf32, #tpu.memory_space<vmem>>[vector<16xi32>, vector<16xi32>], vector<16xf32>,
        %gather3A_1222 = tpu.vector_load_idx %arg16[%gather3A_1201, %add3A_932] : memref<32x64xf32, #tpu.memory_space<vmem>>[vector<16xi32>, vector<16xi32>], vector<16xf32>,
        %add3A_1223 = arith.addf %gather3A_1221, %gather3A_1222 : vector<16xf32>
        %add3A_1224 = arith.addf %add3A_1211, %add3A_1215 : vector<16xf32>
        %add3A_1225 = arith.addf %add3A_1219, %add3A_1223 : vector<16xf32>
        %add3A_1226 = arith.addf %add3A_1224, %add3A_1225 : vector<16xf32>
        %mul3A_1227 = arith.mulf %add3A_1211, %add3A_1211 : vector<16xf32>
        %mul3A_1228 = arith.mulf %add3A_1215, %add3A_1215 : vector<16xf32>
        %add3A_1229 = arith.addf %mul3A_1227, %mul3A_1228 : vector<16xf32>
        %mul3A_1230 = arith.mulf %add3A_1219, %add3A_1219 : vector<16xf32>
        %mul3A_1231 = arith.mulf %add3A_1223, %add3A_1223 : vector<16xf32>
        %add3A_1232 = arith.addf %mul3A_1230, %mul3A_1231 : vector<16xf32>
        %add3A_1233 = arith.addf %add3A_1229, %add3A_1232 : vector<16xf32>
        %swap3A_1234 = arith.constant 2 : i32
        %swap3A_1235 = arith.index_cast %swap3A_1234 : i32 to index
        %swap3A_1236 = arith.constant 0 : index
        %swap3A_1237 = tpu.vector_load %arg19[%swap3A_1235, %swap3A_1236] {strides = array<i32>} : memref<8x17xf32, #tpu.memory_space<vmem>>, vector<16xf32>,
        tpu.vector_store %arg19[%swap3A_1235, %swap3A_1236], %add3A_1226 {strides = array<i32>} : memref<8x17xf32, #tpu.memory_space<vmem>>, vector<16xf32>,
        %swap3A_1238 = arith.constant 2 : i32
        %swap3A_1239 = arith.index_cast %swap3A_1238 : i32 to index
        %swap3A_1240 = arith.constant 0 : index
        %swap3A_1241 = tpu.vector_load %arg20[%swap3A_1239, %swap3A_1240] {strides = array<i32>} : memref<8x17xf32, #tpu.memory_space<vmem>>, vector<16xf32>,
        tpu.vector_store %arg20[%swap3A_1239, %swap3A_1240], %add3A_1233 {strides = array<i32>} : memref<8x17xf32, #tpu.memory_space<vmem>>, vector<16xf32>,
        %add3A_1242 = arith.constant 3 : i32
        %add3A_1243 = arith.addi %mul3A_1101, %add3A_1242 : i32
        %broadcast_in_dim3A_1244 = arith.constant 3 : i32
        %broadcast_in_dim3A_1245 = vector.broadcast %broadcast_in_dim3A_1244 : i32 to vector<16xi32>
        %broadcast_in_dim3A_1246 = vector.shape_cast %broadcast_in_dim3A_1245 : vector<16xi32> to vector<16x1xi32>
        %gather3A_1247 = vector.shape_cast %broadcast_in_dim3A_1246 : vector<16x1xi32> to vector<16xi32>
        %gather3A_1248 = tpu.dynamic_gather %get3A_1097[%gather3A_1247] in [0] : vector<16xi32>, vector<16xi32> -> vector<16xi32>
        %broadcast_in_dim3A_1249 = arith.constant 3 : i32
        %broadcast_in_dim3A_1250 = vector.broadcast %broadcast_in_dim3A_1249 : i32 to vector<16xi32>
        %broadcast_in_dim3A_1251 = vector.shape_cast %broadcast_in_dim3A_1250 : vector<16xi32> to vector<16x1xi32>
        %gather3A_1252 = vector.shape_cast %broadcast_in_dim3A_1251 : vector<16x1xi32> to vector<16xi32>
        %gather3A_1253 = tpu.dynamic_gather %get3A_1099[%gather3A_1252] in [0] : vector<16xi32>, vector<16xi32> -> vector<16xi32>
        %broadcast_in_dim3A_1254 = vector.broadcast %add3A_1243 : i32 to vector<16xi32>
        %add3A_1255 = arith.addi %gather3A_1253, %add3A_920 : vector<16xi32>
        %gather3A_1256 = tpu.vector_load_idx %arg12[%broadcast_in_dim3A_1254, %add3A_1255] : memref<200x128xf32, #tpu.memory_space<vmem>>[vector<16xi32>, vector<16xi32>], vector<16xf32>,
        %gather3A_1257 = tpu.vector_load_idx %arg16[%gather3A_1248, %add3A_920] : memref<32x64xf32, #tpu.memory_space<vmem>>[vector<16xi32>, vector<16xi32>], vector<16xf32>,
        %add3A_1258 = arith.addf %gather3A_1256, %gather3A_1257 : vector<16xf32>
        %add3A_1259 = arith.addi %gather3A_1253, %add3A_924 : vector<16xi32>
        %gather3A_1260 = tpu.vector_load_idx %arg12[%broadcast_in_dim3A_1254, %add3A_1259] : memref<200x128xf32, #tpu.memory_space<vmem>>[vector<16xi32>, vector<16xi32>], vector<16xf32>,
        %gather3A_1261 = tpu.vector_load_idx %arg16[%gather3A_1248, %add3A_924] : memref<32x64xf32, #tpu.memory_space<vmem>>[vector<16xi32>, vector<16xi32>], vector<16xf32>,
        %add3A_1262 = arith.addf %gather3A_1260, %gather3A_1261 : vector<16xf32>
        %add3A_1263 = arith.addi %gather3A_1253, %add3A_928 : vector<16xi32>
        %gather3A_1264 = tpu.vector_load_idx %arg12[%broadcast_in_dim3A_1254, %add3A_1263] : memref<200x128xf32, #tpu.memory_space<vmem>>[vector<16xi32>, vector<16xi32>], vector<16xf32>,
        %gather3A_1265 = tpu.vector_load_idx %arg16[%gather3A_1248, %add3A_928] : memref<32x64xf32, #tpu.memory_space<vmem>>[vector<16xi32>, vector<16xi32>], vector<16xf32>,
        %add3A_1266 = arith.addf %gather3A_1264, %gather3A_1265 : vector<16xf32>
        %add3A_1267 = arith.addi %gather3A_1253, %add3A_932 : vector<16xi32>
        %gather3A_1268 = tpu.vector_load_idx %arg12[%broadcast_in_dim3A_1254, %add3A_1267] : memref<200x128xf32, #tpu.memory_space<vmem>>[vector<16xi32>, vector<16xi32>], vector<16xf32>,
        %gather3A_1269 = tpu.vector_load_idx %arg16[%gather3A_1248, %add3A_932] : memref<32x64xf32, #tpu.memory_space<vmem>>[vector<16xi32>, vector<16xi32>], vector<16xf32>,
        %add3A_1270 = arith.addf %gather3A_1268, %gather3A_1269 : vector<16xf32>
        %add3A_1271 = arith.addf %add3A_1258, %add3A_1262 : vector<16xf32>
        %add3A_1272 = arith.addf %add3A_1266, %add3A_1270 : vector<16xf32>
        %add3A_1273 = arith.addf %add3A_1271, %add3A_1272 : vector<16xf32>
        %mul3A_1274 = arith.mulf %add3A_1258, %add3A_1258 : vector<16xf32>
        %mul3A_1275 = arith.mulf %add3A_1262, %add3A_1262 : vector<16xf32>
        %add3A_1276 = arith.addf %mul3A_1274, %mul3A_1275 : vector<16xf32>
        %mul3A_1277 = arith.mulf %add3A_1266, %add3A_1266 : vector<16xf32>
        %mul3A_1278 = arith.mulf %add3A_1270, %add3A_1270 : vector<16xf32>
        %add3A_1279 = arith.addf %mul3A_1277, %mul3A_1278 : vector<16xf32>
        %add3A_1280 = arith.addf %add3A_1276, %add3A_1279 : vector<16xf32>
        %swap3A_1281 = arith.constant 3 : i32
        %swap3A_1282 = arith.index_cast %swap3A_1281 : i32 to index
        %swap3A_1283 = arith.constant 0 : index
        %swap3A_1284 = tpu.vector_load %arg19[%swap3A_1282, %swap3A_1283] {strides = array<i32>} : memref<8x17xf32, #tpu.memory_space<vmem>>, vector<16xf32>,
        tpu.vector_store %arg19[%swap3A_1282, %swap3A_1283], %add3A_1273 {strides = array<i32>} : memref<8x17xf32, #tpu.memory_space<vmem>>, vector<16xf32>,
        %swap3A_1285 = arith.constant 3 : i32
        %swap3A_1286 = arith.index_cast %swap3A_1285 : i32 to index
        %swap3A_1287 = arith.constant 0 : index
        %swap3A_1288 = tpu.vector_load %arg20[%swap3A_1286, %swap3A_1287] {strides = array<i32>} : memref<8x17xf32, #tpu.memory_space<vmem>>, vector<16xf32>,
        tpu.vector_store %arg20[%swap3A_1286, %swap3A_1287], %add3A_1280 {strides = array<i32>} : memref<8x17xf32, #tpu.memory_space<vmem>>, vector<16xf32>,
        %add3A_1289 = arith.constant 4 : i32
        %add3A_1290 = arith.addi %mul3A_1101, %add3A_1289 : i32
        %broadcast_in_dim3A_1291 = arith.constant 4 : i32
        %broadcast_in_dim3A_1292 = vector.broadcast %broadcast_in_dim3A_1291 : i32 to vector<16xi32>
        %broadcast_in_dim3A_1293 = vector.shape_cast %broadcast_in_dim3A_1292 : vector<16xi32> to vector<16x1xi32>
        %gather3A_1294 = vector.shape_cast %broadcast_in_dim3A_1293 : vector<16x1xi32> to vector<16xi32>
        %gather3A_1295 = tpu.dynamic_gather %get3A_1097[%gather3A_1294] in [0] : vector<16xi32>, vector<16xi32> -> vector<16xi32>
        %broadcast_in_dim3A_1296 = arith.constant 4 : i32
        %broadcast_in_dim3A_1297 = vector.broadcast %broadcast_in_dim3A_1296 : i32 to vector<16xi32>
        %broadcast_in_dim3A_1298 = vector.shape_cast %broadcast_in_dim3A_1297 : vector<16xi32> to vector<16x1xi32>
        %gather3A_1299 = vector.shape_cast %broadcast_in_dim3A_1298 : vector<16x1xi32> to vector<16xi32>
        %gather3A_1300 = tpu.dynamic_gather %get3A_1099[%gather3A_1299] in [0] : vector<16xi32>, vector<16xi32> -> vector<16xi32>
        %broadcast_in_dim3A_1301 = vector.broadcast %add3A_1290 : i32 to vector<16xi32>
        %add3A_1302 = arith.addi %gather3A_1300, %add3A_920 : vector<16xi32>
        %gather3A_1303 = tpu.vector_load_idx %arg12[%broadcast_in_dim3A_1301, %add3A_1302] : memref<200x128xf32, #tpu.memory_space<vmem>>[vector<16xi32>, vector<16xi32>], vector<16xf32>,
        %gather3A_1304 = tpu.vector_load_idx %arg16[%gather3A_1295, %add3A_920] : memref<32x64xf32, #tpu.memory_space<vmem>>[vector<16xi32>, vector<16xi32>], vector<16xf32>,
        %add3A_1305 = arith.addf %gather3A_1303, %gather3A_1304 : vector<16xf32>
        %add3A_1306 = arith.addi %gather3A_1300, %add3A_924 : vector<16xi32>
        %gather3A_1307 = tpu.vector_load_idx %arg12[%broadcast_in_dim3A_1301, %add3A_1306] : memref<200x128xf32, #tpu.memory_space<vmem>>[vector<16xi32>, vector<16xi32>], vector<16xf32>,
        %gather3A_1308 = tpu.vector_load_idx %arg16[%gather3A_1295, %add3A_924] : memref<32x64xf32, #tpu.memory_space<vmem>>[vector<16xi32>, vector<16xi32>], vector<16xf32>,
        %add3A_1309 = arith.addf %gather3A_1307, %gather3A_1308 : vector<16xf32>
        %add3A_1310 = arith.addi %gather3A_1300, %add3A_928 : vector<16xi32>
        %gather3A_1311 = tpu.vector_load_idx %arg12[%broadcast_in_dim3A_1301, %add3A_1310] : memref<200x128xf32, #tpu.memory_space<vmem>>[vector<16xi32>, vector<16xi32>], vector<16xf32>,
        %gather3A_1312 = tpu.vector_load_idx %arg16[%gather3A_1295, %add3A_928] : memref<32x64xf32, #tpu.memory_space<vmem>>[vector<16xi32>, vector<16xi32>], vector<16xf32>,
        %add3A_1313 = arith.addf %gather3A_1311, %gather3A_1312 : vector<16xf32>
        %add3A_1314 = arith.addi %gather3A_1300, %add3A_932 : vector<16xi32>
        %gather3A_1315 = tpu.vector_load_idx %arg12[%broadcast_in_dim3A_1301, %add3A_1314] : memref<200x128xf32, #tpu.memory_space<vmem>>[vector<16xi32>, vector<16xi32>], vector<16xf32>,
        %gather3A_1316 = tpu.vector_load_idx %arg16[%gather3A_1295, %add3A_932] : memref<32x64xf32, #tpu.memory_space<vmem>>[vector<16xi32>, vector<16xi32>], vector<16xf32>,
        %add3A_1317 = arith.addf %gather3A_1315, %gather3A_1316 : vector<16xf32>
        %add3A_1318 = arith.addf %add3A_1305, %add3A_1309 : vector<16xf32>
        %add3A_1319 = arith.addf %add3A_1313, %add3A_1317 : vector<16xf32>
        %add3A_1320 = arith.addf %add3A_1318, %add3A_1319 : vector<16xf32>
        %mul3A_1321 = arith.mulf %add3A_1305, %add3A_1305 : vector<16xf32>
        %mul3A_1322 = arith.mulf %add3A_1309, %add3A_1309 : vector<16xf32>
        %add3A_1323 = arith.addf %mul3A_1321, %mul3A_1322 : vector<16xf32>
        %mul3A_1324 = arith.mulf %add3A_1313, %add3A_1313 : vector<16xf32>
        %mul3A_1325 = arith.mulf %add3A_1317, %add3A_1317 : vector<16xf32>
        %add3A_1326 = arith.addf %mul3A_1324, %mul3A_1325 : vector<16xf32>
        %add3A_1327 = arith.addf %add3A_1323, %add3A_1326 : vector<16xf32>
        %swap3A_1328 = arith.constant 4 : i32
        %swap3A_1329 = arith.index_cast %swap3A_1328 : i32 to index
        %swap3A_1330 = arith.constant 0 : index
        %swap3A_1331 = tpu.vector_load %arg19[%swap3A_1329, %swap3A_1330] {strides = array<i32>} : memref<8x17xf32, #tpu.memory_space<vmem>>, vector<16xf32>,
        tpu.vector_store %arg19[%swap3A_1329, %swap3A_1330], %add3A_1320 {strides = array<i32>} : memref<8x17xf32, #tpu.memory_space<vmem>>, vector<16xf32>,
        %swap3A_1332 = arith.constant 4 : i32
        %swap3A_1333 = arith.index_cast %swap3A_1332 : i32 to index
        %swap3A_1334 = arith.constant 0 : index
        %swap3A_1335 = tpu.vector_load %arg20[%swap3A_1333, %swap3A_1334] {strides = array<i32>} : memref<8x17xf32, #tpu.memory_space<vmem>>, vector<16xf32>,
        tpu.vector_store %arg20[%swap3A_1333, %swap3A_1334], %add3A_1327 {strides = array<i32>} : memref<8x17xf32, #tpu.memory_space<vmem>>, vector<16xf32>,
        %add3A_1336 = arith.constant 5 : i32
        %add3A_1337 = arith.addi %mul3A_1101, %add3A_1336 : i32
        %broadcast_in_dim3A_1338 = arith.constant 5 : i32
        %broadcast_in_dim3A_1339 = vector.broadcast %broadcast_in_dim3A_1338 : i32 to vector<16xi32>
        %broadcast_in_dim3A_1340 = vector.shape_cast %broadcast_in_dim3A_1339 : vector<16xi32> to vector<16x1xi32>
        %gather3A_1341 = vector.shape_cast %broadcast_in_dim3A_1340 : vector<16x1xi32> to vector<16xi32>
        %gather3A_1342 = tpu.dynamic_gather %get3A_1097[%gather3A_1341] in [0] : vector<16xi32>, vector<16xi32> -> vector<16xi32>
        %broadcast_in_dim3A_1343 = arith.constant 5 : i32
        %broadcast_in_dim3A_1344 = vector.broadcast %broadcast_in_dim3A_1343 : i32 to vector<16xi32>
        %broadcast_in_dim3A_1345 = vector.shape_cast %broadcast_in_dim3A_1344 : vector<16xi32> to vector<16x1xi32>
        %gather3A_1346 = vector.shape_cast %broadcast_in_dim3A_1345 : vector<16x1xi32> to vector<16xi32>
        %gather3A_1347 = tpu.dynamic_gather %get3A_1099[%gather3A_1346] in [0] : vector<16xi32>, vector<16xi32> -> vector<16xi32>
        %broadcast_in_dim3A_1348 = vector.broadcast %add3A_1337 : i32 to vector<16xi32>
        %add3A_1349 = arith.addi %gather3A_1347, %add3A_920 : vector<16xi32>
        %gather3A_1350 = tpu.vector_load_idx %arg12[%broadcast_in_dim3A_1348, %add3A_1349] : memref<200x128xf32, #tpu.memory_space<vmem>>[vector<16xi32>, vector<16xi32>], vector<16xf32>,
        %gather3A_1351 = tpu.vector_load_idx %arg16[%gather3A_1342, %add3A_920] : memref<32x64xf32, #tpu.memory_space<vmem>>[vector<16xi32>, vector<16xi32>], vector<16xf32>,
        %add3A_1352 = arith.addf %gather3A_1350, %gather3A_1351 : vector<16xf32>
        %add3A_1353 = arith.addi %gather3A_1347, %add3A_924 : vector<16xi32>
        %gather3A_1354 = tpu.vector_load_idx %arg12[%broadcast_in_dim3A_1348, %add3A_1353] : memref<200x128xf32, #tpu.memory_space<vmem>>[vector<16xi32>, vector<16xi32>], vector<16xf32>,
        %gather3A_1355 = tpu.vector_load_idx %arg16[%gather3A_1342, %add3A_924] : memref<32x64xf32, #tpu.memory_space<vmem>>[vector<16xi32>, vector<16xi32>], vector<16xf32>,
        %add3A_1356 = arith.addf %gather3A_1354, %gather3A_1355 : vector<16xf32>
        %add3A_1357 = arith.addi %gather3A_1347, %add3A_928 : vector<16xi32>
        %gather3A_1358 = tpu.vector_load_idx %arg12[%broadcast_in_dim3A_1348, %add3A_1357] : memref<200x128xf32, #tpu.memory_space<vmem>>[vector<16xi32>, vector<16xi32>], vector<16xf32>,
        %gather3A_1359 = tpu.vector_load_idx %arg16[%gather3A_1342, %add3A_928] : memref<32x64xf32, #tpu.memory_space<vmem>>[vector<16xi32>, vector<16xi32>], vector<16xf32>,
        %add3A_1360 = arith.addf %gather3A_1358, %gather3A_1359 : vector<16xf32>
        %add3A_1361 = arith.addi %gather3A_1347, %add3A_932 : vector<16xi32>
        %gather3A_1362 = tpu.vector_load_idx %arg12[%broadcast_in_dim3A_1348, %add3A_1361] : memref<200x128xf32, #tpu.memory_space<vmem>>[vector<16xi32>, vector<16xi32>], vector<16xf32>,
        %gather3A_1363 = tpu.vector_load_idx %arg16[%gather3A_1342, %add3A_932] : memref<32x64xf32, #tpu.memory_space<vmem>>[vector<16xi32>, vector<16xi32>], vector<16xf32>,
        %add3A_1364 = arith.addf %gather3A_1362, %gather3A_1363 : vector<16xf32>
        %add3A_1365 = arith.addf %add3A_1352, %add3A_1356 : vector<16xf32>
        %add3A_1366 = arith.addf %add3A_1360, %add3A_1364 : vector<16xf32>
        %add3A_1367 = arith.addf %add3A_1365, %add3A_1366 : vector<16xf32>
        %mul3A_1368 = arith.mulf %add3A_1352, %add3A_1352 : vector<16xf32>
        %mul3A_1369 = arith.mulf %add3A_1356, %add3A_1356 : vector<16xf32>
        %add3A_1370 = arith.addf %mul3A_1368, %mul3A_1369 : vector<16xf32>
        %mul3A_1371 = arith.mulf %add3A_1360, %add3A_1360 : vector<16xf32>
        %mul3A_1372 = arith.mulf %add3A_1364, %add3A_1364 : vector<16xf32>
        %add3A_1373 = arith.addf %mul3A_1371, %mul3A_1372 : vector<16xf32>
        %add3A_1374 = arith.addf %add3A_1370, %add3A_1373 : vector<16xf32>
        %swap3A_1375 = arith.constant 5 : i32
        %swap3A_1376 = arith.index_cast %swap3A_1375 : i32 to index
        %swap3A_1377 = arith.constant 0 : index
        %swap3A_1378 = tpu.vector_load %arg19[%swap3A_1376, %swap3A_1377] {strides = array<i32>} : memref<8x17xf32, #tpu.memory_space<vmem>>, vector<16xf32>,
        tpu.vector_store %arg19[%swap3A_1376, %swap3A_1377], %add3A_1367 {strides = array<i32>} : memref<8x17xf32, #tpu.memory_space<vmem>>, vector<16xf32>,
        %swap3A_1379 = arith.constant 5 : i32
        %swap3A_1380 = arith.index_cast %swap3A_1379 : i32 to index
        %swap3A_1381 = arith.constant 0 : index
        %swap3A_1382 = tpu.vector_load %arg20[%swap3A_1380, %swap3A_1381] {strides = array<i32>} : memref<8x17xf32, #tpu.memory_space<vmem>>, vector<16xf32>,
        tpu.vector_store %arg20[%swap3A_1380, %swap3A_1381], %add3A_1374 {strides = array<i32>} : memref<8x17xf32, #tpu.memory_space<vmem>>, vector<16xf32>,
        %add3A_1383 = arith.constant 6 : i32
        %add3A_1384 = arith.addi %mul3A_1101, %add3A_1383 : i32
        %broadcast_in_dim3A_1385 = arith.constant 6 : i32
        %broadcast_in_dim3A_1386 = vector.broadcast %broadcast_in_dim3A_1385 : i32 to vector<16xi32>
        %broadcast_in_dim3A_1387 = vector.shape_cast %broadcast_in_dim3A_1386 : vector<16xi32> to vector<16x1xi32>
        %gather3A_1388 = vector.shape_cast %broadcast_in_dim3A_1387 : vector<16x1xi32> to vector<16xi32>
        %gather3A_1389 = tpu.dynamic_gather %get3A_1097[%gather3A_1388] in [0] : vector<16xi32>, vector<16xi32> -> vector<16xi32>
        %broadcast_in_dim3A_1390 = arith.constant 6 : i32
        %broadcast_in_dim3A_1391 = vector.broadcast %broadcast_in_dim3A_1390 : i32 to vector<16xi32>
        %broadcast_in_dim3A_1392 = vector.shape_cast %broadcast_in_dim3A_1391 : vector<16xi32> to vector<16x1xi32>
        %gather3A_1393 = vector.shape_cast %broadcast_in_dim3A_1392 : vector<16x1xi32> to vector<16xi32>
        %gather3A_1394 = tpu.dynamic_gather %get3A_1099[%gather3A_1393] in [0] : vector<16xi32>, vector<16xi32> -> vector<16xi32>
        %broadcast_in_dim3A_1395 = vector.broadcast %add3A_1384 : i32 to vector<16xi32>
        %add3A_1396 = arith.addi %gather3A_1394, %add3A_920 : vector<16xi32>
        %gather3A_1397 = tpu.vector_load_idx %arg12[%broadcast_in_dim3A_1395, %add3A_1396] : memref<200x128xf32, #tpu.memory_space<vmem>>[vector<16xi32>, vector<16xi32>], vector<16xf32>,
        %gather3A_1398 = tpu.vector_load_idx %arg16[%gather3A_1389, %add3A_920] : memref<32x64xf32, #tpu.memory_space<vmem>>[vector<16xi32>, vector<16xi32>], vector<16xf32>,
        %add3A_1399 = arith.addf %gather3A_1397, %gather3A_1398 : vector<16xf32>
        %add3A_1400 = arith.addi %gather3A_1394, %add3A_924 : vector<16xi32>
        %gather3A_1401 = tpu.vector_load_idx %arg12[%broadcast_in_dim3A_1395, %add3A_1400] : memref<200x128xf32, #tpu.memory_space<vmem>>[vector<16xi32>, vector<16xi32>], vector<16xf32>,
        %gather3A_1402 = tpu.vector_load_idx %arg16[%gather3A_1389, %add3A_924] : memref<32x64xf32, #tpu.memory_space<vmem>>[vector<16xi32>, vector<16xi32>], vector<16xf32>,
        %add3A_1403 = arith.addf %gather3A_1401, %gather3A_1402 : vector<16xf32>
        %add3A_1404 = arith.addi %gather3A_1394, %add3A_928 : vector<16xi32>
        %gather3A_1405 = tpu.vector_load_idx %arg12[%broadcast_in_dim3A_1395, %add3A_1404] : memref<200x128xf32, #tpu.memory_space<vmem>>[vector<16xi32>, vector<16xi32>], vector<16xf32>,
        %gather3A_1406 = tpu.vector_load_idx %arg16[%gather3A_1389, %add3A_928] : memref<32x64xf32, #tpu.memory_space<vmem>>[vector<16xi32>, vector<16xi32>], vector<16xf32>,
        %add3A_1407 = arith.addf %gather3A_1405, %gather3A_1406 : vector<16xf32>
        %add3A_1408 = arith.addi %gather3A_1394, %add3A_932 : vector<16xi32>
        %gather3A_1409 = tpu.vector_load_idx %arg12[%broadcast_in_dim3A_1395, %add3A_1408] : memref<200x128xf32, #tpu.memory_space<vmem>>[vector<16xi32>, vector<16xi32>], vector<16xf32>,
        %gather3A_1410 = tpu.vector_load_idx %arg16[%gather3A_1389, %add3A_932] : memref<32x64xf32, #tpu.memory_space<vmem>>[vector<16xi32>, vector<16xi32>], vector<16xf32>,
        %add3A_1411 = arith.addf %gather3A_1409, %gather3A_1410 : vector<16xf32>
        %add3A_1412 = arith.addf %add3A_1399, %add3A_1403 : vector<16xf32>
        %add3A_1413 = arith.addf %add3A_1407, %add3A_1411 : vector<16xf32>
        %add3A_1414 = arith.addf %add3A_1412, %add3A_1413 : vector<16xf32>
        %mul3A_1415 = arith.mulf %add3A_1399, %add3A_1399 : vector<16xf32>
        %mul3A_1416 = arith.mulf %add3A_1403, %add3A_1403 : vector<16xf32>
        %add3A_1417 = arith.addf %mul3A_1415, %mul3A_1416 : vector<16xf32>
        %mul3A_1418 = arith.mulf %add3A_1407, %add3A_1407 : vector<16xf32>
        %mul3A_1419 = arith.mulf %add3A_1411, %add3A_1411 : vector<16xf32>
        %add3A_1420 = arith.addf %mul3A_1418, %mul3A_1419 : vector<16xf32>
        %add3A_1421 = arith.addf %add3A_1417, %add3A_1420 : vector<16xf32>
        %swap3A_1422 = arith.constant 6 : i32
        %swap3A_1423 = arith.index_cast %swap3A_1422 : i32 to index
        %swap3A_1424 = arith.constant 0 : index
        %swap3A_1425 = tpu.vector_load %arg19[%swap3A_1423, %swap3A_1424] {strides = array<i32>} : memref<8x17xf32, #tpu.memory_space<vmem>>, vector<16xf32>,
        tpu.vector_store %arg19[%swap3A_1423, %swap3A_1424], %add3A_1414 {strides = array<i32>} : memref<8x17xf32, #tpu.memory_space<vmem>>, vector<16xf32>,
        %swap3A_1426 = arith.constant 6 : i32
        %swap3A_1427 = arith.index_cast %swap3A_1426 : i32 to index
        %swap3A_1428 = arith.constant 0 : index
        %swap3A_1429 = tpu.vector_load %arg20[%swap3A_1427, %swap3A_1428] {strides = array<i32>} : memref<8x17xf32, #tpu.memory_space<vmem>>, vector<16xf32>,
        tpu.vector_store %arg20[%swap3A_1427, %swap3A_1428], %add3A_1421 {strides = array<i32>} : memref<8x17xf32, #tpu.memory_space<vmem>>, vector<16xf32>,
        %add3A_1430 = arith.constant 7 : i32
        %add3A_1431 = arith.addi %mul3A_1101, %add3A_1430 : i32
        %broadcast_in_dim3A_1432 = arith.constant 7 : i32
        %broadcast_in_dim3A_1433 = vector.broadcast %broadcast_in_dim3A_1432 : i32 to vector<16xi32>
        %broadcast_in_dim3A_1434 = vector.shape_cast %broadcast_in_dim3A_1433 : vector<16xi32> to vector<16x1xi32>
        %gather3A_1435 = vector.shape_cast %broadcast_in_dim3A_1434 : vector<16x1xi32> to vector<16xi32>
        %gather3A_1436 = tpu.dynamic_gather %get3A_1097[%gather3A_1435] in [0] : vector<16xi32>, vector<16xi32> -> vector<16xi32>
        %broadcast_in_dim3A_1437 = arith.constant 7 : i32
        %broadcast_in_dim3A_1438 = vector.broadcast %broadcast_in_dim3A_1437 : i32 to vector<16xi32>
        %broadcast_in_dim3A_1439 = vector.shape_cast %broadcast_in_dim3A_1438 : vector<16xi32> to vector<16x1xi32>
        %gather3A_1440 = vector.shape_cast %broadcast_in_dim3A_1439 : vector<16x1xi32> to vector<16xi32>
        %gather3A_1441 = tpu.dynamic_gather %get3A_1099[%gather3A_1440] in [0] : vector<16xi32>, vector<16xi32> -> vector<16xi32>
        %broadcast_in_dim3A_1442 = vector.broadcast %add3A_1431 : i32 to vector<16xi32>
        %add3A_1443 = arith.addi %gather3A_1441, %add3A_920 : vector<16xi32>
        %gather3A_1444 = tpu.vector_load_idx %arg12[%broadcast_in_dim3A_1442, %add3A_1443] : memref<200x128xf32, #tpu.memory_space<vmem>>[vector<16xi32>, vector<16xi32>], vector<16xf32>,
        %gather3A_1445 = tpu.vector_load_idx %arg16[%gather3A_1436, %add3A_920] : memref<32x64xf32, #tpu.memory_space<vmem>>[vector<16xi32>, vector<16xi32>], vector<16xf32>,
        %add3A_1446 = arith.addf %gather3A_1444, %gather3A_1445 : vector<16xf32>
        %add3A_1447 = arith.addi %gather3A_1441, %add3A_924 : vector<16xi32>
        %gather3A_1448 = tpu.vector_load_idx %arg12[%broadcast_in_dim3A_1442, %add3A_1447] : memref<200x128xf32, #tpu.memory_space<vmem>>[vector<16xi32>, vector<16xi32>], vector<16xf32>,
        %gather3A_1449 = tpu.vector_load_idx %arg16[%gather3A_1436, %add3A_924] : memref<32x64xf32, #tpu.memory_space<vmem>>[vector<16xi32>, vector<16xi32>], vector<16xf32>,
        %add3A_1450 = arith.addf %gather3A_1448, %gather3A_1449 : vector<16xf32>
        %add3A_1451 = arith.addi %gather3A_1441, %add3A_928 : vector<16xi32>
        %gather3A_1452 = tpu.vector_load_idx %arg12[%broadcast_in_dim3A_1442, %add3A_1451] : memref<200x128xf32, #tpu.memory_space<vmem>>[vector<16xi32>, vector<16xi32>], vector<16xf32>,
        %gather3A_1453 = tpu.vector_load_idx %arg16[%gather3A_1436, %add3A_928] : memref<32x64xf32, #tpu.memory_space<vmem>>[vector<16xi32>, vector<16xi32>], vector<16xf32>,
        %add3A_1454 = arith.addf %gather3A_1452, %gather3A_1453 : vector<16xf32>
        %add3A_1455 = arith.addi %gather3A_1441, %add3A_932 : vector<16xi32>
        %gather3A_1456 = tpu.vector_load_idx %arg12[%broadcast_in_dim3A_1442, %add3A_1455] : memref<200x128xf32, #tpu.memory_space<vmem>>[vector<16xi32>, vector<16xi32>], vector<16xf32>,
        %gather3A_1457 = tpu.vector_load_idx %arg16[%gather3A_1436, %add3A_932] : memref<32x64xf32, #tpu.memory_space<vmem>>[vector<16xi32>, vector<16xi32>], vector<16xf32>,
        %add3A_1458 = arith.addf %gather3A_1456, %gather3A_1457 : vector<16xf32>
        %add3A_1459 = arith.addf %add3A_1446, %add3A_1450 : vector<16xf32>
        %add3A_1460 = arith.addf %add3A_1454, %add3A_1458 : vector<16xf32>
        %add3A_1461 = arith.addf %add3A_1459, %add3A_1460 : vector<16xf32>
        %mul3A_1462 = arith.mulf %add3A_1446, %add3A_1446 : vector<16xf32>
        %mul3A_1463 = arith.mulf %add3A_1450, %add3A_1450 : vector<16xf32>
        %add3A_1464 = arith.addf %mul3A_1462, %mul3A_1463 : vector<16xf32>
        %mul3A_1465 = arith.mulf %add3A_1454, %add3A_1454 : vector<16xf32>
        %mul3A_1466 = arith.mulf %add3A_1458, %add3A_1458 : vector<16xf32>
        %add3A_1467 = arith.addf %mul3A_1465, %mul3A_1466 : vector<16xf32>
        %add3A_1468 = arith.addf %add3A_1464, %add3A_1467 : vector<16xf32>
        %swap3A_1469 = arith.constant 7 : i32
        %swap3A_1470 = arith.index_cast %swap3A_1469 : i32 to index
        %swap3A_1471 = arith.constant 0 : index
        %swap3A_1472 = tpu.vector_load %arg19[%swap3A_1470, %swap3A_1471] {strides = array<i32>} : memref<8x17xf32, #tpu.memory_space<vmem>>, vector<16xf32>,
        tpu.vector_store %arg19[%swap3A_1470, %swap3A_1471], %add3A_1461 {strides = array<i32>} : memref<8x17xf32, #tpu.memory_space<vmem>>, vector<16xf32>,
        %swap3A_1473 = arith.constant 7 : i32
        %swap3A_1474 = arith.index_cast %swap3A_1473 : i32 to index
        %swap3A_1475 = arith.constant 0 : index
        %swap3A_1476 = tpu.vector_load %arg20[%swap3A_1474, %swap3A_1475] {strides = array<i32>} : memref<8x17xf32, #tpu.memory_space<vmem>>, vector<16xf32>,
        tpu.vector_store %arg20[%swap3A_1474, %swap3A_1475], %add3A_1468 {strides = array<i32>} : memref<8x17xf32, #tpu.memory_space<vmem>>, vector<16xf32>,
        %gather3A_1477 = tpu.vector_load_idx %arg19[%and3A_935, %broadcast_in_dim3A_936] : memref<8x17xf32, #tpu.memory_space<vmem>>[vector<16xi32>, vector<16xi32>], vector<16xf32>,
        %gather3A_1478 = tpu.vector_load_idx %arg20[%and3A_935, %broadcast_in_dim3A_936] : memref<8x17xf32, #tpu.memory_space<vmem>>[vector<16xi32>, vector<16xi32>], vector<16xf32>,
        %gather3A_1479 = tpu.vector_load_idx %arg19[%and3A_935, %broadcast_in_dim3A_938] : memref<8x17xf32, #tpu.memory_space<vmem>>[vector<16xi32>, vector<16xi32>], vector<16xf32>,
        %add3A_1480 = arith.addf %gather3A_1477, %gather3A_1479 : vector<16xf32>
        %gather3A_1481 = tpu.vector_load_idx %arg20[%and3A_935, %broadcast_in_dim3A_938] : memref<8x17xf32, #tpu.memory_space<vmem>>[vector<16xi32>, vector<16xi32>], vector<16xf32>,
        %add3A_1482 = arith.addf %gather3A_1478, %gather3A_1481 : vector<16xf32>
        %gather3A_1483 = tpu.vector_load_idx %arg19[%and3A_935, %broadcast_in_dim3A_940] : memref<8x17xf32, #tpu.memory_space<vmem>>[vector<16xi32>, vector<16xi32>], vector<16xf32>,
        %add3A_1484 = arith.addf %add3A_1480, %gather3A_1483 : vector<16xf32>
        %gather3A_1485 = tpu.vector_load_idx %arg20[%and3A_935, %broadcast_in_dim3A_940] : memref<8x17xf32, #tpu.memory_space<vmem>>[vector<16xi32>, vector<16xi32>], vector<16xf32>,
        %add3A_1486 = arith.addf %add3A_1482, %gather3A_1485 : vector<16xf32>
        %gather3A_1487 = tpu.vector_load_idx %arg19[%and3A_935, %broadcast_in_dim3A_942] : memref<8x17xf32, #tpu.memory_space<vmem>>[vector<16xi32>, vector<16xi32>], vector<16xf32>,
        %add3A_1488 = arith.addf %add3A_1484, %gather3A_1487 : vector<16xf32>
        %gather3A_1489 = tpu.vector_load_idx %arg20[%and3A_935, %broadcast_in_dim3A_942] : memref<8x17xf32, #tpu.memory_space<vmem>>[vector<16xi32>, vector<16xi32>], vector<16xf32>,
        %add3A_1490 = arith.addf %add3A_1486, %gather3A_1489 : vector<16xf32>
        %gather3A_1491 = tpu.vector_load_idx %arg19[%and3A_935, %broadcast_in_dim3A_944] : memref<8x17xf32, #tpu.memory_space<vmem>>[vector<16xi32>, vector<16xi32>], vector<16xf32>,
        %add3A_1492 = arith.addf %add3A_1488, %gather3A_1491 : vector<16xf32>
        %gather3A_1493 = tpu.vector_load_idx %arg20[%and3A_935, %broadcast_in_dim3A_944] : memref<8x17xf32, #tpu.memory_space<vmem>>[vector<16xi32>, vector<16xi32>], vector<16xf32>,
        %add3A_1494 = arith.addf %add3A_1490, %gather3A_1493 : vector<16xf32>
        %gather3A_1495 = tpu.vector_load_idx %arg19[%and3A_935, %broadcast_in_dim3A_946] : memref<8x17xf32, #tpu.memory_space<vmem>>[vector<16xi32>, vector<16xi32>], vector<16xf32>,
        %add3A_1496 = arith.addf %add3A_1492, %gather3A_1495 : vector<16xf32>
        %gather3A_1497 = tpu.vector_load_idx %arg20[%and3A_935, %broadcast_in_dim3A_946] : memref<8x17xf32, #tpu.memory_space<vmem>>[vector<16xi32>, vector<16xi32>], vector<16xf32>,
        %add3A_1498 = arith.addf %add3A_1494, %gather3A_1497 : vector<16xf32>
        %gather3A_1499 = tpu.vector_load_idx %arg19[%and3A_935, %broadcast_in_dim3A_948] : memref<8x17xf32, #tpu.memory_space<vmem>>[vector<16xi32>, vector<16xi32>], vector<16xf32>,
        %add3A_1500 = arith.addf %add3A_1496, %gather3A_1499 : vector<16xf32>
        %gather3A_1501 = tpu.vector_load_idx %arg20[%and3A_935, %broadcast_in_dim3A_948] : memref<8x17xf32, #tpu.memory_space<vmem>>[vector<16xi32>, vector<16xi32>], vector<16xf32>,
        %add3A_1502 = arith.addf %add3A_1498, %gather3A_1501 : vector<16xf32>
        %gather3A_1503 = tpu.vector_load_idx %arg19[%and3A_935, %broadcast_in_dim3A_950] : memref<8x17xf32, #tpu.memory_space<vmem>>[vector<16xi32>, vector<16xi32>], vector<16xf32>,
        %add3A_1504 = arith.addf %add3A_1500, %gather3A_1503 : vector<16xf32>
        %gather3A_1505 = tpu.vector_load_idx %arg20[%and3A_935, %broadcast_in_dim3A_950] : memref<8x17xf32, #tpu.memory_space<vmem>>[vector<16xi32>, vector<16xi32>], vector<16xf32>,
        %add3A_1506 = arith.addf %add3A_1502, %gather3A_1505 : vector<16xf32>
        %gather3A_1507 = tpu.vector_load_idx %arg19[%and3A_935, %broadcast_in_dim3A_952] : memref<8x17xf32, #tpu.memory_space<vmem>>[vector<16xi32>, vector<16xi32>], vector<16xf32>,
        %add3A_1508 = arith.addf %add3A_1504, %gather3A_1507 : vector<16xf32>
        %gather3A_1509 = tpu.vector_load_idx %arg20[%and3A_935, %broadcast_in_dim3A_952] : memref<8x17xf32, #tpu.memory_space<vmem>>[vector<16xi32>, vector<16xi32>], vector<16xf32>,
        %add3A_1510 = arith.addf %add3A_1506, %gather3A_1509 : vector<16xf32>
        %gather3A_1511 = tpu.vector_load_idx %arg19[%and3A_935, %broadcast_in_dim3A_954] : memref<8x17xf32, #tpu.memory_space<vmem>>[vector<16xi32>, vector<16xi32>], vector<16xf32>,
        %add3A_1512 = arith.addf %add3A_1508, %gather3A_1511 : vector<16xf32>
        %gather3A_1513 = tpu.vector_load_idx %arg20[%and3A_935, %broadcast_in_dim3A_954] : memref<8x17xf32, #tpu.memory_space<vmem>>[vector<16xi32>, vector<16xi32>], vector<16xf32>,
        %add3A_1514 = arith.addf %add3A_1510, %gather3A_1513 : vector<16xf32>
        %gather3A_1515 = tpu.vector_load_idx %arg19[%and3A_935, %broadcast_in_dim3A_956] : memref<8x17xf32, #tpu.memory_space<vmem>>[vector<16xi32>, vector<16xi32>], vector<16xf32>,
        %add3A_1516 = arith.addf %add3A_1512, %gather3A_1515 : vector<16xf32>
        %gather3A_1517 = tpu.vector_load_idx %arg20[%and3A_935, %broadcast_in_dim3A_956] : memref<8x17xf32, #tpu.memory_space<vmem>>[vector<16xi32>, vector<16xi32>], vector<16xf32>,
        %add3A_1518 = arith.addf %add3A_1514, %gather3A_1517 : vector<16xf32>
        %gather3A_1519 = tpu.vector_load_idx %arg19[%and3A_935, %broadcast_in_dim3A_958] : memref<8x17xf32, #tpu.memory_space<vmem>>[vector<16xi32>, vector<16xi32>], vector<16xf32>,
        %add3A_1520 = arith.addf %add3A_1516, %gather3A_1519 : vector<16xf32>
        %gather3A_1521 = tpu.vector_load_idx %arg20[%and3A_935, %broadcast_in_dim3A_958] : memref<8x17xf32, #tpu.memory_space<vmem>>[vector<16xi32>, vector<16xi32>], vector<16xf32>,
        %add3A_1522 = arith.addf %add3A_1518, %gather3A_1521 : vector<16xf32>
        %gather3A_1523 = tpu.vector_load_idx %arg19[%and3A_935, %broadcast_in_dim3A_960] : memref<8x17xf32, #tpu.memory_space<vmem>>[vector<16xi32>, vector<16xi32>], vector<16xf32>,
        %add3A_1524 = arith.addf %add3A_1520, %gather3A_1523 : vector<16xf32>
        %gather3A_1525 = tpu.vector_load_idx %arg20[%and3A_935, %broadcast_in_dim3A_960] : memref<8x17xf32, #tpu.memory_space<vmem>>[vector<16xi32>, vector<16xi32>], vector<16xf32>,
        %add3A_1526 = arith.addf %add3A_1522, %gather3A_1525 : vector<16xf32>
        %gather3A_1527 = tpu.vector_load_idx %arg19[%and3A_935, %broadcast_in_dim3A_962] : memref<8x17xf32, #tpu.memory_space<vmem>>[vector<16xi32>, vector<16xi32>], vector<16xf32>,
        %add3A_1528 = arith.addf %add3A_1524, %gather3A_1527 : vector<16xf32>
        %gather3A_1529 = tpu.vector_load_idx %arg20[%and3A_935, %broadcast_in_dim3A_962] : memref<8x17xf32, #tpu.memory_space<vmem>>[vector<16xi32>, vector<16xi32>], vector<16xf32>,
        %add3A_1530 = arith.addf %add3A_1526, %gather3A_1529 : vector<16xf32>
        %gather3A_1531 = tpu.vector_load_idx %arg19[%and3A_935, %broadcast_in_dim3A_964] : memref<8x17xf32, #tpu.memory_space<vmem>>[vector<16xi32>, vector<16xi32>], vector<16xf32>,
        %add3A_1532 = arith.addf %add3A_1528, %gather3A_1531 : vector<16xf32>
        %gather3A_1533 = tpu.vector_load_idx %arg20[%and3A_935, %broadcast_in_dim3A_964] : memref<8x17xf32, #tpu.memory_space<vmem>>[vector<16xi32>, vector<16xi32>], vector<16xf32>,
        %add3A_1534 = arith.addf %add3A_1530, %gather3A_1533 : vector<16xf32>
        %gather3A_1535 = tpu.vector_load_idx %arg19[%and3A_935, %broadcast_in_dim3A_966] : memref<8x17xf32, #tpu.memory_space<vmem>>[vector<16xi32>, vector<16xi32>], vector<16xf32>,
        %add3A_1536 = arith.addf %add3A_1532, %gather3A_1535 : vector<16xf32>
        %gather3A_1537 = tpu.vector_load_idx %arg20[%and3A_935, %broadcast_in_dim3A_966] : memref<8x17xf32, #tpu.memory_space<vmem>>[vector<16xi32>, vector<16xi32>], vector<16xf32>,
        %add3A_1538 = arith.addf %add3A_1534, %gather3A_1537 : vector<16xf32>
        %mul3A_1539 = arith.constant 1.562500e-02 : f32
        %mul3A_1540 = vector.broadcast %mul3A_1539 : f32 to vector<16xf32>
        %mul3A_1541 = arith.mulf %add3A_1536, %mul3A_1540 : vector<16xf32>
        %mul3A_1542 = arith.constant 1.562500e-02 : f32
        %mul3A_1543 = vector.broadcast %mul3A_1542 : f32 to vector<16xf32>
        %mul3A_1544 = arith.mulf %add3A_1538, %mul3A_1543 : vector<16xf32>
        %mul3A_1545 = arith.mulf %mul3A_1541, %mul3A_1541 : vector<16xf32>
        %sub3A = arith.subf %mul3A_1544, %mul3A_1545 : vector<16xf32>
        %mul3A_1546 = arith.constant 6.400000e+01 : f32
        %mul3A_1547 = vector.broadcast %mul3A_1546 : f32 to vector<16xf32>
        %mul3A_1548 = arith.mulf %sub3A, %mul3A_1547 : vector<16xf32>
        %add3A_1549 = arith.constant 9.99999974E-6 : f32
        %add3A_1550 = vector.broadcast %add3A_1549 : f32 to vector<16xf32>
        %add3A_1551 = arith.addf %mul3A_1548, %add3A_1550 : vector<16xf32>
        %bitcast_convert_type3A = tpu.bitcast %add3A_1551 : vector<16xf32> -> vector<16xi32>
        %shift_right_arithmetic3A = arith.constant 1 : i32
        %shift_right_arithmetic3A_1552 = vector.broadcast %shift_right_arithmetic3A : i32 to vector<16xi32>
        %shift_right_arithmetic3A_1553 = arith.shrsi %bitcast_convert_type3A, %shift_right_arithmetic3A_1552 : vector<16xi32>
        %sub3A_1554 = arith.constant 1597463007 : i32
        %sub3A_1555 = vector.broadcast %sub3A_1554 : i32 to vector<16xi32>
        %sub3A_1556 = arith.subi %sub3A_1555, %shift_right_arithmetic3A_1553 : vector<16xi32>
        %bitcast_convert_type3A_1557 = tpu.bitcast %sub3A_1556 : vector<16xi32> -> vector<16xf32>
        %mul3A_1558 = arith.constant 5.000000e-01 : f32
        %mul3A_1559 = vector.broadcast %mul3A_1558 : f32 to vector<16xf32>
        %mul3A_1560 = arith.mulf %add3A_1551, %mul3A_1559 : vector<16xf32>
        %mul3A_1561 = arith.mulf %mul3A_1560, %bitcast_convert_type3A_1557 : vector<16xf32>
        %mul3A_1562 = arith.mulf %mul3A_1561, %bitcast_convert_type3A_1557 : vector<16xf32>
        %sub3A_1563 = arith.constant 1.500000e+00 : f32
        %sub3A_1564 = vector.broadcast %sub3A_1563 : f32 to vector<16xf32>
        %sub3A_1565 = arith.subf %sub3A_1564, %mul3A_1562 : vector<16xf32>
        %mul3A_1566 = arith.mulf %bitcast_convert_type3A_1557, %sub3A_1565 : vector<16xf32>
        %mul3A_1567 = arith.mulf %mul3A_1560, %mul3A_1566 : vector<16xf32>
        %mul3A_1568 = arith.mulf %mul3A_1567, %mul3A_1566 : vector<16xf32>
        %sub3A_1569 = arith.constant 1.500000e+00 : f32
        %sub3A_1570 = vector.broadcast %sub3A_1569 : f32 to vector<16xf32>
        %sub3A_1571 = arith.subf %sub3A_1570, %mul3A_1568 : vector<16xf32>
        %mul3A_1572 = arith.mulf %mul3A_1566, %sub3A_1571 : vector<16xf32>
        %mul3A_1573 = arith.mulf %mul3A_1560, %mul3A_1572 : vector<16xf32>
        %mul3A_1574 = arith.mulf %mul3A_1573, %mul3A_1572 : vector<16xf32>
        %sub3A_1575 = arith.constant 1.500000e+00 : f32
        %sub3A_1576 = vector.broadcast %sub3A_1575 : f32 to vector<16xf32>
        %sub3A_1577 = arith.subf %sub3A_1576, %mul3A_1574 : vector<16xf32>
        %mul3A_1578 = arith.mulf %mul3A_1572, %sub3A_1577 : vector<16xf32>
        %mul3A_1579 = arith.constant 8.000000e+00 : f32
        %mul3A_1580 = vector.broadcast %mul3A_1579 : f32 to vector<16xf32>
        %mul3A_1581 = arith.mulf %mul3A_1578, %mul3A_1580 : vector<16xf32>
        %add3A_1582 = arith.constant 0 : i32
        %add3A_1583 = arith.addi %mul3A_1101, %add3A_1582 : i32
        %broadcast_in_dim3A_1584 = arith.constant 0 : i32
        %broadcast_in_dim3A_1585 = vector.broadcast %broadcast_in_dim3A_1584 : i32 to vector<16xi32>
        %broadcast_in_dim3A_1586 = vector.shape_cast %broadcast_in_dim3A_1585 : vector<16xi32> to vector<16x1xi32>
        %gather3A_1587 = vector.shape_cast %broadcast_in_dim3A_1586 : vector<16x1xi32> to vector<16xi32>
        %gather3A_1588 = tpu.dynamic_gather %mul3A_1581[%gather3A_1587] in [0] : vector<16xf32>, vector<16xi32> -> vector<16xf32>
        %broadcast_in_dim3A_1589 = arith.constant 0 : i32
        %broadcast_in_dim3A_1590 = vector.broadcast %broadcast_in_dim3A_1589 : i32 to vector<16xi32>
        %broadcast_in_dim3A_1591 = vector.shape_cast %broadcast_in_dim3A_1590 : vector<16xi32> to vector<16x1xi32>
        %gather3A_1592 = vector.shape_cast %broadcast_in_dim3A_1591 : vector<16x1xi32> to vector<16xi32>
        %gather3A_1593 = tpu.dynamic_gather %mul3A_1541[%gather3A_1592] in [0] : vector<16xf32>, vector<16xi32> -> vector<16xf32>
        %sub3A_1594 = arith.subf %add3A_1117, %gather3A_1593 : vector<16xf32>
        %mul3A_1595 = arith.mulf %sub3A_1594, %gather3A_1588 : vector<16xf32>
        %mul3A_1596 = arith.mulf %mul3A_1595, %get3A_903 : vector<16xf32>
        %add3A_1597 = arith.addf %mul3A_1596, %get3A_911 : vector<16xf32>
        %swap3A_1598 = arith.index_cast %add3A_1583 : i32 to index
        %swap3A_1599 = arith.constant 0 : index
        %swap3A_1600 = tpu.vector_load %arg14[%swap3A_1598, %swap3A_1599] {strides = array<i32>} : memref<200x64xf32, #tpu.memory_space<vmem>>, vector<16xf32>,
        tpu.vector_store %arg14[%swap3A_1598, %swap3A_1599], %add3A_1597 {strides = array<i32>} : memref<200x64xf32, #tpu.memory_space<vmem>>, vector<16xf32>,
        %sub3A_1601 = arith.subf %add3A_1121, %gather3A_1593 : vector<16xf32>
        %mul3A_1602 = arith.mulf %sub3A_1601, %gather3A_1588 : vector<16xf32>
        %mul3A_1603 = arith.mulf %mul3A_1602, %get3A_905 : vector<16xf32>
        %add3A_1604 = arith.addf %mul3A_1603, %get3A_913 : vector<16xf32>
        %swap3A_1605 = arith.index_cast %add3A_1583 : i32 to index
        %swap3A_1606 = arith.constant 16 : index
        %swap3A_1607 = tpu.vector_load %arg14[%swap3A_1605, %swap3A_1606] {strides = array<i32>} : memref<200x64xf32, #tpu.memory_space<vmem>>, vector<16xf32>,
        tpu.vector_store %arg14[%swap3A_1605, %swap3A_1606], %add3A_1604 {strides = array<i32>} : memref<200x64xf32, #tpu.memory_space<vmem>>, vector<16xf32>,
        %sub3A_1608 = arith.subf %add3A_1125, %gather3A_1593 : vector<16xf32>
        %mul3A_1609 = arith.mulf %sub3A_1608, %gather3A_1588 : vector<16xf32>
        %mul3A_1610 = arith.mulf %mul3A_1609, %get3A_907 : vector<16xf32>
        %add3A_1611 = arith.addf %mul3A_1610, %get3A_915 : vector<16xf32>
        %swap3A_1612 = arith.index_cast %add3A_1583 : i32 to index
        %swap3A_1613 = arith.constant 32 : index
        %swap3A_1614 = tpu.vector_load %arg14[%swap3A_1612, %swap3A_1613] {strides = array<i32>} : memref<200x64xf32, #tpu.memory_space<vmem>>, vector<16xf32>,
        tpu.vector_store %arg14[%swap3A_1612, %swap3A_1613], %add3A_1611 {strides = array<i32>} : memref<200x64xf32, #tpu.memory_space<vmem>>, vector<16xf32>,
        %sub3A_1615 = arith.subf %add3A_1129, %gather3A_1593 : vector<16xf32>
        %mul3A_1616 = arith.mulf %sub3A_1615, %gather3A_1588 : vector<16xf32>
        %mul3A_1617 = arith.mulf %mul3A_1616, %get3A_909 : vector<16xf32>
        %add3A_1618 = arith.addf %mul3A_1617, %get3A_917 : vector<16xf32>
        %swap3A_1619 = arith.index_cast %add3A_1583 : i32 to index
        %swap3A_1620 = arith.constant 48 : index
        %swap3A_1621 = tpu.vector_load %arg14[%swap3A_1619, %swap3A_1620] {strides = array<i32>} : memref<200x64xf32, #tpu.memory_space<vmem>>, vector<16xf32>,
        tpu.vector_store %arg14[%swap3A_1619, %swap3A_1620], %add3A_1618 {strides = array<i32>} : memref<200x64xf32, #tpu.memory_space<vmem>>, vector<16xf32>,
        %add3A_1622 = arith.constant 1 : i32
        %add3A_1623 = arith.addi %mul3A_1101, %add3A_1622 : i32
        %broadcast_in_dim3A_1624 = arith.constant 1 : i32
        %broadcast_in_dim3A_1625 = vector.broadcast %broadcast_in_dim3A_1624 : i32 to vector<16xi32>
        %broadcast_in_dim3A_1626 = vector.shape_cast %broadcast_in_dim3A_1625 : vector<16xi32> to vector<16x1xi32>
        %gather3A_1627 = vector.shape_cast %broadcast_in_dim3A_1626 : vector<16x1xi32> to vector<16xi32>
        %gather3A_1628 = tpu.dynamic_gather %mul3A_1581[%gather3A_1627] in [0] : vector<16xf32>, vector<16xi32> -> vector<16xf32>
        %broadcast_in_dim3A_1629 = arith.constant 1 : i32
        %broadcast_in_dim3A_1630 = vector.broadcast %broadcast_in_dim3A_1629 : i32 to vector<16xi32>
        %broadcast_in_dim3A_1631 = vector.shape_cast %broadcast_in_dim3A_1630 : vector<16xi32> to vector<16x1xi32>
        %gather3A_1632 = vector.shape_cast %broadcast_in_dim3A_1631 : vector<16x1xi32> to vector<16xi32>
        %gather3A_1633 = tpu.dynamic_gather %mul3A_1541[%gather3A_1632] in [0] : vector<16xf32>, vector<16xi32> -> vector<16xf32>
        %sub3A_1634 = arith.subf %add3A_1164, %gather3A_1633 : vector<16xf32>
        %mul3A_1635 = arith.mulf %sub3A_1634, %gather3A_1628 : vector<16xf32>
        %mul3A_1636 = arith.mulf %mul3A_1635, %get3A_903 : vector<16xf32>
        %add3A_1637 = arith.addf %mul3A_1636, %get3A_911 : vector<16xf32>
        %swap3A_1638 = arith.index_cast %add3A_1623 : i32 to index
        %swap3A_1639 = arith.constant 0 : index
        %swap3A_1640 = tpu.vector_load %arg14[%swap3A_1638, %swap3A_1639] {strides = array<i32>} : memref<200x64xf32, #tpu.memory_space<vmem>>, vector<16xf32>,
        tpu.vector_store %arg14[%swap3A_1638, %swap3A_1639], %add3A_1637 {strides = array<i32>} : memref<200x64xf32, #tpu.memory_space<vmem>>, vector<16xf32>,
        %sub3A_1641 = arith.subf %add3A_1168, %gather3A_1633 : vector<16xf32>
        %mul3A_1642 = arith.mulf %sub3A_1641, %gather3A_1628 : vector<16xf32>
        %mul3A_1643 = arith.mulf %mul3A_1642, %get3A_905 : vector<16xf32>
        %add3A_1644 = arith.addf %mul3A_1643, %get3A_913 : vector<16xf32>
        %swap3A_1645 = arith.index_cast %add3A_1623 : i32 to index
        %swap3A_1646 = arith.constant 16 : index
        %swap3A_1647 = tpu.vector_load %arg14[%swap3A_1645, %swap3A_1646] {strides = array<i32>} : memref<200x64xf32, #tpu.memory_space<vmem>>, vector<16xf32>,
        tpu.vector_store %arg14[%swap3A_1645, %swap3A_1646], %add3A_1644 {strides = array<i32>} : memref<200x64xf32, #tpu.memory_space<vmem>>, vector<16xf32>,
        %sub3A_1648 = arith.subf %add3A_1172, %gather3A_1633 : vector<16xf32>
        %mul3A_1649 = arith.mulf %sub3A_1648, %gather3A_1628 : vector<16xf32>
        %mul3A_1650 = arith.mulf %mul3A_1649, %get3A_907 : vector<16xf32>
        %add3A_1651 = arith.addf %mul3A_1650, %get3A_915 : vector<16xf32>
        %swap3A_1652 = arith.index_cast %add3A_1623 : i32 to index
        %swap3A_1653 = arith.constant 32 : index
        %swap3A_1654 = tpu.vector_load %arg14[%swap3A_1652, %swap3A_1653] {strides = array<i32>} : memref<200x64xf32, #tpu.memory_space<vmem>>, vector<16xf32>,
        tpu.vector_store %arg14[%swap3A_1652, %swap3A_1653], %add3A_1651 {strides = array<i32>} : memref<200x64xf32, #tpu.memory_space<vmem>>, vector<16xf32>,
        %sub3A_1655 = arith.subf %add3A_1176, %gather3A_1633 : vector<16xf32>
        %mul3A_1656 = arith.mulf %sub3A_1655, %gather3A_1628 : vector<16xf32>
        %mul3A_1657 = arith.mulf %mul3A_1656, %get3A_909 : vector<16xf32>
        %add3A_1658 = arith.addf %mul3A_1657, %get3A_917 : vector<16xf32>
        %swap3A_1659 = arith.index_cast %add3A_1623 : i32 to index
        %swap3A_1660 = arith.constant 48 : index
        %swap3A_1661 = tpu.vector_load %arg14[%swap3A_1659, %swap3A_1660] {strides = array<i32>} : memref<200x64xf32, #tpu.memory_space<vmem>>, vector<16xf32>,
        tpu.vector_store %arg14[%swap3A_1659, %swap3A_1660], %add3A_1658 {strides = array<i32>} : memref<200x64xf32, #tpu.memory_space<vmem>>, vector<16xf32>,
        %add3A_1662 = arith.constant 2 : i32
        %add3A_1663 = arith.addi %mul3A_1101, %add3A_1662 : i32
        %broadcast_in_dim3A_1664 = arith.constant 2 : i32
        %broadcast_in_dim3A_1665 = vector.broadcast %broadcast_in_dim3A_1664 : i32 to vector<16xi32>
        %broadcast_in_dim3A_1666 = vector.shape_cast %broadcast_in_dim3A_1665 : vector<16xi32> to vector<16x1xi32>
        %gather3A_1667 = vector.shape_cast %broadcast_in_dim3A_1666 : vector<16x1xi32> to vector<16xi32>
        %gather3A_1668 = tpu.dynamic_gather %mul3A_1581[%gather3A_1667] in [0] : vector<16xf32>, vector<16xi32> -> vector<16xf32>
        %broadcast_in_dim3A_1669 = arith.constant 2 : i32
        %broadcast_in_dim3A_1670 = vector.broadcast %broadcast_in_dim3A_1669 : i32 to vector<16xi32>
        %broadcast_in_dim3A_1671 = vector.shape_cast %broadcast_in_dim3A_1670 : vector<16xi32> to vector<16x1xi32>
        %gather3A_1672 = vector.shape_cast %broadcast_in_dim3A_1671 : vector<16x1xi32> to vector<16xi32>
        %gather3A_1673 = tpu.dynamic_gather %mul3A_1541[%gather3A_1672] in [0] : vector<16xf32>, vector<16xi32> -> vector<16xf32>
        %sub3A_1674 = arith.subf %add3A_1211, %gather3A_1673 : vector<16xf32>
        %mul3A_1675 = arith.mulf %sub3A_1674, %gather3A_1668 : vector<16xf32>
        %mul3A_1676 = arith.mulf %mul3A_1675, %get3A_903 : vector<16xf32>
        %add3A_1677 = arith.addf %mul3A_1676, %get3A_911 : vector<16xf32>
        %swap3A_1678 = arith.index_cast %add3A_1663 : i32 to index
        %swap3A_1679 = arith.constant 0 : index
        %swap3A_1680 = tpu.vector_load %arg14[%swap3A_1678, %swap3A_1679] {strides = array<i32>} : memref<200x64xf32, #tpu.memory_space<vmem>>, vector<16xf32>,
        tpu.vector_store %arg14[%swap3A_1678, %swap3A_1679], %add3A_1677 {strides = array<i32>} : memref<200x64xf32, #tpu.memory_space<vmem>>, vector<16xf32>,
        %sub3A_1681 = arith.subf %add3A_1215, %gather3A_1673 : vector<16xf32>
        %mul3A_1682 = arith.mulf %sub3A_1681, %gather3A_1668 : vector<16xf32>
        %mul3A_1683 = arith.mulf %mul3A_1682, %get3A_905 : vector<16xf32>
        %add3A_1684 = arith.addf %mul3A_1683, %get3A_913 : vector<16xf32>
        %swap3A_1685 = arith.index_cast %add3A_1663 : i32 to index
        %swap3A_1686 = arith.constant 16 : index
        %swap3A_1687 = tpu.vector_load %arg14[%swap3A_1685, %swap3A_1686] {strides = array<i32>} : memref<200x64xf32, #tpu.memory_space<vmem>>, vector<16xf32>,
        tpu.vector_store %arg14[%swap3A_1685, %swap3A_1686], %add3A_1684 {strides = array<i32>} : memref<200x64xf32, #tpu.memory_space<vmem>>, vector<16xf32>,
        %sub3A_1688 = arith.subf %add3A_1219, %gather3A_1673 : vector<16xf32>
        %mul3A_1689 = arith.mulf %sub3A_1688, %gather3A_1668 : vector<16xf32>
        %mul3A_1690 = arith.mulf %mul3A_1689, %get3A_907 : vector<16xf32>
        %add3A_1691 = arith.addf %mul3A_1690, %get3A_915 : vector<16xf32>
        %swap3A_1692 = arith.index_cast %add3A_1663 : i32 to index
        %swap3A_1693 = arith.constant 32 : index
        %swap3A_1694 = tpu.vector_load %arg14[%swap3A_1692, %swap3A_1693] {strides = array<i32>} : memref<200x64xf32, #tpu.memory_space<vmem>>, vector<16xf32>,
        tpu.vector_store %arg14[%swap3A_1692, %swap3A_1693], %add3A_1691 {strides = array<i32>} : memref<200x64xf32, #tpu.memory_space<vmem>>, vector<16xf32>,
        %sub3A_1695 = arith.subf %add3A_1223, %gather3A_1673 : vector<16xf32>
        %mul3A_1696 = arith.mulf %sub3A_1695, %gather3A_1668 : vector<16xf32>
        %mul3A_1697 = arith.mulf %mul3A_1696, %get3A_909 : vector<16xf32>
        %add3A_1698 = arith.addf %mul3A_1697, %get3A_917 : vector<16xf32>
        %swap3A_1699 = arith.index_cast %add3A_1663 : i32 to index
        %swap3A_1700 = arith.constant 48 : index
        %swap3A_1701 = tpu.vector_load %arg14[%swap3A_1699, %swap3A_1700] {strides = array<i32>} : memref<200x64xf32, #tpu.memory_space<vmem>>, vector<16xf32>,
        tpu.vector_store %arg14[%swap3A_1699, %swap3A_1700], %add3A_1698 {strides = array<i32>} : memref<200x64xf32, #tpu.memory_space<vmem>>, vector<16xf32>,
        %add3A_1702 = arith.constant 3 : i32
        %add3A_1703 = arith.addi %mul3A_1101, %add3A_1702 : i32
        %broadcast_in_dim3A_1704 = arith.constant 3 : i32
        %broadcast_in_dim3A_1705 = vector.broadcast %broadcast_in_dim3A_1704 : i32 to vector<16xi32>
        %broadcast_in_dim3A_1706 = vector.shape_cast %broadcast_in_dim3A_1705 : vector<16xi32> to vector<16x1xi32>
        %gather3A_1707 = vector.shape_cast %broadcast_in_dim3A_1706 : vector<16x1xi32> to vector<16xi32>
        %gather3A_1708 = tpu.dynamic_gather %mul3A_1581[%gather3A_1707] in [0] : vector<16xf32>, vector<16xi32> -> vector<16xf32>
        %broadcast_in_dim3A_1709 = arith.constant 3 : i32
        %broadcast_in_dim3A_1710 = vector.broadcast %broadcast_in_dim3A_1709 : i32 to vector<16xi32>
        %broadcast_in_dim3A_1711 = vector.shape_cast %broadcast_in_dim3A_1710 : vector<16xi32> to vector<16x1xi32>
        %gather3A_1712 = vector.shape_cast %broadcast_in_dim3A_1711 : vector<16x1xi32> to vector<16xi32>
        %gather3A_1713 = tpu.dynamic_gather %mul3A_1541[%gather3A_1712] in [0] : vector<16xf32>, vector<16xi32> -> vector<16xf32>
        %sub3A_1714 = arith.subf %add3A_1258, %gather3A_1713 : vector<16xf32>
        %mul3A_1715 = arith.mulf %sub3A_1714, %gather3A_1708 : vector<16xf32>
        %mul3A_1716 = arith.mulf %mul3A_1715, %get3A_903 : vector<16xf32>
        %add3A_1717 = arith.addf %mul3A_1716, %get3A_911 : vector<16xf32>
        %swap3A_1718 = arith.index_cast %add3A_1703 : i32 to index
        %swap3A_1719 = arith.constant 0 : index
        %swap3A_1720 = tpu.vector_load %arg14[%swap3A_1718, %swap3A_1719] {strides = array<i32>} : memref<200x64xf32, #tpu.memory_space<vmem>>, vector<16xf32>,
        tpu.vector_store %arg14[%swap3A_1718, %swap3A_1719], %add3A_1717 {strides = array<i32>} : memref<200x64xf32, #tpu.memory_space<vmem>>, vector<16xf32>,
        %sub3A_1721 = arith.subf %add3A_1262, %gather3A_1713 : vector<16xf32>
        %mul3A_1722 = arith.mulf %sub3A_1721, %gather3A_1708 : vector<16xf32>
        %mul3A_1723 = arith.mulf %mul3A_1722, %get3A_905 : vector<16xf32>
        %add3A_1724 = arith.addf %mul3A_1723, %get3A_913 : vector<16xf32>
        %swap3A_1725 = arith.index_cast %add3A_1703 : i32 to index
        %swap3A_1726 = arith.constant 16 : index
        %swap3A_1727 = tpu.vector_load %arg14[%swap3A_1725, %swap3A_1726] {strides = array<i32>} : memref<200x64xf32, #tpu.memory_space<vmem>>, vector<16xf32>,
        tpu.vector_store %arg14[%swap3A_1725, %swap3A_1726], %add3A_1724 {strides = array<i32>} : memref<200x64xf32, #tpu.memory_space<vmem>>, vector<16xf32>,
        %sub3A_1728 = arith.subf %add3A_1266, %gather3A_1713 : vector<16xf32>
        %mul3A_1729 = arith.mulf %sub3A_1728, %gather3A_1708 : vector<16xf32>
        %mul3A_1730 = arith.mulf %mul3A_1729, %get3A_907 : vector<16xf32>
        %add3A_1731 = arith.addf %mul3A_1730, %get3A_915 : vector<16xf32>
        %swap3A_1732 = arith.index_cast %add3A_1703 : i32 to index
        %swap3A_1733 = arith.constant 32 : index
        %swap3A_1734 = tpu.vector_load %arg14[%swap3A_1732, %swap3A_1733] {strides = array<i32>} : memref<200x64xf32, #tpu.memory_space<vmem>>, vector<16xf32>,
        tpu.vector_store %arg14[%swap3A_1732, %swap3A_1733], %add3A_1731 {strides = array<i32>} : memref<200x64xf32, #tpu.memory_space<vmem>>, vector<16xf32>,
        %sub3A_1735 = arith.subf %add3A_1270, %gather3A_1713 : vector<16xf32>
        %mul3A_1736 = arith.mulf %sub3A_1735, %gather3A_1708 : vector<16xf32>
        %mul3A_1737 = arith.mulf %mul3A_1736, %get3A_909 : vector<16xf32>
        %add3A_1738 = arith.addf %mul3A_1737, %get3A_917 : vector<16xf32>
        %swap3A_1739 = arith.index_cast %add3A_1703 : i32 to index
        %swap3A_1740 = arith.constant 48 : index
        %swap3A_1741 = tpu.vector_load %arg14[%swap3A_1739, %swap3A_1740] {strides = array<i32>} : memref<200x64xf32, #tpu.memory_space<vmem>>, vector<16xf32>,
        tpu.vector_store %arg14[%swap3A_1739, %swap3A_1740], %add3A_1738 {strides = array<i32>} : memref<200x64xf32, #tpu.memory_space<vmem>>, vector<16xf32>,
        %add3A_1742 = arith.constant 4 : i32
        %add3A_1743 = arith.addi %mul3A_1101, %add3A_1742 : i32
        %broadcast_in_dim3A_1744 = arith.constant 4 : i32
        %broadcast_in_dim3A_1745 = vector.broadcast %broadcast_in_dim3A_1744 : i32 to vector<16xi32>
        %broadcast_in_dim3A_1746 = vector.shape_cast %broadcast_in_dim3A_1745 : vector<16xi32> to vector<16x1xi32>
        %gather3A_1747 = vector.shape_cast %broadcast_in_dim3A_1746 : vector<16x1xi32> to vector<16xi32>
        %gather3A_1748 = tpu.dynamic_gather %mul3A_1581[%gather3A_1747] in [0] : vector<16xf32>, vector<16xi32> -> vector<16xf32>
        %broadcast_in_dim3A_1749 = arith.constant 4 : i32
        %broadcast_in_dim3A_1750 = vector.broadcast %broadcast_in_dim3A_1749 : i32 to vector<16xi32>
        %broadcast_in_dim3A_1751 = vector.shape_cast %broadcast_in_dim3A_1750 : vector<16xi32> to vector<16x1xi32>
        %gather3A_1752 = vector.shape_cast %broadcast_in_dim3A_1751 : vector<16x1xi32> to vector<16xi32>
        %gather3A_1753 = tpu.dynamic_gather %mul3A_1541[%gather3A_1752] in [0] : vector<16xf32>, vector<16xi32> -> vector<16xf32>
        %sub3A_1754 = arith.subf %add3A_1305, %gather3A_1753 : vector<16xf32>
        %mul3A_1755 = arith.mulf %sub3A_1754, %gather3A_1748 : vector<16xf32>
        %mul3A_1756 = arith.mulf %mul3A_1755, %get3A_903 : vector<16xf32>
        %add3A_1757 = arith.addf %mul3A_1756, %get3A_911 : vector<16xf32>
        %swap3A_1758 = arith.index_cast %add3A_1743 : i32 to index
        %swap3A_1759 = arith.constant 0 : index
        %swap3A_1760 = tpu.vector_load %arg14[%swap3A_1758, %swap3A_1759] {strides = array<i32>} : memref<200x64xf32, #tpu.memory_space<vmem>>, vector<16xf32>,
        tpu.vector_store %arg14[%swap3A_1758, %swap3A_1759], %add3A_1757 {strides = array<i32>} : memref<200x64xf32, #tpu.memory_space<vmem>>, vector<16xf32>,
        %sub3A_1761 = arith.subf %add3A_1309, %gather3A_1753 : vector<16xf32>
        %mul3A_1762 = arith.mulf %sub3A_1761, %gather3A_1748 : vector<16xf32>
        %mul3A_1763 = arith.mulf %mul3A_1762, %get3A_905 : vector<16xf32>
        %add3A_1764 = arith.addf %mul3A_1763, %get3A_913 : vector<16xf32>
        %swap3A_1765 = arith.index_cast %add3A_1743 : i32 to index
        %swap3A_1766 = arith.constant 16 : index
        %swap3A_1767 = tpu.vector_load %arg14[%swap3A_1765, %swap3A_1766] {strides = array<i32>} : memref<200x64xf32, #tpu.memory_space<vmem>>, vector<16xf32>,
        tpu.vector_store %arg14[%swap3A_1765, %swap3A_1766], %add3A_1764 {strides = array<i32>} : memref<200x64xf32, #tpu.memory_space<vmem>>, vector<16xf32>,
        %sub3A_1768 = arith.subf %add3A_1313, %gather3A_1753 : vector<16xf32>
        %mul3A_1769 = arith.mulf %sub3A_1768, %gather3A_1748 : vector<16xf32>
        %mul3A_1770 = arith.mulf %mul3A_1769, %get3A_907 : vector<16xf32>
        %add3A_1771 = arith.addf %mul3A_1770, %get3A_915 : vector<16xf32>
        %swap3A_1772 = arith.index_cast %add3A_1743 : i32 to index
        %swap3A_1773 = arith.constant 32 : index
        %swap3A_1774 = tpu.vector_load %arg14[%swap3A_1772, %swap3A_1773] {strides = array<i32>} : memref<200x64xf32, #tpu.memory_space<vmem>>, vector<16xf32>,
        tpu.vector_store %arg14[%swap3A_1772, %swap3A_1773], %add3A_1771 {strides = array<i32>} : memref<200x64xf32, #tpu.memory_space<vmem>>, vector<16xf32>,
        %sub3A_1775 = arith.subf %add3A_1317, %gather3A_1753 : vector<16xf32>
        %mul3A_1776 = arith.mulf %sub3A_1775, %gather3A_1748 : vector<16xf32>
        %mul3A_1777 = arith.mulf %mul3A_1776, %get3A_909 : vector<16xf32>
        %add3A_1778 = arith.addf %mul3A_1777, %get3A_917 : vector<16xf32>
        %swap3A_1779 = arith.index_cast %add3A_1743 : i32 to index
        %swap3A_1780 = arith.constant 48 : index
        %swap3A_1781 = tpu.vector_load %arg14[%swap3A_1779, %swap3A_1780] {strides = array<i32>} : memref<200x64xf32, #tpu.memory_space<vmem>>, vector<16xf32>,
        tpu.vector_store %arg14[%swap3A_1779, %swap3A_1780], %add3A_1778 {strides = array<i32>} : memref<200x64xf32, #tpu.memory_space<vmem>>, vector<16xf32>,
        %add3A_1782 = arith.constant 5 : i32
        %add3A_1783 = arith.addi %mul3A_1101, %add3A_1782 : i32
        %broadcast_in_dim3A_1784 = arith.constant 5 : i32
        %broadcast_in_dim3A_1785 = vector.broadcast %broadcast_in_dim3A_1784 : i32 to vector<16xi32>
        %broadcast_in_dim3A_1786 = vector.shape_cast %broadcast_in_dim3A_1785 : vector<16xi32> to vector<16x1xi32>
        %gather3A_1787 = vector.shape_cast %broadcast_in_dim3A_1786 : vector<16x1xi32> to vector<16xi32>
        %gather3A_1788 = tpu.dynamic_gather %mul3A_1581[%gather3A_1787] in [0] : vector<16xf32>, vector<16xi32> -> vector<16xf32>
        %broadcast_in_dim3A_1789 = arith.constant 5 : i32
        %broadcast_in_dim3A_1790 = vector.broadcast %broadcast_in_dim3A_1789 : i32 to vector<16xi32>
        %broadcast_in_dim3A_1791 = vector.shape_cast %broadcast_in_dim3A_1790 : vector<16xi32> to vector<16x1xi32>
        %gather3A_1792 = vector.shape_cast %broadcast_in_dim3A_1791 : vector<16x1xi32> to vector<16xi32>
        %gather3A_1793 = tpu.dynamic_gather %mul3A_1541[%gather3A_1792] in [0] : vector<16xf32>, vector<16xi32> -> vector<16xf32>
        %sub3A_1794 = arith.subf %add3A_1352, %gather3A_1793 : vector<16xf32>
        %mul3A_1795 = arith.mulf %sub3A_1794, %gather3A_1788 : vector<16xf32>
        %mul3A_1796 = arith.mulf %mul3A_1795, %get3A_903 : vector<16xf32>
        %add3A_1797 = arith.addf %mul3A_1796, %get3A_911 : vector<16xf32>
        %swap3A_1798 = arith.index_cast %add3A_1783 : i32 to index
        %swap3A_1799 = arith.constant 0 : index
        %swap3A_1800 = tpu.vector_load %arg14[%swap3A_1798, %swap3A_1799] {strides = array<i32>} : memref<200x64xf32, #tpu.memory_space<vmem>>, vector<16xf32>,
        tpu.vector_store %arg14[%swap3A_1798, %swap3A_1799], %add3A_1797 {strides = array<i32>} : memref<200x64xf32, #tpu.memory_space<vmem>>, vector<16xf32>,
        %sub3A_1801 = arith.subf %add3A_1356, %gather3A_1793 : vector<16xf32>
        %mul3A_1802 = arith.mulf %sub3A_1801, %gather3A_1788 : vector<16xf32>
        %mul3A_1803 = arith.mulf %mul3A_1802, %get3A_905 : vector<16xf32>
        %add3A_1804 = arith.addf %mul3A_1803, %get3A_913 : vector<16xf32>
        %swap3A_1805 = arith.index_cast %add3A_1783 : i32 to index
        %swap3A_1806 = arith.constant 16 : index
        %swap3A_1807 = tpu.vector_load %arg14[%swap3A_1805, %swap3A_1806] {strides = array<i32>} : memref<200x64xf32, #tpu.memory_space<vmem>>, vector<16xf32>,
        tpu.vector_store %arg14[%swap3A_1805, %swap3A_1806], %add3A_1804 {strides = array<i32>} : memref<200x64xf32, #tpu.memory_space<vmem>>, vector<16xf32>,
        %sub3A_1808 = arith.subf %add3A_1360, %gather3A_1793 : vector<16xf32>
        %mul3A_1809 = arith.mulf %sub3A_1808, %gather3A_1788 : vector<16xf32>
        %mul3A_1810 = arith.mulf %mul3A_1809, %get3A_907 : vector<16xf32>
        %add3A_1811 = arith.addf %mul3A_1810, %get3A_915 : vector<16xf32>
        %swap3A_1812 = arith.index_cast %add3A_1783 : i32 to index
        %swap3A_1813 = arith.constant 32 : index
        %swap3A_1814 = tpu.vector_load %arg14[%swap3A_1812, %swap3A_1813] {strides = array<i32>} : memref<200x64xf32, #tpu.memory_space<vmem>>, vector<16xf32>,
        tpu.vector_store %arg14[%swap3A_1812, %swap3A_1813], %add3A_1811 {strides = array<i32>} : memref<200x64xf32, #tpu.memory_space<vmem>>, vector<16xf32>,
        %sub3A_1815 = arith.subf %add3A_1364, %gather3A_1793 : vector<16xf32>
        %mul3A_1816 = arith.mulf %sub3A_1815, %gather3A_1788 : vector<16xf32>
        %mul3A_1817 = arith.mulf %mul3A_1816, %get3A_909 : vector<16xf32>
        %add3A_1818 = arith.addf %mul3A_1817, %get3A_917 : vector<16xf32>
        %swap3A_1819 = arith.index_cast %add3A_1783 : i32 to index
        %swap3A_1820 = arith.constant 48 : index
        %swap3A_1821 = tpu.vector_load %arg14[%swap3A_1819, %swap3A_1820] {strides = array<i32>} : memref<200x64xf32, #tpu.memory_space<vmem>>, vector<16xf32>,
        tpu.vector_store %arg14[%swap3A_1819, %swap3A_1820], %add3A_1818 {strides = array<i32>} : memref<200x64xf32, #tpu.memory_space<vmem>>, vector<16xf32>,
        %add3A_1822 = arith.constant 6 : i32
        %add3A_1823 = arith.addi %mul3A_1101, %add3A_1822 : i32
        %broadcast_in_dim3A_1824 = arith.constant 6 : i32
        %broadcast_in_dim3A_1825 = vector.broadcast %broadcast_in_dim3A_1824 : i32 to vector<16xi32>
        %broadcast_in_dim3A_1826 = vector.shape_cast %broadcast_in_dim3A_1825 : vector<16xi32> to vector<16x1xi32>
        %gather3A_1827 = vector.shape_cast %broadcast_in_dim3A_1826 : vector<16x1xi32> to vector<16xi32>
        %gather3A_1828 = tpu.dynamic_gather %mul3A_1581[%gather3A_1827] in [0] : vector<16xf32>, vector<16xi32> -> vector<16xf32>
        %broadcast_in_dim3A_1829 = arith.constant 6 : i32
        %broadcast_in_dim3A_1830 = vector.broadcast %broadcast_in_dim3A_1829 : i32 to vector<16xi32>
        %broadcast_in_dim3A_1831 = vector.shape_cast %broadcast_in_dim3A_1830 : vector<16xi32> to vector<16x1xi32>
        %gather3A_1832 = vector.shape_cast %broadcast_in_dim3A_1831 : vector<16x1xi32> to vector<16xi32>
        %gather3A_1833 = tpu.dynamic_gather %mul3A_1541[%gather3A_1832] in [0] : vector<16xf32>, vector<16xi32> -> vector<16xf32>
        %sub3A_1834 = arith.subf %add3A_1399, %gather3A_1833 : vector<16xf32>
        %mul3A_1835 = arith.mulf %sub3A_1834, %gather3A_1828 : vector<16xf32>
        %mul3A_1836 = arith.mulf %mul3A_1835, %get3A_903 : vector<16xf32>
        %add3A_1837 = arith.addf %mul3A_1836, %get3A_911 : vector<16xf32>
        %swap3A_1838 = arith.index_cast %add3A_1823 : i32 to index
        %swap3A_1839 = arith.constant 0 : index
        %swap3A_1840 = tpu.vector_load %arg14[%swap3A_1838, %swap3A_1839] {strides = array<i32>} : memref<200x64xf32, #tpu.memory_space<vmem>>, vector<16xf32>,
        tpu.vector_store %arg14[%swap3A_1838, %swap3A_1839], %add3A_1837 {strides = array<i32>} : memref<200x64xf32, #tpu.memory_space<vmem>>, vector<16xf32>,
        %sub3A_1841 = arith.subf %add3A_1403, %gather3A_1833 : vector<16xf32>
        %mul3A_1842 = arith.mulf %sub3A_1841, %gather3A_1828 : vector<16xf32>
        %mul3A_1843 = arith.mulf %mul3A_1842, %get3A_905 : vector<16xf32>
        %add3A_1844 = arith.addf %mul3A_1843, %get3A_913 : vector<16xf32>
        %swap3A_1845 = arith.index_cast %add3A_1823 : i32 to index
        %swap3A_1846 = arith.constant 16 : index
        %swap3A_1847 = tpu.vector_load %arg14[%swap3A_1845, %swap3A_1846] {strides = array<i32>} : memref<200x64xf32, #tpu.memory_space<vmem>>, vector<16xf32>,
        tpu.vector_store %arg14[%swap3A_1845, %swap3A_1846], %add3A_1844 {strides = array<i32>} : memref<200x64xf32, #tpu.memory_space<vmem>>, vector<16xf32>,
        %sub3A_1848 = arith.subf %add3A_1407, %gather3A_1833 : vector<16xf32>
        %mul3A_1849 = arith.mulf %sub3A_1848, %gather3A_1828 : vector<16xf32>
        %mul3A_1850 = arith.mulf %mul3A_1849, %get3A_907 : vector<16xf32>
        %add3A_1851 = arith.addf %mul3A_1850, %get3A_915 : vector<16xf32>
        %swap3A_1852 = arith.index_cast %add3A_1823 : i32 to index
        %swap3A_1853 = arith.constant 32 : index
        %swap3A_1854 = tpu.vector_load %arg14[%swap3A_1852, %swap3A_1853] {strides = array<i32>} : memref<200x64xf32, #tpu.memory_space<vmem>>, vector<16xf32>,
        tpu.vector_store %arg14[%swap3A_1852, %swap3A_1853], %add3A_1851 {strides = array<i32>} : memref<200x64xf32, #tpu.memory_space<vmem>>, vector<16xf32>,
        %sub3A_1855 = arith.subf %add3A_1411, %gather3A_1833 : vector<16xf32>
        %mul3A_1856 = arith.mulf %sub3A_1855, %gather3A_1828 : vector<16xf32>
        %mul3A_1857 = arith.mulf %mul3A_1856, %get3A_909 : vector<16xf32>
        %add3A_1858 = arith.addf %mul3A_1857, %get3A_917 : vector<16xf32>
        %swap3A_1859 = arith.index_cast %add3A_1823 : i32 to index
        %swap3A_1860 = arith.constant 48 : index
        %swap3A_1861 = tpu.vector_load %arg14[%swap3A_1859, %swap3A_1860] {strides = array<i32>} : memref<200x64xf32, #tpu.memory_space<vmem>>, vector<16xf32>,
        tpu.vector_store %arg14[%swap3A_1859, %swap3A_1860], %add3A_1858 {strides = array<i32>} : memref<200x64xf32, #tpu.memory_space<vmem>>, vector<16xf32>,
        %add3A_1862 = arith.constant 7 : i32
        %add3A_1863 = arith.addi %mul3A_1101, %add3A_1862 : i32
        %broadcast_in_dim3A_1864 = arith.constant 7 : i32
        %broadcast_in_dim3A_1865 = vector.broadcast %broadcast_in_dim3A_1864 : i32 to vector<16xi32>
        %broadcast_in_dim3A_1866 = vector.shape_cast %broadcast_in_dim3A_1865 : vector<16xi32> to vector<16x1xi32>
        %gather3A_1867 = vector.shape_cast %broadcast_in_dim3A_1866 : vector<16x1xi32> to vector<16xi32>
        %gather3A_1868 = tpu.dynamic_gather %mul3A_1581[%gather3A_1867] in [0] : vector<16xf32>, vector<16xi32> -> vector<16xf32>
        %broadcast_in_dim3A_1869 = arith.constant 7 : i32
        %broadcast_in_dim3A_1870 = vector.broadcast %broadcast_in_dim3A_1869 : i32 to vector<16xi32>
        %broadcast_in_dim3A_1871 = vector.shape_cast %broadcast_in_dim3A_1870 : vector<16xi32> to vector<16x1xi32>
        %gather3A_1872 = vector.shape_cast %broadcast_in_dim3A_1871 : vector<16x1xi32> to vector<16xi32>
        %gather3A_1873 = tpu.dynamic_gather %mul3A_1541[%gather3A_1872] in [0] : vector<16xf32>, vector<16xi32> -> vector<16xf32>
        %sub3A_1874 = arith.subf %add3A_1446, %gather3A_1873 : vector<16xf32>
        %mul3A_1875 = arith.mulf %sub3A_1874, %gather3A_1868 : vector<16xf32>
        %mul3A_1876 = arith.mulf %mul3A_1875, %get3A_903 : vector<16xf32>
        %add3A_1877 = arith.addf %mul3A_1876, %get3A_911 : vector<16xf32>
        %swap3A_1878 = arith.index_cast %add3A_1863 : i32 to index
        %swap3A_1879 = arith.constant 0 : index
        %swap3A_1880 = tpu.vector_load %arg14[%swap3A_1878, %swap3A_1879] {strides = array<i32>} : memref<200x64xf32, #tpu.memory_space<vmem>>, vector<16xf32>,
        tpu.vector_store %arg14[%swap3A_1878, %swap3A_1879], %add3A_1877 {strides = array<i32>} : memref<200x64xf32, #tpu.memory_space<vmem>>, vector<16xf32>,
        %sub3A_1881 = arith.subf %add3A_1450, %gather3A_1873 : vector<16xf32>
        %mul3A_1882 = arith.mulf %sub3A_1881, %gather3A_1868 : vector<16xf32>
        %mul3A_1883 = arith.mulf %mul3A_1882, %get3A_905 : vector<16xf32>
        %add3A_1884 = arith.addf %mul3A_1883, %get3A_913 : vector<16xf32>
        %swap3A_1885 = arith.index_cast %add3A_1863 : i32 to index
        %swap3A_1886 = arith.constant 16 : index
        %swap3A_1887 = tpu.vector_load %arg14[%swap3A_1885, %swap3A_1886] {strides = array<i32>} : memref<200x64xf32, #tpu.memory_space<vmem>>, vector<16xf32>,
        tpu.vector_store %arg14[%swap3A_1885, %swap3A_1886], %add3A_1884 {strides = array<i32>} : memref<200x64xf32, #tpu.memory_space<vmem>>, vector<16xf32>,
        %sub3A_1888 = arith.subf %add3A_1454, %gather3A_1873 : vector<16xf32>
        %mul3A_1889 = arith.mulf %sub3A_1888, %gather3A_1868 : vector<16xf32>
        %mul3A_1890 = arith.mulf %mul3A_1889, %get3A_907 : vector<16xf32>
        %add3A_1891 = arith.addf %mul3A_1890, %get3A_915 : vector<16xf32>
        %swap3A_1892 = arith.index_cast %add3A_1863 : i32 to index
        %swap3A_1893 = arith.constant 32 : index
        %swap3A_1894 = tpu.vector_load %arg14[%swap3A_1892, %swap3A_1893] {strides = array<i32>} : memref<200x64xf32, #tpu.memory_space<vmem>>, vector<16xf32>,
        tpu.vector_store %arg14[%swap3A_1892, %swap3A_1893], %add3A_1891 {strides = array<i32>} : memref<200x64xf32, #tpu.memory_space<vmem>>, vector<16xf32>,
        %sub3A_1895 = arith.subf %add3A_1458, %gather3A_1873 : vector<16xf32>
        %mul3A_1896 = arith.mulf %sub3A_1895, %gather3A_1868 : vector<16xf32>
        %mul3A_1897 = arith.mulf %mul3A_1896, %get3A_909 : vector<16xf32>
        %add3A_1898 = arith.addf %mul3A_1897, %get3A_917 : vector<16xf32>
        %swap3A_1899 = arith.index_cast %add3A_1863 : i32 to index
        %swap3A_1900 = arith.constant 48 : index
        %swap3A_1901 = tpu.vector_load %arg14[%swap3A_1899, %swap3A_1900] {strides = array<i32>} : memref<200x64xf32, #tpu.memory_space<vmem>>, vector<16xf32>,
        tpu.vector_store %arg14[%swap3A_1899, %swap3A_1900], %add3A_1898 {strides = array<i32>} : memref<200x64xf32, #tpu.memory_space<vmem>>, vector<16xf32>,
      }
      %scan3A_1031 = arith.constant 25 : i32
      %mul3A_1032 = arith.constant 200 : i32
      %mul3A_1033 = arith.muli %mul3A_995, %mul3A_1032 : i32
      %add3A_1034 = arith.addi %mul3A_2, %mul3A_1033 : i32
      %dma_start3A_1035 = arith.constant 0 : i32
      %dma_start3A_1036 = tpu.memref_slice %arg8[%add3A_1034, %dma_start3A_1035] : memref<204800x64xf32, #tpu.memory_space<hbm>> -> memref<200x64xf32, #tpu.memory_space<hbm>>
      %dma_start3A_1037 = arith.constant 0 : i32
      %dma_start3A_1038 = tpu.memref_slice %arg8[%add3A_1034, %dma_start3A_1037] : memref<204800x64xf32, #tpu.memory_space<hbm>> -> memref<200x64xf32, #tpu.memory_space<hbm>>
      tpu.enqueue_dma source(%arg14 : memref<200x64xf32, #tpu.memory_space<vmem>>) target(%dma_start3A_1038 : memref<200x64xf32, #tpu.memory_space<hbm>>) target_semaphore(%arg22 : memref<!tpu.dma_semaphore, #tpu.memory_space<semaphore_mem>>)
      %mul3A_1039 = arith.constant 2 : i32
      %mul3A_1040 = arith.muli %mul3A_1039, %scan3A_993 : i32
      %add3A_1041 = arith.constant 1 : i32
      %add3A_1042 = arith.addi %mul3A_1040, %add3A_1041 : i32
      %mul3A_1043 = arith.constant 200 : i32
      %mul3A_1044 = arith.muli %add3A_1042, %mul3A_1043 : i32
      %add3A_1045 = arith.constant 0 : i32
      %add3A_1046 = arith.addi %mul3A_1044, %add3A_1045 : i32
      %mul3A_1047 = arith.constant 200 : i32
      %mul3A_1048 = arith.muli %add3A_1042, %mul3A_1047 : i32
      %add3A_1049 = arith.constant 128 : i32
      %add3A_1050 = arith.addi %mul3A_1048, %add3A_1049 : i32
      %dma_wait3A_1051 = arith.constant 0 : i32
      %dma_wait3A_1052 = arith.constant 0 : i32
      %dma_wait3A_1053 = tpu.memref_slice %arg13[%dma_wait3A_1051, %dma_wait3A_1052] : memref<200x128xf32, #tpu.memory_space<vmem>> -> memref<128x128xf32, #tpu.memory_space<vmem>>
      %dma_wait3A_1054 = tpu.memref_slice %arg9[%add3A_1046] : memref<6400xi32, #tpu.memory_space<vmem>> -> memref<128xi32, #tpu.memory_space<vmem>>
      %dma_wait3A_1055 = arith.constant 0 : i32
      %dma_wait3A_1056 = arith.constant 0 : i32
      %dma_wait3A_1057 = tpu.memref_slice %arg5[%dma_wait3A_1055, %dma_wait3A_1056] : memref<512000x128xf32, #tpu.memory_space<hbm>> -> memref<512000x128xf32, #tpu.memory_space<hbm>>
      tpu.wait_indirect_dma semaphore(%arg21 : memref<!tpu.dma_semaphore, #tpu.memory_space<semaphore_mem>>) src(%dma_wait3A_1057 : memref<512000x128xf32, #tpu.memory_space<hbm>>) dst(%dma_wait3A_1053 : memref<128x128xf32, #tpu.memory_space<vmem>>)
      %dma_wait3A_1058 = arith.constant 128 : i32
      %dma_wait3A_1059 = arith.constant 0 : i32
      %dma_wait3A_1060 = tpu.memref_slice %arg13[%dma_wait3A_1058, %dma_wait3A_1059] : memref<200x128xf32, #tpu.memory_space<vmem>> -> memref<72x128xf32, #tpu.memory_space<vmem>>
      %dma_wait3A_1061 = tpu.memref_slice %arg9[%add3A_1050] : memref<6400xi32, #tpu.memory_space<vmem>> -> memref<72xi32, #tpu.memory_space<vmem>>
      %dma_wait3A_1062 = arith.constant 0 : i32
      %dma_wait3A_1063 = arith.constant 0 : i32
      %dma_wait3A_1064 = tpu.memref_slice %arg5[%dma_wait3A_1062, %dma_wait3A_1063] : memref<512000x128xf32, #tpu.memory_space<hbm>> -> memref<512000x128xf32, #tpu.memory_space<hbm>>
      tpu.wait_indirect_dma semaphore(%arg21 : memref<!tpu.dma_semaphore, #tpu.memory_space<semaphore_mem>>) src(%dma_wait3A_1064 : memref<512000x128xf32, #tpu.memory_space<hbm>>) dst(%dma_wait3A_1060 : memref<72x128xf32, #tpu.memory_space<vmem>>)
      %ge3A_1065 = arith.constant 1 : i32
      %ge3A_1066 = arith.cmpi sge, %add3A_1042, %ge3A_1065 : i32
      %convert_element_type3A_1067 = arith.extui %ge3A_1066 : i1 to i32
      %cond3A_1068 = arith.constant 0 : i32
      %cond3A_1069 = arith.cmpi ne, %convert_element_type3A_1067, %cond3A_1068 : i32
      scf.if %cond3A_1069 {
        %sub3A = arith.constant 1 : i32
        %sub3A_1090 = arith.subi %add3A_1042, %sub3A : i32
        %mul3A_1091 = arith.constant 200 : i32
        %mul3A_1092 = arith.muli %sub3A_1090, %mul3A_1091 : i32
        %add3A_1093 = arith.addi %mul3A_2, %mul3A_1092 : i32
        %dma_wait3A_1094 = arith.constant 0 : i32
        %dma_wait3A_1095 = tpu.memref_slice %arg8[%add3A_1093, %dma_wait3A_1094] : memref<204800x64xf32, #tpu.memory_space<hbm>> -> memref<200x64xf32, #tpu.memory_space<hbm>>
        %dma_wait3A_1096 = arith.constant 0 : i32
        %dma_wait3A_1097 = tpu.memref_slice %arg8[%add3A_1093, %dma_wait3A_1096] : memref<204800x64xf32, #tpu.memory_space<hbm>> -> memref<200x64xf32, #tpu.memory_space<hbm>>
        tpu.wait_dma2 semaphore(%arg22 : memref<!tpu.dma_semaphore, #tpu.memory_space<semaphore_mem>>) src(%arg14 : memref<200x64xf32, #tpu.memory_space<vmem>>) dst(%dma_wait3A_1097 : memref<200x64xf32, #tpu.memory_space<hbm>>)
      } else {
      }
      %add3A_1070 = arith.constant 1 : i32
      %add3A_1071 = arith.addi %add3A_1042, %add3A_1070 : i32
      %lt3A_1072 = arith.constant 32 : i32
      %lt3A_1073 = arith.cmpi slt, %add3A_1071, %lt3A_1072 : i32
      %convert_element_type3A_1074 = arith.extui %lt3A_1073 : i1 to i32
      %cond3A_1075 = arith.constant 0 : i32
      %cond3A_1076 = arith.cmpi ne, %convert_element_type3A_1074, %cond3A_1075 : i32
      scf.if %cond3A_1076 {
        %add3A_1090 = arith.constant 1 : i32
        %add3A_1091 = arith.addi %add3A_1042, %add3A_1090 : i32
        %mul3A_1092 = arith.constant 200 : i32
        %mul3A_1093 = arith.muli %add3A_1091, %mul3A_1092 : i32
        %add3A_1094 = arith.constant 0 : i32
        %add3A_1095 = arith.addi %mul3A_1093, %add3A_1094 : i32
        %mul3A_1096 = arith.constant 200 : i32
        %mul3A_1097 = arith.muli %add3A_1091, %mul3A_1096 : i32
        %add3A_1098 = arith.constant 128 : i32
        %add3A_1099 = arith.addi %mul3A_1097, %add3A_1098 : i32
        %dma_start3A_1100 = arith.constant 0 : i32
        %dma_start3A_1101 = arith.constant 0 : i32
        %dma_start3A_1102 = tpu.memref_slice %arg12[%dma_start3A_1100, %dma_start3A_1101] : memref<200x128xf32, #tpu.memory_space<vmem>> -> memref<128x128xf32, #tpu.memory_space<vmem>>
        %dma_start3A_1103 = tpu.memref_slice %arg9[%add3A_1095] : memref<6400xi32, #tpu.memory_space<vmem>> -> memref<128xi32, #tpu.memory_space<vmem>>
        %dma_start3A_1104 = arith.constant 0 : i32
        %dma_start3A_1105 = arith.constant 0 : i32
        %dma_start3A_1106 = tpu.memref_slice %arg5[%dma_start3A_1104, %dma_start3A_1105] : memref<512000x128xf32, #tpu.memory_space<hbm>> -> memref<512000x128xf32, #tpu.memory_space<hbm>>
        tpu.enqueue_indirect_dma source(%dma_start3A_1106 : memref<512000x128xf32, #tpu.memory_space<hbm>>) target(%dma_start3A_1102 : memref<128x128xf32, #tpu.memory_space<vmem>>) offsets(%dma_start3A_1103 : memref<128xi32, #tpu.memory_space<vmem>>) semaphore(%arg21 : memref<!tpu.dma_semaphore, #tpu.memory_space<semaphore_mem>>)
        %dma_start3A_1107 = arith.constant 128 : i32
        %dma_start3A_1108 = arith.constant 0 : i32
        %dma_start3A_1109 = tpu.memref_slice %arg12[%dma_start3A_1107, %dma_start3A_1108] : memref<200x128xf32, #tpu.memory_space<vmem>> -> memref<72x128xf32, #tpu.memory_space<vmem>>
        %dma_start3A_1110 = tpu.memref_slice %arg9[%add3A_1099] : memref<6400xi32, #tpu.memory_space<vmem>> -> memref<72xi32, #tpu.memory_space<vmem>>
        %dma_start3A_1111 = arith.constant 0 : i32
        %dma_start3A_1112 = arith.constant 0 : i32
        %dma_start3A_1113 = tpu.memref_slice %arg5[%dma_start3A_1111, %dma_start3A_1112] : memref<512000x128xf32, #tpu.memory_space<hbm>> -> memref<512000x128xf32, #tpu.memory_space<hbm>>
        tpu.enqueue_indirect_dma source(%dma_start3A_1113 : memref<512000x128xf32, #tpu.memory_space<hbm>>) target(%dma_start3A_1109 : memref<72x128xf32, #tpu.memory_space<vmem>>) offsets(%dma_start3A_1110 : memref<72xi32, #tpu.memory_space<vmem>>) semaphore(%arg21 : memref<!tpu.dma_semaphore, #tpu.memory_space<semaphore_mem>>)
      } else {
      }
      %scan3A_1077 = arith.constant 0 : i32
      %scan3A_1078 = arith.constant 0 : i32
      %scan3A_1079 = arith.constant 25 : i32
      %scan3A_1080 = arith.addi %scan3A_1078, %scan3A_1079 : i32
      %scan3A_1081 = arith.constant 1 : i32
      scf.for %scan3A_1090 = %scan3A_1078 to %scan3A_1080 step %scan3A_1081  : i32 {
        %mul3A_1091 = arith.constant 200 : i32
        %mul3A_1092 = arith.muli %add3A_1042, %mul3A_1091 : i32
        %mul3A_1093 = arith.constant 8 : i32
        %mul3A_1094 = arith.muli %scan3A_1090, %mul3A_1093 : i32
        %add3A_1095 = arith.addi %mul3A_1092, %mul3A_1094 : i32
        %get3A_1096 = arith.index_cast %add3A_1095 : i32 to index
        %get3A_1097 = tpu.vector_load %arg11[%get3A_1096] {strides = array<i32>} : memref<6416xi32, #tpu.memory_space<vmem>>, vector<16xi32>,
        %get3A_1098 = arith.index_cast %add3A_1095 : i32 to index
        %get3A_1099 = tpu.vector_load %arg10[%get3A_1098] {strides = array<i32>} : memref<6416xi32, #tpu.memory_space<vmem>>, vector<16xi32>,
        %mul3A_1100 = arith.constant 8 : i32
        %mul3A_1101 = arith.muli %scan3A_1090, %mul3A_1100 : i32
        %add3A_1102 = arith.constant 0 : i32
        %add3A_1103 = arith.addi %mul3A_1101, %add3A_1102 : i32
        %broadcast_in_dim3A_1104 = arith.constant 0 : i32
        %broadcast_in_dim3A_1105 = vector.broadcast %broadcast_in_dim3A_1104 : i32 to vector<16xi32>
        %broadcast_in_dim3A_1106 = vector.shape_cast %broadcast_in_dim3A_1105 : vector<16xi32> to vector<16x1xi32>
        %gather3A = vector.shape_cast %broadcast_in_dim3A_1106 : vector<16x1xi32> to vector<16xi32>
        %gather3A_1107 = tpu.dynamic_gather %get3A_1097[%gather3A] in [0] : vector<16xi32>, vector<16xi32> -> vector<16xi32>
        %broadcast_in_dim3A_1108 = arith.constant 0 : i32
        %broadcast_in_dim3A_1109 = vector.broadcast %broadcast_in_dim3A_1108 : i32 to vector<16xi32>
        %broadcast_in_dim3A_1110 = vector.shape_cast %broadcast_in_dim3A_1109 : vector<16xi32> to vector<16x1xi32>
        %gather3A_1111 = vector.shape_cast %broadcast_in_dim3A_1110 : vector<16x1xi32> to vector<16xi32>
        %gather3A_1112 = tpu.dynamic_gather %get3A_1099[%gather3A_1111] in [0] : vector<16xi32>, vector<16xi32> -> vector<16xi32>
        %broadcast_in_dim3A_1113 = vector.broadcast %add3A_1103 : i32 to vector<16xi32>
        %add3A_1114 = arith.addi %gather3A_1112, %add3A_920 : vector<16xi32>
        %gather3A_1115 = tpu.vector_load_idx %arg13[%broadcast_in_dim3A_1113, %add3A_1114] : memref<200x128xf32, #tpu.memory_space<vmem>>[vector<16xi32>, vector<16xi32>], vector<16xf32>,
        %gather3A_1116 = tpu.vector_load_idx %arg16[%gather3A_1107, %add3A_920] : memref<32x64xf32, #tpu.memory_space<vmem>>[vector<16xi32>, vector<16xi32>], vector<16xf32>,
        %add3A_1117 = arith.addf %gather3A_1115, %gather3A_1116 : vector<16xf32>
        %add3A_1118 = arith.addi %gather3A_1112, %add3A_924 : vector<16xi32>
        %gather3A_1119 = tpu.vector_load_idx %arg13[%broadcast_in_dim3A_1113, %add3A_1118] : memref<200x128xf32, #tpu.memory_space<vmem>>[vector<16xi32>, vector<16xi32>], vector<16xf32>,
        %gather3A_1120 = tpu.vector_load_idx %arg16[%gather3A_1107, %add3A_924] : memref<32x64xf32, #tpu.memory_space<vmem>>[vector<16xi32>, vector<16xi32>], vector<16xf32>,
        %add3A_1121 = arith.addf %gather3A_1119, %gather3A_1120 : vector<16xf32>
        %add3A_1122 = arith.addi %gather3A_1112, %add3A_928 : vector<16xi32>
        %gather3A_1123 = tpu.vector_load_idx %arg13[%broadcast_in_dim3A_1113, %add3A_1122] : memref<200x128xf32, #tpu.memory_space<vmem>>[vector<16xi32>, vector<16xi32>], vector<16xf32>,
        %gather3A_1124 = tpu.vector_load_idx %arg16[%gather3A_1107, %add3A_928] : memref<32x64xf32, #tpu.memory_space<vmem>>[vector<16xi32>, vector<16xi32>], vector<16xf32>,
        %add3A_1125 = arith.addf %gather3A_1123, %gather3A_1124 : vector<16xf32>
        %add3A_1126 = arith.addi %gather3A_1112, %add3A_932 : vector<16xi32>
        %gather3A_1127 = tpu.vector_load_idx %arg13[%broadcast_in_dim3A_1113, %add3A_1126] : memref<200x128xf32, #tpu.memory_space<vmem>>[vector<16xi32>, vector<16xi32>], vector<16xf32>,
        %gather3A_1128 = tpu.vector_load_idx %arg16[%gather3A_1107, %add3A_932] : memref<32x64xf32, #tpu.memory_space<vmem>>[vector<16xi32>, vector<16xi32>], vector<16xf32>,
        %add3A_1129 = arith.addf %gather3A_1127, %gather3A_1128 : vector<16xf32>
        %add3A_1130 = arith.addf %add3A_1117, %add3A_1121 : vector<16xf32>
        %add3A_1131 = arith.addf %add3A_1125, %add3A_1129 : vector<16xf32>
        %add3A_1132 = arith.addf %add3A_1130, %add3A_1131 : vector<16xf32>
        %mul3A_1133 = arith.mulf %add3A_1117, %add3A_1117 : vector<16xf32>
        %mul3A_1134 = arith.mulf %add3A_1121, %add3A_1121 : vector<16xf32>
        %add3A_1135 = arith.addf %mul3A_1133, %mul3A_1134 : vector<16xf32>
        %mul3A_1136 = arith.mulf %add3A_1125, %add3A_1125 : vector<16xf32>
        %mul3A_1137 = arith.mulf %add3A_1129, %add3A_1129 : vector<16xf32>
        %add3A_1138 = arith.addf %mul3A_1136, %mul3A_1137 : vector<16xf32>
        %add3A_1139 = arith.addf %add3A_1135, %add3A_1138 : vector<16xf32>
        %swap3A_1140 = arith.constant 0 : i32
        %swap3A_1141 = arith.index_cast %swap3A_1140 : i32 to index
        %swap3A_1142 = arith.constant 0 : index
        %swap3A_1143 = tpu.vector_load %arg19[%swap3A_1141, %swap3A_1142] {strides = array<i32>} : memref<8x17xf32, #tpu.memory_space<vmem>>, vector<16xf32>,
        tpu.vector_store %arg19[%swap3A_1141, %swap3A_1142], %add3A_1132 {strides = array<i32>} : memref<8x17xf32, #tpu.memory_space<vmem>>, vector<16xf32>,
        %swap3A_1144 = arith.constant 0 : i32
        %swap3A_1145 = arith.index_cast %swap3A_1144 : i32 to index
        %swap3A_1146 = arith.constant 0 : index
        %swap3A_1147 = tpu.vector_load %arg20[%swap3A_1145, %swap3A_1146] {strides = array<i32>} : memref<8x17xf32, #tpu.memory_space<vmem>>, vector<16xf32>,
        tpu.vector_store %arg20[%swap3A_1145, %swap3A_1146], %add3A_1139 {strides = array<i32>} : memref<8x17xf32, #tpu.memory_space<vmem>>, vector<16xf32>,
        %add3A_1148 = arith.constant 1 : i32
        %add3A_1149 = arith.addi %mul3A_1101, %add3A_1148 : i32
        %broadcast_in_dim3A_1150 = arith.constant 1 : i32
        %broadcast_in_dim3A_1151 = vector.broadcast %broadcast_in_dim3A_1150 : i32 to vector<16xi32>
        %broadcast_in_dim3A_1152 = vector.shape_cast %broadcast_in_dim3A_1151 : vector<16xi32> to vector<16x1xi32>
        %gather3A_1153 = vector.shape_cast %broadcast_in_dim3A_1152 : vector<16x1xi32> to vector<16xi32>
        %gather3A_1154 = tpu.dynamic_gather %get3A_1097[%gather3A_1153] in [0] : vector<16xi32>, vector<16xi32> -> vector<16xi32>
        %broadcast_in_dim3A_1155 = arith.constant 1 : i32
        %broadcast_in_dim3A_1156 = vector.broadcast %broadcast_in_dim3A_1155 : i32 to vector<16xi32>
        %broadcast_in_dim3A_1157 = vector.shape_cast %broadcast_in_dim3A_1156 : vector<16xi32> to vector<16x1xi32>
        %gather3A_1158 = vector.shape_cast %broadcast_in_dim3A_1157 : vector<16x1xi32> to vector<16xi32>
        %gather3A_1159 = tpu.dynamic_gather %get3A_1099[%gather3A_1158] in [0] : vector<16xi32>, vector<16xi32> -> vector<16xi32>
        %broadcast_in_dim3A_1160 = vector.broadcast %add3A_1149 : i32 to vector<16xi32>
        %add3A_1161 = arith.addi %gather3A_1159, %add3A_920 : vector<16xi32>
        %gather3A_1162 = tpu.vector_load_idx %arg13[%broadcast_in_dim3A_1160, %add3A_1161] : memref<200x128xf32, #tpu.memory_space<vmem>>[vector<16xi32>, vector<16xi32>], vector<16xf32>,
        %gather3A_1163 = tpu.vector_load_idx %arg16[%gather3A_1154, %add3A_920] : memref<32x64xf32, #tpu.memory_space<vmem>>[vector<16xi32>, vector<16xi32>], vector<16xf32>,
        %add3A_1164 = arith.addf %gather3A_1162, %gather3A_1163 : vector<16xf32>
        %add3A_1165 = arith.addi %gather3A_1159, %add3A_924 : vector<16xi32>
        %gather3A_1166 = tpu.vector_load_idx %arg13[%broadcast_in_dim3A_1160, %add3A_1165] : memref<200x128xf32, #tpu.memory_space<vmem>>[vector<16xi32>, vector<16xi32>], vector<16xf32>,
        %gather3A_1167 = tpu.vector_load_idx %arg16[%gather3A_1154, %add3A_924] : memref<32x64xf32, #tpu.memory_space<vmem>>[vector<16xi32>, vector<16xi32>], vector<16xf32>,
        %add3A_1168 = arith.addf %gather3A_1166, %gather3A_1167 : vector<16xf32>
        %add3A_1169 = arith.addi %gather3A_1159, %add3A_928 : vector<16xi32>
        %gather3A_1170 = tpu.vector_load_idx %arg13[%broadcast_in_dim3A_1160, %add3A_1169] : memref<200x128xf32, #tpu.memory_space<vmem>>[vector<16xi32>, vector<16xi32>], vector<16xf32>,
        %gather3A_1171 = tpu.vector_load_idx %arg16[%gather3A_1154, %add3A_928] : memref<32x64xf32, #tpu.memory_space<vmem>>[vector<16xi32>, vector<16xi32>], vector<16xf32>,
        %add3A_1172 = arith.addf %gather3A_1170, %gather3A_1171 : vector<16xf32>
        %add3A_1173 = arith.addi %gather3A_1159, %add3A_932 : vector<16xi32>
        %gather3A_1174 = tpu.vector_load_idx %arg13[%broadcast_in_dim3A_1160, %add3A_1173] : memref<200x128xf32, #tpu.memory_space<vmem>>[vector<16xi32>, vector<16xi32>], vector<16xf32>,
        %gather3A_1175 = tpu.vector_load_idx %arg16[%gather3A_1154, %add3A_932] : memref<32x64xf32, #tpu.memory_space<vmem>>[vector<16xi32>, vector<16xi32>], vector<16xf32>,
        %add3A_1176 = arith.addf %gather3A_1174, %gather3A_1175 : vector<16xf32>
        %add3A_1177 = arith.addf %add3A_1164, %add3A_1168 : vector<16xf32>
        %add3A_1178 = arith.addf %add3A_1172, %add3A_1176 : vector<16xf32>
        %add3A_1179 = arith.addf %add3A_1177, %add3A_1178 : vector<16xf32>
        %mul3A_1180 = arith.mulf %add3A_1164, %add3A_1164 : vector<16xf32>
        %mul3A_1181 = arith.mulf %add3A_1168, %add3A_1168 : vector<16xf32>
        %add3A_1182 = arith.addf %mul3A_1180, %mul3A_1181 : vector<16xf32>
        %mul3A_1183 = arith.mulf %add3A_1172, %add3A_1172 : vector<16xf32>
        %mul3A_1184 = arith.mulf %add3A_1176, %add3A_1176 : vector<16xf32>
        %add3A_1185 = arith.addf %mul3A_1183, %mul3A_1184 : vector<16xf32>
        %add3A_1186 = arith.addf %add3A_1182, %add3A_1185 : vector<16xf32>
        %swap3A_1187 = arith.constant 1 : i32
        %swap3A_1188 = arith.index_cast %swap3A_1187 : i32 to index
        %swap3A_1189 = arith.constant 0 : index
        %swap3A_1190 = tpu.vector_load %arg19[%swap3A_1188, %swap3A_1189] {strides = array<i32>} : memref<8x17xf32, #tpu.memory_space<vmem>>, vector<16xf32>,
        tpu.vector_store %arg19[%swap3A_1188, %swap3A_1189], %add3A_1179 {strides = array<i32>} : memref<8x17xf32, #tpu.memory_space<vmem>>, vector<16xf32>,
        %swap3A_1191 = arith.constant 1 : i32
        %swap3A_1192 = arith.index_cast %swap3A_1191 : i32 to index
        %swap3A_1193 = arith.constant 0 : index
        %swap3A_1194 = tpu.vector_load %arg20[%swap3A_1192, %swap3A_1193] {strides = array<i32>} : memref<8x17xf32, #tpu.memory_space<vmem>>, vector<16xf32>,
        tpu.vector_store %arg20[%swap3A_1192, %swap3A_1193], %add3A_1186 {strides = array<i32>} : memref<8x17xf32, #tpu.memory_space<vmem>>, vector<16xf32>,
        %add3A_1195 = arith.constant 2 : i32
        %add3A_1196 = arith.addi %mul3A_1101, %add3A_1195 : i32
        %broadcast_in_dim3A_1197 = arith.constant 2 : i32
        %broadcast_in_dim3A_1198 = vector.broadcast %broadcast_in_dim3A_1197 : i32 to vector<16xi32>
        %broadcast_in_dim3A_1199 = vector.shape_cast %broadcast_in_dim3A_1198 : vector<16xi32> to vector<16x1xi32>
        %gather3A_1200 = vector.shape_cast %broadcast_in_dim3A_1199 : vector<16x1xi32> to vector<16xi32>
        %gather3A_1201 = tpu.dynamic_gather %get3A_1097[%gather3A_1200] in [0] : vector<16xi32>, vector<16xi32> -> vector<16xi32>
        %broadcast_in_dim3A_1202 = arith.constant 2 : i32
        %broadcast_in_dim3A_1203 = vector.broadcast %broadcast_in_dim3A_1202 : i32 to vector<16xi32>
        %broadcast_in_dim3A_1204 = vector.shape_cast %broadcast_in_dim3A_1203 : vector<16xi32> to vector<16x1xi32>
        %gather3A_1205 = vector.shape_cast %broadcast_in_dim3A_1204 : vector<16x1xi32> to vector<16xi32>
        %gather3A_1206 = tpu.dynamic_gather %get3A_1099[%gather3A_1205] in [0] : vector<16xi32>, vector<16xi32> -> vector<16xi32>
        %broadcast_in_dim3A_1207 = vector.broadcast %add3A_1196 : i32 to vector<16xi32>
        %add3A_1208 = arith.addi %gather3A_1206, %add3A_920 : vector<16xi32>
        %gather3A_1209 = tpu.vector_load_idx %arg13[%broadcast_in_dim3A_1207, %add3A_1208] : memref<200x128xf32, #tpu.memory_space<vmem>>[vector<16xi32>, vector<16xi32>], vector<16xf32>,
        %gather3A_1210 = tpu.vector_load_idx %arg16[%gather3A_1201, %add3A_920] : memref<32x64xf32, #tpu.memory_space<vmem>>[vector<16xi32>, vector<16xi32>], vector<16xf32>,
        %add3A_1211 = arith.addf %gather3A_1209, %gather3A_1210 : vector<16xf32>
        %add3A_1212 = arith.addi %gather3A_1206, %add3A_924 : vector<16xi32>
        %gather3A_1213 = tpu.vector_load_idx %arg13[%broadcast_in_dim3A_1207, %add3A_1212] : memref<200x128xf32, #tpu.memory_space<vmem>>[vector<16xi32>, vector<16xi32>], vector<16xf32>,
        %gather3A_1214 = tpu.vector_load_idx %arg16[%gather3A_1201, %add3A_924] : memref<32x64xf32, #tpu.memory_space<vmem>>[vector<16xi32>, vector<16xi32>], vector<16xf32>,
        %add3A_1215 = arith.addf %gather3A_1213, %gather3A_1214 : vector<16xf32>
        %add3A_1216 = arith.addi %gather3A_1206, %add3A_928 : vector<16xi32>
        %gather3A_1217 = tpu.vector_load_idx %arg13[%broadcast_in_dim3A_1207, %add3A_1216] : memref<200x128xf32, #tpu.memory_space<vmem>>[vector<16xi32>, vector<16xi32>], vector<16xf32>,
        %gather3A_1218 = tpu.vector_load_idx %arg16[%gather3A_1201, %add3A_928] : memref<32x64xf32, #tpu.memory_space<vmem>>[vector<16xi32>, vector<16xi32>], vector<16xf32>,
        %add3A_1219 = arith.addf %gather3A_1217, %gather3A_1218 : vector<16xf32>
        %add3A_1220 = arith.addi %gather3A_1206, %add3A_932 : vector<16xi32>
        %gather3A_1221 = tpu.vector_load_idx %arg13[%broadcast_in_dim3A_1207, %add3A_1220] : memref<200x128xf32, #tpu.memory_space<vmem>>[vector<16xi32>, vector<16xi32>], vector<16xf32>,
        %gather3A_1222 = tpu.vector_load_idx %arg16[%gather3A_1201, %add3A_932] : memref<32x64xf32, #tpu.memory_space<vmem>>[vector<16xi32>, vector<16xi32>], vector<16xf32>,
        %add3A_1223 = arith.addf %gather3A_1221, %gather3A_1222 : vector<16xf32>
        %add3A_1224 = arith.addf %add3A_1211, %add3A_1215 : vector<16xf32>
        %add3A_1225 = arith.addf %add3A_1219, %add3A_1223 : vector<16xf32>
        %add3A_1226 = arith.addf %add3A_1224, %add3A_1225 : vector<16xf32>
        %mul3A_1227 = arith.mulf %add3A_1211, %add3A_1211 : vector<16xf32>
        %mul3A_1228 = arith.mulf %add3A_1215, %add3A_1215 : vector<16xf32>
        %add3A_1229 = arith.addf %mul3A_1227, %mul3A_1228 : vector<16xf32>
        %mul3A_1230 = arith.mulf %add3A_1219, %add3A_1219 : vector<16xf32>
        %mul3A_1231 = arith.mulf %add3A_1223, %add3A_1223 : vector<16xf32>
        %add3A_1232 = arith.addf %mul3A_1230, %mul3A_1231 : vector<16xf32>
        %add3A_1233 = arith.addf %add3A_1229, %add3A_1232 : vector<16xf32>
        %swap3A_1234 = arith.constant 2 : i32
        %swap3A_1235 = arith.index_cast %swap3A_1234 : i32 to index
        %swap3A_1236 = arith.constant 0 : index
        %swap3A_1237 = tpu.vector_load %arg19[%swap3A_1235, %swap3A_1236] {strides = array<i32>} : memref<8x17xf32, #tpu.memory_space<vmem>>, vector<16xf32>,
        tpu.vector_store %arg19[%swap3A_1235, %swap3A_1236], %add3A_1226 {strides = array<i32>} : memref<8x17xf32, #tpu.memory_space<vmem>>, vector<16xf32>,
        %swap3A_1238 = arith.constant 2 : i32
        %swap3A_1239 = arith.index_cast %swap3A_1238 : i32 to index
        %swap3A_1240 = arith.constant 0 : index
        %swap3A_1241 = tpu.vector_load %arg20[%swap3A_1239, %swap3A_1240] {strides = array<i32>} : memref<8x17xf32, #tpu.memory_space<vmem>>, vector<16xf32>,
        tpu.vector_store %arg20[%swap3A_1239, %swap3A_1240], %add3A_1233 {strides = array<i32>} : memref<8x17xf32, #tpu.memory_space<vmem>>, vector<16xf32>,
        %add3A_1242 = arith.constant 3 : i32
        %add3A_1243 = arith.addi %mul3A_1101, %add3A_1242 : i32
        %broadcast_in_dim3A_1244 = arith.constant 3 : i32
        %broadcast_in_dim3A_1245 = vector.broadcast %broadcast_in_dim3A_1244 : i32 to vector<16xi32>
        %broadcast_in_dim3A_1246 = vector.shape_cast %broadcast_in_dim3A_1245 : vector<16xi32> to vector<16x1xi32>
        %gather3A_1247 = vector.shape_cast %broadcast_in_dim3A_1246 : vector<16x1xi32> to vector<16xi32>
        %gather3A_1248 = tpu.dynamic_gather %get3A_1097[%gather3A_1247] in [0] : vector<16xi32>, vector<16xi32> -> vector<16xi32>
        %broadcast_in_dim3A_1249 = arith.constant 3 : i32
        %broadcast_in_dim3A_1250 = vector.broadcast %broadcast_in_dim3A_1249 : i32 to vector<16xi32>
        %broadcast_in_dim3A_1251 = vector.shape_cast %broadcast_in_dim3A_1250 : vector<16xi32> to vector<16x1xi32>
        %gather3A_1252 = vector.shape_cast %broadcast_in_dim3A_1251 : vector<16x1xi32> to vector<16xi32>
        %gather3A_1253 = tpu.dynamic_gather %get3A_1099[%gather3A_1252] in [0] : vector<16xi32>, vector<16xi32> -> vector<16xi32>
        %broadcast_in_dim3A_1254 = vector.broadcast %add3A_1243 : i32 to vector<16xi32>
        %add3A_1255 = arith.addi %gather3A_1253, %add3A_920 : vector<16xi32>
        %gather3A_1256 = tpu.vector_load_idx %arg13[%broadcast_in_dim3A_1254, %add3A_1255] : memref<200x128xf32, #tpu.memory_space<vmem>>[vector<16xi32>, vector<16xi32>], vector<16xf32>,
        %gather3A_1257 = tpu.vector_load_idx %arg16[%gather3A_1248, %add3A_920] : memref<32x64xf32, #tpu.memory_space<vmem>>[vector<16xi32>, vector<16xi32>], vector<16xf32>,
        %add3A_1258 = arith.addf %gather3A_1256, %gather3A_1257 : vector<16xf32>
        %add3A_1259 = arith.addi %gather3A_1253, %add3A_924 : vector<16xi32>
        %gather3A_1260 = tpu.vector_load_idx %arg13[%broadcast_in_dim3A_1254, %add3A_1259] : memref<200x128xf32, #tpu.memory_space<vmem>>[vector<16xi32>, vector<16xi32>], vector<16xf32>,
        %gather3A_1261 = tpu.vector_load_idx %arg16[%gather3A_1248, %add3A_924] : memref<32x64xf32, #tpu.memory_space<vmem>>[vector<16xi32>, vector<16xi32>], vector<16xf32>,
        %add3A_1262 = arith.addf %gather3A_1260, %gather3A_1261 : vector<16xf32>
        %add3A_1263 = arith.addi %gather3A_1253, %add3A_928 : vector<16xi32>
        %gather3A_1264 = tpu.vector_load_idx %arg13[%broadcast_in_dim3A_1254, %add3A_1263] : memref<200x128xf32, #tpu.memory_space<vmem>>[vector<16xi32>, vector<16xi32>], vector<16xf32>,
        %gather3A_1265 = tpu.vector_load_idx %arg16[%gather3A_1248, %add3A_928] : memref<32x64xf32, #tpu.memory_space<vmem>>[vector<16xi32>, vector<16xi32>], vector<16xf32>,
        %add3A_1266 = arith.addf %gather3A_1264, %gather3A_1265 : vector<16xf32>
        %add3A_1267 = arith.addi %gather3A_1253, %add3A_932 : vector<16xi32>
        %gather3A_1268 = tpu.vector_load_idx %arg13[%broadcast_in_dim3A_1254, %add3A_1267] : memref<200x128xf32, #tpu.memory_space<vmem>>[vector<16xi32>, vector<16xi32>], vector<16xf32>,
        %gather3A_1269 = tpu.vector_load_idx %arg16[%gather3A_1248, %add3A_932] : memref<32x64xf32, #tpu.memory_space<vmem>>[vector<16xi32>, vector<16xi32>], vector<16xf32>,
        %add3A_1270 = arith.addf %gather3A_1268, %gather3A_1269 : vector<16xf32>
        %add3A_1271 = arith.addf %add3A_1258, %add3A_1262 : vector<16xf32>
        %add3A_1272 = arith.addf %add3A_1266, %add3A_1270 : vector<16xf32>
        %add3A_1273 = arith.addf %add3A_1271, %add3A_1272 : vector<16xf32>
        %mul3A_1274 = arith.mulf %add3A_1258, %add3A_1258 : vector<16xf32>
        %mul3A_1275 = arith.mulf %add3A_1262, %add3A_1262 : vector<16xf32>
        %add3A_1276 = arith.addf %mul3A_1274, %mul3A_1275 : vector<16xf32>
        %mul3A_1277 = arith.mulf %add3A_1266, %add3A_1266 : vector<16xf32>
        %mul3A_1278 = arith.mulf %add3A_1270, %add3A_1270 : vector<16xf32>
        %add3A_1279 = arith.addf %mul3A_1277, %mul3A_1278 : vector<16xf32>
        %add3A_1280 = arith.addf %add3A_1276, %add3A_1279 : vector<16xf32>
        %swap3A_1281 = arith.constant 3 : i32
        %swap3A_1282 = arith.index_cast %swap3A_1281 : i32 to index
        %swap3A_1283 = arith.constant 0 : index
        %swap3A_1284 = tpu.vector_load %arg19[%swap3A_1282, %swap3A_1283] {strides = array<i32>} : memref<8x17xf32, #tpu.memory_space<vmem>>, vector<16xf32>,
        tpu.vector_store %arg19[%swap3A_1282, %swap3A_1283], %add3A_1273 {strides = array<i32>} : memref<8x17xf32, #tpu.memory_space<vmem>>, vector<16xf32>,
        %swap3A_1285 = arith.constant 3 : i32
        %swap3A_1286 = arith.index_cast %swap3A_1285 : i32 to index
        %swap3A_1287 = arith.constant 0 : index
        %swap3A_1288 = tpu.vector_load %arg20[%swap3A_1286, %swap3A_1287] {strides = array<i32>} : memref<8x17xf32, #tpu.memory_space<vmem>>, vector<16xf32>,
        tpu.vector_store %arg20[%swap3A_1286, %swap3A_1287], %add3A_1280 {strides = array<i32>} : memref<8x17xf32, #tpu.memory_space<vmem>>, vector<16xf32>,
        %add3A_1289 = arith.constant 4 : i32
        %add3A_1290 = arith.addi %mul3A_1101, %add3A_1289 : i32
        %broadcast_in_dim3A_1291 = arith.constant 4 : i32
        %broadcast_in_dim3A_1292 = vector.broadcast %broadcast_in_dim3A_1291 : i32 to vector<16xi32>
        %broadcast_in_dim3A_1293 = vector.shape_cast %broadcast_in_dim3A_1292 : vector<16xi32> to vector<16x1xi32>
        %gather3A_1294 = vector.shape_cast %broadcast_in_dim3A_1293 : vector<16x1xi32> to vector<16xi32>
        %gather3A_1295 = tpu.dynamic_gather %get3A_1097[%gather3A_1294] in [0] : vector<16xi32>, vector<16xi32> -> vector<16xi32>
        %broadcast_in_dim3A_1296 = arith.constant 4 : i32
        %broadcast_in_dim3A_1297 = vector.broadcast %broadcast_in_dim3A_1296 : i32 to vector<16xi32>
        %broadcast_in_dim3A_1298 = vector.shape_cast %broadcast_in_dim3A_1297 : vector<16xi32> to vector<16x1xi32>
        %gather3A_1299 = vector.shape_cast %broadcast_in_dim3A_1298 : vector<16x1xi32> to vector<16xi32>
        %gather3A_1300 = tpu.dynamic_gather %get3A_1099[%gather3A_1299] in [0] : vector<16xi32>, vector<16xi32> -> vector<16xi32>
        %broadcast_in_dim3A_1301 = vector.broadcast %add3A_1290 : i32 to vector<16xi32>
        %add3A_1302 = arith.addi %gather3A_1300, %add3A_920 : vector<16xi32>
        %gather3A_1303 = tpu.vector_load_idx %arg13[%broadcast_in_dim3A_1301, %add3A_1302] : memref<200x128xf32, #tpu.memory_space<vmem>>[vector<16xi32>, vector<16xi32>], vector<16xf32>,
        %gather3A_1304 = tpu.vector_load_idx %arg16[%gather3A_1295, %add3A_920] : memref<32x64xf32, #tpu.memory_space<vmem>>[vector<16xi32>, vector<16xi32>], vector<16xf32>,
        %add3A_1305 = arith.addf %gather3A_1303, %gather3A_1304 : vector<16xf32>
        %add3A_1306 = arith.addi %gather3A_1300, %add3A_924 : vector<16xi32>
        %gather3A_1307 = tpu.vector_load_idx %arg13[%broadcast_in_dim3A_1301, %add3A_1306] : memref<200x128xf32, #tpu.memory_space<vmem>>[vector<16xi32>, vector<16xi32>], vector<16xf32>,
        %gather3A_1308 = tpu.vector_load_idx %arg16[%gather3A_1295, %add3A_924] : memref<32x64xf32, #tpu.memory_space<vmem>>[vector<16xi32>, vector<16xi32>], vector<16xf32>,
        %add3A_1309 = arith.addf %gather3A_1307, %gather3A_1308 : vector<16xf32>
        %add3A_1310 = arith.addi %gather3A_1300, %add3A_928 : vector<16xi32>
        %gather3A_1311 = tpu.vector_load_idx %arg13[%broadcast_in_dim3A_1301, %add3A_1310] : memref<200x128xf32, #tpu.memory_space<vmem>>[vector<16xi32>, vector<16xi32>], vector<16xf32>,
        %gather3A_1312 = tpu.vector_load_idx %arg16[%gather3A_1295, %add3A_928] : memref<32x64xf32, #tpu.memory_space<vmem>>[vector<16xi32>, vector<16xi32>], vector<16xf32>,
        %add3A_1313 = arith.addf %gather3A_1311, %gather3A_1312 : vector<16xf32>
        %add3A_1314 = arith.addi %gather3A_1300, %add3A_932 : vector<16xi32>
        %gather3A_1315 = tpu.vector_load_idx %arg13[%broadcast_in_dim3A_1301, %add3A_1314] : memref<200x128xf32, #tpu.memory_space<vmem>>[vector<16xi32>, vector<16xi32>], vector<16xf32>,
        %gather3A_1316 = tpu.vector_load_idx %arg16[%gather3A_1295, %add3A_932] : memref<32x64xf32, #tpu.memory_space<vmem>>[vector<16xi32>, vector<16xi32>], vector<16xf32>,
        %add3A_1317 = arith.addf %gather3A_1315, %gather3A_1316 : vector<16xf32>
        %add3A_1318 = arith.addf %add3A_1305, %add3A_1309 : vector<16xf32>
        %add3A_1319 = arith.addf %add3A_1313, %add3A_1317 : vector<16xf32>
        %add3A_1320 = arith.addf %add3A_1318, %add3A_1319 : vector<16xf32>
        %mul3A_1321 = arith.mulf %add3A_1305, %add3A_1305 : vector<16xf32>
        %mul3A_1322 = arith.mulf %add3A_1309, %add3A_1309 : vector<16xf32>
        %add3A_1323 = arith.addf %mul3A_1321, %mul3A_1322 : vector<16xf32>
        %mul3A_1324 = arith.mulf %add3A_1313, %add3A_1313 : vector<16xf32>
        %mul3A_1325 = arith.mulf %add3A_1317, %add3A_1317 : vector<16xf32>
        %add3A_1326 = arith.addf %mul3A_1324, %mul3A_1325 : vector<16xf32>
        %add3A_1327 = arith.addf %add3A_1323, %add3A_1326 : vector<16xf32>
        %swap3A_1328 = arith.constant 4 : i32
        %swap3A_1329 = arith.index_cast %swap3A_1328 : i32 to index
        %swap3A_1330 = arith.constant 0 : index
        %swap3A_1331 = tpu.vector_load %arg19[%swap3A_1329, %swap3A_1330] {strides = array<i32>} : memref<8x17xf32, #tpu.memory_space<vmem>>, vector<16xf32>,
        tpu.vector_store %arg19[%swap3A_1329, %swap3A_1330], %add3A_1320 {strides = array<i32>} : memref<8x17xf32, #tpu.memory_space<vmem>>, vector<16xf32>,
        %swap3A_1332 = arith.constant 4 : i32
        %swap3A_1333 = arith.index_cast %swap3A_1332 : i32 to index
        %swap3A_1334 = arith.constant 0 : index
        %swap3A_1335 = tpu.vector_load %arg20[%swap3A_1333, %swap3A_1334] {strides = array<i32>} : memref<8x17xf32, #tpu.memory_space<vmem>>, vector<16xf32>,
        tpu.vector_store %arg20[%swap3A_1333, %swap3A_1334], %add3A_1327 {strides = array<i32>} : memref<8x17xf32, #tpu.memory_space<vmem>>, vector<16xf32>,
        %add3A_1336 = arith.constant 5 : i32
        %add3A_1337 = arith.addi %mul3A_1101, %add3A_1336 : i32
        %broadcast_in_dim3A_1338 = arith.constant 5 : i32
        %broadcast_in_dim3A_1339 = vector.broadcast %broadcast_in_dim3A_1338 : i32 to vector<16xi32>
        %broadcast_in_dim3A_1340 = vector.shape_cast %broadcast_in_dim3A_1339 : vector<16xi32> to vector<16x1xi32>
        %gather3A_1341 = vector.shape_cast %broadcast_in_dim3A_1340 : vector<16x1xi32> to vector<16xi32>
        %gather3A_1342 = tpu.dynamic_gather %get3A_1097[%gather3A_1341] in [0] : vector<16xi32>, vector<16xi32> -> vector<16xi32>
        %broadcast_in_dim3A_1343 = arith.constant 5 : i32
        %broadcast_in_dim3A_1344 = vector.broadcast %broadcast_in_dim3A_1343 : i32 to vector<16xi32>
        %broadcast_in_dim3A_1345 = vector.shape_cast %broadcast_in_dim3A_1344 : vector<16xi32> to vector<16x1xi32>
        %gather3A_1346 = vector.shape_cast %broadcast_in_dim3A_1345 : vector<16x1xi32> to vector<16xi32>
        %gather3A_1347 = tpu.dynamic_gather %get3A_1099[%gather3A_1346] in [0] : vector<16xi32>, vector<16xi32> -> vector<16xi32>
        %broadcast_in_dim3A_1348 = vector.broadcast %add3A_1337 : i32 to vector<16xi32>
        %add3A_1349 = arith.addi %gather3A_1347, %add3A_920 : vector<16xi32>
        %gather3A_1350 = tpu.vector_load_idx %arg13[%broadcast_in_dim3A_1348, %add3A_1349] : memref<200x128xf32, #tpu.memory_space<vmem>>[vector<16xi32>, vector<16xi32>], vector<16xf32>,
        %gather3A_1351 = tpu.vector_load_idx %arg16[%gather3A_1342, %add3A_920] : memref<32x64xf32, #tpu.memory_space<vmem>>[vector<16xi32>, vector<16xi32>], vector<16xf32>,
        %add3A_1352 = arith.addf %gather3A_1350, %gather3A_1351 : vector<16xf32>
        %add3A_1353 = arith.addi %gather3A_1347, %add3A_924 : vector<16xi32>
        %gather3A_1354 = tpu.vector_load_idx %arg13[%broadcast_in_dim3A_1348, %add3A_1353] : memref<200x128xf32, #tpu.memory_space<vmem>>[vector<16xi32>, vector<16xi32>], vector<16xf32>,
        %gather3A_1355 = tpu.vector_load_idx %arg16[%gather3A_1342, %add3A_924] : memref<32x64xf32, #tpu.memory_space<vmem>>[vector<16xi32>, vector<16xi32>], vector<16xf32>,
        %add3A_1356 = arith.addf %gather3A_1354, %gather3A_1355 : vector<16xf32>
        %add3A_1357 = arith.addi %gather3A_1347, %add3A_928 : vector<16xi32>
        %gather3A_1358 = tpu.vector_load_idx %arg13[%broadcast_in_dim3A_1348, %add3A_1357] : memref<200x128xf32, #tpu.memory_space<vmem>>[vector<16xi32>, vector<16xi32>], vector<16xf32>,
        %gather3A_1359 = tpu.vector_load_idx %arg16[%gather3A_1342, %add3A_928] : memref<32x64xf32, #tpu.memory_space<vmem>>[vector<16xi32>, vector<16xi32>], vector<16xf32>,
        %add3A_1360 = arith.addf %gather3A_1358, %gather3A_1359 : vector<16xf32>
        %add3A_1361 = arith.addi %gather3A_1347, %add3A_932 : vector<16xi32>
        %gather3A_1362 = tpu.vector_load_idx %arg13[%broadcast_in_dim3A_1348, %add3A_1361] : memref<200x128xf32, #tpu.memory_space<vmem>>[vector<16xi32>, vector<16xi32>], vector<16xf32>,
        %gather3A_1363 = tpu.vector_load_idx %arg16[%gather3A_1342, %add3A_932] : memref<32x64xf32, #tpu.memory_space<vmem>>[vector<16xi32>, vector<16xi32>], vector<16xf32>,
        %add3A_1364 = arith.addf %gather3A_1362, %gather3A_1363 : vector<16xf32>
        %add3A_1365 = arith.addf %add3A_1352, %add3A_1356 : vector<16xf32>
        %add3A_1366 = arith.addf %add3A_1360, %add3A_1364 : vector<16xf32>
        %add3A_1367 = arith.addf %add3A_1365, %add3A_1366 : vector<16xf32>
        %mul3A_1368 = arith.mulf %add3A_1352, %add3A_1352 : vector<16xf32>
        %mul3A_1369 = arith.mulf %add3A_1356, %add3A_1356 : vector<16xf32>
        %add3A_1370 = arith.addf %mul3A_1368, %mul3A_1369 : vector<16xf32>
        %mul3A_1371 = arith.mulf %add3A_1360, %add3A_1360 : vector<16xf32>
        %mul3A_1372 = arith.mulf %add3A_1364, %add3A_1364 : vector<16xf32>
        %add3A_1373 = arith.addf %mul3A_1371, %mul3A_1372 : vector<16xf32>
        %add3A_1374 = arith.addf %add3A_1370, %add3A_1373 : vector<16xf32>
        %swap3A_1375 = arith.constant 5 : i32
        %swap3A_1376 = arith.index_cast %swap3A_1375 : i32 to index
        %swap3A_1377 = arith.constant 0 : index
        %swap3A_1378 = tpu.vector_load %arg19[%swap3A_1376, %swap3A_1377] {strides = array<i32>} : memref<8x17xf32, #tpu.memory_space<vmem>>, vector<16xf32>,
        tpu.vector_store %arg19[%swap3A_1376, %swap3A_1377], %add3A_1367 {strides = array<i32>} : memref<8x17xf32, #tpu.memory_space<vmem>>, vector<16xf32>,
        %swap3A_1379 = arith.constant 5 : i32
        %swap3A_1380 = arith.index_cast %swap3A_1379 : i32 to index
        %swap3A_1381 = arith.constant 0 : index
        %swap3A_1382 = tpu.vector_load %arg20[%swap3A_1380, %swap3A_1381] {strides = array<i32>} : memref<8x17xf32, #tpu.memory_space<vmem>>, vector<16xf32>,
        tpu.vector_store %arg20[%swap3A_1380, %swap3A_1381], %add3A_1374 {strides = array<i32>} : memref<8x17xf32, #tpu.memory_space<vmem>>, vector<16xf32>,
        %add3A_1383 = arith.constant 6 : i32
        %add3A_1384 = arith.addi %mul3A_1101, %add3A_1383 : i32
        %broadcast_in_dim3A_1385 = arith.constant 6 : i32
        %broadcast_in_dim3A_1386 = vector.broadcast %broadcast_in_dim3A_1385 : i32 to vector<16xi32>
        %broadcast_in_dim3A_1387 = vector.shape_cast %broadcast_in_dim3A_1386 : vector<16xi32> to vector<16x1xi32>
        %gather3A_1388 = vector.shape_cast %broadcast_in_dim3A_1387 : vector<16x1xi32> to vector<16xi32>
        %gather3A_1389 = tpu.dynamic_gather %get3A_1097[%gather3A_1388] in [0] : vector<16xi32>, vector<16xi32> -> vector<16xi32>
        %broadcast_in_dim3A_1390 = arith.constant 6 : i32
        %broadcast_in_dim3A_1391 = vector.broadcast %broadcast_in_dim3A_1390 : i32 to vector<16xi32>
        %broadcast_in_dim3A_1392 = vector.shape_cast %broadcast_in_dim3A_1391 : vector<16xi32> to vector<16x1xi32>
        %gather3A_1393 = vector.shape_cast %broadcast_in_dim3A_1392 : vector<16x1xi32> to vector<16xi32>
        %gather3A_1394 = tpu.dynamic_gather %get3A_1099[%gather3A_1393] in [0] : vector<16xi32>, vector<16xi32> -> vector<16xi32>
        %broadcast_in_dim3A_1395 = vector.broadcast %add3A_1384 : i32 to vector<16xi32>
        %add3A_1396 = arith.addi %gather3A_1394, %add3A_920 : vector<16xi32>
        %gather3A_1397 = tpu.vector_load_idx %arg13[%broadcast_in_dim3A_1395, %add3A_1396] : memref<200x128xf32, #tpu.memory_space<vmem>>[vector<16xi32>, vector<16xi32>], vector<16xf32>,
        %gather3A_1398 = tpu.vector_load_idx %arg16[%gather3A_1389, %add3A_920] : memref<32x64xf32, #tpu.memory_space<vmem>>[vector<16xi32>, vector<16xi32>], vector<16xf32>,
        %add3A_1399 = arith.addf %gather3A_1397, %gather3A_1398 : vector<16xf32>
        %add3A_1400 = arith.addi %gather3A_1394, %add3A_924 : vector<16xi32>
        %gather3A_1401 = tpu.vector_load_idx %arg13[%broadcast_in_dim3A_1395, %add3A_1400] : memref<200x128xf32, #tpu.memory_space<vmem>>[vector<16xi32>, vector<16xi32>], vector<16xf32>,
        %gather3A_1402 = tpu.vector_load_idx %arg16[%gather3A_1389, %add3A_924] : memref<32x64xf32, #tpu.memory_space<vmem>>[vector<16xi32>, vector<16xi32>], vector<16xf32>,
        %add3A_1403 = arith.addf %gather3A_1401, %gather3A_1402 : vector<16xf32>
        %add3A_1404 = arith.addi %gather3A_1394, %add3A_928 : vector<16xi32>
        %gather3A_1405 = tpu.vector_load_idx %arg13[%broadcast_in_dim3A_1395, %add3A_1404] : memref<200x128xf32, #tpu.memory_space<vmem>>[vector<16xi32>, vector<16xi32>], vector<16xf32>,
        %gather3A_1406 = tpu.vector_load_idx %arg16[%gather3A_1389, %add3A_928] : memref<32x64xf32, #tpu.memory_space<vmem>>[vector<16xi32>, vector<16xi32>], vector<16xf32>,
        %add3A_1407 = arith.addf %gather3A_1405, %gather3A_1406 : vector<16xf32>
        %add3A_1408 = arith.addi %gather3A_1394, %add3A_932 : vector<16xi32>
        %gather3A_1409 = tpu.vector_load_idx %arg13[%broadcast_in_dim3A_1395, %add3A_1408] : memref<200x128xf32, #tpu.memory_space<vmem>>[vector<16xi32>, vector<16xi32>], vector<16xf32>,
        %gather3A_1410 = tpu.vector_load_idx %arg16[%gather3A_1389, %add3A_932] : memref<32x64xf32, #tpu.memory_space<vmem>>[vector<16xi32>, vector<16xi32>], vector<16xf32>,
        %add3A_1411 = arith.addf %gather3A_1409, %gather3A_1410 : vector<16xf32>
        %add3A_1412 = arith.addf %add3A_1399, %add3A_1403 : vector<16xf32>
        %add3A_1413 = arith.addf %add3A_1407, %add3A_1411 : vector<16xf32>
        %add3A_1414 = arith.addf %add3A_1412, %add3A_1413 : vector<16xf32>
        %mul3A_1415 = arith.mulf %add3A_1399, %add3A_1399 : vector<16xf32>
        %mul3A_1416 = arith.mulf %add3A_1403, %add3A_1403 : vector<16xf32>
        %add3A_1417 = arith.addf %mul3A_1415, %mul3A_1416 : vector<16xf32>
        %mul3A_1418 = arith.mulf %add3A_1407, %add3A_1407 : vector<16xf32>
        %mul3A_1419 = arith.mulf %add3A_1411, %add3A_1411 : vector<16xf32>
        %add3A_1420 = arith.addf %mul3A_1418, %mul3A_1419 : vector<16xf32>
        %add3A_1421 = arith.addf %add3A_1417, %add3A_1420 : vector<16xf32>
        %swap3A_1422 = arith.constant 6 : i32
        %swap3A_1423 = arith.index_cast %swap3A_1422 : i32 to index
        %swap3A_1424 = arith.constant 0 : index
        %swap3A_1425 = tpu.vector_load %arg19[%swap3A_1423, %swap3A_1424] {strides = array<i32>} : memref<8x17xf32, #tpu.memory_space<vmem>>, vector<16xf32>,
        tpu.vector_store %arg19[%swap3A_1423, %swap3A_1424], %add3A_1414 {strides = array<i32>} : memref<8x17xf32, #tpu.memory_space<vmem>>, vector<16xf32>,
        %swap3A_1426 = arith.constant 6 : i32
        %swap3A_1427 = arith.index_cast %swap3A_1426 : i32 to index
        %swap3A_1428 = arith.constant 0 : index
        %swap3A_1429 = tpu.vector_load %arg20[%swap3A_1427, %swap3A_1428] {strides = array<i32>} : memref<8x17xf32, #tpu.memory_space<vmem>>, vector<16xf32>,
        tpu.vector_store %arg20[%swap3A_1427, %swap3A_1428], %add3A_1421 {strides = array<i32>} : memref<8x17xf32, #tpu.memory_space<vmem>>, vector<16xf32>,
        %add3A_1430 = arith.constant 7 : i32
        %add3A_1431 = arith.addi %mul3A_1101, %add3A_1430 : i32
        %broadcast_in_dim3A_1432 = arith.constant 7 : i32
        %broadcast_in_dim3A_1433 = vector.broadcast %broadcast_in_dim3A_1432 : i32 to vector<16xi32>
        %broadcast_in_dim3A_1434 = vector.shape_cast %broadcast_in_dim3A_1433 : vector<16xi32> to vector<16x1xi32>
        %gather3A_1435 = vector.shape_cast %broadcast_in_dim3A_1434 : vector<16x1xi32> to vector<16xi32>
        %gather3A_1436 = tpu.dynamic_gather %get3A_1097[%gather3A_1435] in [0] : vector<16xi32>, vector<16xi32> -> vector<16xi32>
        %broadcast_in_dim3A_1437 = arith.constant 7 : i32
        %broadcast_in_dim3A_1438 = vector.broadcast %broadcast_in_dim3A_1437 : i32 to vector<16xi32>
        %broadcast_in_dim3A_1439 = vector.shape_cast %broadcast_in_dim3A_1438 : vector<16xi32> to vector<16x1xi32>
        %gather3A_1440 = vector.shape_cast %broadcast_in_dim3A_1439 : vector<16x1xi32> to vector<16xi32>
        %gather3A_1441 = tpu.dynamic_gather %get3A_1099[%gather3A_1440] in [0] : vector<16xi32>, vector<16xi32> -> vector<16xi32>
        %broadcast_in_dim3A_1442 = vector.broadcast %add3A_1431 : i32 to vector<16xi32>
        %add3A_1443 = arith.addi %gather3A_1441, %add3A_920 : vector<16xi32>
        %gather3A_1444 = tpu.vector_load_idx %arg13[%broadcast_in_dim3A_1442, %add3A_1443] : memref<200x128xf32, #tpu.memory_space<vmem>>[vector<16xi32>, vector<16xi32>], vector<16xf32>,
        %gather3A_1445 = tpu.vector_load_idx %arg16[%gather3A_1436, %add3A_920] : memref<32x64xf32, #tpu.memory_space<vmem>>[vector<16xi32>, vector<16xi32>], vector<16xf32>,
        %add3A_1446 = arith.addf %gather3A_1444, %gather3A_1445 : vector<16xf32>
        %add3A_1447 = arith.addi %gather3A_1441, %add3A_924 : vector<16xi32>
        %gather3A_1448 = tpu.vector_load_idx %arg13[%broadcast_in_dim3A_1442, %add3A_1447] : memref<200x128xf32, #tpu.memory_space<vmem>>[vector<16xi32>, vector<16xi32>], vector<16xf32>,
        %gather3A_1449 = tpu.vector_load_idx %arg16[%gather3A_1436, %add3A_924] : memref<32x64xf32, #tpu.memory_space<vmem>>[vector<16xi32>, vector<16xi32>], vector<16xf32>,
        %add3A_1450 = arith.addf %gather3A_1448, %gather3A_1449 : vector<16xf32>
        %add3A_1451 = arith.addi %gather3A_1441, %add3A_928 : vector<16xi32>
        %gather3A_1452 = tpu.vector_load_idx %arg13[%broadcast_in_dim3A_1442, %add3A_1451] : memref<200x128xf32, #tpu.memory_space<vmem>>[vector<16xi32>, vector<16xi32>], vector<16xf32>,
        %gather3A_1453 = tpu.vector_load_idx %arg16[%gather3A_1436, %add3A_928] : memref<32x64xf32, #tpu.memory_space<vmem>>[vector<16xi32>, vector<16xi32>], vector<16xf32>,
        %add3A_1454 = arith.addf %gather3A_1452, %gather3A_1453 : vector<16xf32>
        %add3A_1455 = arith.addi %gather3A_1441, %add3A_932 : vector<16xi32>
        %gather3A_1456 = tpu.vector_load_idx %arg13[%broadcast_in_dim3A_1442, %add3A_1455] : memref<200x128xf32, #tpu.memory_space<vmem>>[vector<16xi32>, vector<16xi32>], vector<16xf32>,
        %gather3A_1457 = tpu.vector_load_idx %arg16[%gather3A_1436, %add3A_932] : memref<32x64xf32, #tpu.memory_space<vmem>>[vector<16xi32>, vector<16xi32>], vector<16xf32>,
        %add3A_1458 = arith.addf %gather3A_1456, %gather3A_1457 : vector<16xf32>
        %add3A_1459 = arith.addf %add3A_1446, %add3A_1450 : vector<16xf32>
        %add3A_1460 = arith.addf %add3A_1454, %add3A_1458 : vector<16xf32>
        %add3A_1461 = arith.addf %add3A_1459, %add3A_1460 : vector<16xf32>
        %mul3A_1462 = arith.mulf %add3A_1446, %add3A_1446 : vector<16xf32>
        %mul3A_1463 = arith.mulf %add3A_1450, %add3A_1450 : vector<16xf32>
        %add3A_1464 = arith.addf %mul3A_1462, %mul3A_1463 : vector<16xf32>
        %mul3A_1465 = arith.mulf %add3A_1454, %add3A_1454 : vector<16xf32>
        %mul3A_1466 = arith.mulf %add3A_1458, %add3A_1458 : vector<16xf32>
        %add3A_1467 = arith.addf %mul3A_1465, %mul3A_1466 : vector<16xf32>
        %add3A_1468 = arith.addf %add3A_1464, %add3A_1467 : vector<16xf32>
        %swap3A_1469 = arith.constant 7 : i32
        %swap3A_1470 = arith.index_cast %swap3A_1469 : i32 to index
        %swap3A_1471 = arith.constant 0 : index
        %swap3A_1472 = tpu.vector_load %arg19[%swap3A_1470, %swap3A_1471] {strides = array<i32>} : memref<8x17xf32, #tpu.memory_space<vmem>>, vector<16xf32>,
        tpu.vector_store %arg19[%swap3A_1470, %swap3A_1471], %add3A_1461 {strides = array<i32>} : memref<8x17xf32, #tpu.memory_space<vmem>>, vector<16xf32>,
        %swap3A_1473 = arith.constant 7 : i32
        %swap3A_1474 = arith.index_cast %swap3A_1473 : i32 to index
        %swap3A_1475 = arith.constant 0 : index
        %swap3A_1476 = tpu.vector_load %arg20[%swap3A_1474, %swap3A_1475] {strides = array<i32>} : memref<8x17xf32, #tpu.memory_space<vmem>>, vector<16xf32>,
        tpu.vector_store %arg20[%swap3A_1474, %swap3A_1475], %add3A_1468 {strides = array<i32>} : memref<8x17xf32, #tpu.memory_space<vmem>>, vector<16xf32>,
        %gather3A_1477 = tpu.vector_load_idx %arg19[%and3A_935, %broadcast_in_dim3A_936] : memref<8x17xf32, #tpu.memory_space<vmem>>[vector<16xi32>, vector<16xi32>], vector<16xf32>,
        %gather3A_1478 = tpu.vector_load_idx %arg20[%and3A_935, %broadcast_in_dim3A_936] : memref<8x17xf32, #tpu.memory_space<vmem>>[vector<16xi32>, vector<16xi32>], vector<16xf32>,
        %gather3A_1479 = tpu.vector_load_idx %arg19[%and3A_935, %broadcast_in_dim3A_938] : memref<8x17xf32, #tpu.memory_space<vmem>>[vector<16xi32>, vector<16xi32>], vector<16xf32>,
        %add3A_1480 = arith.addf %gather3A_1477, %gather3A_1479 : vector<16xf32>
        %gather3A_1481 = tpu.vector_load_idx %arg20[%and3A_935, %broadcast_in_dim3A_938] : memref<8x17xf32, #tpu.memory_space<vmem>>[vector<16xi32>, vector<16xi32>], vector<16xf32>,
        %add3A_1482 = arith.addf %gather3A_1478, %gather3A_1481 : vector<16xf32>
        %gather3A_1483 = tpu.vector_load_idx %arg19[%and3A_935, %broadcast_in_dim3A_940] : memref<8x17xf32, #tpu.memory_space<vmem>>[vector<16xi32>, vector<16xi32>], vector<16xf32>,
        %add3A_1484 = arith.addf %add3A_1480, %gather3A_1483 : vector<16xf32>
        %gather3A_1485 = tpu.vector_load_idx %arg20[%and3A_935, %broadcast_in_dim3A_940] : memref<8x17xf32, #tpu.memory_space<vmem>>[vector<16xi32>, vector<16xi32>], vector<16xf32>,
        %add3A_1486 = arith.addf %add3A_1482, %gather3A_1485 : vector<16xf32>
        %gather3A_1487 = tpu.vector_load_idx %arg19[%and3A_935, %broadcast_in_dim3A_942] : memref<8x17xf32, #tpu.memory_space<vmem>>[vector<16xi32>, vector<16xi32>], vector<16xf32>,
        %add3A_1488 = arith.addf %add3A_1484, %gather3A_1487 : vector<16xf32>
        %gather3A_1489 = tpu.vector_load_idx %arg20[%and3A_935, %broadcast_in_dim3A_942] : memref<8x17xf32, #tpu.memory_space<vmem>>[vector<16xi32>, vector<16xi32>], vector<16xf32>,
        %add3A_1490 = arith.addf %add3A_1486, %gather3A_1489 : vector<16xf32>
        %gather3A_1491 = tpu.vector_load_idx %arg19[%and3A_935, %broadcast_in_dim3A_944] : memref<8x17xf32, #tpu.memory_space<vmem>>[vector<16xi32>, vector<16xi32>], vector<16xf32>,
        %add3A_1492 = arith.addf %add3A_1488, %gather3A_1491 : vector<16xf32>
        %gather3A_1493 = tpu.vector_load_idx %arg20[%and3A_935, %broadcast_in_dim3A_944] : memref<8x17xf32, #tpu.memory_space<vmem>>[vector<16xi32>, vector<16xi32>], vector<16xf32>,
        %add3A_1494 = arith.addf %add3A_1490, %gather3A_1493 : vector<16xf32>
        %gather3A_1495 = tpu.vector_load_idx %arg19[%and3A_935, %broadcast_in_dim3A_946] : memref<8x17xf32, #tpu.memory_space<vmem>>[vector<16xi32>, vector<16xi32>], vector<16xf32>,
        %add3A_1496 = arith.addf %add3A_1492, %gather3A_1495 : vector<16xf32>
        %gather3A_1497 = tpu.vector_load_idx %arg20[%and3A_935, %broadcast_in_dim3A_946] : memref<8x17xf32, #tpu.memory_space<vmem>>[vector<16xi32>, vector<16xi32>], vector<16xf32>,
        %add3A_1498 = arith.addf %add3A_1494, %gather3A_1497 : vector<16xf32>
        %gather3A_1499 = tpu.vector_load_idx %arg19[%and3A_935, %broadcast_in_dim3A_948] : memref<8x17xf32, #tpu.memory_space<vmem>>[vector<16xi32>, vector<16xi32>], vector<16xf32>,
        %add3A_1500 = arith.addf %add3A_1496, %gather3A_1499 : vector<16xf32>
        %gather3A_1501 = tpu.vector_load_idx %arg20[%and3A_935, %broadcast_in_dim3A_948] : memref<8x17xf32, #tpu.memory_space<vmem>>[vector<16xi32>, vector<16xi32>], vector<16xf32>,
        %add3A_1502 = arith.addf %add3A_1498, %gather3A_1501 : vector<16xf32>
        %gather3A_1503 = tpu.vector_load_idx %arg19[%and3A_935, %broadcast_in_dim3A_950] : memref<8x17xf32, #tpu.memory_space<vmem>>[vector<16xi32>, vector<16xi32>], vector<16xf32>,
        %add3A_1504 = arith.addf %add3A_1500, %gather3A_1503 : vector<16xf32>
        %gather3A_1505 = tpu.vector_load_idx %arg20[%and3A_935, %broadcast_in_dim3A_950] : memref<8x17xf32, #tpu.memory_space<vmem>>[vector<16xi32>, vector<16xi32>], vector<16xf32>,
        %add3A_1506 = arith.addf %add3A_1502, %gather3A_1505 : vector<16xf32>
        %gather3A_1507 = tpu.vector_load_idx %arg19[%and3A_935, %broadcast_in_dim3A_952] : memref<8x17xf32, #tpu.memory_space<vmem>>[vector<16xi32>, vector<16xi32>], vector<16xf32>,
        %add3A_1508 = arith.addf %add3A_1504, %gather3A_1507 : vector<16xf32>
        %gather3A_1509 = tpu.vector_load_idx %arg20[%and3A_935, %broadcast_in_dim3A_952] : memref<8x17xf32, #tpu.memory_space<vmem>>[vector<16xi32>, vector<16xi32>], vector<16xf32>,
        %add3A_1510 = arith.addf %add3A_1506, %gather3A_1509 : vector<16xf32>
        %gather3A_1511 = tpu.vector_load_idx %arg19[%and3A_935, %broadcast_in_dim3A_954] : memref<8x17xf32, #tpu.memory_space<vmem>>[vector<16xi32>, vector<16xi32>], vector<16xf32>,
        %add3A_1512 = arith.addf %add3A_1508, %gather3A_1511 : vector<16xf32>
        %gather3A_1513 = tpu.vector_load_idx %arg20[%and3A_935, %broadcast_in_dim3A_954] : memref<8x17xf32, #tpu.memory_space<vmem>>[vector<16xi32>, vector<16xi32>], vector<16xf32>,
        %add3A_1514 = arith.addf %add3A_1510, %gather3A_1513 : vector<16xf32>
        %gather3A_1515 = tpu.vector_load_idx %arg19[%and3A_935, %broadcast_in_dim3A_956] : memref<8x17xf32, #tpu.memory_space<vmem>>[vector<16xi32>, vector<16xi32>], vector<16xf32>,
        %add3A_1516 = arith.addf %add3A_1512, %gather3A_1515 : vector<16xf32>
        %gather3A_1517 = tpu.vector_load_idx %arg20[%and3A_935, %broadcast_in_dim3A_956] : memref<8x17xf32, #tpu.memory_space<vmem>>[vector<16xi32>, vector<16xi32>], vector<16xf32>,
        %add3A_1518 = arith.addf %add3A_1514, %gather3A_1517 : vector<16xf32>
        %gather3A_1519 = tpu.vector_load_idx %arg19[%and3A_935, %broadcast_in_dim3A_958] : memref<8x17xf32, #tpu.memory_space<vmem>>[vector<16xi32>, vector<16xi32>], vector<16xf32>,
        %add3A_1520 = arith.addf %add3A_1516, %gather3A_1519 : vector<16xf32>
        %gather3A_1521 = tpu.vector_load_idx %arg20[%and3A_935, %broadcast_in_dim3A_958] : memref<8x17xf32, #tpu.memory_space<vmem>>[vector<16xi32>, vector<16xi32>], vector<16xf32>,
        %add3A_1522 = arith.addf %add3A_1518, %gather3A_1521 : vector<16xf32>
        %gather3A_1523 = tpu.vector_load_idx %arg19[%and3A_935, %broadcast_in_dim3A_960] : memref<8x17xf32, #tpu.memory_space<vmem>>[vector<16xi32>, vector<16xi32>], vector<16xf32>,
        %add3A_1524 = arith.addf %add3A_1520, %gather3A_1523 : vector<16xf32>
        %gather3A_1525 = tpu.vector_load_idx %arg20[%and3A_935, %broadcast_in_dim3A_960] : memref<8x17xf32, #tpu.memory_space<vmem>>[vector<16xi32>, vector<16xi32>], vector<16xf32>,
        %add3A_1526 = arith.addf %add3A_1522, %gather3A_1525 : vector<16xf32>
        %gather3A_1527 = tpu.vector_load_idx %arg19[%and3A_935, %broadcast_in_dim3A_962] : memref<8x17xf32, #tpu.memory_space<vmem>>[vector<16xi32>, vector<16xi32>], vector<16xf32>,
        %add3A_1528 = arith.addf %add3A_1524, %gather3A_1527 : vector<16xf32>
        %gather3A_1529 = tpu.vector_load_idx %arg20[%and3A_935, %broadcast_in_dim3A_962] : memref<8x17xf32, #tpu.memory_space<vmem>>[vector<16xi32>, vector<16xi32>], vector<16xf32>,
        %add3A_1530 = arith.addf %add3A_1526, %gather3A_1529 : vector<16xf32>
        %gather3A_1531 = tpu.vector_load_idx %arg19[%and3A_935, %broadcast_in_dim3A_964] : memref<8x17xf32, #tpu.memory_space<vmem>>[vector<16xi32>, vector<16xi32>], vector<16xf32>,
        %add3A_1532 = arith.addf %add3A_1528, %gather3A_1531 : vector<16xf32>
        %gather3A_1533 = tpu.vector_load_idx %arg20[%and3A_935, %broadcast_in_dim3A_964] : memref<8x17xf32, #tpu.memory_space<vmem>>[vector<16xi32>, vector<16xi32>], vector<16xf32>,
        %add3A_1534 = arith.addf %add3A_1530, %gather3A_1533 : vector<16xf32>
        %gather3A_1535 = tpu.vector_load_idx %arg19[%and3A_935, %broadcast_in_dim3A_966] : memref<8x17xf32, #tpu.memory_space<vmem>>[vector<16xi32>, vector<16xi32>], vector<16xf32>,
        %add3A_1536 = arith.addf %add3A_1532, %gather3A_1535 : vector<16xf32>
        %gather3A_1537 = tpu.vector_load_idx %arg20[%and3A_935, %broadcast_in_dim3A_966] : memref<8x17xf32, #tpu.memory_space<vmem>>[vector<16xi32>, vector<16xi32>], vector<16xf32>,
        %add3A_1538 = arith.addf %add3A_1534, %gather3A_1537 : vector<16xf32>
        %mul3A_1539 = arith.constant 1.562500e-02 : f32
        %mul3A_1540 = vector.broadcast %mul3A_1539 : f32 to vector<16xf32>
        %mul3A_1541 = arith.mulf %add3A_1536, %mul3A_1540 : vector<16xf32>
        %mul3A_1542 = arith.constant 1.562500e-02 : f32
        %mul3A_1543 = vector.broadcast %mul3A_1542 : f32 to vector<16xf32>
        %mul3A_1544 = arith.mulf %add3A_1538, %mul3A_1543 : vector<16xf32>
        %mul3A_1545 = arith.mulf %mul3A_1541, %mul3A_1541 : vector<16xf32>
        %sub3A = arith.subf %mul3A_1544, %mul3A_1545 : vector<16xf32>
        %mul3A_1546 = arith.constant 6.400000e+01 : f32
        %mul3A_1547 = vector.broadcast %mul3A_1546 : f32 to vector<16xf32>
        %mul3A_1548 = arith.mulf %sub3A, %mul3A_1547 : vector<16xf32>
        %add3A_1549 = arith.constant 9.99999974E-6 : f32
        %add3A_1550 = vector.broadcast %add3A_1549 : f32 to vector<16xf32>
        %add3A_1551 = arith.addf %mul3A_1548, %add3A_1550 : vector<16xf32>
        %bitcast_convert_type3A = tpu.bitcast %add3A_1551 : vector<16xf32> -> vector<16xi32>
        %shift_right_arithmetic3A = arith.constant 1 : i32
        %shift_right_arithmetic3A_1552 = vector.broadcast %shift_right_arithmetic3A : i32 to vector<16xi32>
        %shift_right_arithmetic3A_1553 = arith.shrsi %bitcast_convert_type3A, %shift_right_arithmetic3A_1552 : vector<16xi32>
        %sub3A_1554 = arith.constant 1597463007 : i32
        %sub3A_1555 = vector.broadcast %sub3A_1554 : i32 to vector<16xi32>
        %sub3A_1556 = arith.subi %sub3A_1555, %shift_right_arithmetic3A_1553 : vector<16xi32>
        %bitcast_convert_type3A_1557 = tpu.bitcast %sub3A_1556 : vector<16xi32> -> vector<16xf32>
        %mul3A_1558 = arith.constant 5.000000e-01 : f32
        %mul3A_1559 = vector.broadcast %mul3A_1558 : f32 to vector<16xf32>
        %mul3A_1560 = arith.mulf %add3A_1551, %mul3A_1559 : vector<16xf32>
        %mul3A_1561 = arith.mulf %mul3A_1560, %bitcast_convert_type3A_1557 : vector<16xf32>
        %mul3A_1562 = arith.mulf %mul3A_1561, %bitcast_convert_type3A_1557 : vector<16xf32>
        %sub3A_1563 = arith.constant 1.500000e+00 : f32
        %sub3A_1564 = vector.broadcast %sub3A_1563 : f32 to vector<16xf32>
        %sub3A_1565 = arith.subf %sub3A_1564, %mul3A_1562 : vector<16xf32>
        %mul3A_1566 = arith.mulf %bitcast_convert_type3A_1557, %sub3A_1565 : vector<16xf32>
        %mul3A_1567 = arith.mulf %mul3A_1560, %mul3A_1566 : vector<16xf32>
        %mul3A_1568 = arith.mulf %mul3A_1567, %mul3A_1566 : vector<16xf32>
        %sub3A_1569 = arith.constant 1.500000e+00 : f32
        %sub3A_1570 = vector.broadcast %sub3A_1569 : f32 to vector<16xf32>
        %sub3A_1571 = arith.subf %sub3A_1570, %mul3A_1568 : vector<16xf32>
        %mul3A_1572 = arith.mulf %mul3A_1566, %sub3A_1571 : vector<16xf32>
        %mul3A_1573 = arith.mulf %mul3A_1560, %mul3A_1572 : vector<16xf32>
        %mul3A_1574 = arith.mulf %mul3A_1573, %mul3A_1572 : vector<16xf32>
        %sub3A_1575 = arith.constant 1.500000e+00 : f32
        %sub3A_1576 = vector.broadcast %sub3A_1575 : f32 to vector<16xf32>
        %sub3A_1577 = arith.subf %sub3A_1576, %mul3A_1574 : vector<16xf32>
        %mul3A_1578 = arith.mulf %mul3A_1572, %sub3A_1577 : vector<16xf32>
        %mul3A_1579 = arith.constant 8.000000e+00 : f32
        %mul3A_1580 = vector.broadcast %mul3A_1579 : f32 to vector<16xf32>
        %mul3A_1581 = arith.mulf %mul3A_1578, %mul3A_1580 : vector<16xf32>
        %add3A_1582 = arith.constant 0 : i32
        %add3A_1583 = arith.addi %mul3A_1101, %add3A_1582 : i32
        %broadcast_in_dim3A_1584 = arith.constant 0 : i32
        %broadcast_in_dim3A_1585 = vector.broadcast %broadcast_in_dim3A_1584 : i32 to vector<16xi32>
        %broadcast_in_dim3A_1586 = vector.shape_cast %broadcast_in_dim3A_1585 : vector<16xi32> to vector<16x1xi32>
        %gather3A_1587 = vector.shape_cast %broadcast_in_dim3A_1586 : vector<16x1xi32> to vector<16xi32>
        %gather3A_1588 = tpu.dynamic_gather %mul3A_1581[%gather3A_1587] in [0] : vector<16xf32>, vector<16xi32> -> vector<16xf32>
        %broadcast_in_dim3A_1589 = arith.constant 0 : i32
        %broadcast_in_dim3A_1590 = vector.broadcast %broadcast_in_dim3A_1589 : i32 to vector<16xi32>
        %broadcast_in_dim3A_1591 = vector.shape_cast %broadcast_in_dim3A_1590 : vector<16xi32> to vector<16x1xi32>
        %gather3A_1592 = vector.shape_cast %broadcast_in_dim3A_1591 : vector<16x1xi32> to vector<16xi32>
        %gather3A_1593 = tpu.dynamic_gather %mul3A_1541[%gather3A_1592] in [0] : vector<16xf32>, vector<16xi32> -> vector<16xf32>
        %sub3A_1594 = arith.subf %add3A_1117, %gather3A_1593 : vector<16xf32>
        %mul3A_1595 = arith.mulf %sub3A_1594, %gather3A_1588 : vector<16xf32>
        %mul3A_1596 = arith.mulf %mul3A_1595, %get3A_903 : vector<16xf32>
        %add3A_1597 = arith.addf %mul3A_1596, %get3A_911 : vector<16xf32>
        %swap3A_1598 = arith.index_cast %add3A_1583 : i32 to index
        %swap3A_1599 = arith.constant 0 : index
        %swap3A_1600 = tpu.vector_load %arg14[%swap3A_1598, %swap3A_1599] {strides = array<i32>} : memref<200x64xf32, #tpu.memory_space<vmem>>, vector<16xf32>,
        tpu.vector_store %arg14[%swap3A_1598, %swap3A_1599], %add3A_1597 {strides = array<i32>} : memref<200x64xf32, #tpu.memory_space<vmem>>, vector<16xf32>,
        %sub3A_1601 = arith.subf %add3A_1121, %gather3A_1593 : vector<16xf32>
        %mul3A_1602 = arith.mulf %sub3A_1601, %gather3A_1588 : vector<16xf32>
        %mul3A_1603 = arith.mulf %mul3A_1602, %get3A_905 : vector<16xf32>
        %add3A_1604 = arith.addf %mul3A_1603, %get3A_913 : vector<16xf32>
        %swap3A_1605 = arith.index_cast %add3A_1583 : i32 to index
        %swap3A_1606 = arith.constant 16 : index
        %swap3A_1607 = tpu.vector_load %arg14[%swap3A_1605, %swap3A_1606] {strides = array<i32>} : memref<200x64xf32, #tpu.memory_space<vmem>>, vector<16xf32>,
        tpu.vector_store %arg14[%swap3A_1605, %swap3A_1606], %add3A_1604 {strides = array<i32>} : memref<200x64xf32, #tpu.memory_space<vmem>>, vector<16xf32>,
        %sub3A_1608 = arith.subf %add3A_1125, %gather3A_1593 : vector<16xf32>
        %mul3A_1609 = arith.mulf %sub3A_1608, %gather3A_1588 : vector<16xf32>
        %mul3A_1610 = arith.mulf %mul3A_1609, %get3A_907 : vector<16xf32>
        %add3A_1611 = arith.addf %mul3A_1610, %get3A_915 : vector<16xf32>
        %swap3A_1612 = arith.index_cast %add3A_1583 : i32 to index
        %swap3A_1613 = arith.constant 32 : index
        %swap3A_1614 = tpu.vector_load %arg14[%swap3A_1612, %swap3A_1613] {strides = array<i32>} : memref<200x64xf32, #tpu.memory_space<vmem>>, vector<16xf32>,
        tpu.vector_store %arg14[%swap3A_1612, %swap3A_1613], %add3A_1611 {strides = array<i32>} : memref<200x64xf32, #tpu.memory_space<vmem>>, vector<16xf32>,
        %sub3A_1615 = arith.subf %add3A_1129, %gather3A_1593 : vector<16xf32>
        %mul3A_1616 = arith.mulf %sub3A_1615, %gather3A_1588 : vector<16xf32>
        %mul3A_1617 = arith.mulf %mul3A_1616, %get3A_909 : vector<16xf32>
        %add3A_1618 = arith.addf %mul3A_1617, %get3A_917 : vector<16xf32>
        %swap3A_1619 = arith.index_cast %add3A_1583 : i32 to index
        %swap3A_1620 = arith.constant 48 : index
        %swap3A_1621 = tpu.vector_load %arg14[%swap3A_1619, %swap3A_1620] {strides = array<i32>} : memref<200x64xf32, #tpu.memory_space<vmem>>, vector<16xf32>,
        tpu.vector_store %arg14[%swap3A_1619, %swap3A_1620], %add3A_1618 {strides = array<i32>} : memref<200x64xf32, #tpu.memory_space<vmem>>, vector<16xf32>,
        %add3A_1622 = arith.constant 1 : i32
        %add3A_1623 = arith.addi %mul3A_1101, %add3A_1622 : i32
        %broadcast_in_dim3A_1624 = arith.constant 1 : i32
        %broadcast_in_dim3A_1625 = vector.broadcast %broadcast_in_dim3A_1624 : i32 to vector<16xi32>
        %broadcast_in_dim3A_1626 = vector.shape_cast %broadcast_in_dim3A_1625 : vector<16xi32> to vector<16x1xi32>
        %gather3A_1627 = vector.shape_cast %broadcast_in_dim3A_1626 : vector<16x1xi32> to vector<16xi32>
        %gather3A_1628 = tpu.dynamic_gather %mul3A_1581[%gather3A_1627] in [0] : vector<16xf32>, vector<16xi32> -> vector<16xf32>
        %broadcast_in_dim3A_1629 = arith.constant 1 : i32
        %broadcast_in_dim3A_1630 = vector.broadcast %broadcast_in_dim3A_1629 : i32 to vector<16xi32>
        %broadcast_in_dim3A_1631 = vector.shape_cast %broadcast_in_dim3A_1630 : vector<16xi32> to vector<16x1xi32>
        %gather3A_1632 = vector.shape_cast %broadcast_in_dim3A_1631 : vector<16x1xi32> to vector<16xi32>
        %gather3A_1633 = tpu.dynamic_gather %mul3A_1541[%gather3A_1632] in [0] : vector<16xf32>, vector<16xi32> -> vector<16xf32>
        %sub3A_1634 = arith.subf %add3A_1164, %gather3A_1633 : vector<16xf32>
        %mul3A_1635 = arith.mulf %sub3A_1634, %gather3A_1628 : vector<16xf32>
        %mul3A_1636 = arith.mulf %mul3A_1635, %get3A_903 : vector<16xf32>
        %add3A_1637 = arith.addf %mul3A_1636, %get3A_911 : vector<16xf32>
        %swap3A_1638 = arith.index_cast %add3A_1623 : i32 to index
        %swap3A_1639 = arith.constant 0 : index
        %swap3A_1640 = tpu.vector_load %arg14[%swap3A_1638, %swap3A_1639] {strides = array<i32>} : memref<200x64xf32, #tpu.memory_space<vmem>>, vector<16xf32>,
        tpu.vector_store %arg14[%swap3A_1638, %swap3A_1639], %add3A_1637 {strides = array<i32>} : memref<200x64xf32, #tpu.memory_space<vmem>>, vector<16xf32>,
        %sub3A_1641 = arith.subf %add3A_1168, %gather3A_1633 : vector<16xf32>
        %mul3A_1642 = arith.mulf %sub3A_1641, %gather3A_1628 : vector<16xf32>
        %mul3A_1643 = arith.mulf %mul3A_1642, %get3A_905 : vector<16xf32>
        %add3A_1644 = arith.addf %mul3A_1643, %get3A_913 : vector<16xf32>
        %swap3A_1645 = arith.index_cast %add3A_1623 : i32 to index
        %swap3A_1646 = arith.constant 16 : index
        %swap3A_1647 = tpu.vector_load %arg14[%swap3A_1645, %swap3A_1646] {strides = array<i32>} : memref<200x64xf32, #tpu.memory_space<vmem>>, vector<16xf32>,
        tpu.vector_store %arg14[%swap3A_1645, %swap3A_1646], %add3A_1644 {strides = array<i32>} : memref<200x64xf32, #tpu.memory_space<vmem>>, vector<16xf32>,
        %sub3A_1648 = arith.subf %add3A_1172, %gather3A_1633 : vector<16xf32>
        %mul3A_1649 = arith.mulf %sub3A_1648, %gather3A_1628 : vector<16xf32>
        %mul3A_1650 = arith.mulf %mul3A_1649, %get3A_907 : vector<16xf32>
        %add3A_1651 = arith.addf %mul3A_1650, %get3A_915 : vector<16xf32>
        %swap3A_1652 = arith.index_cast %add3A_1623 : i32 to index
        %swap3A_1653 = arith.constant 32 : index
        %swap3A_1654 = tpu.vector_load %arg14[%swap3A_1652, %swap3A_1653] {strides = array<i32>} : memref<200x64xf32, #tpu.memory_space<vmem>>, vector<16xf32>,
        tpu.vector_store %arg14[%swap3A_1652, %swap3A_1653], %add3A_1651 {strides = array<i32>} : memref<200x64xf32, #tpu.memory_space<vmem>>, vector<16xf32>,
        %sub3A_1655 = arith.subf %add3A_1176, %gather3A_1633 : vector<16xf32>
        %mul3A_1656 = arith.mulf %sub3A_1655, %gather3A_1628 : vector<16xf32>
        %mul3A_1657 = arith.mulf %mul3A_1656, %get3A_909 : vector<16xf32>
        %add3A_1658 = arith.addf %mul3A_1657, %get3A_917 : vector<16xf32>
        %swap3A_1659 = arith.index_cast %add3A_1623 : i32 to index
        %swap3A_1660 = arith.constant 48 : index
        %swap3A_1661 = tpu.vector_load %arg14[%swap3A_1659, %swap3A_1660] {strides = array<i32>} : memref<200x64xf32, #tpu.memory_space<vmem>>, vector<16xf32>,
        tpu.vector_store %arg14[%swap3A_1659, %swap3A_1660], %add3A_1658 {strides = array<i32>} : memref<200x64xf32, #tpu.memory_space<vmem>>, vector<16xf32>,
        %add3A_1662 = arith.constant 2 : i32
        %add3A_1663 = arith.addi %mul3A_1101, %add3A_1662 : i32
        %broadcast_in_dim3A_1664 = arith.constant 2 : i32
        %broadcast_in_dim3A_1665 = vector.broadcast %broadcast_in_dim3A_1664 : i32 to vector<16xi32>
        %broadcast_in_dim3A_1666 = vector.shape_cast %broadcast_in_dim3A_1665 : vector<16xi32> to vector<16x1xi32>
        %gather3A_1667 = vector.shape_cast %broadcast_in_dim3A_1666 : vector<16x1xi32> to vector<16xi32>
        %gather3A_1668 = tpu.dynamic_gather %mul3A_1581[%gather3A_1667] in [0] : vector<16xf32>, vector<16xi32> -> vector<16xf32>
        %broadcast_in_dim3A_1669 = arith.constant 2 : i32
        %broadcast_in_dim3A_1670 = vector.broadcast %broadcast_in_dim3A_1669 : i32 to vector<16xi32>
        %broadcast_in_dim3A_1671 = vector.shape_cast %broadcast_in_dim3A_1670 : vector<16xi32> to vector<16x1xi32>
        %gather3A_1672 = vector.shape_cast %broadcast_in_dim3A_1671 : vector<16x1xi32> to vector<16xi32>
        %gather3A_1673 = tpu.dynamic_gather %mul3A_1541[%gather3A_1672] in [0] : vector<16xf32>, vector<16xi32> -> vector<16xf32>
        %sub3A_1674 = arith.subf %add3A_1211, %gather3A_1673 : vector<16xf32>
        %mul3A_1675 = arith.mulf %sub3A_1674, %gather3A_1668 : vector<16xf32>
        %mul3A_1676 = arith.mulf %mul3A_1675, %get3A_903 : vector<16xf32>
        %add3A_1677 = arith.addf %mul3A_1676, %get3A_911 : vector<16xf32>
        %swap3A_1678 = arith.index_cast %add3A_1663 : i32 to index
        %swap3A_1679 = arith.constant 0 : index
        %swap3A_1680 = tpu.vector_load %arg14[%swap3A_1678, %swap3A_1679] {strides = array<i32>} : memref<200x64xf32, #tpu.memory_space<vmem>>, vector<16xf32>,
        tpu.vector_store %arg14[%swap3A_1678, %swap3A_1679], %add3A_1677 {strides = array<i32>} : memref<200x64xf32, #tpu.memory_space<vmem>>, vector<16xf32>,
        %sub3A_1681 = arith.subf %add3A_1215, %gather3A_1673 : vector<16xf32>
        %mul3A_1682 = arith.mulf %sub3A_1681, %gather3A_1668 : vector<16xf32>
        %mul3A_1683 = arith.mulf %mul3A_1682, %get3A_905 : vector<16xf32>
        %add3A_1684 = arith.addf %mul3A_1683, %get3A_913 : vector<16xf32>
        %swap3A_1685 = arith.index_cast %add3A_1663 : i32 to index
        %swap3A_1686 = arith.constant 16 : index
        %swap3A_1687 = tpu.vector_load %arg14[%swap3A_1685, %swap3A_1686] {strides = array<i32>} : memref<200x64xf32, #tpu.memory_space<vmem>>, vector<16xf32>,
        tpu.vector_store %arg14[%swap3A_1685, %swap3A_1686], %add3A_1684 {strides = array<i32>} : memref<200x64xf32, #tpu.memory_space<vmem>>, vector<16xf32>,
        %sub3A_1688 = arith.subf %add3A_1219, %gather3A_1673 : vector<16xf32>
        %mul3A_1689 = arith.mulf %sub3A_1688, %gather3A_1668 : vector<16xf32>
        %mul3A_1690 = arith.mulf %mul3A_1689, %get3A_907 : vector<16xf32>
        %add3A_1691 = arith.addf %mul3A_1690, %get3A_915 : vector<16xf32>
        %swap3A_1692 = arith.index_cast %add3A_1663 : i32 to index
        %swap3A_1693 = arith.constant 32 : index
        %swap3A_1694 = tpu.vector_load %arg14[%swap3A_1692, %swap3A_1693] {strides = array<i32>} : memref<200x64xf32, #tpu.memory_space<vmem>>, vector<16xf32>,
        tpu.vector_store %arg14[%swap3A_1692, %swap3A_1693], %add3A_1691 {strides = array<i32>} : memref<200x64xf32, #tpu.memory_space<vmem>>, vector<16xf32>,
        %sub3A_1695 = arith.subf %add3A_1223, %gather3A_1673 : vector<16xf32>
        %mul3A_1696 = arith.mulf %sub3A_1695, %gather3A_1668 : vector<16xf32>
        %mul3A_1697 = arith.mulf %mul3A_1696, %get3A_909 : vector<16xf32>
        %add3A_1698 = arith.addf %mul3A_1697, %get3A_917 : vector<16xf32>
        %swap3A_1699 = arith.index_cast %add3A_1663 : i32 to index
        %swap3A_1700 = arith.constant 48 : index
        %swap3A_1701 = tpu.vector_load %arg14[%swap3A_1699, %swap3A_1700] {strides = array<i32>} : memref<200x64xf32, #tpu.memory_space<vmem>>, vector<16xf32>,
        tpu.vector_store %arg14[%swap3A_1699, %swap3A_1700], %add3A_1698 {strides = array<i32>} : memref<200x64xf32, #tpu.memory_space<vmem>>, vector<16xf32>,
        %add3A_1702 = arith.constant 3 : i32
        %add3A_1703 = arith.addi %mul3A_1101, %add3A_1702 : i32
        %broadcast_in_dim3A_1704 = arith.constant 3 : i32
        %broadcast_in_dim3A_1705 = vector.broadcast %broadcast_in_dim3A_1704 : i32 to vector<16xi32>
        %broadcast_in_dim3A_1706 = vector.shape_cast %broadcast_in_dim3A_1705 : vector<16xi32> to vector<16x1xi32>
        %gather3A_1707 = vector.shape_cast %broadcast_in_dim3A_1706 : vector<16x1xi32> to vector<16xi32>
        %gather3A_1708 = tpu.dynamic_gather %mul3A_1581[%gather3A_1707] in [0] : vector<16xf32>, vector<16xi32> -> vector<16xf32>
        %broadcast_in_dim3A_1709 = arith.constant 3 : i32
        %broadcast_in_dim3A_1710 = vector.broadcast %broadcast_in_dim3A_1709 : i32 to vector<16xi32>
        %broadcast_in_dim3A_1711 = vector.shape_cast %broadcast_in_dim3A_1710 : vector<16xi32> to vector<16x1xi32>
        %gather3A_1712 = vector.shape_cast %broadcast_in_dim3A_1711 : vector<16x1xi32> to vector<16xi32>
        %gather3A_1713 = tpu.dynamic_gather %mul3A_1541[%gather3A_1712] in [0] : vector<16xf32>, vector<16xi32> -> vector<16xf32>
        %sub3A_1714 = arith.subf %add3A_1258, %gather3A_1713 : vector<16xf32>
        %mul3A_1715 = arith.mulf %sub3A_1714, %gather3A_1708 : vector<16xf32>
        %mul3A_1716 = arith.mulf %mul3A_1715, %get3A_903 : vector<16xf32>
        %add3A_1717 = arith.addf %mul3A_1716, %get3A_911 : vector<16xf32>
        %swap3A_1718 = arith.index_cast %add3A_1703 : i32 to index
        %swap3A_1719 = arith.constant 0 : index
        %swap3A_1720 = tpu.vector_load %arg14[%swap3A_1718, %swap3A_1719] {strides = array<i32>} : memref<200x64xf32, #tpu.memory_space<vmem>>, vector<16xf32>,
        tpu.vector_store %arg14[%swap3A_1718, %swap3A_1719], %add3A_1717 {strides = array<i32>} : memref<200x64xf32, #tpu.memory_space<vmem>>, vector<16xf32>,
        %sub3A_1721 = arith.subf %add3A_1262, %gather3A_1713 : vector<16xf32>
        %mul3A_1722 = arith.mulf %sub3A_1721, %gather3A_1708 : vector<16xf32>
        %mul3A_1723 = arith.mulf %mul3A_1722, %get3A_905 : vector<16xf32>
        %add3A_1724 = arith.addf %mul3A_1723, %get3A_913 : vector<16xf32>
        %swap3A_1725 = arith.index_cast %add3A_1703 : i32 to index
        %swap3A_1726 = arith.constant 16 : index
        %swap3A_1727 = tpu.vector_load %arg14[%swap3A_1725, %swap3A_1726] {strides = array<i32>} : memref<200x64xf32, #tpu.memory_space<vmem>>, vector<16xf32>,
        tpu.vector_store %arg14[%swap3A_1725, %swap3A_1726], %add3A_1724 {strides = array<i32>} : memref<200x64xf32, #tpu.memory_space<vmem>>, vector<16xf32>,
        %sub3A_1728 = arith.subf %add3A_1266, %gather3A_1713 : vector<16xf32>
        %mul3A_1729 = arith.mulf %sub3A_1728, %gather3A_1708 : vector<16xf32>
        %mul3A_1730 = arith.mulf %mul3A_1729, %get3A_907 : vector<16xf32>
        %add3A_1731 = arith.addf %mul3A_1730, %get3A_915 : vector<16xf32>
        %swap3A_1732 = arith.index_cast %add3A_1703 : i32 to index
        %swap3A_1733 = arith.constant 32 : index
        %swap3A_1734 = tpu.vector_load %arg14[%swap3A_1732, %swap3A_1733] {strides = array<i32>} : memref<200x64xf32, #tpu.memory_space<vmem>>, vector<16xf32>,
        tpu.vector_store %arg14[%swap3A_1732, %swap3A_1733], %add3A_1731 {strides = array<i32>} : memref<200x64xf32, #tpu.memory_space<vmem>>, vector<16xf32>,
        %sub3A_1735 = arith.subf %add3A_1270, %gather3A_1713 : vector<16xf32>
        %mul3A_1736 = arith.mulf %sub3A_1735, %gather3A_1708 : vector<16xf32>
        %mul3A_1737 = arith.mulf %mul3A_1736, %get3A_909 : vector<16xf32>
        %add3A_1738 = arith.addf %mul3A_1737, %get3A_917 : vector<16xf32>
        %swap3A_1739 = arith.index_cast %add3A_1703 : i32 to index
        %swap3A_1740 = arith.constant 48 : index
        %swap3A_1741 = tpu.vector_load %arg14[%swap3A_1739, %swap3A_1740] {strides = array<i32>} : memref<200x64xf32, #tpu.memory_space<vmem>>, vector<16xf32>,
        tpu.vector_store %arg14[%swap3A_1739, %swap3A_1740], %add3A_1738 {strides = array<i32>} : memref<200x64xf32, #tpu.memory_space<vmem>>, vector<16xf32>,
        %add3A_1742 = arith.constant 4 : i32
        %add3A_1743 = arith.addi %mul3A_1101, %add3A_1742 : i32
        %broadcast_in_dim3A_1744 = arith.constant 4 : i32
        %broadcast_in_dim3A_1745 = vector.broadcast %broadcast_in_dim3A_1744 : i32 to vector<16xi32>
        %broadcast_in_dim3A_1746 = vector.shape_cast %broadcast_in_dim3A_1745 : vector<16xi32> to vector<16x1xi32>
        %gather3A_1747 = vector.shape_cast %broadcast_in_dim3A_1746 : vector<16x1xi32> to vector<16xi32>
        %gather3A_1748 = tpu.dynamic_gather %mul3A_1581[%gather3A_1747] in [0] : vector<16xf32>, vector<16xi32> -> vector<16xf32>
        %broadcast_in_dim3A_1749 = arith.constant 4 : i32
        %broadcast_in_dim3A_1750 = vector.broadcast %broadcast_in_dim3A_1749 : i32 to vector<16xi32>
        %broadcast_in_dim3A_1751 = vector.shape_cast %broadcast_in_dim3A_1750 : vector<16xi32> to vector<16x1xi32>
        %gather3A_1752 = vector.shape_cast %broadcast_in_dim3A_1751 : vector<16x1xi32> to vector<16xi32>
        %gather3A_1753 = tpu.dynamic_gather %mul3A_1541[%gather3A_1752] in [0] : vector<16xf32>, vector<16xi32> -> vector<16xf32>
        %sub3A_1754 = arith.subf %add3A_1305, %gather3A_1753 : vector<16xf32>
        %mul3A_1755 = arith.mulf %sub3A_1754, %gather3A_1748 : vector<16xf32>
        %mul3A_1756 = arith.mulf %mul3A_1755, %get3A_903 : vector<16xf32>
        %add3A_1757 = arith.addf %mul3A_1756, %get3A_911 : vector<16xf32>
        %swap3A_1758 = arith.index_cast %add3A_1743 : i32 to index
        %swap3A_1759 = arith.constant 0 : index
        %swap3A_1760 = tpu.vector_load %arg14[%swap3A_1758, %swap3A_1759] {strides = array<i32>} : memref<200x64xf32, #tpu.memory_space<vmem>>, vector<16xf32>,
        tpu.vector_store %arg14[%swap3A_1758, %swap3A_1759], %add3A_1757 {strides = array<i32>} : memref<200x64xf32, #tpu.memory_space<vmem>>, vector<16xf32>,
        %sub3A_1761 = arith.subf %add3A_1309, %gather3A_1753 : vector<16xf32>
        %mul3A_1762 = arith.mulf %sub3A_1761, %gather3A_1748 : vector<16xf32>
        %mul3A_1763 = arith.mulf %mul3A_1762, %get3A_905 : vector<16xf32>
        %add3A_1764 = arith.addf %mul3A_1763, %get3A_913 : vector<16xf32>
        %swap3A_1765 = arith.index_cast %add3A_1743 : i32 to index
        %swap3A_1766 = arith.constant 16 : index
        %swap3A_1767 = tpu.vector_load %arg14[%swap3A_1765, %swap3A_1766] {strides = array<i32>} : memref<200x64xf32, #tpu.memory_space<vmem>>, vector<16xf32>,
        tpu.vector_store %arg14[%swap3A_1765, %swap3A_1766], %add3A_1764 {strides = array<i32>} : memref<200x64xf32, #tpu.memory_space<vmem>>, vector<16xf32>,
        %sub3A_1768 = arith.subf %add3A_1313, %gather3A_1753 : vector<16xf32>
        %mul3A_1769 = arith.mulf %sub3A_1768, %gather3A_1748 : vector<16xf32>
        %mul3A_1770 = arith.mulf %mul3A_1769, %get3A_907 : vector<16xf32>
        %add3A_1771 = arith.addf %mul3A_1770, %get3A_915 : vector<16xf32>
        %swap3A_1772 = arith.index_cast %add3A_1743 : i32 to index
        %swap3A_1773 = arith.constant 32 : index
        %swap3A_1774 = tpu.vector_load %arg14[%swap3A_1772, %swap3A_1773] {strides = array<i32>} : memref<200x64xf32, #tpu.memory_space<vmem>>, vector<16xf32>,
        tpu.vector_store %arg14[%swap3A_1772, %swap3A_1773], %add3A_1771 {strides = array<i32>} : memref<200x64xf32, #tpu.memory_space<vmem>>, vector<16xf32>,
        %sub3A_1775 = arith.subf %add3A_1317, %gather3A_1753 : vector<16xf32>
        %mul3A_1776 = arith.mulf %sub3A_1775, %gather3A_1748 : vector<16xf32>
        %mul3A_1777 = arith.mulf %mul3A_1776, %get3A_909 : vector<16xf32>
        %add3A_1778 = arith.addf %mul3A_1777, %get3A_917 : vector<16xf32>
        %swap3A_1779 = arith.index_cast %add3A_1743 : i32 to index
        %swap3A_1780 = arith.constant 48 : index
        %swap3A_1781 = tpu.vector_load %arg14[%swap3A_1779, %swap3A_1780] {strides = array<i32>} : memref<200x64xf32, #tpu.memory_space<vmem>>, vector<16xf32>,
        tpu.vector_store %arg14[%swap3A_1779, %swap3A_1780], %add3A_1778 {strides = array<i32>} : memref<200x64xf32, #tpu.memory_space<vmem>>, vector<16xf32>,
        %add3A_1782 = arith.constant 5 : i32
        %add3A_1783 = arith.addi %mul3A_1101, %add3A_1782 : i32
        %broadcast_in_dim3A_1784 = arith.constant 5 : i32
        %broadcast_in_dim3A_1785 = vector.broadcast %broadcast_in_dim3A_1784 : i32 to vector<16xi32>
        %broadcast_in_dim3A_1786 = vector.shape_cast %broadcast_in_dim3A_1785 : vector<16xi32> to vector<16x1xi32>
        %gather3A_1787 = vector.shape_cast %broadcast_in_dim3A_1786 : vector<16x1xi32> to vector<16xi32>
        %gather3A_1788 = tpu.dynamic_gather %mul3A_1581[%gather3A_1787] in [0] : vector<16xf32>, vector<16xi32> -> vector<16xf32>
        %broadcast_in_dim3A_1789 = arith.constant 5 : i32
        %broadcast_in_dim3A_1790 = vector.broadcast %broadcast_in_dim3A_1789 : i32 to vector<16xi32>
        %broadcast_in_dim3A_1791 = vector.shape_cast %broadcast_in_dim3A_1790 : vector<16xi32> to vector<16x1xi32>
        %gather3A_1792 = vector.shape_cast %broadcast_in_dim3A_1791 : vector<16x1xi32> to vector<16xi32>
        %gather3A_1793 = tpu.dynamic_gather %mul3A_1541[%gather3A_1792] in [0] : vector<16xf32>, vector<16xi32> -> vector<16xf32>
        %sub3A_1794 = arith.subf %add3A_1352, %gather3A_1793 : vector<16xf32>
        %mul3A_1795 = arith.mulf %sub3A_1794, %gather3A_1788 : vector<16xf32>
        %mul3A_1796 = arith.mulf %mul3A_1795, %get3A_903 : vector<16xf32>
        %add3A_1797 = arith.addf %mul3A_1796, %get3A_911 : vector<16xf32>
        %swap3A_1798 = arith.index_cast %add3A_1783 : i32 to index
        %swap3A_1799 = arith.constant 0 : index
        %swap3A_1800 = tpu.vector_load %arg14[%swap3A_1798, %swap3A_1799] {strides = array<i32>} : memref<200x64xf32, #tpu.memory_space<vmem>>, vector<16xf32>,
        tpu.vector_store %arg14[%swap3A_1798, %swap3A_1799], %add3A_1797 {strides = array<i32>} : memref<200x64xf32, #tpu.memory_space<vmem>>, vector<16xf32>,
        %sub3A_1801 = arith.subf %add3A_1356, %gather3A_1793 : vector<16xf32>
        %mul3A_1802 = arith.mulf %sub3A_1801, %gather3A_1788 : vector<16xf32>
        %mul3A_1803 = arith.mulf %mul3A_1802, %get3A_905 : vector<16xf32>
        %add3A_1804 = arith.addf %mul3A_1803, %get3A_913 : vector<16xf32>
        %swap3A_1805 = arith.index_cast %add3A_1783 : i32 to index
        %swap3A_1806 = arith.constant 16 : index
        %swap3A_1807 = tpu.vector_load %arg14[%swap3A_1805, %swap3A_1806] {strides = array<i32>} : memref<200x64xf32, #tpu.memory_space<vmem>>, vector<16xf32>,
        tpu.vector_store %arg14[%swap3A_1805, %swap3A_1806], %add3A_1804 {strides = array<i32>} : memref<200x64xf32, #tpu.memory_space<vmem>>, vector<16xf32>,
        %sub3A_1808 = arith.subf %add3A_1360, %gather3A_1793 : vector<16xf32>
        %mul3A_1809 = arith.mulf %sub3A_1808, %gather3A_1788 : vector<16xf32>
        %mul3A_1810 = arith.mulf %mul3A_1809, %get3A_907 : vector<16xf32>
        %add3A_1811 = arith.addf %mul3A_1810, %get3A_915 : vector<16xf32>
        %swap3A_1812 = arith.index_cast %add3A_1783 : i32 to index
        %swap3A_1813 = arith.constant 32 : index
        %swap3A_1814 = tpu.vector_load %arg14[%swap3A_1812, %swap3A_1813] {strides = array<i32>} : memref<200x64xf32, #tpu.memory_space<vmem>>, vector<16xf32>,
        tpu.vector_store %arg14[%swap3A_1812, %swap3A_1813], %add3A_1811 {strides = array<i32>} : memref<200x64xf32, #tpu.memory_space<vmem>>, vector<16xf32>,
        %sub3A_1815 = arith.subf %add3A_1364, %gather3A_1793 : vector<16xf32>
        %mul3A_1816 = arith.mulf %sub3A_1815, %gather3A_1788 : vector<16xf32>
        %mul3A_1817 = arith.mulf %mul3A_1816, %get3A_909 : vector<16xf32>
        %add3A_1818 = arith.addf %mul3A_1817, %get3A_917 : vector<16xf32>
        %swap3A_1819 = arith.index_cast %add3A_1783 : i32 to index
        %swap3A_1820 = arith.constant 48 : index
        %swap3A_1821 = tpu.vector_load %arg14[%swap3A_1819, %swap3A_1820] {strides = array<i32>} : memref<200x64xf32, #tpu.memory_space<vmem>>, vector<16xf32>,
        tpu.vector_store %arg14[%swap3A_1819, %swap3A_1820], %add3A_1818 {strides = array<i32>} : memref<200x64xf32, #tpu.memory_space<vmem>>, vector<16xf32>,
        %add3A_1822 = arith.constant 6 : i32
        %add3A_1823 = arith.addi %mul3A_1101, %add3A_1822 : i32
        %broadcast_in_dim3A_1824 = arith.constant 6 : i32
        %broadcast_in_dim3A_1825 = vector.broadcast %broadcast_in_dim3A_1824 : i32 to vector<16xi32>
        %broadcast_in_dim3A_1826 = vector.shape_cast %broadcast_in_dim3A_1825 : vector<16xi32> to vector<16x1xi32>
        %gather3A_1827 = vector.shape_cast %broadcast_in_dim3A_1826 : vector<16x1xi32> to vector<16xi32>
        %gather3A_1828 = tpu.dynamic_gather %mul3A_1581[%gather3A_1827] in [0] : vector<16xf32>, vector<16xi32> -> vector<16xf32>
        %broadcast_in_dim3A_1829 = arith.constant 6 : i32
        %broadcast_in_dim3A_1830 = vector.broadcast %broadcast_in_dim3A_1829 : i32 to vector<16xi32>
        %broadcast_in_dim3A_1831 = vector.shape_cast %broadcast_in_dim3A_1830 : vector<16xi32> to vector<16x1xi32>
        %gather3A_1832 = vector.shape_cast %broadcast_in_dim3A_1831 : vector<16x1xi32> to vector<16xi32>
        %gather3A_1833 = tpu.dynamic_gather %mul3A_1541[%gather3A_1832] in [0] : vector<16xf32>, vector<16xi32> -> vector<16xf32>
        %sub3A_1834 = arith.subf %add3A_1399, %gather3A_1833 : vector<16xf32>
        %mul3A_1835 = arith.mulf %sub3A_1834, %gather3A_1828 : vector<16xf32>
        %mul3A_1836 = arith.mulf %mul3A_1835, %get3A_903 : vector<16xf32>
        %add3A_1837 = arith.addf %mul3A_1836, %get3A_911 : vector<16xf32>
        %swap3A_1838 = arith.index_cast %add3A_1823 : i32 to index
        %swap3A_1839 = arith.constant 0 : index
        %swap3A_1840 = tpu.vector_load %arg14[%swap3A_1838, %swap3A_1839] {strides = array<i32>} : memref<200x64xf32, #tpu.memory_space<vmem>>, vector<16xf32>,
        tpu.vector_store %arg14[%swap3A_1838, %swap3A_1839], %add3A_1837 {strides = array<i32>} : memref<200x64xf32, #tpu.memory_space<vmem>>, vector<16xf32>,
        %sub3A_1841 = arith.subf %add3A_1403, %gather3A_1833 : vector<16xf32>
        %mul3A_1842 = arith.mulf %sub3A_1841, %gather3A_1828 : vector<16xf32>
        %mul3A_1843 = arith.mulf %mul3A_1842, %get3A_905 : vector<16xf32>
        %add3A_1844 = arith.addf %mul3A_1843, %get3A_913 : vector<16xf32>
        %swap3A_1845 = arith.index_cast %add3A_1823 : i32 to index
        %swap3A_1846 = arith.constant 16 : index
        %swap3A_1847 = tpu.vector_load %arg14[%swap3A_1845, %swap3A_1846] {strides = array<i32>} : memref<200x64xf32, #tpu.memory_space<vmem>>, vector<16xf32>,
        tpu.vector_store %arg14[%swap3A_1845, %swap3A_1846], %add3A_1844 {strides = array<i32>} : memref<200x64xf32, #tpu.memory_space<vmem>>, vector<16xf32>,
        %sub3A_1848 = arith.subf %add3A_1407, %gather3A_1833 : vector<16xf32>
        %mul3A_1849 = arith.mulf %sub3A_1848, %gather3A_1828 : vector<16xf32>
        %mul3A_1850 = arith.mulf %mul3A_1849, %get3A_907 : vector<16xf32>
        %add3A_1851 = arith.addf %mul3A_1850, %get3A_915 : vector<16xf32>
        %swap3A_1852 = arith.index_cast %add3A_1823 : i32 to index
        %swap3A_1853 = arith.constant 32 : index
        %swap3A_1854 = tpu.vector_load %arg14[%swap3A_1852, %swap3A_1853] {strides = array<i32>} : memref<200x64xf32, #tpu.memory_space<vmem>>, vector<16xf32>,
        tpu.vector_store %arg14[%swap3A_1852, %swap3A_1853], %add3A_1851 {strides = array<i32>} : memref<200x64xf32, #tpu.memory_space<vmem>>, vector<16xf32>,
        %sub3A_1855 = arith.subf %add3A_1411, %gather3A_1833 : vector<16xf32>
        %mul3A_1856 = arith.mulf %sub3A_1855, %gather3A_1828 : vector<16xf32>
        %mul3A_1857 = arith.mulf %mul3A_1856, %get3A_909 : vector<16xf32>
        %add3A_1858 = arith.addf %mul3A_1857, %get3A_917 : vector<16xf32>
        %swap3A_1859 = arith.index_cast %add3A_1823 : i32 to index
        %swap3A_1860 = arith.constant 48 : index
        %swap3A_1861 = tpu.vector_load %arg14[%swap3A_1859, %swap3A_1860] {strides = array<i32>} : memref<200x64xf32, #tpu.memory_space<vmem>>, vector<16xf32>,
        tpu.vector_store %arg14[%swap3A_1859, %swap3A_1860], %add3A_1858 {strides = array<i32>} : memref<200x64xf32, #tpu.memory_space<vmem>>, vector<16xf32>,
        %add3A_1862 = arith.constant 7 : i32
        %add3A_1863 = arith.addi %mul3A_1101, %add3A_1862 : i32
        %broadcast_in_dim3A_1864 = arith.constant 7 : i32
        %broadcast_in_dim3A_1865 = vector.broadcast %broadcast_in_dim3A_1864 : i32 to vector<16xi32>
        %broadcast_in_dim3A_1866 = vector.shape_cast %broadcast_in_dim3A_1865 : vector<16xi32> to vector<16x1xi32>
        %gather3A_1867 = vector.shape_cast %broadcast_in_dim3A_1866 : vector<16x1xi32> to vector<16xi32>
        %gather3A_1868 = tpu.dynamic_gather %mul3A_1581[%gather3A_1867] in [0] : vector<16xf32>, vector<16xi32> -> vector<16xf32>
        %broadcast_in_dim3A_1869 = arith.constant 7 : i32
        %broadcast_in_dim3A_1870 = vector.broadcast %broadcast_in_dim3A_1869 : i32 to vector<16xi32>
        %broadcast_in_dim3A_1871 = vector.shape_cast %broadcast_in_dim3A_1870 : vector<16xi32> to vector<16x1xi32>
        %gather3A_1872 = vector.shape_cast %broadcast_in_dim3A_1871 : vector<16x1xi32> to vector<16xi32>
        %gather3A_1873 = tpu.dynamic_gather %mul3A_1541[%gather3A_1872] in [0] : vector<16xf32>, vector<16xi32> -> vector<16xf32>
        %sub3A_1874 = arith.subf %add3A_1446, %gather3A_1873 : vector<16xf32>
        %mul3A_1875 = arith.mulf %sub3A_1874, %gather3A_1868 : vector<16xf32>
        %mul3A_1876 = arith.mulf %mul3A_1875, %get3A_903 : vector<16xf32>
        %add3A_1877 = arith.addf %mul3A_1876, %get3A_911 : vector<16xf32>
        %swap3A_1878 = arith.index_cast %add3A_1863 : i32 to index
        %swap3A_1879 = arith.constant 0 : index
        %swap3A_1880 = tpu.vector_load %arg14[%swap3A_1878, %swap3A_1879] {strides = array<i32>} : memref<200x64xf32, #tpu.memory_space<vmem>>, vector<16xf32>,
        tpu.vector_store %arg14[%swap3A_1878, %swap3A_1879], %add3A_1877 {strides = array<i32>} : memref<200x64xf32, #tpu.memory_space<vmem>>, vector<16xf32>,
        %sub3A_1881 = arith.subf %add3A_1450, %gather3A_1873 : vector<16xf32>
        %mul3A_1882 = arith.mulf %sub3A_1881, %gather3A_1868 : vector<16xf32>
        %mul3A_1883 = arith.mulf %mul3A_1882, %get3A_905 : vector<16xf32>
        %add3A_1884 = arith.addf %mul3A_1883, %get3A_913 : vector<16xf32>
        %swap3A_1885 = arith.index_cast %add3A_1863 : i32 to index
        %swap3A_1886 = arith.constant 16 : index
        %swap3A_1887 = tpu.vector_load %arg14[%swap3A_1885, %swap3A_1886] {strides = array<i32>} : memref<200x64xf32, #tpu.memory_space<vmem>>, vector<16xf32>,
        tpu.vector_store %arg14[%swap3A_1885, %swap3A_1886], %add3A_1884 {strides = array<i32>} : memref<200x64xf32, #tpu.memory_space<vmem>>, vector<16xf32>,
        %sub3A_1888 = arith.subf %add3A_1454, %gather3A_1873 : vector<16xf32>
        %mul3A_1889 = arith.mulf %sub3A_1888, %gather3A_1868 : vector<16xf32>
        %mul3A_1890 = arith.mulf %mul3A_1889, %get3A_907 : vector<16xf32>
        %add3A_1891 = arith.addf %mul3A_1890, %get3A_915 : vector<16xf32>
        %swap3A_1892 = arith.index_cast %add3A_1863 : i32 to index
        %swap3A_1893 = arith.constant 32 : index
        %swap3A_1894 = tpu.vector_load %arg14[%swap3A_1892, %swap3A_1893] {strides = array<i32>} : memref<200x64xf32, #tpu.memory_space<vmem>>, vector<16xf32>,
        tpu.vector_store %arg14[%swap3A_1892, %swap3A_1893], %add3A_1891 {strides = array<i32>} : memref<200x64xf32, #tpu.memory_space<vmem>>, vector<16xf32>,
        %sub3A_1895 = arith.subf %add3A_1458, %gather3A_1873 : vector<16xf32>
        %mul3A_1896 = arith.mulf %sub3A_1895, %gather3A_1868 : vector<16xf32>
        %mul3A_1897 = arith.mulf %mul3A_1896, %get3A_909 : vector<16xf32>
        %add3A_1898 = arith.addf %mul3A_1897, %get3A_917 : vector<16xf32>
        %swap3A_1899 = arith.index_cast %add3A_1863 : i32 to index
        %swap3A_1900 = arith.constant 48 : index
        %swap3A_1901 = tpu.vector_load %arg14[%swap3A_1899, %swap3A_1900] {strides = array<i32>} : memref<200x64xf32, #tpu.memory_space<vmem>>, vector<16xf32>,
        tpu.vector_store %arg14[%swap3A_1899, %swap3A_1900], %add3A_1898 {strides = array<i32>} : memref<200x64xf32, #tpu.memory_space<vmem>>, vector<16xf32>,
      }
      %scan3A_1082 = arith.constant 25 : i32
      %mul3A_1083 = arith.constant 200 : i32
      %mul3A_1084 = arith.muli %add3A_1042, %mul3A_1083 : i32
      %add3A_1085 = arith.addi %mul3A_2, %mul3A_1084 : i32
      %dma_start3A_1086 = arith.constant 0 : i32
      %dma_start3A_1087 = tpu.memref_slice %arg8[%add3A_1085, %dma_start3A_1086] : memref<204800x64xf32, #tpu.memory_space<hbm>> -> memref<200x64xf32, #tpu.memory_space<hbm>>
      %dma_start3A_1088 = arith.constant 0 : i32
      %dma_start3A_1089 = tpu.memref_slice %arg8[%add3A_1085, %dma_start3A_1088] : memref<204800x64xf32, #tpu.memory_space<hbm>> -> memref<200x64xf32, #tpu.memory_space<hbm>>
      tpu.enqueue_dma source(%arg14 : memref<200x64xf32, #tpu.memory_space<vmem>>) target(%dma_start3A_1089 : memref<200x64xf32, #tpu.memory_space<hbm>>) target_semaphore(%arg22 : memref<!tpu.dma_semaphore, #tpu.memory_space<semaphore_mem>>)
    }
    %scan3A_987 = arith.constant 16 : i32
    %add3A_988 = arith.constant 6200 : i32
    %add3A_989 = arith.addi %mul3A_2, %add3A_988 : i32
    %dma_wait3A = arith.constant 0 : i32
    %dma_wait3A_990 = tpu.memref_slice %arg8[%add3A_989, %dma_wait3A] : memref<204800x64xf32, #tpu.memory_space<hbm>> -> memref<200x64xf32, #tpu.memory_space<hbm>>
    %dma_wait3A_991 = arith.constant 0 : i32
    %dma_wait3A_992 = tpu.memref_slice %arg8[%add3A_989, %dma_wait3A_991] : memref<204800x64xf32, #tpu.memory_space<hbm>> -> memref<200x64xf32, #tpu.memory_space<hbm>>
    tpu.wait_dma2 semaphore(%arg22 : memref<!tpu.dma_semaphore, #tpu.memory_space<semaphore_mem>>) src(%arg14 : memref<200x64xf32, #tpu.memory_space<vmem>>) dst(%dma_wait3A_992 : memref<200x64xf32, #tpu.memory_space<hbm>>)
    return
  }
}

module attributes {stable_mosaic.version = 14 : i64} {
  func.func @_repack_body(%arg0: i32, %arg1: memref<64x2048xf32, #tpu.memory_space<vmem>>, %arg2: memref<64x2048xf32, #tpu.memory_space<vmem>>, %arg3: memref<2048x128xf32, #tpu.memory_space<vmem>>) attributes {dimension_semantics = [#tpu.dimension_semantics<arbitrary>], iteration_bounds = array<i64: 250>, scalar_prefetch = 0 : i64, scratch_operands = 0 : i64, tpu.core_type = #tpu.core_type<tc>, window_params = [{transform_indices = @transform_0, window_bounds = array<i64: 64, 2048>}, {transform_indices = @transform_1, window_bounds = array<i64: 64, 2048>}, {transform_indices = @transform_2, window_bounds = array<i64: 2048, 128>}]} {
    %get3A = arith.constant 0 : index
    %get3A_0 = arith.constant 0 : index
    %get3A_1 = vector.load %arg1[%get3A, %get3A_0] : memref<64x2048xf32, #tpu.memory_space<vmem>>, vector<64x2048xf32>
    %transpose3A = tpu.transpose %get3A_1, [1, 0] : vector<64x2048xf32> -> vector<2048x64xf32>
    %get3A_2 = arith.constant 0 : index
    %get3A_3 = arith.constant 0 : index
    %get3A_4 = vector.load %arg2[%get3A_2, %get3A_3] : memref<64x2048xf32, #tpu.memory_space<vmem>>, vector<64x2048xf32>
    %transpose3A_5 = tpu.transpose %get3A_4, [1, 0] : vector<64x2048xf32> -> vector<2048x64xf32>
    %concatenate3A = tpu.concatenate %transpose3A, %transpose3A_5 in 1 : vector<2048x64xf32>, vector<2048x64xf32> -> vector<2048x128xf32>
    %swap3A = arith.constant 0 : index
    %swap3A_6 = arith.constant 0 : index
    %swap3A_7 = vector.load %arg3[%swap3A, %swap3A_6] : memref<2048x128xf32, #tpu.memory_space<vmem>>, vector<2048x128xf32>
    tpu.vector_store %arg3[%swap3A, %swap3A_6], %concatenate3A {strides = array<i32>} : memref<2048x128xf32, #tpu.memory_space<vmem>>, vector<2048x128xf32>,
    return
  }
  func.func @transform_0(%arg0: i32) -> (i32, i32) {
    %c0_i32 = arith.constant 0 : i32
    %c0_i32_0 = arith.constant 0 : i32
    return %c0_i32, %arg0 : i32, i32
  }
  func.func @transform_1(%arg0: i32) -> (i32, i32) {
    %add3A = arith.constant 250 : i32
    %add3A_0 = arith.addi %arg0, %add3A : i32
    %min3A = arith.constant 488 : i32
    %min3A_1 = arith.minsi %add3A_0, %min3A : i32
    %c0_i32 = arith.constant 0 : i32
    %c0_i32_2 = arith.constant 0 : i32
    return %c0_i32, %min3A_1 : i32, i32
  }
  func.func @transform_2(%arg0: i32) -> (i32, i32) {
    %c0_i32 = arith.constant 0 : i32
    %c0_i32_0 = arith.constant 0 : i32
    return %arg0, %c0_i32 : i32, i32
  }
}

</mosaic_0001>

<sc_bundles>
// kernel: kernel.4.cloned.1.call-start
scs
__scs_entry_jumppad:
0x0: {  	(pc) =	sbr.rel $0x88, $3  }
0x1: {  	(tag) =	ssettag $0x0;
	lr =	simm.s32 $0x1  }
0x2: {  	[smem:$0x3F9B] =	sst lr;
	_ =	strace $0xD0000000  }
0x3: {  	_ = 	snop  }
0x4: {  	_ = 	snop  }
0x5: {  	_ = 	snop  }
0x6: {  	_ = 	snop  }
0x7: {  	_ = 	snop  }
__scs_overlays_trampoline_lowered:
0x8: {  	[smem:$0x3FAA] =	sst s0  }
0x9: {  	[smem:$0x3FAB] =	sst s1  }
0xa: {  	[smem:$0x3FAC] =	sst s2  }
0xb: {  	[smem:$0x3FAD] =	sst s3  }
0xc: {  	[smem:$0x3FAE] =	sst s4  }
0xd: {  	[smem:$0x3FAF] =	sst s5  }
0xe: {  	[smem:$0x3FB0] =	sst s6  }
0xf: {  	[smem:$0x3FB1] =	sst s7  }
0x10: {  	[smem:$0x3FB2] =	sst s8  }
0x11: {  	[smem:$0x3FB3] =	sst s9;
	s0 =	simm.s32 @!p0 $0x0  }
0x12: {  	s1 =	sld [smem:$0x3F99];
	s0 =	simm.s32 @p0 $0x1  }
0x13: {  	[smem:$0x3FB4] =	sst s0;
	s0 =	simm.s32 @!p1 $0x0  }
0x14: {  	s2 =	sld [smem:$0x3F98];
	s0 =	simm.s32 @p1 $0x1  }
0x15: {  	[smem:$0x3FB5] =	sst s0;
	s0 =	simm.s32 @!p2 $0x0  }
0x16: {  	s3 =	sld [smem:$0x3FDB];
	s0 =	simm.s32 @p2 $0x1  }
0x17: {  	s4 =	simm.s32 $0x1BF5;
	[smem:$0x3FB7] =	sst s0  }
0x18: {  	s0 =	sld [smem:$0x3F9A];
	_ =	swait.ge [sflag:s4], $0x0  }
0x19: {  	s7 =	sld [smem:$0x3F9B]  }
0x1a: {  	s8 =	sadd.s32 $0xFFFFE003, lr  }
0x1b: {  	s9 =	sadd.s32 $0xFFFFFEF7, lr;
	s5 =	simm.s32 $0xFFFFFFFF;
	p2 =	slt.u32 s8, $0xFFFFF086  }
0x1c: {  	p1 =	slt.u32 s9, $0xF7A;
	s5 =	simm.s32 @!p2 $0x0  }
0x1d: {  	s5 =	simm.s32 @p1 $0x1;
	p0 =	seq.s32 s7, s2  }
0x1e: {  	s7 =	smul.u32 @!p0 $0xF7A, s2;
	p2 =	seq.s32 @!p0 s5, $0x0  }
0x1f: {  	s9 =	smul.u32 $0xF7A, s1;
	s8 =	simm.s32 @!p0 $0x1BF5;
	p2 =	por !p2, p0  }
0x20: {  	[sflag:s8] =	ssyncset.s32 @!p0 $0xFFFFF086;
	s6 =	sadd.s32 @!p0 s3, s7;
	s7 =	simm.s32 @!p0 $0x108  }
0x21: {  	s3 =	sadd.s32 s3, s9;
	s6 =	sadd.s32 @!p0 $0x88, s6;
	s7 =	simm.s32 @p2 $0x1082  }
0x22: {  	[simem:s7], [sflag:s8] =	dma.local @!p0 [hbm:s6], $0xF7A  }
0x23: {  	s9 =	sor.u32 $0xD0000000, s2;
	s6 =	simm.s32 $0x108;
	_ =	swait.ge @!p0 [sflag:s8], $0x0  }
0x24: {  	s3 =	sadd.s32 $0x88, s3;
	s6 =	simm.s32 @!p1 $0x1082;
	[sflag:s4] =	ssyncset.s32 $0xFFFFF086  }
0x25: {  	[simem:s6], [sflag:s4] =	dma.local [hbm:s3], $0xF7A  }
0x26: {  	[smem:$0x3F9B] =	sst s1;
	(tag) =	ssettag s2;
	_ =	strace s9  }
0x27: {  	s1 =	sld [smem:$0x3FAB]  }
0x28: {  	s2 =	sld [smem:$0x3FAC]  }
0x29: {  	s4 =	sld [smem:$0x3FAE]  }
0x2a: {  	p0 =	seq.s32 s5, $0x0;
	s5 =	sld [smem:$0x3FAF]  }
0x2b: {  	s6 =	sld [smem:$0x3FB0]  }
0x2c: {  	s7 =	sld [smem:$0x3FB1]  }
0x2d: {  	s3 =	simm.s32 $0x108;
	s8 =	sld [smem:$0x3FB2]  }
0x2e: {  	s3 =	simm.s32 @!p0 $0x1082;
	s9 =	sld [smem:$0x3FB3]  }
0x2f: {  	lr =	sadd.s32 s0, s3;
	s0 =	sld [smem:$0x3FAA]  }
0x30: {  	s3 =	sld [smem:$0x3FAD]  }
0x31: {  	[smem:$0x3FB6] =	sst s10  }
0x32: {  	s10 =	sld [smem:$0x3FB4];
	_ =	sdelay $0x3  }
0x33: {  	p0 =	seq.s32 s10, $0x1;
	s10 =	sld [smem:$0x3FB6];
	_ =	sdelay $0x3  }
0x34: {  	[smem:$0x3FB6] =	sst s10  }
0x35: {  	s10 =	sld [smem:$0x3FB5];
	_ =	sdelay $0x3  }
0x36: {  	p1 =	seq.s32 s10, $0x1;
	s10 =	sld [smem:$0x3FB6];
	_ =	sdelay $0x3  }
0x37: {  	[smem:$0x3FB6] =	sst s10  }
0x38: {  	s10 =	sld [smem:$0x3FB7]  }
0x39: {  	_ = 	snop;
	(pc) =	sbr.ind lr, $3  }
0x3a: {  	_ = 	snop  }
0x3b: {  	_ = 	snop  }
0x3c: {  	p2 =	seq.s32 s10, $0x1;
	s10 =	sld [smem:$0x3FB6]  }
0x3d: {  	_ =	shalt  }
0x3e: {  	_ =	shalt  }
0x3f: {  	_ =	shalt  }
0x40: {  	_ =	shalt  }
0x41: {  	_ =	shalt  }
0x42: {  	_ =	shalt  }
0x43: {  	_ =	shalt  }
0x44: {  	_ =	shalt  }
0x45: {  	_ =	shalt  }
0x46: {  	_ =	shalt  }
0x47: {  	_ =	shalt  }
0x48: {  	_ =	shalt  }
0x49: {  	_ =	shalt  }
0x4a: {  	_ =	shalt  }
0x4b: {  	_ =	shalt  }
0x4c: {  	_ =	shalt  }
0x4d: {  	_ =	shalt  }
0x4e: {  	_ =	shalt  }
0x4f: {  	_ =	shalt  }
0x50: {  	_ =	shalt  }
0x51: {  	_ =	shalt  }
0x52: {  	_ =	shalt  }
0x53: {  	_ =	shalt  }
0x54: {  	_ =	shalt  }
0x55: {  	_ =	shalt  }
0x56: {  	_ =	shalt  }
0x57: {  	_ =	shalt  }
0x58: {  	_ =	shalt  }
0x59: {  	_ =	shalt  }
0x5a: {  	_ =	shalt  }
0x5b: {  	_ =	shalt  }
0x5c: {  	_ =	shalt  }
0x5d: {  	_ =	shalt  }
0x5e: {  	_ =	shalt  }
0x5f: {  	_ =	shalt  }
0x60: {  	_ =	shalt  }
0x61: {  	_ =	shalt  }
0x62: {  	_ =	shalt  }
0x63: {  	_ =	shalt  }
0x64: {  	_ =	shalt  }
0x65: {  	_ =	shalt  }
0x66: {  	_ =	shalt  }
0x67: {  	_ =	shalt  }
0x68: {  	_ =	shalt  }
0x69: {  	_ =	shalt  }
0x6a: {  	_ =	shalt  }
0x6b: {  	_ =	shalt  }
0x6c: {  	_ =	shalt  }
0x6d: {  	_ =	shalt  }
0x6e: {  	_ =	shalt  }
0x6f: {  	_ =	shalt  }
0x70: {  	_ =	shalt  }
0x71: {  	_ =	shalt  }
0x72: {  	_ =	shalt  }
0x73: {  	_ =	shalt  }
0x74: {  	_ =	shalt  }
0x75: {  	_ =	shalt  }
0x76: {  	_ =	shalt  }
0x77: {  	_ =	shalt  }
0x78: {  	_ =	shalt  }
0x79: {  	_ =	shalt  }
0x7a: {  	_ =	shalt  }
0x7b: {  	_ =	shalt  }
0x7c: {  	_ =	shalt  }
0x7d: {  	_ =	shalt  }
0x7e: {  	_ =	shalt  }
0x7f: {  	_ =	shalt  }
0x80: {  	_ =	shalt  }
0x81: {  	_ =	shalt  }
0x82: {  	_ =	shalt  }
0x83: {  	_ =	shalt  }
0x84: {  	_ =	shalt  }
0x85: {  	_ =	shalt  }
0x86: {  	_ =	shalt  }
0x87: {  	_ =	shalt  }
.Lfunc_end0:
.L_simem_size_0:
called_computation.1_lowered:
.L_overlay_start_0:
0x88: {  	s2 =	sld [smem:$0x3FD9]  }
0x89: {  	s3 =	sld [smem:$0x3FFE];
	_ =	sdelay $0x1  }
0x8a: {  	s1 =	srdreg.scid  }
0x8b: {  	s0 =	sand.u32 $0x1, s1  }
0x8c: {  	s17 =	sshll.u32 s0, $0xA;
	s2 =	sadd.s32 s3, s2  }
0x8d: {  	s2 =	sadd.s32 s2, s17  }
0x8e: {  	[smem:$0x3FC2] =	sst s2  }
0x8f: {  	_ = 	snop  }
0x90: {  	s2 =	sld [smem:$0x3FC5]  }
0x91: {  	s18 =	sld [smem:$0x3FC4]  }
0x92: {  	s4 =	sld [smem:$0x3FD0];
	(tm) =	ssettm $0x1  }
0x93: {  	s5 =	sld [smem:$0x3FFB];
	_ =	sdelay $0x3  }
0x94: {  	_ =	strace s5  }
0x95: {  	s5 =	sld [smem:$0x3FFC];
	_ =	sdelay $0x3  }
0x96: {  	_ =	strace s5  }
0x97: {  	s5 =	sld [smem:$0x3FFD];
	_ =	sdelay $0x3  }
0x98: {  	_ =	strace s5  }
0x99: {  	_ =	strace $0x8FFFFFFF  }
0x9a: {  	s19 =	sld [smem:$0x3FDB];
	_ =	sdelay $0x1  }
0x9b: {  	s6 =	simm.s32 $_scs_section_size  }
0x9c: {  	s7 =	simm.s32 $_size__tile_overlayer_lowered;
	s8 =	simm.s32 $_tile_overlayer_lowered  }
0x9d: {  	s22 =	simm.s32 $0x1BFF;
	s21 =	sshll.u32 s8, $0x1;
	s5 =	sadd.s32 s6, s19  }
0x9e: {  	s9 =	simm.s32 $0x0;
	s20 =	sshll.u32 s7, $0x1;
	s7 =	sadd.s32 s21, s5  }
0x9f: {  	[timem:s9], [sflag:s22] =	dma.local [hbm:s7], s20  }
0xa0: {  	_ =	swait.ge [sflag:s22], s20  }
0xa1: {  	s6 =	ssub.s32 $0x0, s20;
	[sflag:s22] =	ssyncset.done $0x0  }
0xa2: {  	[sflag:s22] =	ssyncadd.s32 s6;
	_ =	sdelay $0x1  }
0xa3: {  	s23 =	simm.s32 $0x1B8B  }
0xa4: {  	_ =	swait.ge [sflag:s23], $0x1  }
0xa5: {  	[sflag:s23] =	ssyncset.done $0x0  }
0xa6: {  	s25 =	simm.s32 $0x1B8E;
	s24 =	sld [smem:$0x3FFE];
	[sflag:s23] =	ssyncadd.s32 $0xFFFFFFFF  }
0xa7: {  	s26 =	simm.s32 $execute0_lowered;
	[smem:$0x3FD2] =	sst s25  }
0xa8: {  	s7 =	sshll.u32 s26, $0x1;
	_ =	strace $0x80000046;
	[dreg:$0x1] =	wrdreg $0xFFFFFFFF  }
0xa9: {  	s28 =	simm.s32 $_size_execute0_lowered;
	s5 =	sadd.s32 s5, s7;
	[dreg:$0x0] =	wrdreg $0x0  }
0xaa: {  	s7 =	sshll.u32 s28, $0x1;
	[dreg:$0x2] =	wrdreg s5  }
0xab: {  	[dreg:$0x3] =	wrdreg s7  }
0xac: {  	[dreg:$0x4] =	wrdreg $0xC0  }
0xad: {  	_ =	task [dreg:s9], $0x5FFFF  }
0xae: {  	[dreg:$0x1] =	wrdreg $0xFFFFFFFF  }
0xaf: {  	[dreg:$0x0] =	wrdreg $0x60  }
0xb0: {  	[dreg:$0x2] =	wrdreg s4  }
0xb1: {  	[dreg:$0x3] =	wrdreg s24  }
0xb2: {  	[dreg:$0x4] =	wrdreg s2  }
0xb3: {  	[dreg:$0x5] =	wrdreg s18  }
0xb4: {  	[dreg:$0x6] =	wrdreg $0x9  }
0xb5: {  	_ =	task.clear_ibuf [dreg:s9], $0x7FFFF;
	_ =	strace $0x90000046  }
0xb6: {  	s29 =	simm.s32 $0x9;
	_ =	strace $0x80000048  }
0xb7: {  	_ =	swait.ge [sflag:s29], $0x1  }
0xb8: {  	[sflag:s29] =	ssyncadd.s32 $0xFFFFFFFF  }
0xb9: {  	_ =	strace $0x90000048  }
0xba: {  	_ =	sfence  }
0xbb: {  	s30 =	sld [smem:$0x0];
	_ =	sdelay $0x2  }
0xbc: {  	s31 =	sshll.u32 s1, $0xD;
	s1 =	sshrl.u32 s1, $0x2  }
0xbd: {  	s3 =	sand.u32 $0x4000, s31;
	s1 =	sadd.s32 s1, s30  }
0xbe: {  	s0 =	sor.u32 s3, s0;
	s1 =	sshll.u32 s1, $0x11  }
0xbf: {  	s0 =	sor.u32 s1, s0  }
0xc0: {  	s0 =	sadd.s32 $0x8F2B, s0  }
0xc1: {  	[sflag:s0] =	ssyncadd.remote.s32 $0x1  }
0xc2: {  	_ =	sfence.sel $0xFFFF  }
0xc3: {  	[dreg:$0x0] =	wrdreg $0xFFFFFFFF;
	(pc) =	sbr.abs _section_cstart, $3  }
0xc4: {  	[dreg:$0x1] =	wrdreg $0xFFFFFFFF  }
0xc5: {  	_ =	task.clear_ibuf [dreg:s9], $0x2FFFF;
	_ =	strace $0x9FFFFFFF  }
0xc6: {  	(tm) =	ssettm $0x7FFFFFFF  }
0xc7: {  	_ =	shalt  }
tec
execute0_lowered:
.L_overlay_start_1:
0x0: {  	(tag) =	ssettag $0x1  }
0x1: {  	s0 =	rddreg [dreg:$0x0];
	s1 =	srdreg.scid  }
0x2: {  	s3 =	stileid.u32;
	s2 =	rddreg [dreg:$0x1];
	s5 =	simm.s32 $0x0  }
0x3: {  	s13 =	simm.s32 $0x3;
	s18 =	simm.s32 $0x80;
	s19 =	simm.s32 $0x4C00  }
0x4: {  	s20 =	simm.s32 $0x48;
	s22 =	simm.s32 $0x1;
	s23 =	simm.s32 $0xB000  }
0x5: {  	s28 =	simm.s32 $0x19500;
	s1 =	sand.u32 $0x1, s1;
	s3 =	sshll.u32 s3, $0x1  }
0x6: {  	s29 =	simm.s32 $0x11400;
	s30 =	simm.s32 $0x2;
	s3 =	sor.u32 s1, s3  }
0x7: {  	s31 =	simm.s32 $0x0;
	[smem:$0x7FF] =	sst s5;
	s4 =	smul.u32 $0x1900, s3  }
0x8: {  	s6 =	sadd.s32 $0xD000, s2;
	s7 =	sadd.s32 $0x7DD000, s2;
	s1 =	ssub.s32 $0x2, s1  }
0x9: {  	_ =	strace $0x80000047;
	s24 =	sshrl.u32 s1, $0x1;
	s3 =	sshrl.u32 s4, $0x3  }
0xa: {  	s1 =	ssub.s32 s1, s24;
	s8 =	sadd.s32 s3, s2;
	s0 =	sadd.s32 s0, s3  }
0xb: {  	s24 =	simm.s32 $0xF000;
	[dreg:$0x5] =	wrdreg s0;
	s25 =	sadd.s32 $0x800, s8  }
0xc: {  	s11 =	smax.u32 s1, $0x1;
	s26 =	sadd.s32 $0x6C00, s8;
	[dreg:$0x6] =	wrdreg s25  }
0xd: {  	v0 =	vimm.s32 $0x0;
	v1 =	vlaneseq.u32;
	[dreg:$0x7] =	wrdreg s26;
	s25 =	simm.s32 $0x18000;
	s26 =	simm.s32 $0x19100  }
.LBB2_1:
0xe: {  	s0 =	simm.s32 $0x17800  }
0xf: {  	[tilespmem:s0], [sflag:$0x3] =	stream.linear.gather [hbm4b:s6+s5], $0x800, $0x38;
	[tilespmem:$0x19900] =	vst v63  }
0x10: {  	_ =	swait.ge [sflag:s13], $0x800  }
0x11: {  	[sflag:s13] =	ssyncset.done $0x0  }
0x12: {  	[sflag:s13] =	ssyncadd.s32 $0xFFFFF800  }
0x13: {  	s1 =	simm.s32 $0x19000;
	s9 =	rddreg [dreg:$0x2]  }
0x14: {  	[tilespmem:s1], [sflag:$0x3] =	stream.linear.gather [hbm4b:s9+s5], $0x80, $0x38;
	[tilespmem:$0x19900] =	vst v63  }
0x15: {  	_ =	swait.ge [sflag:s13], $0x80  }
0x16: {  	[sflag:s13] =	ssyncset.done $0x0  }
0x17: {  	[sflag:s13] =	ssyncadd.s32 $0xFFFFFF80  }
0x18: {  	s12 =	simm.s32 $0x19080;
	s10 =	rddreg [dreg:$0x3]  }
0x19: {  	[tilespmem:s12], [sflag:$0x3] =	stream.linear.gather [hbm4b:s10+s5], $0x80, $0x38;
	[tilespmem:$0x19900] =	vst v63  }
0x1a: {  	_ =	swait.ge [sflag:s13], $0x80  }
0x1b: {  	[sflag:s13] =	ssyncset.done $0x0  }
0x1c: {  	s14 =	rddreg [dreg:$0x5];
	[sflag:s13] =	ssyncadd.s32 $0xFFFFFF80  }
0x1d: {  	[tilespmem:s5], [sflag:$0x3] =	stream.linear.gather [hbm4b:s14+s5], $0x1900, $0x38;
	[tilespmem:$0x19900] =	vst v63  }
0x1e: {  	_ =	swait.ge [sflag:s13], $0x1900  }
0x1f: {  	[sflag:s13] =	ssyncset.done $0x0  }
0x20: {  	s16 =	simm.s32 $0x3280;
	s15 =	rddreg [dreg:$0x6];
	[sflag:s13] =	ssyncadd.s32 $0xFFFFE700  }
0x21: {  	[tilespmem:s16], [sflag:$0x3] =	stream.linear.gather [hbm4b:s15+s5], $0x1900, $0x38;
	[tilespmem:$0x19900] =	vst v63  }
0x22: {  	_ =	swait.ge [sflag:s13], $0x1900  }
0x23: {  	[sflag:s13] =	ssyncset.done $0x0  }
0x24: {  	s21 =	simm.s32 $0x1900;
	s17 =	rddreg [dreg:$0x7];
	[sflag:s13] =	ssyncadd.s32 $0xFFFFE700  }
0x25: {  	[tilespmem:s21], [sflag:$0x3] =	stream.linear.gather [hbm4b:s17+s5], $0x1900, $0x38;
	[tilespmem:$0x19900] =	vst v63  }
0x26: {  	_ =	swait.ge [sflag:s13], $0x1900  }
0x27: {  	[sflag:s13] =	ssyncset.done $0x0  }
0x28: {  	s0 =	simm.s32 $0x0;
	[sflag:s13] =	ssyncadd.s32 $0xFFFFE700  }
0x29: {  	v2 =	vld [tilespmem:s0+$0x3280]  }
0x2a: {  	v3 =	vld [tilespmem:s0+$0x0]  }
0x2b: {  	v4 =	vld [tilespmem:s0+$0x1900];
	_ =	sdelay $0x3  }
0x2c: {  	v2 =	vshll.u32 v2, $0x4;
	vm0 =	vgt.s32 v3, $0x7CFFF  }
0x2d: {  	v2 =	vadd.s32 v4, v2;
	v4 =	vsel vm0, $0xFFF83000, v0  }
0x2e: {  	s1 =	simm.s32 $0x10;
	[tilespmem:s0+$0x3280] =	vst v2;
	v4 =	vadd.s32 v3, v4  }
0x2f: {  	s2 =	simm.s32 $0x80;
	v3 =	vsel vm0, $0x40, v0;
	v2 =	vld [tilespmem:s1+$0x3280];
	[tilespmem:s0+$0x0] =	vst v4  }
.LBB2_2:
0x30: {  	p0 =	sne.s32 s2, $0x63C0;
	v4 =	vld [tilespmem:s1+$0x0];
	[tilespmem:s0+$0x1900] =	vst v3;
	s0 =	smov.u32 s1  }
0x31: {  	v3 =	vld [tilespmem:s0+$0x1900];
	_ =	sdelay $0x2  }
.Ltmp0:
0x32: {  	(pc) =	sbr.rel @p0 .LBB2_2-.Ltmp0, $4  }
0x33: {  	v2 =	vshll.u32 v2, $0x4;
	vm0 =	vgt.s32 v4, $0x7CFFF  }
0x34: {  	v2 =	vadd.s32 v3, v2;
	v5 =	vsel vm0, $0xFFF83000, v0;
	v3 =	vsel vm0, $0x40, v0  }
0x35: {  	s1 =	sshra.s32 s2, $0x2;
	[tilespmem:s0+$0x3280] =	vst v2;
	v4 =	vadd.s32 v4, v5  }
0x36: {  	s2 =	sadd.s32 $0x40, s2;
	v2 =	vld [tilespmem:s1+$0x3280];
	[tilespmem:s0+$0x0] =	vst v4  }
0x37: {  	v4 =	vld [tilespmem:s1+$0x0];
	[tilespmem:s0+$0x1900] =	vst v3  }
0x38: {  	v3 =	vld [tilespmem:s1+$0x1900];
	_ =	sdelay $0x3  }
0x39: {  	v2 =	vshll.u32 v2, $0x4;
	vm0 =	vgt.s32 v4, $0x7CFFF  }
0x3a: {  	v2 =	vadd.s32 v3, v2;
	v3 =	vsel vm0, $0xFFF83000, v0  }
0x3b: {  	[tilespmem:s1+$0x3280] =	vst v2;
	v2 =	vadd.s32 v4, v3  }
0x3c: {  	v3 =	vsel vm0, $0x40, v0;
	[tilespmem:s1+$0x0] =	vst v2  }
0x3d: {  	[tilespmem:s1+$0x1900] =	vst v3  }
0x3e: {  	v29 =	vld [tilespmem:$0x17800]  }
0x3f: {  	v25 =	vld [tilespmem:$0x17810]  }
0x40: {  	v22 =	vld [tilespmem:$0x17820]  }
0x41: {  	v5 =	vld [tilespmem:$0x17900]  }
0x42: {  	v24 =	vld [tilespmem:$0x17930]  }
0x43: {  	v58 =	vld [tilespmem:$0x17F10]  }
0x44: {  	v63 =	vld [tilespmem:$0x17FA0];
	_ =	sdelay $0x1  }
0x45: {  	v20 =	vld [tilespmem:$0x17830];
	[tilespmem:$0x1FFD0] =	vst v5;
	v2 =	vadd.f32 v29, v29  }
0x46: {  	v3 =	vadd.f32 v25, v25;
	[tilespmem:$0x1FFE0] =	vst v24  }
0x47: {  	v0 =	vld [tilespmem:$0x17910];
	v7 =	vadd.f32 v58, v25;
	[tilespmem:$0x18000] =	vst v2  }
0x48: {  	v8 =	vld [tilespmem:$0x17920];
	v4 =	vadd.f32 v63, v22;
	[tilespmem:$0x18010] =	vst v3  }
0x49: {  	v9 =	vld [tilespmem:$0x17980];
	v2 =	vadd.f32 v22, v22;
	[tilespmem:$0x18710] =	vst v7  }
0x4a: {  	v10 =	vld [tilespmem:$0x17990];
	v3 =	vadd.f32 v20, v20;
	[tilespmem:$0x187A0] =	vst v4  }
0x4b: {  	v11 =	vld [tilespmem:$0x179A0];
	[tilespmem:$0x18020] =	vst v2;
	v2 =	vadd.f32 v5, v29  }
0x4c: {  	v12 =	vld [tilespmem:$0x179B0];
	[tilespmem:$0x18030] =	vst v3;
	v3 =	vadd.f32 v0, v25  }
0x4d: {  	v13 =	vld [tilespmem:$0x17A00];
	[tilespmem:$0x18100] =	vst v2;
	v2 =	vadd.f32 v8, v22  }
0x4e: {  	v14 =	vld [tilespmem:$0x17A10];
	[tilespmem:$0x18110] =	vst v3;
	v3 =	vadd.f32 v24, v20  }
0x4f: {  	v15 =	vld [tilespmem:$0x17A20];
	[tilespmem:$0x18120] =	vst v2;
	v2 =	vadd.f32 v9, v29  }
0x50: {  	v16 =	vld [tilespmem:$0x17A30];
	[tilespmem:$0x18130] =	vst v3;
	v3 =	vadd.f32 v10, v25  }
0x51: {  	v17 =	vld [tilespmem:$0x17A80];
	[tilespmem:$0x18180] =	vst v2;
	v2 =	vadd.f32 v11, v22  }
0x52: {  	v18 =	vld [tilespmem:$0x17A90];
	[tilespmem:$0x18190] =	vst v3;
	v3 =	vadd.f32 v12, v20  }
0x53: {  	v19 =	vld [tilespmem:$0x17AA0];
	[tilespmem:$0x181A0] =	vst v2;
	v2 =	vadd.f32 v13, v29  }
0x54: {  	v21 =	vld [tilespmem:$0x17AB0];
	[tilespmem:$0x181B0] =	vst v3;
	v3 =	vadd.f32 v14, v25  }
0x55: {  	v23 =	vld [tilespmem:$0x17B00];
	[tilespmem:$0x18200] =	vst v2;
	v2 =	vadd.f32 v15, v22  }
0x56: {  	v26 =	vld [tilespmem:$0x17B20];
	[tilespmem:$0x18210] =	vst v3;
	v3 =	vadd.f32 v16, v20  }
0x57: {  	v24 =	vld [tilespmem:$0x17B10];
	[tilespmem:$0x18220] =	vst v2;
	v2 =	vadd.f32 v17, v29  }
0x58: {  	v27 =	vld [tilespmem:$0x17B30];
	[tilespmem:$0x18230] =	vst v3;
	v3 =	vadd.f32 v18, v25  }
0x59: {  	v28 =	vld [tilespmem:$0x17B80];
	[tilespmem:$0x18280] =	vst v2;
	v2 =	vadd.f32 v19, v22  }
0x5a: {  	v30 =	vld [tilespmem:$0x17B90];
	[tilespmem:$0x18290] =	vst v3;
	v3 =	vadd.f32 v21, v20  }
0x5b: {  	v31 =	vld [tilespmem:$0x17BA0];
	[tilespmem:$0x182A0] =	vst v2;
	v2 =	vadd.f32 v23, v29  }
0x5c: {  	v32 =	vld [tilespmem:$0x17BB0];
	[tilespmem:$0x182B0] =	vst v3;
	v3 =	vadd.f32 v24, v25  }
0x5d: {  	v33 =	vld [tilespmem:$0x17C00];
	[tilespmem:$0x18300] =	vst v2;
	v2 =	vadd.f32 v26, v22  }
0x5e: {  	v34 =	vld [tilespmem:$0x17C10];
	[tilespmem:$0x18310] =	vst v3;
	v3 =	vadd.f32 v27, v20  }
0x5f: {  	v35 =	vld [tilespmem:$0x17C20];
	[tilespmem:$0x18320] =	vst v2;
	v2 =	vadd.f32 v28, v29  }
0x60: {  	v36 =	vld [tilespmem:$0x17C30];
	[tilespmem:$0x18330] =	vst v3;
	v3 =	vadd.f32 v30, v25  }
0x61: {  	v37 =	vld [tilespmem:$0x17C80];
	[tilespmem:$0x18380] =	vst v2;
	v2 =	vadd.f32 v31, v22  }
0x62: {  	v38 =	vld [tilespmem:$0x17C90];
	[tilespmem:$0x18390] =	vst v3;
	v3 =	vadd.f32 v32, v20  }
0x63: {  	v39 =	vld [tilespmem:$0x17CA0];
	[tilespmem:$0x183A0] =	vst v2;
	v2 =	vadd.f32 v33, v29  }
0x64: {  	v40 =	vld [tilespmem:$0x17CB0];
	[tilespmem:$0x183B0] =	vst v3;
	v3 =	vadd.f32 v34, v25  }
0x65: {  	v41 =	vld [tilespmem:$0x17D00];
	[tilespmem:$0x18400] =	vst v2;
	v2 =	vadd.f32 v35, v22  }
0x66: {  	v42 =	vld [tilespmem:$0x17D10];
	[tilespmem:$0x18410] =	vst v3;
	v3 =	vadd.f32 v36, v20  }
0x67: {  	v43 =	vld [tilespmem:$0x17D20];
	[tilespmem:$0x18420] =	vst v2;
	v2 =	vadd.f32 v37, v29  }
0x68: {  	v44 =	vld [tilespmem:$0x17D30];
	[tilespmem:$0x18430] =	vst v3;
	v3 =	vadd.f32 v38, v25  }
0x69: {  	v45 =	vld [tilespmem:$0x17D80];
	[tilespmem:$0x18480] =	vst v2;
	v2 =	vadd.f32 v39, v22  }
0x6a: {  	v46 =	vld [tilespmem:$0x17D90];
	[tilespmem:$0x18490] =	vst v3;
	v3 =	vadd.f32 v40, v20  }
0x6b: {  	v47 =	vld [tilespmem:$0x17DA0];
	[tilespmem:$0x184A0] =	vst v2;
	v2 =	vadd.f32 v41, v29  }
0x6c: {  	v48 =	vld [tilespmem:$0x17DB0];
	[tilespmem:$0x184B0] =	vst v3;
	v3 =	vadd.f32 v42, v25  }
0x6d: {  	v49 =	vld [tilespmem:$0x17E00];
	[tilespmem:$0x18500] =	vst v2;
	v2 =	vadd.f32 v43, v22  }
0x6e: {  	v50 =	vld [tilespmem:$0x17E10];
	[tilespmem:$0x18510] =	vst v3;
	v3 =	vadd.f32 v44, v20  }
0x6f: {  	v51 =	vld [tilespmem:$0x17E20];
	[tilespmem:$0x18520] =	vst v2;
	v2 =	vadd.f32 v45, v29  }
0x70: {  	v52 =	vld [tilespmem:$0x17E30];
	[tilespmem:$0x18530] =	vst v3;
	v3 =	vadd.f32 v46, v25  }
0x71: {  	v53 =	vld [tilespmem:$0x17E80];
	[tilespmem:$0x18580] =	vst v2;
	v2 =	vadd.f32 v47, v22  }
0x72: {  	v54 =	vld [tilespmem:$0x17E90];
	[tilespmem:$0x18590] =	vst v3;
	v3 =	vadd.f32 v48, v20  }
0x73: {  	v55 =	vld [tilespmem:$0x17EA0];
	[tilespmem:$0x185A0] =	vst v2;
	v2 =	vadd.f32 v49, v29  }
0x74: {  	v56 =	vld [tilespmem:$0x17EB0];
	[tilespmem:$0x185B0] =	vst v3;
	v3 =	vadd.f32 v50, v25  }
0x75: {  	v57 =	vld [tilespmem:$0x17F00];
	[tilespmem:$0x18600] =	vst v2;
	v2 =	vadd.f32 v51, v22  }
0x76: {  	v59 =	vld [tilespmem:$0x17F20];
	[tilespmem:$0x18610] =	vst v3;
	v3 =	vadd.f32 v52, v20  }
0x77: {  	v60 =	vld [tilespmem:$0x17F30];
	[tilespmem:$0x18620] =	vst v2;
	v2 =	vadd.f32 v53, v29  }
0x78: {  	v61 =	vld [tilespmem:$0x17F80];
	[tilespmem:$0x18630] =	vst v3;
	v3 =	vadd.f32 v54, v25  }
0x79: {  	v62 =	vld [tilespmem:$0x17F90];
	[tilespmem:$0x18680] =	vst v2;
	v2 =	vadd.f32 v55, v22  }
0x7a: {  	v6 =	vld [tilespmem:$0x17880];
	[tilespmem:$0x18690] =	vst v3;
	v3 =	vadd.f32 v56, v20  }
0x7b: {  	v5 =	vld [tilespmem:$0x17FB0];
	[tilespmem:$0x186A0] =	vst v2;
	v2 =	vadd.f32 v57, v29  }
0x7c: {  	[tilespmem:$0x186B0] =	vst v3;
	v3 =	vadd.f32 v60, v20  }
0x7d: {  	v7 =	vld [tilespmem:$0x17890];
	[tilespmem:$0x18700] =	vst v2;
	v2 =	vadd.f32 v59, v22  }
0x7e: {  	[tilespmem:$0x18730] =	vst v3;
	v3 =	vadd.f32 v62, v25  }
0x7f: {  	v4 =	vadd.f32 v6, v29;
	[tilespmem:$0x18720] =	vst v2  }
0x80: {  	v2 =	vadd.f32 v61, v29;
	[tilespmem:$0x18790] =	vst v3;
	v3 =	vadd.f32 v5, v20;
	v29 =	vld [tilespmem:$0x178B0];
	_ =	sdelay $0x1  }
0x81: {  	[tilespmem:$0x187B0] =	vst v3;
	v3 =	vadd.f32 v7, v25  }
0x82: {  	[tilespmem:$0x18080] =	vst v4  }
0x83: {  	[tilespmem:$0x18090] =	vst v3  }
0x84: {  	[tilespmem:$0x18810] =	vst v3;
	v3 =	vadd.f32 v29, v20  }
0x85: {  	[tilespmem:$0x18800] =	vst v4  }
0x86: {  	v28 =	vadd.f32 v28, v6;
	[tilespmem:$0x180B0] =	vst v3  }
0x87: {  	[tilespmem:$0x18830] =	vst v3;
	v3 =	vadd.f32 v7, v7  }
0x88: {  	[tilespmem:$0x18B80] =	vst v28;
	v33 =	vadd.f32 v33, v6  }
0x89: {  	[tilespmem:$0x18890] =	vst v3;
	v3 =	vadd.f32 v29, v29  }
0x8a: {  	[tilespmem:$0x18C00] =	vst v33;
	v37 =	vadd.f32 v37, v6  }
0x8b: {  	v41 =	vadd.f32 v41, v6;
	[tilespmem:$0x188B0] =	vst v3;
	v3 =	vadd.f32 v0, v7;
	v0 =	vld [tilespmem:$0x1FFE0]  }
0x8c: {  	[tilespmem:$0x18C80] =	vst v37;
	v45 =	vadd.f32 v45, v6  }
0x8d: {  	[tilespmem:$0x18D00] =	vst v41;
	v49 =	vadd.f32 v49, v6  }
0x8e: {  	[tilespmem:$0x18D80] =	vst v45  }
0x8f: {  	[tilespmem:$0x18E00] =	vst v49  }
0x90: {  	[tilespmem:$0x18910] =	vst v3;
	v3 =	vadd.f32 v0, v29  }
0x91: {  	v53 =	vadd.f32 v53, v6;
	[tilespmem:$0x18780] =	vst v2  }
0x92: {  	v2 =	vld [tilespmem:$0x178A0];
	[tilespmem:$0x18930] =	vst v3;
	v3 =	vadd.f32 v10, v7  }
0x93: {  	[tilespmem:$0x18E80] =	vst v53;
	v57 =	vadd.f32 v57, v6  }
0x94: {  	[tilespmem:$0x18990] =	vst v3;
	v3 =	vadd.f32 v12, v29  }
0x95: {  	[tilespmem:$0x18F00] =	vst v57;
	v61 =	vadd.f32 v61, v6  }
0x96: {  	[tilespmem:$0x189B0] =	vst v3;
	v3 =	vadd.f32 v14, v7  }
0x97: {  	[tilespmem:$0x18F80] =	vst v61;
	v25 =	vadd.f32 v2, v22  }
0x98: {  	[tilespmem:$0x18A10] =	vst v3;
	v3 =	vadd.f32 v16, v29  }
0x99: {  	[tilespmem:$0x180A0] =	vst v25  }
0x9a: {  	[tilespmem:$0x18A30] =	vst v3;
	v3 =	vadd.f32 v18, v7  }
0x9b: {  	v22 =	vadd.f32 v6, v6;
	[tilespmem:$0x18820] =	vst v25  }
0x9c: {  	[tilespmem:$0x18A90] =	vst v3;
	v3 =	vadd.f32 v21, v29  }
0x9d: {  	v26 =	vadd.f32 v26, v2;
	[tilespmem:$0x18880] =	vst v22  }
0x9e: {  	[tilespmem:$0x18AB0] =	vst v3;
	v3 =	vadd.f32 v24, v7  }
0x9f: {  	v31 =	vadd.f32 v31, v2;
	[tilespmem:$0x18B20] =	vst v26  }
0xa0: {  	[tilespmem:$0x18B10] =	vst v3;
	v3 =	vadd.f32 v27, v29  }
0xa1: {  	v35 =	vadd.f32 v35, v2;
	[tilespmem:$0x18BA0] =	vst v31  }
0xa2: {  	[tilespmem:$0x18B30] =	vst v3;
	v3 =	vadd.f32 v30, v7  }
0xa3: {  	v39 =	vadd.f32 v39, v2;
	[tilespmem:$0x18C20] =	vst v35  }
0xa4: {  	[tilespmem:$0x18B90] =	vst v3;
	v3 =	vadd.f32 v32, v29  }
0xa5: {  	v43 =	vadd.f32 v43, v2;
	[tilespmem:$0x18CA0] =	vst v39  }
0xa6: {  	[tilespmem:$0x18BB0] =	vst v3;
	v3 =	vadd.f32 v34, v7  }
0xa7: {  	v47 =	vadd.f32 v47, v2;
	[tilespmem:$0x18D20] =	vst v43  }
0xa8: {  	[tilespmem:$0x18C10] =	vst v3;
	v3 =	vadd.f32 v36, v29  }
0xa9: {  	v51 =	vadd.f32 v51, v2;
	[tilespmem:$0x18DA0] =	vst v47  }
0xaa: {  	[tilespmem:$0x18C30] =	vst v3;
	v3 =	vadd.f32 v38, v7  }
0xab: {  	v55 =	vadd.f32 v55, v2;
	[tilespmem:$0x18E20] =	vst v51  }
0xac: {  	[tilespmem:$0x18C90] =	vst v3;
	v3 =	vadd.f32 v40, v29  }
0xad: {  	v59 =	vadd.f32 v59, v2;
	[tilespmem:$0x18EA0] =	vst v55  }
0xae: {  	v20 =	vld [tilespmem:$0x1FFD0];
	[tilespmem:$0x18CB0] =	vst v3;
	v3 =	vadd.f32 v42, v7  }
0xaf: {  	v25 =	vadd.f32 v2, v2;
	[tilespmem:$0x18F20] =	vst v59  }
0xb0: {  	[tilespmem:$0x18D10] =	vst v3;
	v3 =	vadd.f32 v44, v29  }
0xb1: {  	v22 =	vadd.f32 v8, v2;
	[tilespmem:$0x188A0] =	vst v25  }
0xb2: {  	[tilespmem:$0x18D30] =	vst v3;
	v3 =	vadd.f32 v46, v7  }
0xb3: {  	v4 =	vadd.f32 v20, v6;
	[tilespmem:$0x18920] =	vst v22  }
0xb4: {  	[tilespmem:$0x18D90] =	vst v3;
	v3 =	vadd.f32 v48, v29  }
0xb5: {  	v20 =	vadd.f32 v11, v2;
	[tilespmem:$0x18900] =	vst v4  }
0xb6: {  	[tilespmem:$0x18DB0] =	vst v3;
	v3 =	vadd.f32 v50, v7  }
0xb7: {  	v25 =	vadd.f32 v9, v6;
	[tilespmem:$0x189A0] =	vst v20  }
0xb8: {  	[tilespmem:$0x18E10] =	vst v3;
	v3 =	vadd.f32 v52, v29  }
0xb9: {  	v22 =	vadd.f32 v13, v6;
	[tilespmem:$0x18980] =	vst v25  }
0xba: {  	[tilespmem:$0x18E30] =	vst v3;
	v3 =	vadd.f32 v54, v7  }
0xbb: {  	v20 =	vadd.f32 v17, v6;
	[tilespmem:$0x18A00] =	vst v22  }
0xbc: {  	[tilespmem:$0x18E90] =	vst v3;
	v3 =	vadd.f32 v56, v29  }
0xbd: {  	v25 =	vadd.f32 v15, v2;
	[tilespmem:$0x18A80] =	vst v20  }
0xbe: {  	[tilespmem:$0x18EB0] =	vst v3;
	v3 =	vadd.f32 v58, v7  }
0xbf: {  	v22 =	vadd.f32 v19, v2;
	[tilespmem:$0x18A20] =	vst v25  }
0xc0: {  	v11 =	vld [tilespmem:$0x19020];
	[tilespmem:$0x18F10] =	vst v3;
	v3 =	vadd.f32 v60, v29  }
0xc1: {  	v9 =	vld [tilespmem:$0x19000];
	v2 =	vadd.f32 v63, v2;
	[tilespmem:$0x18AA0] =	vst v22  }
0xc2: {  	v13 =	vld [tilespmem:$0x19080];
	[tilespmem:$0x18F30] =	vst v3;
	v3 =	vadd.f32 v62, v7  }
0xc3: {  	v15 =	vld [tilespmem:$0x190A0];
	v25 =	vadd.f32 v23, v6;
	[tilespmem:$0x18FA0] =	vst v2  }
0xc4: {  	v10 =	vld [tilespmem:$0x19010];
	[tilespmem:$0x18F90] =	vst v3;
	v3 =	vadd.f32 v5, v29  }
0xc5: {  	[tilespmem:$0x18B00] =	vst v25;
	v12 =	vld [tilespmem:$0x19030]  }
0xc6: {  	s1 =	simm.s32 $0x0;
	v14 =	vld [tilespmem:$0x19090];
	[tilespmem:$0x18FB0] =	vst v3  }
0xc7: {  	v16 =	vld [tilespmem:$0x190B0];
	[tilespmem:s19], [sflag:$0x1] =	stream.indirect.gather [hbm4b:s6+s18], $0x80, s1, s18, $0xb8  }
0xc8: {  	s21 =	simm.s32 $0x8C00;
	s8 =	simm.s32 $0x1900  }
0xc9: {  	[tilespmem:s21], [sflag:$0x1] =	stream.indirect.gather [hbm4b:s6+s20], $0x80, s18, s20, $0xb8;
	[tilespmem:$0x19900] =	vst v63  }
0xca: {  	s3 =	simm.s32 $0x19C8;
	s12 =	simm.s32 $0x3348;
	[tilespmem:$0x1FFF0] =	vst v9;
	v54 =	vimm.s32 $0x4;
	v58 =	vimm.s32 $0x5;
	v62 =	vimm.s32 $0x6;
	s21 =	simm.s32 $0x3280  }
.LBB2_4:
0xcb: {  	_ =	swait.ge [sflag:s22], $0x4000  }
0xcc: {  	[sflag:s22] =	ssyncset.done $0x0  }
0xcd: {  	[sflag:s22] =	ssyncadd.s32 $0xFFFFC000  }
0xce: {  	_ =	swait.ge [sflag:s22], $0x2400  }
0xcf: {  	p0 =	seq.s32 s1, $0x0;
	[sflag:s22] =	ssyncset.done $0x0  }
0xd0: {  	s0 =	simm.s32 @!p0 $0x2;
	[sflag:s22] =	ssyncadd.s32 $0xFFFFDC00  }
0xd1: {  	s15 =	smul.u32 $0x190, s1;
	_ =	swait.ge @!p0 [sflag:s0], $0x6400  }
0xd2: {  	[sflag:s0] =	ssyncset.done @!p0 $0x0  }
0xd3: {  	s14 =	sadd.s32 $0xC8, s15;
	[sflag:s0] =	ssyncadd.s32 @!p0 $0xFFFF9C00  }
0xd4: {  	[tilespmem:s23], [sflag:$0x1] =	stream.indirect.gather [hbm4b:s6+s18], $0x80, s14, s18, $0xb8;
	[tilespmem:$0x19900] =	vst v63  }
0xd5: {  	s16 =	simm.s32 $0x7;
	s17 =	sadd.s32 $0x148, s15  }
0xd6: {  	v0 =	vimm.s32 $0x0;
	[tilespmem:s24], [sflag:$0x1] =	stream.indirect.gather [hbm4b:s6+s20], $0x80, s17, s20, $0xb8;
	[tilespmem:$0x19900] =	vst v63  }
0xd7: {  	s2 =	smov.u32 s21;
	v25 =	vimm.s32 $0x1;
	v44 =	vimm.s32 $0x2;
	v50 =	vimm.s32 $0x3;
	s0 =	smov.u32 s8;
	s17 =	simm.s32 $0x11600  }
.LBB2_5:
0xd8: {  	v21 =	vld [tilespmem:s0+$0x0]  }
0xd9: {  	v20 =	vld [tilespmem:s2+$0x0];
	_ =	sdelay $0x3  }
0xda: {  	v2 =	vperm.xlane v21, v0  }
0xdb: {  	v17 =	vor.u32 $0x10, v1;
	v4 =	vperm.xlane v20, v0  }
0xdc: {  	v18 =	vor.u32 $0x20, v1;
	v3 =	vadd.s32 v1, v2;
	v6 =	vadd.s32 v17, v2  }
0xdd: {  	s9 =	sshll.u32 s16, $0x7;
	v4 =	vshll.u32 v4, $0x7;
	v40 =	vadd.s32 v18, v2;
	v5 =	vand.u32 $0xFFFFFF80, v3  }
0xde: {  	s10 =	sadd.s32 $0xFFFFFC80, s9;
	v3 =	vand.u32 $0x7F, v3;
	v39 =	vand.u32 $0xFFFFFF80, v6;
	v7 =	vor.u32 v1, v4  }
0xdf: {  	v6 =	vand.u32 $0x7F, v6;
	v22 =	vor.u32 v17, v4;
	v5 =	vadd.s32 s10, v5  }
0xe0: {  	v24 =	vor.u32 v18, v4;
	v3 =	vor.u32 v3, v5;
	v5 =	vadd.s32 s10, v39  }
0xe1: {  	v19 =	vor.u32 $0x30, v1;
	v23 =	vand.u32 $0xFFFFFF80, v40;
	v5 =	vor.u32 v6, v5  }
0xe2: {  	v2 =	vadd.s32 v19, v2;
	v23 =	vadd.s32 s10, v23;
	v6 =	vand.u32 $0x7F, v40  }
0xe3: {  	v6 =	vor.u32 v6, v23;
	v23 =	vand.u32 $0xFFFFFF80, v2;
	v7 =	vld.idx.msk [tilespmem:v7+s25+$0x0], $0xffff  }
0xe4: {  	v4 =	vor.u32 v19, v4;
	v2 =	vand.u32 $0x7F, v2;
	v23 =	vadd.s32 s10, v23;
	v22 =	vld.idx.msk [tilespmem:v22+s25+$0x0], $0xffff  }
0xe5: {  	v2 =	vor.u32 v2, v23;
	v23 =	vld.idx.msk [tilespmem:v24+s25+$0x0], $0xffff  }
0xe6: {  	v5 =	vld.idx.msk [tilespmem:v5+s19+$0x0], $0xffff  }
0xe7: {  	v3 =	vld.idx.msk [tilespmem:v3+s19+$0x0], $0xffff  }
0xe8: {  	v6 =	vld.idx.msk [tilespmem:v6+s19+$0x0], $0xffff  }
0xe9: {  	v4 =	vld.idx.msk [tilespmem:v4+s25+$0x0], $0xffff  }
0xea: {  	v47 =	vperm.xlane v20, v25;
	v2 =	vld.idx.msk [tilespmem:v2+s19+$0x0], $0xffff  }
0xeb: {  	v38 =	vadd.f32 v22, v5  }
0xec: {  	v37 =	vadd.f32 v7, v3;
	v22 =	vperm.xlane v21, v25;
	v5 =	vshll.u32 v47, $0x7  }
0xed: {  	v39 =	vadd.f32 v23, v6;
	v51 =	vor.u32 v1, v5;
	v3 =	vmul.f32 v38, v38  }
0xee: {  	v43 =	vadd.f32 v38, v37;
	v48 =	vadd.s32 v1, v22;
	v49 =	vadd.s32 v17, v22  }
0xef: {  	v24 =	vadd.s32 v18, v22;
	v22 =	vadd.s32 v19, v22;
	v36 =	vadd.f32 v4, v2  }
0xf0: {  	v2 =	vmul.f32 v37, v37;
	v41 =	vmul.f32 v39, v39;
	v6 =	vand.u32 $0x7F, v48  }
0xf1: {  	v23 =	vand.u32 $0xFFFFFF80, v49;
	v7 =	vand.u32 $0x7F, v49;
	v42 =	vmul.f32 v36, v36  }
0xf2: {  	s10 =	sadd.s32 $0xFFFFFD00, s9;
	v53 =	vand.u32 $0xFFFFFF80, v22;
	v22 =	vand.u32 $0x7F, v22;
	v45 =	vadd.f32 v36, v39  }
0xf3: {  	v23 =	vadd.s32 s10, v23;
	v2 =	vadd.f32 v3, v2;
	v3 =	vadd.f32 v42, v41  }
0xf4: {  	v4 =	vadd.s32 s10, v53;
	v7 =	vor.u32 v7, v23;
	v46 =	vadd.f32 v45, v43  }
0xf5: {  	v23 =	vor.u32 v17, v5;
	v2 =	vadd.f32 v3, v2;
	v3 =	vand.u32 $0xFFFFFF80, v48  }
0xf6: {  	v25 =	vand.u32 $0xFFFFFF80, v24;
	v4 =	vor.u32 v22, v4;
	[tilespmem:$0x19100] =	vst v46;
	v3 =	vadd.s32 s10, v3  }
0xf7: {  	v52 =	vand.u32 $0x7F, v24;
	v24 =	vadd.s32 s10, v25;
	v3 =	vor.u32 v6, v3;
	[tilespmem:$0x19500] =	vst v2  }
0xf8: {  	v2 =	vor.u32 v52, v24;
	v6 =	vld.idx.msk [tilespmem:v51+s25+$0x0], $0xffff  }
0xf9: {  	v24 =	vor.u32 v18, v5;
	v7 =	vld.idx.msk [tilespmem:v7+s19+$0x0], $0xffff  }
0xfa: {  	v5 =	vor.u32 v19, v5;
	v22 =	vld.idx.msk [tilespmem:v23+s25+$0x0], $0xffff  }
0xfb: {  	v4 =	vld.idx.msk [tilespmem:v4+s19+$0x0], $0xffff  }
0xfc: {  	v3 =	vld.idx.msk [tilespmem:v3+s19+$0x0], $0xffff  }
0xfd: {  	v2 =	vld.idx.msk [tilespmem:v2+s19+$0x0], $0xffff  }
0xfe: {  	v23 =	vld.idx.msk [tilespmem:v24+s25+$0x0], $0xffff  }
0xff: {  	v5 =	vld.idx.msk [tilespmem:v5+s25+$0x0], $0xffff;
	v41 =	vadd.f32 v22, v7;
	v22 =	vperm.xlane v21, v44;
	_ =	sdelay $0x1  }
0x100: {  	v59 =	vperm.xlane v20, v44;
	v60 =	vadd.s32 v1, v22;
	v61 =	vadd.s32 v17, v22  }
0x101: {  	v24 =	vadd.s32 v18, v22;
	v22 =	vadd.s32 v19, v22;
	v7 =	vand.u32 $0x7F, v61  }
0x102: {  	v25 =	vand.u32 $0xFFFFFF80, v24;
	v33 =	vand.u32 $0xFFFFFF80, v22;
	v43 =	vadd.f32 v6, v3  }
0x103: {  	v22 =	vand.u32 $0x7F, v22;
	v42 =	vadd.f32 v23, v2;
	v40 =	vadd.f32 v5, v4  }
0x104: {  	s10 =	sadd.s32 $0xFFFFFD80, s9;
	v3 =	vmul.f32 v41, v41;
	v23 =	vand.u32 $0xFFFFFF80, v61;
	v2 =	vmul.f32 v43, v43  }
0x105: {  	v4 =	vadd.s32 s10, v33;
	v55 =	vmul.f32 v42, v42;
	v5 =	vmul.f32 v40, v40  }
0x106: {  	v23 =	vadd.s32 s10, v23;
	v6 =	vadd.f32 v41, v43;
	v56 =	vadd.f32 v40, v42  }
0x107: {  	v7 =	vor.u32 v7, v23;
	v2 =	vadd.f32 v3, v2;
	v3 =	vadd.f32 v5, v55  }
0x108: {  	v4 =	vor.u32 v22, v4;
	v57 =	vadd.f32 v56, v6;
	v5 =	vshll.u32 v59, $0x7  }
0x109: {  	v63 =	vor.u32 v1, v5;
	v2 =	vadd.f32 v3, v2;
	v3 =	vand.u32 $0xFFFFFF80, v60  }
0x10a: {  	v6 =	vand.u32 $0x7F, v60;
	v23 =	vor.u32 v17, v5;
	[tilespmem:$0x19180] =	vst v57;
	v3 =	vadd.s32 s10, v3  }
0x10b: {  	v32 =	vand.u32 $0x7F, v24;
	v24 =	vadd.s32 s10, v25;
	v3 =	vor.u32 v6, v3;
	[tilespmem:$0x19580] =	vst v2  }
0x10c: {  	v2 =	vor.u32 v32, v24;
	v7 =	vld.idx.msk [tilespmem:v7+s19+$0x0], $0xffff  }
0x10d: {  	v24 =	vor.u32 v18, v5;
	v4 =	vld.idx.msk [tilespmem:v4+s19+$0x0], $0xffff  }
0x10e: {  	v5 =	vor.u32 v19, v5;
	v6 =	vld.idx.msk [tilespmem:v63+s25+$0x0], $0xffff  }
0x10f: {  	v22 =	vld.idx.msk [tilespmem:v23+s25+$0x0], $0xffff  }
0x110: {  	v3 =	vld.idx.msk [tilespmem:v3+s19+$0x0], $0xffff  }
0x111: {  	v2 =	vld.idx.msk [tilespmem:v2+s19+$0x0], $0xffff  }
0x112: {  	v23 =	vld.idx.msk [tilespmem:v24+s25+$0x0], $0xffff  }
0x113: {  	v5 =	vld.idx.msk [tilespmem:v5+s25+$0x0], $0xffff  }
0x114: {  	v44 =	vadd.f32 v22, v7;
	v22 =	vperm.xlane v21, v50;
	_ =	sdelay $0x1  }
0x115: {  	v49 =	vperm.xlane v20, v50;
	v50 =	vadd.s32 v1, v22;
	v51 =	vadd.s32 v17, v22  }
0x116: {  	v24 =	vadd.s32 v18, v22;
	v22 =	vadd.s32 v19, v22;
	v47 =	vadd.f32 v6, v3  }
0x117: {  	v45 =	vadd.f32 v23, v2;
	v46 =	vadd.f32 v5, v4;
	v3 =	vmul.f32 v44, v44  }
0x118: {  	v23 =	vand.u32 $0xFFFFFF80, v51;
	v7 =	vand.u32 $0x7F, v51;
	v25 =	vand.u32 $0xFFFFFF80, v24  }
0x119: {  	s10 =	sadd.s32 $0xFFFFFE00, s9;
	v55 =	vand.u32 $0xFFFFFF80, v22;
	v22 =	vand.u32 $0x7F, v22;
	v2 =	vmul.f32 v47, v47  }
0x11a: {  	v23 =	vadd.s32 s10, v23;
	v34 =	vmul.f32 v45, v45;
	v5 =	vmul.f32 v46, v46  }
0x11b: {  	v4 =	vadd.s32 s10, v55;
	v6 =	vadd.f32 v44, v47;
	v35 =	vadd.f32 v46, v45  }
0x11c: {  	v7 =	vor.u32 v7, v23;
	v2 =	vadd.f32 v3, v2;
	v3 =	vadd.f32 v5, v34  }
0x11d: {  	v4 =	vor.u32 v22, v4;
	v48 =	vadd.f32 v35, v6;
	v5 =	vshll.u32 v49, $0x7  }
0x11e: {  	v52 =	vor.u32 v1, v5;
	v2 =	vadd.f32 v3, v2;
	v3 =	vand.u32 $0xFFFFFF80, v50  }
0x11f: {  	v6 =	vand.u32 $0x7F, v50;
	v23 =	vor.u32 v17, v5;
	[tilespmem:$0x19200] =	vst v48;
	v3 =	vadd.s32 s10, v3  }
0x120: {  	v53 =	vand.u32 $0x7F, v24;
	v24 =	vadd.s32 s10, v25;
	v3 =	vor.u32 v6, v3;
	[tilespmem:$0x19600] =	vst v2  }
0x121: {  	v2 =	vor.u32 v53, v24;
	v7 =	vld.idx.msk [tilespmem:v7+s19+$0x0], $0xffff  }
0x122: {  	v24 =	vor.u32 v18, v5;
	v4 =	vld.idx.msk [tilespmem:v4+s19+$0x0], $0xffff  }
0x123: {  	v5 =	vor.u32 v19, v5;
	v6 =	vld.idx.msk [tilespmem:v52+s25+$0x0], $0xffff  }
0x124: {  	v22 =	vld.idx.msk [tilespmem:v23+s25+$0x0], $0xffff  }
0x125: {  	v3 =	vld.idx.msk [tilespmem:v3+s19+$0x0], $0xffff  }
0x126: {  	v2 =	vld.idx.msk [tilespmem:v2+s19+$0x0], $0xffff  }
0x127: {  	v23 =	vld.idx.msk [tilespmem:v24+s25+$0x0], $0xffff  }
0x128: {  	v5 =	vld.idx.msk [tilespmem:v5+s25+$0x0], $0xffff  }
0x129: {  	v49 =	vadd.f32 v22, v7;
	v22 =	vperm.xlane v21, v54;
	_ =	sdelay $0x1  }
0x12a: {  	v60 =	vperm.xlane v20, v54;
	v61 =	vadd.s32 v1, v22;
	v63 =	vadd.s32 v17, v22  }
0x12b: {  	v24 =	vadd.s32 v18, v22;
	v22 =	vadd.s32 v19, v22;
	v48 =	vadd.f32 v6, v3  }
0x12c: {  	v50 =	vadd.f32 v23, v2;
	v51 =	vadd.f32 v5, v4;
	v3 =	vmul.f32 v49, v49  }
0x12d: {  	v23 =	vand.u32 $0xFFFFFF80, v63;
	v7 =	vand.u32 $0x7F, v63;
	v25 =	vand.u32 $0xFFFFFF80, v24  }
0x12e: {  	s10 =	sadd.s32 $0xFFFFFE80, s9;
	v34 =	vand.u32 $0xFFFFFF80, v22;
	v22 =	vand.u32 $0x7F, v22;
	v2 =	vmul.f32 v48, v48  }
0x12f: {  	v23 =	vadd.s32 s10, v23;
	v56 =	vmul.f32 v50, v50;
	v5 =	vmul.f32 v51, v51  }
0x130: {  	v4 =	vadd.s32 s10, v34;
	v6 =	vadd.f32 v49, v48;
	v57 =	vadd.f32 v51, v50  }
0x131: {  	v7 =	vor.u32 v7, v23;
	v2 =	vadd.f32 v3, v2;
	v3 =	vadd.f32 v5, v56  }
0x132: {  	v4 =	vor.u32 v22, v4;
	v59 =	vadd.f32 v57, v6;
	v5 =	vshll.u32 v60, $0x7  }
0x133: {  	v32 =	vor.u32 v1, v5;
	v2 =	vadd.f32 v3, v2;
	v3 =	vand.u32 $0xFFFFFF80, v61  }
0x134: {  	v6 =	vand.u32 $0x7F, v61;
	v23 =	vor.u32 v17, v5;
	[tilespmem:$0x19280] =	vst v59;
	v3 =	vadd.s32 s10, v3  }
0x135: {  	v33 =	vand.u32 $0x7F, v24;
	v24 =	vadd.s32 s10, v25;
	v3 =	vor.u32 v6, v3;
	[tilespmem:$0x19680] =	vst v2  }
0x136: {  	v2 =	vor.u32 v33, v24;
	v7 =	vld.idx.msk [tilespmem:v7+s19+$0x0], $0xffff  }
0x137: {  	v24 =	vor.u32 v18, v5;
	v4 =	vld.idx.msk [tilespmem:v4+s19+$0x0], $0xffff  }
0x138: {  	v5 =	vor.u32 v19, v5;
	v6 =	vld.idx.msk [tilespmem:v32+s25+$0x0], $0xffff  }
0x139: {  	v22 =	vld.idx.msk [tilespmem:v23+s25+$0x0], $0xffff  }
0x13a: {  	v3 =	vld.idx.msk [tilespmem:v3+s19+$0x0], $0xffff  }
0x13b: {  	v2 =	vld.idx.msk [tilespmem:v2+s19+$0x0], $0xffff  }
0x13c: {  	v23 =	vld.idx.msk [tilespmem:v24+s25+$0x0], $0xffff  }
0x13d: {  	v5 =	vld.idx.msk [tilespmem:v5+s25+$0x0], $0xffff  }
0x13e: {  	v55 =	vadd.f32 v22, v7;
	v22 =	vperm.xlane v21, v58;
	_ =	sdelay $0x1  }
0x13f: {  	v59 =	vperm.xlane v20, v58;
	v60 =	vadd.s32 v1, v22;
	v61 =	vadd.s32 v17, v22  }
0x140: {  	v24 =	vadd.s32 v18, v22;
	v22 =	vadd.s32 v19, v22;
	v54 =	vadd.f32 v6, v3  }
0x141: {  	v52 =	vadd.f32 v23, v2;
	v53 =	vadd.f32 v5, v4;
	v3 =	vmul.f32 v55, v55  }
0x142: {  	v23 =	vand.u32 $0xFFFFFF80, v61;
	v7 =	vand.u32 $0x7F, v61;
	v25 =	vand.u32 $0xFFFFFF80, v24  }
0x143: {  	s10 =	sadd.s32 $0xFFFFFF00, s9;
	v33 =	vand.u32 $0xFFFFFF80, v22;
	v22 =	vand.u32 $0x7F, v22;
	v2 =	vmul.f32 v54, v54  }
0x144: {  	v23 =	vadd.s32 s10, v23;
	v35 =	vmul.f32 v52, v52;
	v5 =	vmul.f32 v53, v53  }
0x145: {  	v4 =	vadd.s32 s10, v33;
	v6 =	vadd.f32 v55, v54;
	v56 =	vadd.f32 v53, v52  }
0x146: {  	v7 =	vor.u32 v7, v23;
	v2 =	vadd.f32 v3, v2;
	v3 =	vadd.f32 v5, v35  }
0x147: {  	v4 =	vor.u32 v22, v4;
	v57 =	vadd.f32 v56, v6;
	v5 =	vshll.u32 v59, $0x7  }
0x148: {  	v63 =	vor.u32 v1, v5;
	v2 =	vadd.f32 v3, v2;
	v3 =	vand.u32 $0xFFFFFF80, v60  }
0x149: {  	v6 =	vand.u32 $0x7F, v60;
	v23 =	vor.u32 v17, v5;
	[tilespmem:$0x19300] =	vst v57;
	v3 =	vadd.s32 s10, v3  }
0x14a: {  	v32 =	vand.u32 $0x7F, v24;
	v24 =	vadd.s32 s10, v25;
	v3 =	vor.u32 v6, v3;
	[tilespmem:$0x19700] =	vst v2  }
0x14b: {  	v2 =	vor.u32 v32, v24;
	v7 =	vld.idx.msk [tilespmem:v7+s19+$0x0], $0xffff  }
0x14c: {  	v24 =	vor.u32 v18, v5;
	v4 =	vld.idx.msk [tilespmem:v4+s19+$0x0], $0xffff  }
0x14d: {  	v5 =	vor.u32 v19, v5;
	v6 =	vld.idx.msk [tilespmem:v63+s25+$0x0], $0xffff  }
0x14e: {  	v22 =	vld.idx.msk [tilespmem:v23+s25+$0x0], $0xffff  }
0x14f: {  	v3 =	vld.idx.msk [tilespmem:v3+s19+$0x0], $0xffff  }
0x150: {  	v2 =	vld.idx.msk [tilespmem:v2+s19+$0x0], $0xffff  }
0x151: {  	v23 =	vld.idx.msk [tilespmem:v24+s25+$0x0], $0xffff  }
0x152: {  	v5 =	vld.idx.msk [tilespmem:v5+s25+$0x0], $0xffff  }
0x153: {  	v59 =	vadd.f32 v22, v7;
	v22 =	vperm.xlane v21, v62;
	_ =	sdelay $0x1  }
0x154: {  	v61 =	vperm.xlane v20, v62;
	v62 =	vadd.s32 v1, v22;
	v63 =	vadd.s32 v17, v22  }
0x155: {  	v24 =	vadd.s32 v18, v22;
	v22 =	vadd.s32 v19, v22;
	v58 =	vadd.f32 v6, v3  }
0x156: {  	v56 =	vadd.f32 v23, v2;
	v57 =	vadd.f32 v5, v4;
	v3 =	vmul.f32 v59, v59  }
0x157: {  	v23 =	vand.u32 $0xFFFFFF80, v63;
	v7 =	vand.u32 $0x7F, v63;
	v2 =	vmul.f32 v58, v58  }
0x158: {  	s10 =	sadd.s32 $0xFFFFFF80, s9;
	v25 =	vand.u32 $0xFFFFFF80, v24;
	v34 =	vmul.f32 v56, v56;
	v5 =	vmul.f32 v57, v57  }
0x159: {  	v23 =	vadd.s32 s10, v23;
	v6 =	vadd.f32 v59, v58;
	v35 =	vadd.f32 v57, v56  }
0x15a: {  	v7 =	vor.u32 v7, v23;
	v2 =	vadd.f32 v3, v2;
	v3 =	vadd.f32 v5, v34  }
0x15b: {  	v60 =	vadd.f32 v35, v6;
	v5 =	vshll.u32 v61, $0x7;
	v34 =	vand.u32 $0xFFFFFF80, v22  }
0x15c: {  	v22 =	vand.u32 $0x7F, v22;
	v32 =	vor.u32 v1, v5;
	v23 =	vor.u32 v17, v5  }
0x15d: {  	v4 =	vadd.s32 s10, v34;
	v2 =	vadd.f32 v3, v2;
	v3 =	vand.u32 $0xFFFFFF80, v62  }
0x15e: {  	v6 =	vand.u32 $0x7F, v62;
	[tilespmem:$0x19380] =	vst v60;
	v4 =	vor.u32 v22, v4;
	v3 =	vadd.s32 s10, v3  }
0x15f: {  	v33 =	vand.u32 $0x7F, v24;
	v24 =	vadd.s32 s10, v25;
	v3 =	vor.u32 v6, v3;
	[tilespmem:$0x19780] =	vst v2  }
0x160: {  	v2 =	vor.u32 v33, v24;
	v7 =	vld.idx.msk [tilespmem:v7+s19+$0x0], $0xffff  }
0x161: {  	v24 =	vor.u32 v18, v5;
	v6 =	vld.idx.msk [tilespmem:v32+s25+$0x0], $0xffff  }
0x162: {  	v5 =	vor.u32 v19, v5;
	v22 =	vld.idx.msk [tilespmem:v23+s25+$0x0], $0xffff  }
0x163: {  	v4 =	vld.idx.msk [tilespmem:v4+s19+$0x0], $0xffff  }
0x164: {  	v3 =	vld.idx.msk [tilespmem:v3+s19+$0x0], $0xffff  }
0x165: {  	v2 =	vld.idx.msk [tilespmem:v2+s19+$0x0], $0xffff  }
0x166: {  	v23 =	vld.idx.msk [tilespmem:v24+s25+$0x0], $0xffff  }
0x167: {  	v5 =	vld.idx.msk [tilespmem:v5+s25+$0x0], $0xffff;
	_ =	sdelay $0x1  }
0x168: {  	v0 =	vimm.s32 $0x7  }
0x169: {  	v21 =	vperm.xlane v21, v0;
	v63 =	vadd.f32 v22, v7  }
0x16a: {  	v0 =	vimm.s32 $0x7;
	v62 =	vadd.f32 v6, v3;
	v60 =	vadd.f32 v23, v2  }
0x16b: {  	v34 =	vadd.s32 v1, v21;
	v61 =	vadd.f32 v5, v4;
	v3 =	vmul.f32 v63, v63  }
0x16c: {  	v22 =	vadd.s32 v18, v21;
	v2 =	vmul.f32 v62, v62;
	v35 =	vmul.f32 v60, v60  }
0x16d: {  	v5 =	vmul.f32 v61, v61;
	v6 =	vadd.f32 v63, v62;
	v32 =	vadd.f32 v61, v60  }
0x16e: {  	v33 =	vperm.xlane v20, v0;
	v23 =	vand.u32 $0xFFFFFF80, v22;
	v2 =	vadd.f32 v3, v2  }
0x16f: {  	v3 =	vadd.f32 v5, v35;
	v4 =	vadd.f32 v32, v6;
	v35 =	vadd.s32 v17, v21  }
0x170: {  	v6 =	vand.u32 $0x7F, v34;
	v5 =	vshll.u32 v33, $0x7;
	v20 =	vand.u32 $0xFFFFFF80, v35  }
0x171: {  	v32 =	vor.u32 v1, v5;
	v7 =	vand.u32 $0x7F, v35;
	v20 =	vadd.s32 s9, v20  }
0x172: {  	v2 =	vadd.f32 v3, v2;
	v3 =	vand.u32 $0xFFFFFF80, v34;
	v7 =	vor.u32 v7, v20  }
0x173: {  	v33 =	vand.u32 $0x7F, v22;
	v3 =	vadd.s32 s9, v3;
	v20 =	vor.u32 v17, v5  }
0x174: {  	v22 =	vadd.s32 s9, v23;
	v21 =	vadd.s32 v19, v21;
	[tilespmem:$0x19400] =	vst v4;
	v3 =	vor.u32 v6, v3  }
0x175: {  	v34 =	vand.u32 $0xFFFFFF80, v21;
	[tilespmem:$0x19800] =	vst v2;
	v2 =	vor.u32 v33, v22  }
0x176: {  	v21 =	vand.u32 $0x7F, v21;
	v4 =	vadd.s32 s9, v34;
	v22 =	vor.u32 v18, v5;
	v6 =	vld.idx.msk [tilespmem:v32+s25+$0x0], $0xffff  }
0x177: {  	v4 =	vor.u32 v21, v4;
	v7 =	vld.idx.msk [tilespmem:v7+s19+$0x0], $0xffff  }
0x178: {  	v5 =	vor.u32 v19, v5;
	v20 =	vld.idx.msk [tilespmem:v20+s25+$0x0], $0xffff  }
0x179: {  	v3 =	vld.idx.msk [tilespmem:v3+s19+$0x0], $0xffff  }
0x17a: {  	v2 =	vld.idx.msk [tilespmem:v2+s19+$0x0], $0xffff  }
0x17b: {  	v21 =	vld.idx.msk [tilespmem:v22+s25+$0x0], $0xffff  }
0x17c: {  	v22 =	vld.idx.msk [tilespmem:v4+s19+$0x0], $0xffff  }
0x17d: {  	v23 =	vld.idx.msk [tilespmem:v5+s25+$0x0], $0xffff;
	_ =	sdelay $0x3  }
0x17e: {  	v5 =	vadd.f32 v6, v3;
	v3 =	vadd.f32 v20, v7  }
0x17f: {  	v4 =	vadd.f32 v21, v2;
	v2 =	vadd.f32 v23, v22  }
0x180: {  	v6 =	vmul.f32 v5, v5;
	v7 =	vmul.f32 v3, v3  }
0x181: {  	v20 =	vand.u32 $0x7, v1;
	v21 =	vmul.f32 v4, v4;
	v22 =	vmul.f32 v2, v2  }
0x182: {  	v20 =	vmul.u32 $0x80, v20;
	v23 =	vadd.f32 v3, v5;
	v24 =	vadd.f32 v2, v4  }
0x183: {  	v6 =	vadd.f32 v7, v6;
	v35 =	vadd.f32 v22, v21  }
0x184: {  	v0 =	vor.u32 $0x1, v20;
	v22 =	vadd.f32 v24, v23  }
0x185: {  	v6 =	vadd.f32 v35, v6  }
0x186: {  	[tilespmem:$0x19480] =	vst v22  }
0x187: {  	v8 =	vor.u32 $0x2, v20;
	[tilespmem:$0x19880] =	vst v6  }
0x188: {  	v6 =	vld.idx.msk [tilespmem:v20+s26+$0x0], $0xffff  }
0x189: {  	v26 =	vld.idx.msk [tilespmem:v0+s26+$0x0], $0xffff  }
0x18a: {  	v21 =	vor.u32 $0x3, v20;
	v7 =	vld.idx.msk [tilespmem:v20+s28+$0x0], $0xffff  }
0x18b: {  	v27 =	vld.idx.msk [tilespmem:v0+s28+$0x0], $0xffff  }
0x18c: {  	[tilespmem:$0x1FF80] =	vst v0;
	v0 =	vor.u32 $0x4, v20;
	v28 =	vld.idx.msk [tilespmem:v8+s26+$0x0], $0xffff  }
0x18d: {  	[tilespmem:$0x1FF90] =	vst v8;
	v29 =	vld.idx.msk [tilespmem:v8+s28+$0x0], $0xffff;
	v8 =	vor.u32 $0x5, v20  }
0x18e: {  	v6 =	vadd.f32 v26, v6;
	v26 =	vmov v8  }
0x18f: {  	v30 =	vld.idx.msk [tilespmem:v21+s26+$0x0], $0xffff  }
0x190: {  	v31 =	vld.idx.msk [tilespmem:v21+s28+$0x0], $0xffff;
	v8 =	vor.u32 $0x6, v20  }
0x191: {  	v32 =	vld.idx.msk [tilespmem:v0+s26+$0x0], $0xffff;
	v7 =	vadd.f32 v27, v7;
	v27 =	vmov v8  }
0x192: {  	v33 =	vld.idx.msk [tilespmem:v0+s28+$0x0], $0xffff;
	v6 =	vadd.f32 v28, v6;
	v28 =	vor.u32 $0x7, v20  }
0x193: {  	v7 =	vadd.f32 v29, v7;
	v34 =	vld.idx.msk [tilespmem:v26+s26+$0x0], $0xffff  }
0x194: {  	v6 =	vadd.f32 v30, v6;
	v35 =	vld.idx.msk [tilespmem:v26+s28+$0x0], $0xffff  }
0x195: {  	v29 =	vor.u32 $0x8, v20;
	v7 =	vadd.f32 v31, v7;
	v8 =	vld.idx.msk [tilespmem:v8+s26+$0x0], $0xffff  }
0x196: {  	v30 =	vor.u32 $0x9, v20;
	v6 =	vadd.f32 v32, v6;
	v32 =	vld.idx.msk [tilespmem:v27+s28+$0x0], $0xffff  }
0x197: {  	[tilespmem:$0x1FFB0] =	vst v0;
	v7 =	vadd.f32 v33, v7;
	v0 =	vld.idx.msk [tilespmem:v28+s26+$0x0], $0xffff  }
0x198: {  	v31 =	vor.u32 $0xA, v20;
	v33 =	vld.idx.msk [tilespmem:v28+s28+$0x0], $0xffff  }
0x199: {  	v6 =	vadd.f32 v34, v6;
	v7 =	vadd.f32 v35, v7  }
0x19a: {  	[tilespmem:$0x1FFA0] =	vst v21;
	v21 =	vor.u32 $0xB, v20;
	v34 =	vld.idx.msk [tilespmem:v29+s26+$0x0], $0xffff  }
0x19b: {  	v35 =	vld.idx.msk [tilespmem:v30+s26+$0x0], $0xffff;
	v6 =	vadd.f32 v8, v6;
	v7 =	vadd.f32 v32, v7;
	v32 =	vmov v21  }
0x19c: {  	v22 =	vor.u32 $0xC, v20;
	v8 =	vld.idx.msk [tilespmem:v29+s28+$0x0], $0xffff  }
0x19d: {  	v21 =	vld.idx.msk [tilespmem:v31+s26+$0x0], $0xffff;
	v0 =	vadd.f32 v0, v6;
	v7 =	vadd.f32 v33, v7;
	v33 =	vmov v22  }
0x19e: {  	v6 =	vld.idx.msk [tilespmem:v30+s28+$0x0], $0xffff  }
0x19f: {  	v22 =	vld.idx.msk [tilespmem:v31+s28+$0x0], $0xffff;
	v0 =	vadd.f32 v34, v0;
	v34 =	vor.u32 $0xD, v20  }
0x1a0: {  	v23 =	vld.idx.msk [tilespmem:v32+s26+$0x0], $0xffff  }
0x1a1: {  	v7 =	vadd.f32 v8, v7;
	v8 =	vld.idx.msk [tilespmem:v32+s28+$0x0], $0xffff;
	v0 =	vadd.f32 v35, v0;
	v35 =	vor.u32 $0xE, v20  }
0x1a2: {  	v24 =	vld.idx.msk [tilespmem:v33+s26+$0x0], $0xffff  }
0x1a3: {  	v9 =	vor.u32 $0xF, v20;
	v6 =	vadd.f32 v6, v7;
	v7 =	vld.idx.msk [tilespmem:v33+s28+$0x0], $0xffff;
	v0 =	vadd.f32 v21, v0  }
0x1a4: {  	v21 =	vld.idx.msk [tilespmem:v34+s26+$0x0], $0xffff  }
0x1a5: {  	v6 =	vadd.f32 v22, v6;
	v22 =	vld.idx.msk [tilespmem:v34+s28+$0x0], $0xffff;
	v0 =	vadd.f32 v23, v0  }
0x1a6: {  	v23 =	vld.idx.msk [tilespmem:v35+s26+$0x0], $0xffff  }
0x1a7: {  	v6 =	vadd.f32 v8, v6;
	v8 =	vld.idx.msk [tilespmem:v35+s28+$0x0], $0xffff;
	v0 =	vadd.f32 v24, v0  }
0x1a8: {  	v24 =	vld.idx.msk [tilespmem:v9+s26+$0x0], $0xffff  }
0x1a9: {  	v6 =	vadd.f32 v7, v6;
	v0 =	vadd.f32 v21, v0  }
0x1aa: {  	v7 =	vld.idx.msk [tilespmem:v9+s28+$0x0], $0xffff  }
0x1ab: {  	v6 =	vadd.f32 v22, v6;
	v0 =	vadd.f32 v23, v0;
	_ =	sdelay $0x1  }
0x1ac: {  	v6 =	vadd.f32 v8, v6;
	v0 =	vadd.f32 v24, v0;
	_ =	sdelay $0x1  }
0x1ad: {  	v7 =	vadd.f32 v7, v6;
	v6 =	vmul.f32 $1.562500000e-02, v0;
	_ =	sdelay $0x1  }
0x1ae: {  	v0 =	vmul.f32 $1.562500000e-02, v7;
	v7 =	vmul.f32 v6, v6;
	_ =	sdelay $0x1  }
0x1af: {  	v0 =	vsub.f32 v0, v7;
	_ =	sdelay $0x1  }
0x1b0: {  	v0 =	vmul.f32 $6.400000000e+01, v0;
	_ =	sdelay $0x1  }
0x1b1: {  	v0 =	vadd.f32 $9.999999740e-06, v0;
	_ =	sdelay $0x1  }
0x1b2: {  	v7 =	vshra.s32 v0, $0x1;
	v0 =	vmul.f32 $5.000000000e-01, v0  }
0x1b3: {  	v7 =	vsub.s32 $0x5F3759DF, v7  }
0x1b4: {  	v8 =	vmul.f32 v7, v0;
	_ =	sdelay $0x1  }
0x1b5: {  	v8 =	vmul.f32 v7, v8;
	_ =	sdelay $0x1  }
0x1b6: {  	v8 =	vsub.f32 $1.500000000e+00, v8;
	_ =	sdelay $0x1  }
0x1b7: {  	v7 =	vmul.f32 v7, v8;
	_ =	sdelay $0x1  }
0x1b8: {  	v8 =	vmul.f32 v7, v0;
	_ =	sdelay $0x1  }
0x1b9: {  	v8 =	vmul.f32 v8, v7;
	_ =	sdelay $0x1  }
0x1ba: {  	v8 =	vsub.f32 $1.500000000e+00, v8;
	_ =	sdelay $0x1  }
0x1bb: {  	v7 =	vmul.f32 v8, v7;
	_ =	sdelay $0x1  }
0x1bc: {  	v0 =	vmul.f32 v7, v0;
	_ =	sdelay $0x1  }
0x1bd: {  	v0 =	vmul.f32 v0, v7;
	_ =	sdelay $0x1  }
0x1be: {  	v0 =	vsub.f32 $1.500000000e+00, v0;
	_ =	sdelay $0x1  }
0x1bf: {  	v0 =	vmul.f32 v0, v7  }
0x1c0: {  	v25 =	vimm.s32 $0x0  }
0x1c1: {  	v7 =	vmul.f32 $8.000000000e+00, v0;
	v0 =	vperm.xlane v6, v25;
	_ =	sdelay $0x1  }
0x1c2: {  	v8 =	vperm.xlane v7, v25;
	v21 =	vsub.f32 v37, v0  }
0x1c3: {  	[tilespmem:$0x1FFC0] =	vst v9;
	v9 =	vld [tilespmem:$0x1FFF0];
	v25 =	vimm.s32 $0x1;
	v22 =	vsub.f32 v38, v0;
	v23 =	vsub.f32 v39, v0  }
0x1c4: {  	v0 =	vsub.f32 v36, v0;
	v24 =	vperm.xlane v6, v25;
	v36 =	vperm.xlane v7, v25  }
0x1c5: {  	v21 =	vmul.f32 v21, v8;
	v22 =	vmul.f32 v22, v8  }
0x1c6: {  	v23 =	vmul.f32 v23, v8;
	v0 =	vmul.f32 v0, v8  }
0x1c7: {  	v37 =	vsub.f32 v43, v24;
	v43 =	vsub.f32 v42, v24;
	v42 =	vimm.s32 $0x2  }
0x1c8: {  	v39 =	vperm.xlane v6, v42;
	v21 =	vmul.f32 v21, v9  }
0x1c9: {  	v8 =	vsub.f32 v41, v24;
	v22 =	vmul.f32 v22, v10;
	v23 =	vmul.f32 v23, v11  }
0x1ca: {  	v24 =	vsub.f32 v40, v24;
	v0 =	vmul.f32 v0, v12;
	v37 =	vmul.f32 v37, v36  }
0x1cb: {  	v8 =	vmul.f32 v8, v36;
	v38 =	vmul.f32 v43, v36  }
0x1cc: {  	v24 =	vmul.f32 v24, v36;
	v43 =	vimm.s32 $0x2;
	v40 =	vsub.f32 v47, v39  }
0x1cd: {  	v36 =	vperm.xlane v7, v43;
	v47 =	vsub.f32 v44, v39;
	v45 =	vsub.f32 v45, v39  }
0x1ce: {  	v39 =	vsub.f32 v46, v39;
	v21 =	vadd.f32 v21, v13;
	v37 =	vmul.f32 v37, v9  }
0x1cf: {  	v22 =	vadd.f32 v22, v14;
	v8 =	vmul.f32 v8, v10;
	v38 =	vmul.f32 v38, v11  }
0x1d0: {  	v23 =	vadd.f32 v23, v15;
	v24 =	vmul.f32 v24, v12;
	v40 =	vmul.f32 v40, v36  }
0x1d1: {  	v41 =	vmul.f32 v47, v36;
	v42 =	vmul.f32 v45, v36;
	v47 =	vimm.s32 $0x3  }
0x1d2: {  	v0 =	vadd.f32 v0, v16;
	v36 =	vmul.f32 v39, v36;
	v39 =	vperm.xlane v6, v47  }
0x1d3: {  	[tilespmem:s17+$0xFFFFFE10] =	vst v22;
	v37 =	vadd.f32 v37, v13;
	v22 =	vadd.f32 v24, v16;
	v40 =	vmul.f32 v40, v9  }
0x1d4: {  	v41 =	vmul.f32 v41, v10;
	v24 =	vmul.f32 v42, v11;
	v43 =	vsub.f32 v48, v39  }
0x1d5: {  	v44 =	vsub.f32 v49, v39;
	v45 =	vsub.f32 v50, v39;
	v50 =	vimm.s32 $0x3  }
0x1d6: {  	v39 =	vsub.f32 v51, v39;
	v51 =	vimm.s32 $0x4;
	v49 =	vperm.xlane v7, v50  }
0x1d7: {  	v8 =	vadd.f32 v8, v14;
	v36 =	vmul.f32 v36, v12;
	v46 =	vperm.xlane v6, v51  }
0x1d8: {  	v38 =	vadd.f32 v38, v15;
	v43 =	vmul.f32 v43, v49;
	v44 =	vmul.f32 v44, v49  }
0x1d9: {  	[tilespmem:s17+$0xFFFFFE20] =	vst v23;
	v23 =	vadd.f32 v40, v13;
	v45 =	vmul.f32 v45, v49;
	v39 =	vmul.f32 v39, v49  }
0x1da: {  	v47 =	vsub.f32 v54, v46;
	v54 =	vimm.s32 $0x4;
	v48 =	vsub.f32 v55, v46  }
0x1db: {  	[tilespmem:s17+$0xFFFFFE00] =	vst v21;
	v21 =	vsub.f32 v52, v46;
	v46 =	vsub.f32 v53, v46;
	v53 =	vperm.xlane v7, v54  }
0x1dc: {  	[tilespmem:s17+$0xFFFFFE30] =	vst v0;
	v0 =	vadd.f32 v41, v14;
	v55 =	vmul.f32 v43, v9;
	v49 =	vmul.f32 v44, v10  }
0x1dd: {  	[tilespmem:s17+$0xFFFFFE80] =	vst v37;
	v24 =	vadd.f32 v24, v15;
	v51 =	vmul.f32 v45, v11;
	v39 =	vmul.f32 v39, v12  }
0x1de: {  	[tilespmem:s17+$0xFFFFFE90] =	vst v8;
	v8 =	vadd.f32 v36, v16;
	v42 =	vmul.f32 v47, v53;
	v41 =	vmul.f32 v48, v53  }
0x1df: {  	[tilespmem:s17+$0xFFFFFF00] =	vst v23;
	v21 =	vmul.f32 v21, v53;
	v37 =	vmul.f32 v46, v53;
	v48 =	vimm.s32 $0x5  }
0x1e0: {  	[tilespmem:s17+$0xFFFFFF10] =	vst v0;
	v43 =	vperm.xlane v6, v48;
	v36 =	vadd.f32 v55, v13;
	v23 =	vadd.f32 v49, v14  }
0x1e1: {  	[tilespmem:s17+$0xFFFFFF20] =	vst v24;
	v0 =	vadd.f32 v51, v15;
	v24 =	vadd.f32 v39, v16;
	v48 =	vimm.s32 $0x6  }
0x1e2: {  	v21 =	vmul.f32 v21, v11;
	v52 =	vsub.f32 v58, v43;
	v58 =	vimm.s32 $0x5  }
0x1e3: {  	[tilespmem:s17+$0xFFFFFEB0] =	vst v22;
	v53 =	vsub.f32 v59, v43;
	v22 =	vsub.f32 v56, v43;
	v56 =	vmul.f32 v42, v9  }
0x1e4: {  	v43 =	vsub.f32 v57, v43;
	v57 =	vmul.f32 v41, v10;
	v42 =	vperm.xlane v6, v48  }
0x1e5: {  	[tilespmem:s17+$0xFFFFFF30] =	vst v8;
	v55 =	vperm.xlane v7, v58;
	v21 =	vadd.f32 v21, v15;
	v8 =	vadd.f32 v56, v13  }
0x1e6: {  	v37 =	vmul.f32 v37, v12;
	v49 =	vadd.f32 v57, v14;
	v51 =	vsub.f32 v62, v42  }
0x1e7: {  	[tilespmem:s17+$0xFFFFFEA0] =	vst v38;
	v62 =	vimm.s32 $0x6;
	v59 =	vmul.f32 v52, v55;
	v45 =	vmul.f32 v53, v55  }
0x1e8: {  	[tilespmem:s17+$0xFFFFFF90] =	vst v23;
	v57 =	vimm.s32 $0x7;
	v22 =	vmul.f32 v22, v55;
	v47 =	vmul.f32 v43, v55  }
0x1e9: {  	[tilespmem:s17+$0xFFFFFFA0] =	vst v0;
	v0 =	vsub.f32 v60, v42;
	v53 =	vperm.xlane v7, v62;
	v6 =	vperm.xlane v6, v57  }
0x1ea: {  	[tilespmem:s17+$0xFFFFFFB0] =	vst v24;
	v52 =	vsub.f32 v63, v42;
	v23 =	vmul.f32 v59, v9;
	v24 =	vmul.f32 v45, v10  }
0x1eb: {  	[tilespmem:s17+$0xFFFFFF80] =	vst v36;
	v42 =	vsub.f32 v61, v42;
	v22 =	vmul.f32 v22, v11;
	v55 =	vmul.f32 v51, v53  }
0x1ec: {  	[tilespmem:s17+$0x0] =	vst v8;
	v8 =	vadd.f32 v37, v16;
	v56 =	vmul.f32 v52, v53;
	v0 =	vmul.f32 v0, v53  }
0x1ed: {  	[tilespmem:s17+$0x20] =	vst v21;
	v21 =	vmul.f32 v42, v53;
	v5 =	vsub.f32 v5, v6;
	v23 =	vadd.f32 v23, v13  }
0x1ee: {  	v3 =	vsub.f32 v3, v6;
	v4 =	vsub.f32 v4, v6;
	[tilespmem:s17+$0x30] =	vst v8;
	v8 =	vmul.f32 v47, v12  }
0x1ef: {  	v24 =	vadd.f32 v24, v14;
	v59 =	vmul.f32 v55, v9;
	[tilespmem:s17+$0x80] =	vst v23;
	v23 =	vimm.s32 $0x7  }
0x1f0: {  	[tilespmem:s17+$0x10] =	vst v49;
	v22 =	vadd.f32 v22, v15;
	v0 =	vmul.f32 v0, v11;
	v7 =	vperm.xlane v7, v23  }
0x1f1: {  	v2 =	vsub.f32 v2, v6;
	v60 =	vadd.f32 v8, v16;
	v8 =	vmul.f32 v56, v10;
	[tilespmem:s17+$0x90] =	vst v24  }
0x1f2: {  	[tilespmem:s17+$0xA0] =	vst v22;
	v22 =	vadd.f32 v59, v13;
	v0 =	vadd.f32 v0, v15;
	v5 =	vmul.f32 v5, v7  }
0x1f3: {  	[tilespmem:s17+$0xB0] =	vst v60;
	v61 =	vadd.f32 v8, v14;
	v8 =	vmul.f32 v21, v12;
	v3 =	vmul.f32 v3, v7  }
0x1f4: {  	[tilespmem:s17+$0x100] =	vst v22;
	v2 =	vmul.f32 v2, v7;
	v5 =	vmul.f32 v5, v9  }
0x1f5: {  	[tilespmem:s17+$0x120] =	vst v0;
	v4 =	vmul.f32 v4, v7;
	v63 =	vadd.f32 v8, v16;
	v3 =	vmul.f32 v3, v10  }
0x1f6: {  	p0 =	sne.s32 s16, $0xC7;
	[tilespmem:s17+$0x110] =	vst v61;
	v2 =	vmul.f32 v2, v12;
	v0 =	vadd.f32 v5, v13  }
.Ltmp1:
0x1f7: {  	v4 =	vmul.f32 v4, v11;
	[tilespmem:s17+$0x130] =	vst v63;
	v3 =	vadd.f32 v3, v14;
	(pc) =	sbr.rel @p0 .LBB2_5-.Ltmp1, $4  }
0x1f8: {  	v2 =	vadd.f32 v2, v16;
	[tilespmem:s17+$0x180] =	vst v0  }
0x1f9: {  	v0 =	vadd.f32 v4, v15;
	[tilespmem:s17+$0x190] =	vst v3  }
0x1fa: {  	s0 =	sadd.s32 $0x8, s0;
	[tilespmem:s17+$0x1B0] =	vst v2  }
0x1fb: {  	s2 =	sadd.s32 $0x8, s2;
	s16 =	sadd.s32 $0x8, s16;
	v44 =	vimm.s32 $0x2;
	[tilespmem:s17+$0x1A0] =	vst v0;
	v0 =	vimm.s32 $0x0;
	s17 =	sadd.s32 $0x400, s17  }
0x1fc: {  	s0 =	sadd.s32 s4, s15  }
0x1fd: {  	s0 =	sshll.u32 s0, $0x4  }
0x1fe: {  	s0 =	sadd.s32 s7, s0  }
0x1ff: {  	[hbm4b:s0+s5] =	stream.linear.scatter [tilespmem:s29], [sflag:$0x2], $0x6400, $0x38;
	[tilespmem:$0x19900] =	vst v63  }
0x200: {  	_ =	swait.ge [sflag:s22], $0x4000  }
0x201: {  	[sflag:s22] =	ssyncset.done $0x0  }
0x202: {  	[sflag:s22] =	ssyncadd.s32 $0xFFFFC000  }
0x203: {  	_ =	swait.ge [sflag:s22], $0x2400  }
0x204: {  	[sflag:s22] =	ssyncset.done $0x0  }
0x205: {  	[sflag:s22] =	ssyncadd.s32 $0xFFFFDC00  }
0x206: {  	p0 =	seq.s32 s1, $0xF;
	_ =	swait.ge [sflag:s30], $0x6400  }
0x207: {  	s16 =	smov.u32 s3;
	s2 =	simm.s32 @!p0 $0x80;
	[sflag:s30] =	ssyncset.done $0x0  }
0x208: {  	s9 =	simm.s32 @!p0 $0x4C00;
	s0 =	sadd.s32 @!p0 $0x190, s15;
	[sflag:s30] =	ssyncadd.s32 $0xFFFF9C00  }
0x209: {  	[tilespmem:s9], [sflag:$0x1] =	stream.indirect.gather @!p0 [hbm4b:s6+s2], $0x80, s0, s2, $0xb8;
	[tilespmem:$0x19900] =	vst v63  }
0x20a: {  	s0 =	sadd.s32 @!p0 $0x210, s15;
	s2 =	simm.s32 @!p0 $0x48;
	s9 =	simm.s32 @!p0 $0x8C00  }
0x20b: {  	[tilespmem:s9], [sflag:$0x1] =	stream.indirect.gather @!p0 [hbm4b:s6+s2], $0x80, s0, s2, $0xb8;
	[tilespmem:$0x19900] =	vst v63  }
0x20c: {  	s15 =	smov.u32 s12;
	s0 =	simm.s32 $0x7;
	s2 =	simm.s32 $0x11600  }
.LBB2_7:
0x20d: {  	v49 =	vld [tilespmem:s16+$0x0]  }
0x20e: {  	v48 =	vld [tilespmem:s15+$0x0];
	_ =	sdelay $0x2  }
0x20f: {  	v0 =	vimm.s32 $0x0  }
0x210: {  	v2 =	vimm.s32 $0x0;
	v0 =	vperm.xlane v49, v0  }
0x211: {  	v2 =	vperm.xlane v48, v2  }
0x212: {  	v3 =	vadd.s32 v1, v0  }
0x213: {  	v2 =	vshll.u32 v2, $0x7;
	v5 =	vadd.s32 v17, v0;
	v7 =	vadd.s32 v18, v0  }
0x214: {  	v0 =	vadd.s32 v19, v0;
	v4 =	vand.u32 $0xFFFFFF80, v3;
	v46 =	vor.u32 v1, v2  }
0x215: {  	s9 =	sshll.u32 s0, $0x7;
	v3 =	vand.u32 $0x7F, v3;
	v6 =	vand.u32 $0xFFFFFF80, v5;
	v47 =	vor.u32 v17, v2  }
0x216: {  	s10 =	sadd.s32 $0xFFFFFC80, s9;
	v5 =	vand.u32 $0x7F, v5;
	v8 =	vand.u32 $0xFFFFFF80, v7;
	v21 =	vor.u32 v18, v2  }
0x217: {  	v7 =	vand.u32 $0x7F, v7;
	v2 =	vor.u32 v19, v2;
	v4 =	vadd.s32 s10, v4  }
0x218: {  	v6 =	vadd.s32 s10, v6;
	v8 =	vadd.s32 s10, v8;
	v3 =	vor.u32 v3, v4  }
0x219: {  	v5 =	vor.u32 v5, v6;
	v7 =	vor.u32 v7, v8;
	v8 =	vand.u32 $0xFFFFFF80, v0;
	v4 =	vld.idx.msk [tilespmem:v46+s25+$0x0], $0xffff  }
0x21a: {  	v0 =	vand.u32 $0x7F, v0;
	v8 =	vadd.s32 s10, v8;
	v6 =	vld.idx.msk [tilespmem:v47+s25+$0x0], $0xffff  }
0x21b: {  	v0 =	vor.u32 v0, v8;
	v8 =	vld.idx.msk [tilespmem:v21+s25+$0x0], $0xffff  }
0x21c: {  	v2 =	vld.idx.msk [tilespmem:v2+s25+$0x0], $0xffff  }
0x21d: {  	v3 =	vld.idx.msk [tilespmem:v3+s23+$0x0], $0xffff  }
0x21e: {  	v5 =	vld.idx.msk [tilespmem:v5+s23+$0x0], $0xffff  }
0x21f: {  	v7 =	vld.idx.msk [tilespmem:v7+s23+$0x0], $0xffff  }
0x220: {  	v0 =	vld.idx.msk [tilespmem:v0+s23+$0x0], $0xffff  }
0x221: {  	v53 =	vperm.xlane v49, v25;
	_ =	sdelay $0x1  }
0x222: {  	v55 =	vperm.xlane v48, v25;
	v56 =	vadd.s32 v1, v53  }
0x223: {  	v57 =	vadd.s32 v17, v53;
	v37 =	vadd.f32 v4, v3;
	v38 =	vadd.f32 v6, v5  }
0x224: {  	v21 =	vadd.s32 v18, v53;
	v39 =	vadd.f32 v8, v7;
	v36 =	vadd.f32 v2, v0  }
0x225: {  	v4 =	vshll.u32 v55, $0x7;
	v0 =	vmul.f32 v37, v37;
	v2 =	vmul.f32 v38, v38  }
0x226: {  	v8 =	vand.u32 $0xFFFFFF80, v57;
	v3 =	vmul.f32 v39, v39;
	v51 =	vmul.f32 v36, v36  }
0x227: {  	s17 =	sadd.s32 $0xFFFFFD00, s9;
	v6 =	vand.u32 $0x7F, v57;
	v5 =	vadd.f32 v38, v37;
	v52 =	vadd.f32 v36, v39  }
0x228: {  	v8 =	vadd.s32 s17, v8;
	v0 =	vadd.f32 v2, v0;
	v2 =	vadd.f32 v51, v3  }
0x229: {  	v22 =	vand.u32 $0xFFFFFF80, v21;
	v59 =	vor.u32 v1, v4;
	v6 =	vor.u32 v6, v8  }
0x22a: {  	v3 =	vadd.f32 v52, v5;
	v0 =	vadd.f32 v2, v0;
	v2 =	vand.u32 $0xFFFFFF80, v56  }
0x22b: {  	v8 =	vor.u32 v17, v4;
	v5 =	vand.u32 $0x7F, v56;
	v2 =	vadd.s32 s17, v2  }
0x22c: {  	[tilespmem:$0x19100] =	vst v3;
	v3 =	vand.u32 $0x7F, v21;
	v21 =	vadd.s32 s17, v22;
	v2 =	vor.u32 v5, v2  }
0x22d: {  	v7 =	vadd.s32 v19, v53;
	[tilespmem:$0x19500] =	vst v0;
	v0 =	vor.u32 v3, v21  }
0x22e: {  	v3 =	vand.u32 $0xFFFFFF80, v7;
	v21 =	vor.u32 v18, v4;
	v5 =	vld.idx.msk [tilespmem:v59+s25+$0x0], $0xffff  }
0x22f: {  	v7 =	vand.u32 $0x7F, v7;
	v4 =	vor.u32 v19, v4;
	v3 =	vadd.s32 s17, v3;
	v6 =	vld.idx.msk [tilespmem:v6+s23+$0x0], $0xffff  }
0x230: {  	v60 =	vld.idx.msk [tilespmem:v8+s25+$0x0], $0xffff;
	v3 =	vor.u32 v7, v3  }
0x231: {  	v2 =	vld.idx.msk [tilespmem:v2+s23+$0x0], $0xffff  }
0x232: {  	v0 =	vld.idx.msk [tilespmem:v0+s23+$0x0], $0xffff  }
0x233: {  	v8 =	vld.idx.msk [tilespmem:v21+s25+$0x0], $0xffff  }
0x234: {  	v4 =	vld.idx.msk [tilespmem:v4+s25+$0x0], $0xffff  }
0x235: {  	v3 =	vld.idx.msk [tilespmem:v3+s23+$0x0], $0xffff  }
0x236: {  	v63 =	vperm.xlane v49, v44;
	_ =	sdelay $0x1  }
0x237: {  	v45 =	vperm.xlane v48, v44;
	v46 =	vadd.s32 v1, v63  }
0x238: {  	v47 =	vadd.s32 v17, v63;
	v41 =	vadd.f32 v60, v6;
	v43 =	vadd.f32 v5, v2  }
0x239: {  	v21 =	vadd.s32 v18, v63;
	v42 =	vadd.f32 v8, v0;
	v40 =	vadd.f32 v4, v3  }
0x23a: {  	v6 =	vand.u32 $0x7F, v47;
	v2 =	vmul.f32 v41, v41;
	v0 =	vmul.f32 v43, v43  }
0x23b: {  	v22 =	vand.u32 $0xFFFFFF80, v21;
	v3 =	vmul.f32 v42, v42;
	v4 =	vmul.f32 v40, v40  }
0x23c: {  	s17 =	sadd.s32 $0xFFFFFD80, s9;
	v8 =	vand.u32 $0xFFFFFF80, v47;
	v5 =	vadd.f32 v41, v43;
	v61 =	vadd.f32 v40, v42  }
0x23d: {  	v8 =	vadd.s32 s17, v8;
	v0 =	vadd.f32 v2, v0;
	v2 =	vadd.f32 v4, v3  }
0x23e: {  	v6 =	vor.u32 v6, v8;
	v3 =	vadd.f32 v61, v5;
	v4 =	vshll.u32 v45, $0x7  }
0x23f: {  	v51 =	vor.u32 v1, v4;
	v0 =	vadd.f32 v2, v0;
	v2 =	vand.u32 $0xFFFFFF80, v46  }
0x240: {  	v5 =	vand.u32 $0x7F, v46;
	v8 =	vor.u32 v17, v4;
	v2 =	vadd.s32 s17, v2  }
0x241: {  	[tilespmem:$0x19180] =	vst v3;
	v3 =	vand.u32 $0x7F, v21;
	v21 =	vadd.s32 s17, v22;
	v2 =	vor.u32 v5, v2  }
0x242: {  	v7 =	vadd.s32 v19, v63;
	[tilespmem:$0x19580] =	vst v0;
	v0 =	vor.u32 v3, v21  }
0x243: {  	v3 =	vand.u32 $0xFFFFFF80, v7;
	v21 =	vor.u32 v18, v4;
	v6 =	vld.idx.msk [tilespmem:v6+s23+$0x0], $0xffff  }
0x244: {  	v7 =	vand.u32 $0x7F, v7;
	v4 =	vor.u32 v19, v4;
	v3 =	vadd.s32 s17, v3;
	v5 =	vld.idx.msk [tilespmem:v51+s25+$0x0], $0xffff  }
0x245: {  	v3 =	vor.u32 v7, v3;
	v52 =	vld.idx.msk [tilespmem:v8+s25+$0x0], $0xffff  }
0x246: {  	v2 =	vld.idx.msk [tilespmem:v2+s23+$0x0], $0xffff  }
0x247: {  	v0 =	vld.idx.msk [tilespmem:v0+s23+$0x0], $0xffff  }
0x248: {  	v8 =	vld.idx.msk [tilespmem:v21+s25+$0x0], $0xffff  }
0x249: {  	v4 =	vld.idx.msk [tilespmem:v4+s25+$0x0], $0xffff  }
0x24a: {  	v3 =	vld.idx.msk [tilespmem:v3+s23+$0x0], $0xffff  }
0x24b: {  	v55 =	vperm.xlane v49, v50;
	_ =	sdelay $0x1  }
0x24c: {  	v57 =	vadd.s32 v1, v55;
	v56 =	vperm.xlane v48, v50  }
0x24d: {  	v59 =	vadd.s32 v17, v55;
	v44 =	vadd.f32 v52, v6;
	v47 =	vadd.f32 v5, v2  }
0x24e: {  	v21 =	vadd.s32 v18, v55;
	v45 =	vadd.f32 v8, v0;
	v46 =	vadd.f32 v4, v3  }
0x24f: {  	v22 =	vand.u32 $0xFFFFFF80, v21;
	v2 =	vmul.f32 v44, v44;
	v0 =	vmul.f32 v47, v47  }
0x250: {  	v6 =	vand.u32 $0x7F, v59;
	v3 =	vmul.f32 v45, v45;
	v4 =	vmul.f32 v46, v46  }
0x251: {  	s17 =	sadd.s32 $0xFFFFFE00, s9;
	v8 =	vand.u32 $0xFFFFFF80, v59;
	v5 =	vadd.f32 v44, v47;
	v53 =	vadd.f32 v46, v45  }
0x252: {  	v8 =	vadd.s32 s17, v8;
	v0 =	vadd.f32 v2, v0;
	v2 =	vadd.f32 v4, v3  }
0x253: {  	v6 =	vor.u32 v6, v8;
	v3 =	vadd.f32 v53, v5;
	v4 =	vshll.u32 v56, $0x7  }
0x254: {  	v60 =	vor.u32 v1, v4;
	v0 =	vadd.f32 v2, v0;
	v2 =	vand.u32 $0xFFFFFF80, v57  }
0x255: {  	v5 =	vand.u32 $0x7F, v57;
	v8 =	vor.u32 v17, v4;
	v2 =	vadd.s32 s17, v2  }
0x256: {  	[tilespmem:$0x19200] =	vst v3;
	v3 =	vand.u32 $0x7F, v21;
	v21 =	vadd.s32 s17, v22;
	v2 =	vor.u32 v5, v2  }
0x257: {  	v7 =	vadd.s32 v19, v55;
	[tilespmem:$0x19600] =	vst v0;
	v0 =	vor.u32 v3, v21  }
0x258: {  	v3 =	vand.u32 $0xFFFFFF80, v7;
	v21 =	vor.u32 v18, v4;
	v6 =	vld.idx.msk [tilespmem:v6+s23+$0x0], $0xffff  }
0x259: {  	v7 =	vand.u32 $0x7F, v7;
	v4 =	vor.u32 v19, v4;
	v3 =	vadd.s32 s17, v3;
	v5 =	vld.idx.msk [tilespmem:v60+s25+$0x0], $0xffff  }
0x25a: {  	v3 =	vor.u32 v7, v3;
	v61 =	vld.idx.msk [tilespmem:v8+s25+$0x0], $0xffff  }
0x25b: {  	v2 =	vld.idx.msk [tilespmem:v2+s23+$0x0], $0xffff  }
0x25c: {  	v0 =	vld.idx.msk [tilespmem:v0+s23+$0x0], $0xffff  }
0x25d: {  	v8 =	vld.idx.msk [tilespmem:v21+s25+$0x0], $0xffff  }
0x25e: {  	v4 =	vld.idx.msk [tilespmem:v4+s25+$0x0], $0xffff  }
0x25f: {  	v3 =	vld.idx.msk [tilespmem:v3+s23+$0x0], $0xffff  }
0x260: {  	v55 =	vperm.xlane v49, v54;
	_ =	sdelay $0x1  }
0x261: {  	v59 =	vadd.s32 v17, v55;
	v56 =	vperm.xlane v48, v54  }
0x262: {  	v57 =	vadd.s32 v1, v55;
	v51 =	vadd.f32 v61, v6;
	v50 =	vadd.f32 v5, v2  }
0x263: {  	v21 =	vadd.s32 v18, v55;
	v52 =	vadd.f32 v8, v0;
	v53 =	vadd.f32 v4, v3  }
0x264: {  	v22 =	vand.u32 $0xFFFFFF80, v21;
	v2 =	vmul.f32 v51, v51;
	v0 =	vmul.f32 v50, v50  }
0x265: {  	v6 =	vand.u32 $0x7F, v59;
	v3 =	vmul.f32 v52, v52;
	v4 =	vmul.f32 v53, v53  }
0x266: {  	s17 =	sadd.s32 $0xFFFFFE80, s9;
	v8 =	vand.u32 $0xFFFFFF80, v59;
	v5 =	vadd.f32 v51, v50;
	v63 =	vadd.f32 v53, v52  }
0x267: {  	v8 =	vadd.s32 s17, v8;
	v0 =	vadd.f32 v2, v0;
	v2 =	vadd.f32 v4, v3  }
0x268: {  	v6 =	vor.u32 v6, v8;
	v3 =	vadd.f32 v63, v5;
	v4 =	vshll.u32 v56, $0x7  }
0x269: {  	v60 =	vor.u32 v1, v4;
	v0 =	vadd.f32 v2, v0;
	v2 =	vand.u32 $0xFFFFFF80, v57  }
0x26a: {  	v5 =	vand.u32 $0x7F, v57;
	v8 =	vor.u32 v17, v4;
	v2 =	vadd.s32 s17, v2  }
0x26b: {  	[tilespmem:$0x19280] =	vst v3;
	v3 =	vand.u32 $0x7F, v21;
	v21 =	vadd.s32 s17, v22;
	v2 =	vor.u32 v5, v2  }
0x26c: {  	v7 =	vadd.s32 v19, v55;
	[tilespmem:$0x19680] =	vst v0;
	v0 =	vor.u32 v3, v21  }
0x26d: {  	v3 =	vand.u32 $0xFFFFFF80, v7;
	v21 =	vor.u32 v18, v4;
	v6 =	vld.idx.msk [tilespmem:v6+s23+$0x0], $0xffff  }
0x26e: {  	v7 =	vand.u32 $0x7F, v7;
	v4 =	vor.u32 v19, v4;
	v3 =	vadd.s32 s17, v3;
	v5 =	vld.idx.msk [tilespmem:v60+s25+$0x0], $0xffff  }
0x26f: {  	v3 =	vor.u32 v7, v3;
	v61 =	vld.idx.msk [tilespmem:v8+s25+$0x0], $0xffff  }
0x270: {  	v2 =	vld.idx.msk [tilespmem:v2+s23+$0x0], $0xffff  }
0x271: {  	v0 =	vld.idx.msk [tilespmem:v0+s23+$0x0], $0xffff  }
0x272: {  	v8 =	vld.idx.msk [tilespmem:v21+s25+$0x0], $0xffff  }
0x273: {  	v4 =	vld.idx.msk [tilespmem:v4+s25+$0x0], $0xffff  }
0x274: {  	v3 =	vld.idx.msk [tilespmem:v3+s23+$0x0], $0xffff;
	_ =	sdelay $0x2  }
0x275: {  	v57 =	vadd.f32 v61, v6  }
0x276: {  	v59 =	vperm.xlane v49, v58;
	v56 =	vadd.f32 v5, v2;
	v54 =	vadd.f32 v8, v0  }
0x277: {  	v2 =	vmul.f32 v57, v57;
	v55 =	vadd.f32 v4, v3  }
0x278: {  	v21 =	vadd.s32 v18, v59;
	v0 =	vmul.f32 v56, v56;
	v3 =	vmul.f32 v54, v54  }
0x279: {  	v5 =	vadd.f32 v57, v56;
	v4 =	vmul.f32 v55, v55;
	v63 =	vadd.f32 v55, v54  }
0x27a: {  	v60 =	vperm.xlane v48, v58;
	v22 =	vand.u32 $0xFFFFFF80, v21;
	v0 =	vadd.f32 v2, v0  }
0x27b: {  	v2 =	vadd.f32 v4, v3;
	v3 =	vadd.f32 v63, v5;
	v63 =	vadd.s32 v17, v59  }
0x27c: {  	s17 =	sadd.s32 $0xFFFFFF00, s9;
	v61 =	vadd.s32 v1, v59;
	v4 =	vshll.u32 v60, $0x7;
	v8 =	vand.u32 $0xFFFFFF80, v63  }
0x27d: {  	v58 =	vor.u32 v1, v4;
	v6 =	vand.u32 $0x7F, v63;
	v8 =	vadd.s32 s17, v8  }
0x27e: {  	v0 =	vadd.f32 v2, v0;
	v2 =	vand.u32 $0xFFFFFF80, v61;
	v6 =	vor.u32 v6, v8  }
0x27f: {  	v5 =	vand.u32 $0x7F, v61;
	v2 =	vadd.s32 s17, v2;
	v8 =	vor.u32 v17, v4  }
0x280: {  	[tilespmem:$0x19300] =	vst v3;
	v3 =	vand.u32 $0x7F, v21;
	v21 =	vadd.s32 s17, v22;
	v2 =	vor.u32 v5, v2  }
0x281: {  	v7 =	vadd.s32 v19, v59;
	[tilespmem:$0x19700] =	vst v0;
	v0 =	vor.u32 v3, v21  }
0x282: {  	v3 =	vand.u32 $0xFFFFFF80, v7;
	v21 =	vor.u32 v18, v4;
	v5 =	vld.idx.msk [tilespmem:v58+s25+$0x0], $0xffff  }
0x283: {  	v7 =	vand.u32 $0x7F, v7;
	v4 =	vor.u32 v19, v4;
	v3 =	vadd.s32 s17, v3;
	v6 =	vld.idx.msk [tilespmem:v6+s23+$0x0], $0xffff  }
0x284: {  	v3 =	vor.u32 v7, v3;
	v59 =	vld.idx.msk [tilespmem:v8+s25+$0x0], $0xffff  }
0x285: {  	v2 =	vld.idx.msk [tilespmem:v2+s23+$0x0], $0xffff  }
0x286: {  	v0 =	vld.idx.msk [tilespmem:v0+s23+$0x0], $0xffff  }
0x287: {  	v8 =	vld.idx.msk [tilespmem:v21+s25+$0x0], $0xffff  }
0x288: {  	v4 =	vld.idx.msk [tilespmem:v4+s25+$0x0], $0xffff  }
0x289: {  	v3 =	vld.idx.msk [tilespmem:v3+s23+$0x0], $0xffff;
	_ =	sdelay $0x3  }
0x28a: {  	v61 =	vadd.f32 v59, v6;
	v60 =	vadd.f32 v5, v2  }
0x28b: {  	v7 =	vperm.xlane v49, v62;
	v58 =	vadd.f32 v8, v0;
	v59 =	vadd.f32 v4, v3  }
0x28c: {  	v2 =	vmul.f32 v61, v61;
	v0 =	vmul.f32 v60, v60  }
0x28d: {  	v3 =	vmul.f32 v58, v58;
	v4 =	vmul.f32 v59, v59  }
0x28e: {  	v5 =	vadd.f32 v61, v60;
	v63 =	vadd.f32 v59, v58  }
0x28f: {  	v21 =	vadd.s32 v18, v7;
	v0 =	vadd.f32 v2, v0;
	v2 =	vadd.f32 v4, v3  }
0x290: {  	v3 =	vadd.f32 v63, v5;
	v63 =	vperm.xlane v48, v62;
	v62 =	vadd.s32 v1, v7  }
0x291: {  	v22 =	vand.u32 $0xFFFFFF80, v21;
	v5 =	vand.u32 $0x7F, v62;
	v0 =	vadd.f32 v2, v0  }
0x292: {  	s17 =	sadd.s32 $0xFFFFFF80, s9;
	v2 =	vand.u32 $0xFFFFFF80, v62;
	v4 =	vshll.u32 v63, $0x7;
	v63 =	vadd.s32 v17, v7  }
0x293: {  	[tilespmem:$0x19380] =	vst v3;
	v3 =	vand.u32 $0x7F, v21;
	v2 =	vadd.s32 s17, v2;
	v62 =	vor.u32 v1, v4  }
0x294: {  	v21 =	vadd.s32 s17, v22;
	v8 =	vand.u32 $0xFFFFFF80, v63;
	v2 =	vor.u32 v5, v2  }
0x295: {  	v6 =	vand.u32 $0x7F, v63;
	v8 =	vadd.s32 s17, v8;
	[tilespmem:$0x19780] =	vst v0;
	v0 =	vor.u32 v3, v21  }
0x296: {  	v6 =	vor.u32 v6, v8  }
0x297: {  	v7 =	vadd.s32 v19, v7;
	v8 =	vor.u32 v17, v4  }
0x298: {  	v3 =	vand.u32 $0xFFFFFF80, v7;
	v21 =	vor.u32 v18, v4;
	v5 =	vld.idx.msk [tilespmem:v62+s25+$0x0], $0xffff  }
0x299: {  	v7 =	vand.u32 $0x7F, v7;
	v3 =	vadd.s32 s17, v3;
	v4 =	vor.u32 v19, v4;
	v2 =	vld.idx.msk [tilespmem:v2+s23+$0x0], $0xffff  }
0x29a: {  	v3 =	vor.u32 v7, v3;
	v0 =	vld.idx.msk [tilespmem:v0+s23+$0x0], $0xffff  }
0x29b: {  	v6 =	vld.idx.msk [tilespmem:v6+s23+$0x0], $0xffff  }
0x29c: {  	v63 =	vld.idx.msk [tilespmem:v8+s25+$0x0], $0xffff  }
0x29d: {  	v8 =	vld.idx.msk [tilespmem:v21+s25+$0x0], $0xffff  }
0x29e: {  	v4 =	vld.idx.msk [tilespmem:v4+s25+$0x0], $0xffff  }
0x29f: {  	v21 =	vld.idx.msk [tilespmem:v3+s23+$0x0], $0xffff;
	_ =	sdelay $0x3  }
0x2a0: {  	v2 =	vadd.f32 v5, v2;
	v3 =	vadd.f32 v63, v6  }
0x2a1: {  	v62 =	vadd.f32 v8, v0;
	v63 =	vadd.f32 v4, v21  }
0x2a2: {  	v0 =	vmul.f32 v2, v2;
	v4 =	vmul.f32 v3, v3  }
0x2a3: {  	v5 =	vmul.f32 v62, v62;
	v6 =	vmul.f32 v63, v63  }
0x2a4: {  	v21 =	vperm.xlane v49, v23;
	v7 =	vadd.f32 v3, v2;
	v8 =	vadd.f32 v63, v62  }
0x2a5: {  	v0 =	vadd.f32 v4, v0;
	v49 =	vadd.f32 v6, v5  }
0x2a6: {  	v5 =	vadd.f32 v8, v7;
	v6 =	vperm.xlane v48, v23;
	v8 =	vadd.s32 v17, v21  }
0x2a7: {  	v48 =	vadd.s32 v1, v21;
	v23 =	vadd.s32 v18, v21;
	v22 =	vand.u32 $0xFFFFFF80, v8  }
0x2a8: {  	v8 =	vand.u32 $0x7F, v8;
	v0 =	vadd.f32 v49, v0;
	v22 =	vadd.s32 s9, v22  }
0x2a9: {  	v49 =	vand.u32 $0xFFFFFF80, v48;
	v6 =	vshll.u32 v6, $0x7;
	v8 =	vor.u32 v8, v22  }
0x2aa: {  	v7 =	vand.u32 $0x7F, v48;
	v4 =	vadd.s32 s9, v49;
	v22 =	vor.u32 v17, v6  }
0x2ab: {  	v21 =	vadd.s32 v19, v21;
	v24 =	vand.u32 $0xFFFFFF80, v23;
	v4 =	vor.u32 v7, v4  }
0x2ac: {  	[tilespmem:$0x19400] =	vst v5;
	v48 =	vand.u32 $0x7F, v23;
	v23 =	vadd.s32 s9, v24;
	v7 =	vor.u32 v1, v6  }
0x2ad: {  	v49 =	vand.u32 $0xFFFFFF80, v21;
	[tilespmem:$0x19800] =	vst v0;
	v0 =	vor.u32 v48, v23  }
0x2ae: {  	v21 =	vand.u32 $0x7F, v21;
	v23 =	vor.u32 v18, v6;
	v5 =	vadd.s32 s9, v49;
	v8 =	vld.idx.msk [tilespmem:v8+s23+$0x0], $0xffff  }
0x2af: {  	v6 =	vor.u32 v19, v6;
	v5 =	vor.u32 v21, v5;
	v21 =	vld.idx.msk [tilespmem:v22+s25+$0x0], $0xffff  }
0x2b0: {  	v4 =	vld.idx.msk [tilespmem:v4+s23+$0x0], $0xffff  }
0x2b1: {  	v7 =	vld.idx.msk [tilespmem:v7+s25+$0x0], $0xffff  }
0x2b2: {  	v0 =	vld.idx.msk [tilespmem:v0+s23+$0x0], $0xffff  }
0x2b3: {  	v22 =	vld.idx.msk [tilespmem:v23+s25+$0x0], $0xffff  }
0x2b4: {  	v6 =	vld.idx.msk [tilespmem:v6+s25+$0x0], $0xffff  }
0x2b5: {  	v23 =	vld.idx.msk [tilespmem:v5+s23+$0x0], $0xffff;
	_ =	sdelay $0x3  }
0x2b6: {  	v5 =	vadd.f32 v21, v8;
	v49 =	vadd.f32 v7, v4  }
0x2b7: {  	v48 =	vadd.f32 v22, v0;
	v4 =	vadd.f32 v6, v23  }
0x2b8: {  	v6 =	vmul.f32 v5, v5;
	v0 =	vmul.f32 v49, v49  }
0x2b9: {  	v7 =	vmul.f32 v48, v48;
	v8 =	vmul.f32 v4, v4;
	_ =	sdelay $0x1  }
0x2ba: {  	v0 =	vadd.f32 v6, v0;
	v6 =	vadd.f32 v8, v7;
	v8 =	vld [tilespmem:$0x1FF80]  }
0x2bb: {  	v21 =	vadd.f32 v5, v49;
	v22 =	vadd.f32 v4, v48;
	_ =	sdelay $0x1  }
0x2bc: {  	v24 =	vld [tilespmem:$0x1FFA0];
	v7 =	vadd.f32 v22, v21  }
0x2bd: {  	v22 =	vld [tilespmem:$0x1FF90];
	v0 =	vadd.f32 v6, v0  }
0x2be: {  	v1 =	vmovc v35;
	v35 =	vmovc v34;
	v34 =	vmov v33;
	v33 =	vmov v32;
	v32 =	vmov v31;
	[tilespmem:$0x19480] =	vst v7  }
0x2bf: {  	v31 =	vmovc v30;
	v30 =	vmovc v29;
	v29 =	vmov v28;
	v28 =	vmov v27;
	v27 =	vmov v26;
	v26 =	vld [tilespmem:$0x1FFB0];
	[tilespmem:$0x19880] =	vst v0  }
0x2c0: {  	v0 =	vld.idx.msk [tilespmem:v20+s26+$0x0], $0xffff  }
0x2c1: {  	v7 =	vld.idx.msk [tilespmem:v8+s26+$0x0], $0xffff  }
0x2c2: {  	v6 =	vld.idx.msk [tilespmem:v20+s28+$0x0], $0xffff  }
0x2c3: {  	v8 =	vld.idx.msk [tilespmem:v8+s28+$0x0], $0xffff  }
0x2c4: {  	v23 =	vld.idx.msk [tilespmem:v24+s26+$0x0], $0xffff  }
0x2c5: {  	v21 =	vld.idx.msk [tilespmem:v22+s26+$0x0], $0xffff  }
0x2c6: {  	v0 =	vadd.f32 v7, v0;
	v7 =	vld.idx.msk [tilespmem:v24+s28+$0x0], $0xffff  }
0x2c7: {  	v24 =	vld.idx.msk [tilespmem:v26+s26+$0x0], $0xffff  }
0x2c8: {  	v6 =	vadd.f32 v8, v6;
	v8 =	vld.idx.msk [tilespmem:v26+s28+$0x0], $0xffff;
	v26 =	vmov v27  }
0x2c9: {  	v22 =	vld.idx.msk [tilespmem:v22+s28+$0x0], $0xffff  }
0x2ca: {  	v27 =	vmov v28;
	_ =	sdelay $0x1  }
0x2cb: {  	v9 =	vld [tilespmem:$0x1FFC0];
	v28 =	vmov v29;
	v0 =	vadd.f32 v21, v0  }
0x2cc: {  	v21 =	vld.idx.msk [tilespmem:v26+s26+$0x0], $0xffff  }
0x2cd: {  	v29 =	vmov v30;
	v6 =	vadd.f32 v22, v6;
	v0 =	vadd.f32 v23, v0;
	v22 =	vld.idx.msk [tilespmem:v26+s28+$0x0], $0xffff  }
0x2ce: {  	v23 =	vld.idx.msk [tilespmem:v27+s26+$0x0], $0xffff  }
0x2cf: {  	v30 =	vmov v31;
	v6 =	vadd.f32 v7, v6;
	v7 =	vld.idx.msk [tilespmem:v27+s28+$0x0], $0xffff;
	v0 =	vadd.f32 v24, v0  }
0x2d0: {  	v24 =	vld.idx.msk [tilespmem:v28+s26+$0x0], $0xffff  }
0x2d1: {  	v31 =	vmov v32;
	v6 =	vadd.f32 v8, v6;
	v8 =	vld.idx.msk [tilespmem:v28+s28+$0x0], $0xffff;
	v0 =	vadd.f32 v21, v0  }
0x2d2: {  	v21 =	vld.idx.msk [tilespmem:v29+s26+$0x0], $0xffff  }
0x2d3: {  	v32 =	vmov v33;
	v6 =	vadd.f32 v22, v6;
	v22 =	vld.idx.msk [tilespmem:v29+s28+$0x0], $0xffff;
	v0 =	vadd.f32 v23, v0  }
0x2d4: {  	v23 =	vld.idx.msk [tilespmem:v30+s26+$0x0], $0xffff  }
0x2d5: {  	v33 =	vmov v34;
	v6 =	vadd.f32 v7, v6;
	v7 =	vld.idx.msk [tilespmem:v30+s28+$0x0], $0xffff;
	v0 =	vadd.f32 v24, v0  }
0x2d6: {  	v24 =	vld.idx.msk [tilespmem:v31+s26+$0x0], $0xffff  }
0x2d7: {  	v34 =	vmov v35;
	v6 =	vadd.f32 v8, v6;
	v8 =	vld.idx.msk [tilespmem:v31+s28+$0x0], $0xffff;
	v0 =	vadd.f32 v21, v0  }
0x2d8: {  	v21 =	vld.idx.msk [tilespmem:v32+s26+$0x0], $0xffff  }
0x2d9: {  	v35 =	vmov v1;
	v6 =	vadd.f32 v22, v6;
	v22 =	vld.idx.msk [tilespmem:v32+s28+$0x0], $0xffff;
	v0 =	vadd.f32 v23, v0  }
0x2da: {  	v23 =	vld.idx.msk [tilespmem:v33+s26+$0x0], $0xffff  }
0x2db: {  	v6 =	vadd.f32 v7, v6;
	v7 =	vld.idx.msk [tilespmem:v33+s28+$0x0], $0xffff;
	v0 =	vadd.f32 v24, v0  }
0x2dc: {  	v24 =	vld.idx.msk [tilespmem:v34+s26+$0x0], $0xffff  }
0x2dd: {  	v6 =	vadd.f32 v8, v6;
	v8 =	vld.idx.msk [tilespmem:v34+s28+$0x0], $0xffff;
	v0 =	vadd.f32 v21, v0  }
0x2de: {  	v21 =	vld.idx.msk [tilespmem:v35+s26+$0x0], $0xffff  }
0x2df: {  	v6 =	vadd.f32 v22, v6;
	v22 =	vld.idx.msk [tilespmem:v35+s28+$0x0], $0xffff;
	v0 =	vadd.f32 v23, v0  }
0x2e0: {  	v23 =	vld.idx.msk [tilespmem:v9+s26+$0x0], $0xffff  }
0x2e1: {  	v6 =	vadd.f32 v7, v6;
	v0 =	vadd.f32 v24, v0  }
0x2e2: {  	v7 =	vld.idx.msk [tilespmem:v9+s28+$0x0], $0xffff  }
0x2e3: {  	v6 =	vadd.f32 v8, v6;
	v0 =	vadd.f32 v21, v0;
	_ =	sdelay $0x1  }
0x2e4: {  	v6 =	vadd.f32 v22, v6;
	v0 =	vadd.f32 v23, v0;
	_ =	sdelay $0x1  }
0x2e5: {  	v7 =	vadd.f32 v7, v6;
	v6 =	vmul.f32 $1.562500000e-02, v0;
	_ =	sdelay $0x1  }
0x2e6: {  	v0 =	vmul.f32 $1.562500000e-02, v7;
	v7 =	vmul.f32 v6, v6;
	_ =	sdelay $0x1  }
0x2e7: {  	v0 =	vsub.f32 v0, v7;
	_ =	sdelay $0x1  }
0x2e8: {  	v0 =	vmul.f32 $6.400000000e+01, v0;
	_ =	sdelay $0x1  }
0x2e9: {  	v0 =	vadd.f32 $9.999999740e-06, v0;
	_ =	sdelay $0x1  }
0x2ea: {  	v7 =	vshra.s32 v0, $0x1;
	v0 =	vmul.f32 $5.000000000e-01, v0  }
0x2eb: {  	v7 =	vsub.s32 $0x5F3759DF, v7  }
0x2ec: {  	v8 =	vmul.f32 v7, v0;
	_ =	sdelay $0x1  }
0x2ed: {  	v8 =	vmul.f32 v7, v8;
	_ =	sdelay $0x1  }
0x2ee: {  	v8 =	vsub.f32 $1.500000000e+00, v8;
	_ =	sdelay $0x1  }
0x2ef: {  	v7 =	vmul.f32 v7, v8;
	_ =	sdelay $0x1  }
0x2f0: {  	v8 =	vmul.f32 v7, v0;
	_ =	sdelay $0x1  }
0x2f1: {  	v8 =	vmul.f32 v8, v7;
	_ =	sdelay $0x1  }
0x2f2: {  	v8 =	vsub.f32 $1.500000000e+00, v8;
	_ =	sdelay $0x1  }
0x2f3: {  	v7 =	vmul.f32 v8, v7;
	_ =	sdelay $0x1  }
0x2f4: {  	v0 =	vmul.f32 v7, v0;
	_ =	sdelay $0x1  }
0x2f5: {  	v0 =	vmul.f32 v0, v7;
	_ =	sdelay $0x1  }
0x2f6: {  	v0 =	vsub.f32 $1.500000000e+00, v0;
	_ =	sdelay $0x1  }
0x2f7: {  	v0 =	vmul.f32 v0, v7;
	_ =	sdelay $0x1  }
0x2f8: {  	v7 =	vmul.f32 $8.000000000e+00, v0;
	v0 =	vimm.s32 $0x0  }
0x2f9: {  	v0 =	vperm.xlane v6, v0  }
0x2fa: {  	v24 =	vperm.xlane v6, v25  }
0x2fb: {  	v8 =	vimm.s32 $0x0;
	v21 =	vsub.f32 v37, v0;
	v22 =	vsub.f32 v38, v0  }
0x2fc: {  	v8 =	vperm.xlane v7, v8;
	v23 =	vsub.f32 v39, v0;
	v0 =	vsub.f32 v36, v0  }
0x2fd: {  	v36 =	vperm.xlane v7, v25;
	v37 =	vsub.f32 v43, v24;
	v43 =	vsub.f32 v42, v24  }
0x2fe: {  	v9 =	vld [tilespmem:$0x1FFF0];
	v42 =	vimm.s32 $0x2;
	v21 =	vmul.f32 v21, v8;
	v22 =	vmul.f32 v22, v8  }
0x2ff: {  	v23 =	vmul.f32 v23, v8;
	v0 =	vmul.f32 v0, v8;
	v8 =	vsub.f32 v41, v24  }
0x300: {  	v39 =	vperm.xlane v6, v42;
	v37 =	vmul.f32 v37, v36;
	v24 =	vsub.f32 v40, v24  }
0x301: {  	v38 =	vmul.f32 v43, v36;
	v43 =	vimm.s32 $0x2;
	v8 =	vmul.f32 v8, v36  }
0x302: {  	v40 =	vsub.f32 v47, v39;
	v24 =	vmul.f32 v24, v36;
	v36 =	vperm.xlane v7, v43  }
0x303: {  	v47 =	vsub.f32 v44, v39;
	v21 =	vmul.f32 v21, v9;
	v22 =	vmul.f32 v22, v10  }
0x304: {  	v45 =	vsub.f32 v45, v39;
	v23 =	vmul.f32 v23, v11;
	v0 =	vmul.f32 v0, v12  }
0x305: {  	v39 =	vsub.f32 v46, v39;
	v37 =	vmul.f32 v37, v9;
	v38 =	vmul.f32 v38, v11  }
0x306: {  	v40 =	vmul.f32 v40, v36;
	v41 =	vmul.f32 v47, v36  }
0x307: {  	v42 =	vmul.f32 v45, v36;
	v36 =	vmul.f32 v39, v36  }
0x308: {  	v47 =	vimm.s32 $0x3;
	v21 =	vadd.f32 v21, v13;
	v22 =	vadd.f32 v22, v14  }
0x309: {  	v23 =	vadd.f32 v23, v15;
	v0 =	vadd.f32 v0, v16;
	v39 =	vperm.xlane v6, v47  }
0x30a: {  	v8 =	vmul.f32 v8, v10;
	v37 =	vadd.f32 v37, v13;
	v38 =	vadd.f32 v38, v15  }
0x30b: {  	v24 =	vmul.f32 v24, v12;
	v40 =	vmul.f32 v40, v9;
	v43 =	vsub.f32 v50, v39  }
0x30c: {  	v50 =	vsub.f32 v51, v39;
	v51 =	vsub.f32 v52, v39;
	v52 =	vimm.s32 $0x3  }
0x30d: {  	v8 =	vadd.f32 v8, v14;
	v41 =	vmul.f32 v41, v10;
	v46 =	vperm.xlane v7, v52  }
0x30e: {  	[tilespmem:s2+$0xFFFFFE10] =	vst v22;
	v22 =	vadd.f32 v24, v16;
	v24 =	vmul.f32 v42, v11;
	v36 =	vmul.f32 v36, v12  }
0x30f: {  	v39 =	vsub.f32 v53, v39;
	v53 =	vimm.s32 $0x4;
	v43 =	vmul.f32 v43, v46  }
0x310: {  	[tilespmem:s2+$0xFFFFFE20] =	vst v23;
	v23 =	vadd.f32 v40, v13;
	v44 =	vmul.f32 v50, v46;
	v45 =	vmul.f32 v51, v46  }
0x311: {  	[tilespmem:s2+$0xFFFFFE30] =	vst v0;
	v0 =	vadd.f32 v41, v14;
	v39 =	vmul.f32 v39, v46;
	v46 =	vperm.xlane v6, v53  }
0x312: {  	v24 =	vadd.f32 v24, v15;
	[tilespmem:s2+$0xFFFFFE90] =	vst v8;
	v8 =	vadd.f32 v36, v16  }
0x313: {  	v47 =	vsub.f32 v56, v46;
	v50 =	vsub.f32 v57, v46  }
0x314: {  	[tilespmem:s2+$0xFFFFFE00] =	vst v21;
	v21 =	vsub.f32 v54, v46;
	v54 =	vimm.s32 $0x4;
	v57 =	vmul.f32 v43, v9  }
0x315: {  	v46 =	vsub.f32 v55, v46;
	v51 =	vmul.f32 v44, v10;
	v56 =	vperm.xlane v7, v54  }
0x316: {  	v52 =	vmul.f32 v45, v11;
	v39 =	vmul.f32 v39, v12;
	v36 =	vadd.f32 v57, v13  }
0x317: {  	[tilespmem:s2+$0xFFFFFF00] =	vst v23;
	v23 =	vadd.f32 v51, v14;
	v42 =	vmul.f32 v47, v56;
	v47 =	vimm.s32 $0x5  }
0x318: {  	[tilespmem:s2+$0xFFFFFF10] =	vst v0;
	v0 =	vadd.f32 v52, v15;
	v21 =	vmul.f32 v21, v56;
	v43 =	vperm.xlane v6, v47  }
0x319: {  	[tilespmem:s2+$0xFFFFFF20] =	vst v24;
	v24 =	vadd.f32 v39, v16;
	v52 =	vimm.s32 $0x6;
	v41 =	vmul.f32 v50, v56  }
0x31a: {  	[tilespmem:s2+$0xFFFFFE80] =	vst v37;
	v37 =	vmul.f32 v46, v56;
	v21 =	vmul.f32 v21, v11;
	v53 =	vsub.f32 v60, v43  }
0x31b: {  	[tilespmem:s2+$0xFFFFFEB0] =	vst v22;
	v55 =	vsub.f32 v61, v43;
	v22 =	vsub.f32 v58, v43;
	v58 =	vimm.s32 $0x5  }
0x31c: {  	v43 =	vsub.f32 v59, v43;
	v59 =	vmul.f32 v42, v9;
	v42 =	vperm.xlane v6, v52  }
0x31d: {  	v37 =	vmul.f32 v37, v12;
	v57 =	vperm.xlane v7, v58;
	v21 =	vadd.f32 v21, v15  }
0x31e: {  	[tilespmem:s2+$0xFFFFFF30] =	vst v8;
	v60 =	vmul.f32 v41, v10;
	v8 =	vadd.f32 v59, v13;
	v2 =	vsub.f32 v2, v42  }
0x31f: {  	[tilespmem:s2+$0xFFFFFFA0] =	vst v0;
	v3 =	vsub.f32 v3, v42;
	v0 =	vsub.f32 v62, v42;
	v61 =	vmul.f32 v53, v57  }
0x320: {  	[tilespmem:s2+$0xFFFFFEA0] =	vst v38;
	v62 =	vimm.s32 $0x6;
	v47 =	vmul.f32 v55, v57;
	v22 =	vmul.f32 v22, v57  }
0x321: {  	[tilespmem:s2+$0xFFFFFF80] =	vst v36;
	v51 =	vmul.f32 v43, v57;
	v56 =	vperm.xlane v7, v62;
	v57 =	vimm.s32 $0x7  }
0x322: {  	[tilespmem:s2+$0xFFFFFF90] =	vst v23;
	v53 =	vadd.f32 v60, v14;
	v6 =	vperm.xlane v6, v57;
	v23 =	vmul.f32 v61, v9  }
0x323: {  	[tilespmem:s2+$0xFFFFFFB0] =	vst v24;
	v55 =	vsub.f32 v63, v42;
	v24 =	vmul.f32 v47, v10;
	v22 =	vmul.f32 v22, v11  }
0x324: {  	[tilespmem:s2+$0x0] =	vst v8;
	v8 =	vadd.f32 v37, v16;
	v2 =	vmul.f32 v2, v56;
	v3 =	vmul.f32 v3, v56  }
0x325: {  	[tilespmem:s2+$0x20] =	vst v21;
	v0 =	vmul.f32 v0, v56;
	v21 =	vmul.f32 v55, v56;
	v23 =	vadd.f32 v23, v13  }
0x326: {  	[tilespmem:s2+$0x30] =	vst v8;
	v8 =	vmul.f32 v51, v12;
	v36 =	vsub.f32 v49, v6;
	v5 =	vsub.f32 v5, v6  }
0x327: {  	v4 =	vsub.f32 v4, v6;
	v24 =	vadd.f32 v24, v14;
	[tilespmem:s2+$0x80] =	vst v23;
	v23 =	vimm.s32 $0x7  }
0x328: {  	[tilespmem:s2+$0x10] =	vst v53;
	v22 =	vadd.f32 v22, v15;
	v2 =	vmul.f32 v2, v9;
	v7 =	vperm.xlane v7, v23  }
0x329: {  	v3 =	vmul.f32 v3, v10;
	v0 =	vmul.f32 v0, v11;
	v59 =	vadd.f32 v8, v16;
	[tilespmem:s2+$0x90] =	vst v24  }
0x32a: {  	[tilespmem:s2+$0xA0] =	vst v22;
	v2 =	vadd.f32 v2, v13;
	v23 =	vsub.f32 v48, v6;
	v8 =	vmul.f32 v36, v7  }
0x32b: {  	v60 =	vmul.f32 v21, v12;
	v3 =	vadd.f32 v3, v14;
	[tilespmem:s2+$0xB0] =	vst v59;
	v5 =	vmul.f32 v5, v7  }
0x32c: {  	v0 =	vadd.f32 v0, v15;
	[tilespmem:s2+$0x100] =	vst v2;
	v2 =	vmul.f32 v8, v9;
	v8 =	vmul.f32 v23, v7  }
0x32d: {  	v61 =	vadd.f32 v60, v16;
	[tilespmem:s2+$0x110] =	vst v3;
	v3 =	vmul.f32 v4, v7;
	v5 =	vmul.f32 v5, v10  }
0x32e: {  	p0 =	sne.s32 s0, $0xC7;
	[tilespmem:s2+$0x120] =	vst v0;
	v0 =	vadd.f32 v2, v13;
	v2 =	vmul.f32 v8, v11  }
.Ltmp2:
0x32f: {  	[tilespmem:s2+$0x130] =	vst v61;
	v3 =	vmul.f32 v3, v12;
	v63 =	vadd.f32 v5, v14;
	(pc) =	sbr.rel @p0 .LBB2_7-.Ltmp2, $4  }
0x330: {  	[tilespmem:s2+$0x180] =	vst v0;
	v0 =	vadd.f32 v2, v15  }
0x331: {  	[tilespmem:s2+$0x190] =	vst v63;
	v2 =	vadd.f32 v3, v16  }
0x332: {  	s16 =	sadd.s32 $0x8, s16;
	v1 =	vlaneseq.u32;
	[tilespmem:s2+$0x1A0] =	vst v0  }
0x333: {  	s15 =	sadd.s32 $0x8, s15;
	s0 =	sadd.s32 $0x8, s0;
	v44 =	vimm.s32 $0x2;
	v50 =	vimm.s32 $0x3;
	v23 =	vimm.s32 $0x7;
	[tilespmem:s2+$0x1B0] =	vst v2;
	s2 =	sadd.s32 $0x400, s2  }
0x334: {  	s1 =	sadd.s32 $0x1, s1  }
0x335: {  	p0 =	sne.s32 s1, $0x10  }
.Ltmp3:
0x336: {  	_ = 	snop;
	(pc) =	sbr.rel @p0 .LBB2_4-.Ltmp3, $4  }
0x337: {  	s0 =	sadd.s32 s4, s14  }
0x338: {  	s8 =	sadd.s32 $0x190, s8;
	s21 =	sadd.s32 $0x190, s21;
	s0 =	sshll.u32 s0, $0x4  }
0x339: {  	s3 =	sadd.s32 $0x190, s3;
	s12 =	sadd.s32 $0x190, s12;
	s0 =	sadd.s32 s7, s0  }
0x33a: {  	[hbm4b:s0+s5] =	stream.linear.scatter [tilespmem:s29], [sflag:$0x2], $0x6400, $0x38;
	[tilespmem:$0x19900] =	vst v63  }
0x33b: {  	s31 =	sadd.s32 $0x1, s31  }
0x33c: {  	p0 =	sne.s32 s31, s11  }
.Ltmp4:
0x33d: {  	_ = 	snop;
	(pc) =	sbr.rel @p0 .LBB2_1-.Ltmp4, $4  }
0x33e: {  	_ = 	snop  }
0x33f: {  	_ =	swait.ge [sflag:s30], $0x6400  }
0x340: {  	[sflag:s30] =	ssyncset.done $0x0  }
0x341: {  	v0 =	vimm.s32 $0x0;
	[sflag:s30] =	ssyncadd.s32 $0xFFFF9C00  }
0x342: {  	_ =	sfence.sel $0x180000  }
0x343: {  	[bflag:$0x0] =	sbarrier.arrive $0xFFFF  }
0x344: {  	_ =	strace $0x90000047  }
0x345: {  	s0 =	stileid.u32;
	[bflag:$0x2] =	sbarrier.arrive $0xFFFF  }
0x346: {  	p0 =	sne.s32 s0, $0x0;
	s0 =	rddreg [dreg:$0x4]  }
0x347: {  	s0 =	sadd.s32 @!p0 $0x100000, s0  }
0x348: {  	[sflag:s0] =	ssyncadd.tile.s32 @!p0 $0x1;
	_ =	shalt  }
.Lfunc_end2:
_tile_overlayer_lowered:
.L_overlay_start_2:
0x349: {  	(tag) =	ssettag $0x2  }
0x34a: {  	s0 =	rddreg [dreg:$0x0];
	s2 =	stileid.u32  }
0x34b: {  	s1 =	rddreg [dreg:$0x1];
	p0 =	sne.s32 s2, $0x0  }
0x34c: {  	s3 =	rddreg [dreg:$0x2];
	[bflag:$0x3] =	sbarrier.arrive $0xFFFF;
	s2 =	simm.s32 @!p0 $0x1C03  }
0x34d: {  	[timem:s3], [sflag:s2] =	dma.local @!p0 [hbm:s0], s1  }
0x34e: {  	s0 =	simm.s32 @!p0 $0x3  }
0x34f: {  	_ =	swait.ge @!p0 [sflag:s0], s1  }
0x350: {  	s1 =	ssub.s32 @!p0 $0x0, s1;
	[sflag:s0] =	ssyncset.done @!p0 $0x0  }
0x351: {  	[sflag:s0] =	ssyncadd.s32 @!p0 s1  }
0x352: {  	[bflag:$0x3] =	sbarrier.arrive $0xFFFF  }
0x353: {  	_ =	shalt  }

// kernel: sparse-core-data-format-call.cloned.1.call-start
scs
called_computation_lowered:
.L_overlay_start_0:
0x0: {  	s2 =	sld [smem:$0x3FD9]  }
0x1: {  	s3 =	sld [smem:$0x3FFE];
	_ =	sdelay $0x1  }
0x2: {  	s1 =	srdreg.scid  }
0x3: {  	s0 =	sand.u32 $0x1, s1  }
0x4: {  	s18 =	sshll.u32 s0, $0xA;
	s2 =	sadd.s32 s3, s2  }
0x5: {  	s2 =	sadd.s32 s2, s18  }
0x6: {  	[smem:$0x3FC2] =	sst s2  }
0x7: {  	_ = 	snop  }
0x8: {  	s2 =	sld [smem:$0x3FD0];
	(tm) =	ssettm $0x1  }
0x9: {  	s19 =	sld [smem:$0x3FFB];
	_ =	sdelay $0x3  }
0xa: {  	_ =	strace s19  }
0xb: {  	s3 =	sld [smem:$0x3FFC];
	_ =	sdelay $0x3  }
0xc: {  	_ =	strace s3  }
0xd: {  	s3 =	sld [smem:$0x3FFD];
	_ =	sdelay $0x3  }
0xe: {  	_ =	strace s3  }
0xf: {  	_ =	strace $0x8FFFFFFF  }
0x10: {  	s20 =	sld [smem:$0x3FDB];
	_ =	sdelay $0x1  }
0x11: {  	s4 =	simm.s32 $_scs_section_size  }
0x12: {  	s5 =	simm.s32 $_size__tile_overlayer_lowered;
	s6 =	simm.s32 $_tile_overlayer_lowered  }
0x13: {  	s23 =	simm.s32 $0x1BFF;
	s22 =	sshll.u32 s6, $0x1;
	s3 =	sadd.s32 s4, s20  }
0x14: {  	s7 =	simm.s32 $0x0;
	s21 =	sshll.u32 s5, $0x1;
	s5 =	sadd.s32 s22, s3  }
0x15: {  	[timem:s7], [sflag:s23] =	dma.local [hbm:s5], s21  }
0x16: {  	_ =	swait.ge [sflag:s23], s21  }
0x17: {  	s4 =	ssub.s32 $0x0, s21;
	[sflag:s23] =	ssyncset.done $0x0  }
0x18: {  	[sflag:s23] =	ssyncadd.s32 s4;
	_ =	sdelay $0x1  }
0x19: {  	s24 =	simm.s32 $0x1B8B  }
0x1a: {  	_ =	swait.ge [sflag:s24], $0x1  }
0x1b: {  	[sflag:s24] =	ssyncset.done $0x0  }
0x1c: {  	s26 =	simm.s32 $0x1B8E;
	s25 =	sld [smem:$0x3FFE];
	[sflag:s24] =	ssyncadd.s32 $0xFFFFFFFF  }
0x1d: {  	s27 =	simm.s32 $execute0_lowered;
	[smem:$0x3FD2] =	sst s26  }
0x1e: {  	s5 =	sshll.u32 s27, $0x1;
	_ =	strace $0x80000049;
	[dreg:$0x1] =	wrdreg $0xFFFFFFFF  }
0x1f: {  	s28 =	simm.s32 $_size_execute0_lowered;
	s3 =	sadd.s32 s3, s5;
	[dreg:$0x0] =	wrdreg $0x0  }
0x20: {  	s5 =	sshll.u32 s28, $0x1;
	[dreg:$0x2] =	wrdreg s3  }
0x21: {  	[dreg:$0x3] =	wrdreg s5  }
0x22: {  	[dreg:$0x4] =	wrdreg $0xC0  }
0x23: {  	_ =	task [dreg:s7], $0x5FFFF  }
0x24: {  	[dreg:$0x1] =	wrdreg $0xFFFFFFFF  }
0x25: {  	[dreg:$0x0] =	wrdreg $0x60  }
0x26: {  	[dreg:$0x2] =	wrdreg s25  }
0x27: {  	[dreg:$0x3] =	wrdreg s2  }
0x28: {  	[dreg:$0x4] =	wrdreg $0x9  }
0x29: {  	_ =	task.clear_ibuf [dreg:s7], $0x5FFFF;
	_ =	strace $0x90000049  }
0x2a: {  	s29 =	simm.s32 $0x9;
	_ =	strace $0x8000004B  }
0x2b: {  	_ =	swait.ge [sflag:s29], $0x1  }
0x2c: {  	[sflag:s29] =	ssyncadd.s32 $0xFFFFFFFF  }
0x2d: {  	_ =	strace $0x9000004B  }
0x2e: {  	_ =	sfence  }
0x2f: {  	s30 =	sld [smem:$0x0];
	_ =	sdelay $0x2  }
0x30: {  	s31 =	sshll.u32 s1, $0xD;
	s1 =	sshrl.u32 s1, $0x2  }
0x31: {  	s3 =	sand.u32 $0x4000, s31;
	s1 =	sadd.s32 s1, s30  }
0x32: {  	s0 =	sor.u32 s3, s0;
	s1 =	sshll.u32 s1, $0x11  }
0x33: {  	s0 =	sor.u32 s1, s0  }
0x34: {  	s0 =	sadd.s32 $0x8F2B, s0  }
0x35: {  	[sflag:s0] =	ssyncadd.remote.s32 $0x1  }
0x36: {  	_ =	sfence.sel $0xFFFF  }
0x37: {  	[dreg:$0x0] =	wrdreg $0xFFFFFFFF;
	(pc) =	sbr.abs _section_cstart, $3  }
0x38: {  	[dreg:$0x1] =	wrdreg $0xFFFFFFFF  }
0x39: {  	_ =	task.clear_ibuf [dreg:s7], $0x2FFFF;
	_ =	strace $0x9FFFFFFF  }
0x3a: {  	(tm) =	ssettm $0x7FFFFFFF  }
0x3b: {  	_ =	shalt  }
tec
execute0_lowered:
.L_overlay_start_1:
0x0: {  	(tag) =	ssettag $0x1  }
0x1: {  	s0 =	srdreg.scid  }
0x2: {  	s1 =	sshll.u32 s0, $0x4  }
0x3: {  	s0 =	stileid.u32;
	s1 =	sand.u32 $0x10, s1  }
0x4: {  	s1 =	sor.u32 s0, s1  }
0x5: {  	s6 =	rddreg [dreg:$0x0];
	s4 =	simm.s32 $0x1;
	s2 =	sshll.u32 s1, $0x7  }
0x6: {  	s7 =	simm.s32 $0x2;
	s12 =	simm.s32 $0x0;
	s1 =	ssub.s32 $0x1000, s2  }
0x7: {  	s8 =	simm.s32 $0x8000;
	s13 =	simm.s32 $0x0;
	s3 =	sand.u32 $0xF80, s1  }
0x8: {  	s9 =	simm.s32 $0x0;
	s5 =	sshrl.u32 s1, $0xC;
	p0 =	sne.s32 s3, $0x0  }
.Ltmp0:
0x9: {  	s1 =	rddreg [dreg:$0x2];
	s4 =	simm.s32 @!p0 $0x0;
	(pc) =	sbr.rel .LBB1_1-.Ltmp0, $4  }
0xa: {  	s11 =	simm.s32 $0x0;
	s3 =	rddreg [dreg:$0x1];
	s5 =	sadd.s32 s4, s5  }
0xb: {  	_ =	strace $0x8000004A;
	s4 =	simm.s32 $0x1;
	s5 =	smul.u32 $0x32, s5  }
0xc: {  	s6 =	sadd.s32 $0x800, s6;
	s10 =	smov.u32 s2;
	[sflag:s4] =	ssyncpa.u1 $0x0  }
0xd: {  	p0 =	por $0x0, $0x0;
	[sflag:s7] =	ssyncpa.u1 $0x0;
	s7 =	sor.u32 $0x1, s5  }
.LBB1_4:
0xe: {  	s16 =	sshll.u32 s13, $0x3;
	s17 =	sand.u32 $0x78, s13  }
0xf: {  	s30 =	sand.u32 $0x7E00, s13;
	s12 =	sshll.u32 s12, $0xF;
	s16 =	sand.u32 $0xC00, s16  }
0x10: {  	[tilespmem:s15+$0x810 ss:$0x81] =	vst.msk $0xffff, v2;
	s31 =	sand.u32 $0x7, s13;
	s16 =	sor.u32 s17, s16;
	s17 =	sadd.s32 s3, s30  }
0x11: {  	[tilespmem:s15+$0x1020 ss:$0x81] =	vst.msk $0xffff, v0;
	s13 =	sshll.u32 s31, $0x12;
	s12 =	sadd.s32 s12, s17;
	s16 =	sshrl.u32 s16, $0x3  }
0x12: {  	[tilespmem:s15+$0x0 ss:$0x81] =	vst.msk $0xffff, v1;
	s13 =	sor.u32 $0x400, s13;
	s12 =	sadd.s32 s16, s12  }
0x13: {  	[hbm4b:s12+s13] =	stream.strided.scatter [tilespmem:s14], [sflag:$0x2], $0x2000, s8, s13, $0x20;
	[tilespmem:$0x8080] =	vst v63  }
.LBB1_5:
0x14: {  	s14 =	sadd.s32 $0x1, s9  }
0x15: {  	s12 =	sadd.s32 $0x1000, s10;
	s16 =	smov.u32 s10;
	p2 =	sgt.s32 s14, $0x31  }
0x16: {  	s16 =	smov.u32 @p2 s12  }
0x17: {  	s14 =	simm.s32 @p2 $0x0;
	p2 =	sgt.s32 s16, $0xFFF  }
0x18: {  	s16 =	smov.u32 @p2 s2;
	p2 =	sne.s32 s11, s7  }
.Ltmp1:
0x19: {  	p1 =	slt.u32 s11, $0x2;
	(pc) =	sbr.rel @!p2 .LBB1_6-.Ltmp1, $4  }
0x1a: {  	s15 =	simm.s32 @!p1 $0x2  }
0x1b: {  	s13 =	smov.u32 s10;
	p0 =	por !p0, !p0;
	_ =	swait.ge @!p1 [sflag:s15], $0x2000  }
0x1c: {  	s12 =	smov.u32 s9;
	[sflag:s15] =	ssyncset.done @!p1 $0x0;
	s9 =	smov.u32 s14  }
0x1d: {  	s11 =	sadd.s32 $0x1, s11;
	[sflag:s15] =	ssyncadd.s32 @!p1 $0xFFFFE000;
	s10 =	smov.u32 s16  }
.LBB1_1:
0x1e: {  	p1 =	sge.u32 s11, s5  }
0x1f: {  	s14 =	sand.u32 @!p1 $0x1FFFFFF, s9  }
0x20: {  	s15 =	smulhi.u32 @!p1 $0x4924925, s14;
	_ =	sdelay $0x1  }
0x21: {  	s15 =	smul.u32 @!p1 $0x38, s15  }
0x22: {  	s16 =	sxor.u32 @!p1 $0xFFFFFFFF, s11;
	s17 =	smul.u32 @!p1 $0x380, s10  }
0x23: {  	s31 =	sadd.s32 $0xFFFFFFFF, s11;
	s16 =	sshll.u32 @!p1 s16, $0xD;
	s14 =	ssub.s32 @!p1 s14, s15  }
0x24: {  	s15 =	sand.u32 @!p1 $0x2000, s16;
	s16 =	sadd.s32 @!p1 s6, s17;
	s14 =	sshll.u32 @!p1 s14, $0x4  }
0x25: {  	s17 =	simm.s32 @!p1 $0x1C00;
	s14 =	sadd.s32 @!p1 s14, s16;
	s16 =	simm.s32 @!p1 $0x40  }
0x26: {  	[tilespmem:s15], [sflag:$0x1] =	stream.strided.gather @!p1 [hbm4b:s14+s16], $0x2000, s17, s16, $0x38;
	[tilespmem:$0x8080] =	vst v63  }
0x27: {  	p1 =	sge.u32 s31, s5  }
.Ltmp2:
0x28: {  	_ = 	snop;
	(pc) =	sbr.rel @p1 .LBB1_5-.Ltmp2, $1  }
0x29: {  	_ =	sdelay $0x3  }
0x2a: {  	s14 =	simm.s32 $0x1  }
0x2b: {  	_ =	swait.ge [sflag:s4], $0x2000;
	s14 =	simm.s32 @!p0 $0x0  }
0x2c: {  	[sflag:s4] =	ssyncset.done $0x0;
	s15 =	sshll.u32 s14, $0xD  }
0x2d: {  	[sflag:s4] =	ssyncadd.s32 $0xFFFFE000;
	s18 =	sor.u32 $0x20, s15  }
0x2e: {  	s14 =	smul.u32 $0x8100, s14;
	v3 =	vld [tilespmem:s18+$0x10]  }
0x2f: {  	s30 =	sand.u32 $0x1, s11;
	v2 =	vld [tilespmem:s18+$0xFFFFFFF0]  }
0x30: {  	s15 =	smul.u32 $0x8100, s30;
	s14 =	sshrl.u32 s14, $0x2;
	v0 =	vld [tilespmem:s18+$0x0]  }
0x31: {  	v1 =	vld [tilespmem:s18+$0xFFFFFFE0];
	s16 =	sor.u32 $0x4000, s14  }
0x32: {  	s31 =	sshrl.u32 s15, $0x2;
	s15 =	sadd.s32 $0x0, s16  }
0x33: {  	s17 =	simm.s32 $0x4;
	s18 =	sadd.s32 $0x40, s18;
	s14 =	sor.u32 $0x4000, s31;
	[tilespmem:s15+$0x1830 ss:$0x81] =	vst.msk $0xffff, v3  }
.LBB1_3:
0x34: {  	v3 =	vld [tilespmem:s18+$0x10];
	p1 =	sne.s32 s17, $0x1FC;
	[tilespmem:s15+$0x810 ss:$0x81] =	vst.msk $0xffff, v2;
	s19 =	smov.u32 s17;
	s17 =	sadd.s32 $0x4, s17  }
.Ltmp3:
0x35: {  	v2 =	vld [tilespmem:s18+$0xFFFFFFF0];
	[tilespmem:s15+$0x1020 ss:$0x81] =	vst.msk $0xffff, v0;
	(pc) =	sbr.rel @p1 .LBB1_3-.Ltmp3, $4  }
0x36: {  	v0 =	vld [tilespmem:s18+$0x0];
	[tilespmem:s15+$0x0 ss:$0x81] =	vst.msk $0xffff, v1  }
0x37: {  	s15 =	sshra.s32 s19, $0x2;
	v1 =	vld [tilespmem:s18+$0xFFFFFFE0]  }
0x38: {  	s15 =	sadd.s32 s15, s16  }
0x39: {  	s18 =	sadd.s32 $0x40, s18;
	[tilespmem:s15+$0x1830 ss:$0x81] =	vst.msk $0xffff, v3  }
.Ltmp4:
0x3a: {  	_ = 	snop;
	(pc) =	sbr.rel .LBB1_4-.Ltmp4, $1  }
0x3b: {  	_ =	sdelay $0x3  }
.LBB1_6:
0x3c: {  	_ =	sfence.sel $0x180000  }
0x3d: {  	s2 =	simm.s32 $0x1;
	[bflag:$0x0] =	sbarrier.arrive $0xFFFF  }
0x3e: {  	s31 =	simm.s32 $0x2;
	[sflag:s2] =	ssyncpa.u1 $0x1  }
0x3f: {  	[sflag:s31] =	ssyncpa.u1 $0x1  }
0x40: {  	p0 =	sne.s32 s0, $0x0;
	_ =	strace $0x9000004A  }
0x41: {  	s0 =	sadd.s32 @!p0 $0x100000, s1;
	[bflag:$0x2] =	sbarrier.arrive $0xFFFF  }
0x42: {  	[sflag:s0] =	ssyncadd.tile.s32 @!p0 $0x1;
	_ =	shalt  }
.Lfunc_end1:
_tile_overlayer_lowered:
.L_overlay_start_2:
0x43: {  	(tag) =	ssettag $0x2  }
0x44: {  	s0 =	rddreg [dreg:$0x0];
	s2 =	stileid.u32  }
0x45: {  	s1 =	rddreg [dreg:$0x1];
	p0 =	sne.s32 s2, $0x0  }
0x46: {  	s3 =	rddreg [dreg:$0x2];
	[bflag:$0x3] =	sbarrier.arrive $0xFFFF;
	s2 =	simm.s32 @!p0 $0x1C01  }
0x47: {  	[timem:s3], [sflag:s2] =	dma.local @!p0 [hbm:s0], s1  }
0x48: {  	s0 =	simm.s32 @!p0 $0x1  }
0x49: {  	_ =	swait.ge @!p0 [sflag:s0], s1  }
0x4a: {  	s1 =	ssub.s32 @!p0 $0x0, s1;
	[sflag:s0] =	ssyncset.done @!p0 $0x0  }
0x4b: {  	[sflag:s0] =	ssyncadd.s32 @!p0 s1  }
0x4c: {  	[bflag:$0x3] =	sbarrier.arrive $0xFFFF  }
0x4d: {  	_ =	shalt  }

</sc_bundles>
